<compile_context>
chip_gen: v7x
topology: tpu7x:2x2x1
jax: 0.10.2.dev20260603
libtpu: 0.0.44.dev20260713+nightly
codegen_flags: <defaults>
</compile_context>

<pallas_src>
import jax
import jax.numpy as jnp
from jax import lax
from jax.experimental import pallas as pl
from jax.experimental.pallas import tpu as pltpu
from jax.experimental.pallas import tpu_sc as plsc

N = 10000
E = 320000
DH = 128
D_IN = 128
NG = 64
DOUT = 16

NC = 2
NS = 16
NW = NC * NS
EPT = E // NW
CB = 40
NCHUNK = EPT // CB
G = 5
NGRP = NCHUNK // G
W16 = 624

HHALF = 5120
NPAD = 10112
HCH = EPT // 16

BM = 2000
NBM = N // BM

_mesh = plsc.VectorSubcoreMesh(core_axis_name="c", subcore_axis_name="s",
                               num_cores=NC, num_subcores=NS)



def _deg_body(colr, out, cidx, hist, red, isem):
    c = lax.axis_index("c")
    s = lax.axis_index("s")
    wid = c * NS + s
    icp = pltpu.make_async_copy(colr.at[pl.ds(wid * EPT, EPT)], cidx, isem)
    icp.start()

    lane = lax.broadcasted_iota(jnp.int32, (16,), 0)
    lanebase = lane * HHALF
    onev = jnp.full((16,), 1.0, jnp.float32)
    zerov = jnp.full((16,), 0.0, jnp.float32)

    def _zero_hist():
        def zbody(i, carry):
            for u in range(8):
                hist[pl.ds((i * 8 + u) * 16, 16)] = zerov
            return carry

        lax.fori_loop(0, 16 * HHALF // (16 * 8), zbody, 0)

    _zero_hist()
    icp.wait()

    for p in range(2):
        base = p * HHALF
        if p == 1:
            _zero_hist()

        def sbody(i, carry):
            for u in range(5):
                k = i * 5 + u
                colv = cidx[pl.ds(k * 16, 16)]
                cshift = colv - base
                m = (cshift >= 0) & (cshift < HHALF)
                plsc.addupdate_scatter(hist, [lanebase + cshift], onev,
                                       mask=m)
            return carry

        lax.fori_loop(0, HCH // 5, sbody, 0)

        nred = (HHALF if p == 0 else NPAD - HHALF) // 16

        def rbody(i, carry):
            acc = hist[pl.ds(i * 16, 16)]
            for j in range(1, 16):
                acc = acc + hist[pl.ds(j * HHALF + i * 16, 16)]
            red[pl.ds(base + i * 16, 16)] = acc
            return carry

        lax.fori_loop(0, nred, rbody, 0)

    pltpu.sync_copy(red, out.at[wid])


_deg_call = pl.kernel(
    _deg_body,
    out_type=jax.ShapeDtypeStruct((NW, NPAD), jnp.float32),
    mesh=_mesh,
    scratch_types=[
        pltpu.VMEM((EPT,), jnp.int32),
        pltpu.VMEM((16 * HHALF,), jnp.float32),
        pltpu.VMEM((NPAD,), jnp.float32),
        pltpu.SemaphoreType.DMA,
    ],
    compiler_params=pltpu.CompilerParams(needs_layout_passes=False),
)



def _seg_body(hws, rowr, colr, zeros, out, ridx, cidx,
              r0, r1, r2, r3, r4, agg,
              g0, g1, g2, g3, g4, s0, s1, s2, s3, s4):
    rows = [r0, r1, r2, r3, r4]
    gsem = [g0, g1, g2, g3, g4]
    ssem = [s0, s1, s2, s3, s4]
    c = lax.axis_index("c")
    s = lax.axis_index("s")
    wid = c * NS + s
    rcp = pltpu.make_async_copy(rowr.at[pl.ds(wid * EPT, EPT)], ridx, g0)
    rcp.start()
    ccp = pltpu.make_async_copy(colr.at[pl.ds(wid * EPT, EPT)], cidx, g1)
    ccp.start()

    @pl.when(s < NS - 1)
    def _():
        zcp = pltpu.make_async_copy(zeros.at[pl.ds(s * W16, W16)],
                                    agg.at[pl.ds(s * W16, W16)], g2)
        zcp.start()
        zcp.wait()

    @pl.when(s == NS - 1)
    def _():
        zcp = pltpu.make_async_copy(
            zeros.at[pl.ds((NS - 1) * W16, N - (NS - 1) * W16)],
            agg.at[pl.ds((NS - 1) * W16, N - (NS - 1) * W16)], g2)
        zcp.start()
        zcp.wait()

    rcp.wait()
    ccp.wait()
    plsc.subcore_barrier()

    for j in range(G):
        pltpu.async_copy(hws.at[ridx.at[pl.ds(j * CB, CB)]], rows[j], gsem[j])

    def grp(g, carry):
        for j in range(G):
            k = g * G + j
            pltpu.make_async_copy(hws.at[ridx.at[pl.ds(k * CB, CB)]],
                                  rows[j], gsem[j]).wait()
            pltpu.async_copy(rows[j], agg.at[cidx.at[pl.ds(k * CB, CB)]],
                             ssem[j], add=True)

        @pl.when(g < NGRP - 1)
        def _():
            for j in range(G):
                k = g * G + j
                pltpu.make_async_copy(rows[j],
                                      agg.at[cidx.at[pl.ds(k * CB, CB)]],
                                      ssem[j]).wait()
                pltpu.async_copy(hws.at[ridx.at[pl.ds((k + G) * CB, CB)]],
                                 rows[j], gsem[j])

        return carry

    lax.fori_loop(0, NGRP, grp, 0)
    for j in range(G):
        pltpu.make_async_copy(rows[j], agg.at[cidx.at[pl.ds(0, CB)]],
                              ssem[j]).wait()
    plsc.subcore_barrier()

    @pl.when(s < NS - 1)
    def _():
        pltpu.sync_copy(agg.at[pl.ds(s * W16, W16)],
                        out.at[c, pl.ds(s * W16, W16)])

    @pl.when(s == NS - 1)
    def _():
        pltpu.sync_copy(agg.at[pl.ds((NS - 1) * W16, N - (NS - 1) * W16)],
                        out.at[c, pl.ds((NS - 1) * W16, N - (NS - 1) * W16)])


_seg_call = pl.kernel(
    _seg_body,
    out_type=jax.ShapeDtypeStruct((NC, N, DH), jnp.float32),
    mesh=_mesh,
    scratch_types=[
        pltpu.VMEM((EPT,), jnp.int32),
        pltpu.VMEM((EPT,), jnp.int32),
    ] + [pltpu.VMEM((CB, DH), jnp.float32) for _ in range(G)] + [
        pltpu.VMEM_SHARED((N, DH), jnp.float32),
    ] + [pltpu.SemaphoreType.DMA for _ in range(2 * G)],
)



def _dot(a, b):
    return lax.dot_general(
        a, b, (((1,), (0,)), ((), ())),
        preferred_element_type=jnp.float32,
        precision=lax.Precision.HIGHEST,
    )



def _proj_body(x_ref, wi_ref, bi_ref, oh_ref):
    oh_ref[...] = _dot(x_ref[...], wi_ref[...]) + bi_ref[...]


def _proj(x, wi, bi):
    return pl.pallas_call(
        _proj_body,
        grid=(NBM,),
        in_specs=[
            pl.BlockSpec((BM, D_IN), lambda i: (i, 0)),
            pl.BlockSpec((D_IN, DH), lambda i: (0, 0)),
            pl.BlockSpec((1, DH), lambda i: (0, 0)),
        ],
        out_specs=pl.BlockSpec((BM, DH), lambda i: (i, 0)),
        out_shape=jax.ShapeDtypeStruct((N, DH), jnp.float32),
    )(x, wi, bi)



def _scalemm_body(degp_ref, h_ref, w0_ref, ohws_ref, od_ref, d_scr):
    i = pl.program_id(0)

    @pl.when(i == 0)
    def _():
        ones = jnp.ones((NW, 1), jnp.float32)
        deg = lax.dot_general(
            degp_ref[...], ones, (((0,), (0,)), ((), ())),
            preferred_element_type=jnp.float32,
            precision=lax.Precision.HIGHEST,
        ) + 2.0
        d = lax.rsqrt(deg)
        d_scr[...] = d
        od_ref[...] = d

    ohws_ref[...] = _dot(h_ref[...], w0_ref[...]) * d_scr[pl.ds(i * BM, BM), :]


def _scalemm(degp, h, w0):
    return pl.pallas_call(
        _scalemm_body,
        grid=(NBM,),
        in_specs=[
            pl.BlockSpec((NW, NPAD), lambda i: (0, 0)),
            pl.BlockSpec((BM, DH), lambda i: (i, 0)),
            pl.BlockSpec((DH, DH), lambda i: (0, 0)),
        ],
        out_specs=[
            pl.BlockSpec((BM, DH), lambda i: (i, 0)),
            pl.BlockSpec((NPAD, 1), lambda i: (0, 0)),
        ],
        out_shape=[
            jax.ShapeDtypeStruct((N, DH), jnp.float32),
            jax.ShapeDtypeStruct((NPAD, 1), jnp.float32),
        ],
        scratch_shapes=[pltpu.VMEM((NPAD, 1), jnp.float32)],
    )(degp, h, w0)



def _bn_phase0(agg_ref, hws_ref, d_ref, b_ref, i, t_scr, s_scr, ss_scr):
    t = d_ref[...] * (agg_ref[0] + agg_ref[1] + 2.0 * hws_ref[...]) + b_ref[...]
    t_scr[pl.ds(i * BM, BM), :] = t
    ps = jnp.sum(t, axis=0, keepdims=True)
    pss = jnp.sum(t * t, axis=0, keepdims=True)

    @pl.when(i == 0)
    def _():
        s_scr[0:1, :] = ps
        ss_scr[0:1, :] = pss

    @pl.when(i > 0)
    def _():
        s_scr[0:1, :] += ps
        ss_scr[0:1, :] += pss


def _bn_phase1(g_ref, be_ref, h_ref, i, t_scr, s_scr, ss_scr):
    m = s_scr[0:1, :] / N
    v = ss_scr[0:1, :] / N - m * m
    t = t_scr[pl.ds(i * BM, BM), :]
    bn = (t - m) * lax.rsqrt(v + 1e-5) * g_ref[...] + be_ref[...]
    return jnp.maximum(bn, 0.0) + h_ref[...]


def _postmm_body(agg_ref, hws_ref, d_ref, b_ref, g_ref, be_ref, h_ref, w_ref,
                 oh_ref, ohws_ref, t_scr, s_scr, ss_scr):
    p = pl.program_id(0)
    i = pl.program_id(1)

    @pl.when(p == 0)
    def _():
        _bn_phase0(agg_ref, hws_ref, d_ref, b_ref, i, t_scr, s_scr, ss_scr)

    @pl.when(p == 1)
    def _():
        hn = _bn_phase1(g_ref, be_ref, h_ref, i, t_scr, s_scr, ss_scr)
        oh_ref[...] = hn
        ohws_ref[...] = _dot(hn, w_ref[...]) * d_ref[...]


def _postmm(agg, hws, dinv, b, g, be, h, w_next):
    return pl.pallas_call(
        _postmm_body,
        grid=(2, NBM),
        in_specs=[
            pl.BlockSpec((NC, BM, DH), lambda p, i: (0, (1 - p) * i, 0)),
            pl.BlockSpec((BM, DH), lambda p, i: ((1 - p) * i, 0)),
            pl.BlockSpec((BM, 1), lambda p, i: (i, 0)),
            pl.BlockSpec((1, DH), lambda p, i: (0, 0)),
            pl.BlockSpec((1, DH), lambda p, i: (0, 0)),
            pl.BlockSpec((1, DH), lambda p, i: (0, 0)),
            pl.BlockSpec((BM, DH), lambda p, i: (p * i, 0)),
            pl.BlockSpec((DH, DH), lambda p, i: (0, 0)),
        ],
        out_specs=[
            pl.BlockSpec((BM, DH), lambda p, i: (p * i, 0)),
            pl.BlockSpec((BM, DH), lambda p, i: (p * i, 0)),
        ],
        out_shape=[
            jax.ShapeDtypeStruct((N, DH), jnp.float32),
            jax.ShapeDtypeStruct((N, DH), jnp.float32),
        ],
        scratch_shapes=[
            pltpu.VMEM((N, DH), jnp.float32),
            pltpu.VMEM((8, DH), jnp.float32),
            pltpu.VMEM((8, DH), jnp.float32),
        ],
    )(agg, hws, dinv, b, g, be, h, w_next)



def _posttail_body(agg_ref, hws_ref, d_ref, b_ref, g_ref, be_ref, h_ref,
                   b3_ref, f1w_ref, f1b_ref, f2w_ref, f2b_ref, o_ref,
                   t_scr, s_scr, ss_scr, ps_scr, ct_scr):
    p = pl.program_id(0)
    i = pl.program_id(1)

    @pl.when(p == 0)
    def _():
        _bn_phase0(agg_ref, hws_ref, d_ref, b_ref, i, t_scr, s_scr, ss_scr)

    @pl.when(p == 1)
    def _():
        hn = _bn_phase1(g_ref, be_ref, h_ref, i, t_scr, s_scr, ss_scr)
        bb = b3_ref[0]
        gid = lax.broadcasted_iota(jnp.int32, (NG, BM), 0)
        P = (jnp.broadcast_to(bb, (NG, BM)) == gid).astype(jnp.float32)
        part = _dot(P, hn)
        cnt = jnp.sum(P, axis=1, keepdims=True)

        @pl.when(i == 0)
        def _():
            ps_scr[...] = part
            ct_scr[...] = jnp.broadcast_to(cnt, (NG, DH))

        @pl.when(i > 0)
        def _():
            ps_scr[...] += part
            ct_scr[...] += jnp.broadcast_to(cnt, (NG, DH))

        @pl.when(i == NBM - 1)
        def _():
            pooled = ps_scr[...] / jnp.maximum(ct_scr[...], 1.0)
            o1 = jnp.maximum(_dot(pooled, f1w_ref[...]) + f1b_ref[...], 0.0)
            o_ref[...] = _dot(o1, f2w_ref[...]) + f2b_ref[...]


def _posttail(agg, hws, dinv, b, g, be, h, batch3, f1w, f1b, f2w, f2b):
    return pl.pallas_call(
        _posttail_body,
        grid=(2, NBM),
        in_specs=[
            pl.BlockSpec((NC, BM, DH), lambda p, i: (0, (1 - p) * i, 0)),
            pl.BlockSpec((BM, DH), lambda p, i: ((1 - p) * i, 0)),
            pl.BlockSpec((BM, 1), lambda p, i: (i, 0)),
            pl.BlockSpec((1, DH), lambda p, i: (0, 0)),
            pl.BlockSpec((1, DH), lambda p, i: (0, 0)),
            pl.BlockSpec((1, DH), lambda p, i: (0, 0)),
            pl.BlockSpec((BM, DH), lambda p, i: (p * i, 0)),
            pl.BlockSpec((1, 1, BM), lambda p, i: (p * i, 0, 0)),
            pl.BlockSpec((DH, DH), lambda p, i: (0, 0)),
            pl.BlockSpec((1, DH), lambda p, i: (0, 0)),
            pl.BlockSpec((DH, DOUT), lambda p, i: (0, 0)),
            pl.BlockSpec((1, DOUT), lambda p, i: (0, 0)),
        ],
        out_specs=pl.BlockSpec((NG, DOUT), lambda p, i: (0, 0)),
        out_shape=jax.ShapeDtypeStruct((NG, DOUT), jnp.float32),
        scratch_shapes=[
            pltpu.VMEM((N, DH), jnp.float32),
            pltpu.VMEM((8, DH), jnp.float32),
            pltpu.VMEM((8, DH), jnp.float32),
            pltpu.VMEM((NG, DH), jnp.float32),
            pltpu.VMEM((NG, DH), jnp.float32),
        ],
    )(agg, hws, dinv, b, g, be, h, batch3, f1w, f1b, f2w, f2b)



def kernel(x, edge_index, batch, W_in, b_in,
           W_c0, b_c0, gamma0, beta0,
           W_c1, b_c1, gamma1, beta1,
           W_c2, b_c2, gamma2, beta2,
           fc1_W, fc1_b, fc2_W, fc2_b):
    row = edge_index[0]
    col = edge_index[1]
    zeros_nd = jnp.zeros((N, DH), jnp.float32)

    degp = _deg_call(col)
    h = _proj(x, W_in, b_in.reshape(1, DH))
    hws, dinvp = _scalemm(degp, h, W_c0)
    dinv = dinvp[:N]

    agg = _seg_call(hws, row, col, zeros_nd)
    h, hws = _postmm(agg, hws, dinv, b_c0.reshape(1, DH),
                     gamma0.reshape(1, DH), beta0.reshape(1, DH), h, W_c1)

    agg = _seg_call(hws, row, col, zeros_nd)
    h, hws = _postmm(agg, hws, dinv, b_c1.reshape(1, DH),
                     gamma1.reshape(1, DH), beta1.reshape(1, DH), h, W_c2)

    agg = _seg_call(hws, row, col, zeros_nd)
    batch3 = batch.reshape(NBM, 1, BM)
    out = _posttail(agg, hws, dinv, b_c2.reshape(1, DH),
                    gamma2.reshape(1, DH), beta2.reshape(1, DH), h, batch3,
                    fc1_W, fc1_b.reshape(1, DH), fc2_W,
                    fc2_b.reshape(1, DOUT))
    return out

# --- scband reference (transcript-rebuilt; emitter-appended) ---
"""Pipeline reference for scband-grid-security-gnn-87282325389840 (READ-ONLY COPY).

The authoritative reference and input builder live on the scoring server;
editing this copy changes nothing except your own understanding.
"""

import jax, jax.numpy as jnp
import numpy as np

N = 10000
E = 320000
D_IN = 128
D_H = 128
D_OUT = 16
NUM_GRAPHS = 64
NUM_LAYERS = 3


def setup_inputs(seed: int = 0) -> dict:
    key = jax.random.key(seed)
    ks = jax.random.split(key, 32)
    inp = {}
    inp["x"] = jax.random.normal(ks[0], (N, D_IN), dtype=jnp.float32)
    inp["edge_index"] = jax.random.randint(ks[1], (2, E), 0, N, dtype=jnp.int32)
    inp["batch"] = jnp.sort(jax.random.randint(ks[2], (N,), 0, NUM_GRAPHS, dtype=jnp.int32))
    # input projection
    inp["W_in"] = jax.random.normal(ks[3], (D_IN, D_H), dtype=jnp.float32) * 0.05
    inp["b_in"] = jnp.zeros((D_H,), dtype=jnp.float32)
    # 3 GCN layers (weight, bias) + BatchNorm (gamma, beta)
    for i in range(NUM_LAYERS):
        inp[f"W_c{i}"] = jax.random.normal(ks[4 + 4 * i], (D_H, D_H), dtype=jnp.float32) * 0.05
        inp[f"b_c{i}"] = jnp.zeros((D_H,), dtype=jnp.float32)
        inp[f"gamma{i}"] = jnp.ones((D_H,), dtype=jnp.float32)
        inp[f"beta{i}"] = jnp.zeros((D_H,), dtype=jnp.float32)
    inp["fc1_W"] = jax.random.normal(ks[20], (D_H, D_H), dtype=jnp.float32) * 0.05
    inp["fc1_b"] = jnp.zeros((D_H,), dtype=jnp.float32)
    inp["fc2_W"] = jax.random.normal(ks[21], (D_H, D_OUT), dtype=jnp.float32) * 0.05
    inp["fc2_b"] = jnp.zeros((D_OUT,), dtype=jnp.float32)
    return inp


def _batchnorm(h, gamma, beta):
    m = jnp.mean(h, axis=0)
    v = jnp.var(h, axis=0)
    return (h - m) / jnp.sqrt(v + 1e-5) * gamma + beta


def reference(x, edge_index, batch, W_in, b_in,
              W_c0, b_c0, gamma0, beta0,
              W_c1, b_c1, gamma1, beta1,
              W_c2, b_c2, gamma2, beta2,
              fc1_W, fc1_b, fc2_W, fc2_b):
    # GCN normalization with improved=True self loops (weight 2.0)
    row = edge_index[0]
    col = edge_index[1]
    loop = jnp.arange(N, dtype=row.dtype)
    row_f = jnp.concatenate([row, loop])
    col_f = jnp.concatenate([col, loop])
    ew = jnp.concatenate([jnp.ones((E,), jnp.float32), jnp.full((N,), 2.0, jnp.float32)])
    deg = jax.ops.segment_sum(ew, col_f, num_segments=N)
    dinv = jnp.where(deg > 0, 1.0 / jnp.sqrt(deg), 0.0)
    norm = dinv[row_f] * ew * dinv[col_f]

    # input projection (dropout = identity in eval)
    h = x @ W_in + b_in

    layers = [(W_c0, b_c0, gamma0, beta0), (W_c1, b_c1, gamma1, beta1), (W_c2, b_c2, gamma2, beta2)]
    for (W, b, g, be) in layers:
        identity = h
        hw = h @ W
        msg = hw[row_f] * norm[:, None]
        agg = jax.ops.segment_sum(msg, col_f, num_segments=N) + b
        agg = _batchnorm(agg, g, be)
        agg = jax.nn.relu(agg)
        h = agg + identity  # residual

    # global mean pool over batch assignment
    counts = jax.ops.segment_sum(jnp.ones((N,), jnp.float32), batch, num_segments=NUM_GRAPHS)
    pooled = jax.ops.segment_sum(h, batch, num_segments=NUM_GRAPHS) / jnp.maximum(counts, 1.0)[:, None]

    out = jax.nn.relu(pooled @ fc1_W + fc1_b)
    out = out @ fc2_W + fc2_b
    return out

if __name__ == "__main__":
    import jax
    _d = setup_inputs()
    print(jax.jit(kernel)(*tuple(_d.values())))

</pallas_src>

<mosaic_0001>
#map = affine_map<(d0, d1) -> (0)>
#map1 = affine_map<(d0, d1) -> (0, 0)>
module attributes {stable_mosaic.version = 14 : i64} {
  func.func @_deg_body(%arg0: i32, %arg1: i32, %arg2: memref<320000xi32, #tpu.memory_space<hbm>>, %arg3: memref<32x10112xf32, #tpu.memory_space<hbm>>, %arg4: memref<10000xi32, #tpu.memory_space<vmem>>, %arg5: memref<81920xf32, #tpu.memory_space<vmem>>, %arg6: memref<10112xf32, #tpu.memory_space<vmem>>, %arg7: memref<!tpu.dma_semaphore, #tpu.memory_space<semaphore_mem>>) attributes {dimension_semantics = [#tpu.dimension_semantics<core_parallel>, #tpu.dimension_semantics<subcore_parallel>], iteration_bounds = array<i64: 2, 16>, scalar_prefetch = 0 : i64, scratch_operands = 4 : i64, tpu.core_type = #tpu.core_type<sc_vector_subcore>, window_params = [{transform_indices = #map}, {transform_indices = #map1}]} {
    %mul3A = arith.constant 16 : i32
    %mul3A_0 = arith.muli %arg0, %mul3A : i32
    %add3A = arith.addi %mul3A_0, %arg1 : i32
    %mul3A_1 = arith.constant 10000 : i32
    %mul3A_2 = arith.muli %add3A, %mul3A_1 : i32
    %dma_start3A = tpu.memref_slice %arg2[%mul3A_2] : memref<320000xi32, #tpu.memory_space<hbm>> -> memref<10000xi32, #tpu.memory_space<hbm>>
    %dma_start3A_3 = tpu.memref_slice %arg2[%mul3A_2] : memref<320000xi32, #tpu.memory_space<hbm>> -> memref<10000xi32, #tpu.memory_space<hbm>>
    tpu.enqueue_dma source(%dma_start3A_3 : memref<10000xi32, #tpu.memory_space<hbm>>) target(%arg4 : memref<10000xi32, #tpu.memory_space<vmem>>) target_semaphore(%arg7 : memref<!tpu.dma_semaphore, #tpu.memory_space<semaphore_mem>>)
    %iota3A = tpu.iota {dimensions = array<i32: 0>} : vector<16xi32>
    %mul3A_4 = arith.constant 5120 : i32
    %mul3A_5 = vector.broadcast %mul3A_4 : i32 to vector<16xi32>
    %mul3A_6 = arith.muli %iota3A, %mul3A_5 : vector<16xi32>
    %broadcast_in_dim3A = arith.constant 1.000000e+00 : f32
    %broadcast_in_dim3A_7 = vector.broadcast %broadcast_in_dim3A : f32 to vector<16xf32>
    %broadcast_in_dim3A_8 = arith.constant 0.000000e+00 : f32
    %broadcast_in_dim3A_9 = vector.broadcast %broadcast_in_dim3A_8 : f32 to vector<16xf32>
    %scan3A = arith.constant 0 : i32
    %scan3A_10 = arith.constant 0 : i32
    %scan3A_11 = arith.constant 640 : i32
    %scan3A_12 = arith.addi %scan3A_10, %scan3A_11 : i32
    %scan3A_13 = arith.constant 1 : i32
    scf.for %scan3A_46 = %scan3A_10 to %scan3A_12 step %scan3A_13  : i32 {
      %mul3A_47 = arith.constant 8 : i32
      %mul3A_48 = arith.muli %scan3A_46, %mul3A_47 : i32
      %add3A_49 = arith.constant 0 : i32
      %add3A_50 = arith.addi %mul3A_48, %add3A_49 : i32
      %mul3A_51 = arith.constant 16 : i32
      %mul3A_52 = arith.muli %add3A_50, %mul3A_51 : i32
      %swap3A = arith.index_cast %mul3A_52 : i32 to index
      %swap3A_53 = tpu.vector_load %arg5[%swap3A] {strides = array<i32>} : memref<81920xf32, #tpu.memory_space<vmem>>, vector<16xf32>,
      tpu.vector_store %arg5[%swap3A], %broadcast_in_dim3A_9 {strides = array<i32>} : memref<81920xf32, #tpu.memory_space<vmem>>, vector<16xf32>,
      %mul3A_54 = arith.constant 8 : i32
      %mul3A_55 = arith.muli %scan3A_46, %mul3A_54 : i32
      %add3A_56 = arith.constant 1 : i32
      %add3A_57 = arith.addi %mul3A_55, %add3A_56 : i32
      %mul3A_58 = arith.constant 16 : i32
      %mul3A_59 = arith.muli %add3A_57, %mul3A_58 : i32
      %swap3A_60 = arith.index_cast %mul3A_59 : i32 to index
      %swap3A_61 = tpu.vector_load %arg5[%swap3A_60] {strides = array<i32>} : memref<81920xf32, #tpu.memory_space<vmem>>, vector<16xf32>,
      tpu.vector_store %arg5[%swap3A_60], %broadcast_in_dim3A_9 {strides = array<i32>} : memref<81920xf32, #tpu.memory_space<vmem>>, vector<16xf32>,
      %mul3A_62 = arith.constant 8 : i32
      %mul3A_63 = arith.muli %scan3A_46, %mul3A_62 : i32
      %add3A_64 = arith.constant 2 : i32
      %add3A_65 = arith.addi %mul3A_63, %add3A_64 : i32
      %mul3A_66 = arith.constant 16 : i32
      %mul3A_67 = arith.muli %add3A_65, %mul3A_66 : i32
      %swap3A_68 = arith.index_cast %mul3A_67 : i32 to index
      %swap3A_69 = tpu.vector_load %arg5[%swap3A_68] {strides = array<i32>} : memref<81920xf32, #tpu.memory_space<vmem>>, vector<16xf32>,
      tpu.vector_store %arg5[%swap3A_68], %broadcast_in_dim3A_9 {strides = array<i32>} : memref<81920xf32, #tpu.memory_space<vmem>>, vector<16xf32>,
      %mul3A_70 = arith.constant 8 : i32
      %mul3A_71 = arith.muli %scan3A_46, %mul3A_70 : i32
      %add3A_72 = arith.constant 3 : i32
      %add3A_73 = arith.addi %mul3A_71, %add3A_72 : i32
      %mul3A_74 = arith.constant 16 : i32
      %mul3A_75 = arith.muli %add3A_73, %mul3A_74 : i32
      %swap3A_76 = arith.index_cast %mul3A_75 : i32 to index
      %swap3A_77 = tpu.vector_load %arg5[%swap3A_76] {strides = array<i32>} : memref<81920xf32, #tpu.memory_space<vmem>>, vector<16xf32>,
      tpu.vector_store %arg5[%swap3A_76], %broadcast_in_dim3A_9 {strides = array<i32>} : memref<81920xf32, #tpu.memory_space<vmem>>, vector<16xf32>,
      %mul3A_78 = arith.constant 8 : i32
      %mul3A_79 = arith.muli %scan3A_46, %mul3A_78 : i32
      %add3A_80 = arith.constant 4 : i32
      %add3A_81 = arith.addi %mul3A_79, %add3A_80 : i32
      %mul3A_82 = arith.constant 16 : i32
      %mul3A_83 = arith.muli %add3A_81, %mul3A_82 : i32
      %swap3A_84 = arith.index_cast %mul3A_83 : i32 to index
      %swap3A_85 = tpu.vector_load %arg5[%swap3A_84] {strides = array<i32>} : memref<81920xf32, #tpu.memory_space<vmem>>, vector<16xf32>,
      tpu.vector_store %arg5[%swap3A_84], %broadcast_in_dim3A_9 {strides = array<i32>} : memref<81920xf32, #tpu.memory_space<vmem>>, vector<16xf32>,
      %mul3A_86 = arith.constant 8 : i32
      %mul3A_87 = arith.muli %scan3A_46, %mul3A_86 : i32
      %add3A_88 = arith.constant 5 : i32
      %add3A_89 = arith.addi %mul3A_87, %add3A_88 : i32
      %mul3A_90 = arith.constant 16 : i32
      %mul3A_91 = arith.muli %add3A_89, %mul3A_90 : i32
      %swap3A_92 = arith.index_cast %mul3A_91 : i32 to index
      %swap3A_93 = tpu.vector_load %arg5[%swap3A_92] {strides = array<i32>} : memref<81920xf32, #tpu.memory_space<vmem>>, vector<16xf32>,
      tpu.vector_store %arg5[%swap3A_92], %broadcast_in_dim3A_9 {strides = array<i32>} : memref<81920xf32, #tpu.memory_space<vmem>>, vector<16xf32>,
      %mul3A_94 = arith.constant 8 : i32
      %mul3A_95 = arith.muli %scan3A_46, %mul3A_94 : i32
      %add3A_96 = arith.constant 6 : i32
      %add3A_97 = arith.addi %mul3A_95, %add3A_96 : i32
      %mul3A_98 = arith.constant 16 : i32
      %mul3A_99 = arith.muli %add3A_97, %mul3A_98 : i32
      %swap3A_100 = arith.index_cast %mul3A_99 : i32 to index
      %swap3A_101 = tpu.vector_load %arg5[%swap3A_100] {strides = array<i32>} : memref<81920xf32, #tpu.memory_space<vmem>>, vector<16xf32>,
      tpu.vector_store %arg5[%swap3A_100], %broadcast_in_dim3A_9 {strides = array<i32>} : memref<81920xf32, #tpu.memory_space<vmem>>, vector<16xf32>,
      %mul3A_102 = arith.constant 8 : i32
      %mul3A_103 = arith.muli %scan3A_46, %mul3A_102 : i32
      %add3A_104 = arith.constant 7 : i32
      %add3A_105 = arith.addi %mul3A_103, %add3A_104 : i32
      %mul3A_106 = arith.constant 16 : i32
      %mul3A_107 = arith.muli %add3A_105, %mul3A_106 : i32
      %swap3A_108 = arith.index_cast %mul3A_107 : i32 to index
      %swap3A_109 = tpu.vector_load %arg5[%swap3A_108] {strides = array<i32>} : memref<81920xf32, #tpu.memory_space<vmem>>, vector<16xf32>,
      tpu.vector_store %arg5[%swap3A_108], %broadcast_in_dim3A_9 {strides = array<i32>} : memref<81920xf32, #tpu.memory_space<vmem>>, vector<16xf32>,
    }
    %scan3A_14 = arith.constant 640 : i32
    %dma_wait3A = tpu.memref_slice %arg2[%mul3A_2] : memref<320000xi32, #tpu.memory_space<hbm>> -> memref<10000xi32, #tpu.memory_space<hbm>>
    %dma_wait3A_15 = tpu.memref_slice %arg2[%mul3A_2] : memref<320000xi32, #tpu.memory_space<hbm>> -> memref<10000xi32, #tpu.memory_space<hbm>>
    tpu.wait_dma2 semaphore(%arg7 : memref<!tpu.dma_semaphore, #tpu.memory_space<semaphore_mem>>) src(%dma_wait3A_15 : memref<10000xi32, #tpu.memory_space<hbm>>) dst(%arg4 : memref<10000xi32, #tpu.memory_space<vmem>>)
    %scan3A_16 = arith.constant 0 : i32
    %scan3A_17 = arith.constant 0 : i32
    %scan3A_18 = arith.constant 125 : i32
    %scan3A_19 = arith.addi %scan3A_17, %scan3A_18 : i32
    %scan3A_20 = arith.constant 1 : i32
    scf.for %scan3A_46 = %scan3A_17 to %scan3A_19 step %scan3A_20  : i32 {
      %mul3A_47 = arith.constant 5 : i32
      %mul3A_48 = arith.muli %scan3A_46, %mul3A_47 : i32
      %add3A_49 = arith.constant 0 : i32
      %add3A_50 = arith.addi %mul3A_48, %add3A_49 : i32
      %mul3A_51 = arith.constant 16 : i32
      %mul3A_52 = arith.muli %add3A_50, %mul3A_51 : i32
      %get3A = arith.index_cast %mul3A_52 : i32 to index
      %get3A_53 = tpu.vector_load %arg4[%get3A] {strides = array<i32>} : memref<10000xi32, #tpu.memory_space<vmem>>, vector<16xi32>,
      %sub3A = arith.constant 0 : i32
      %sub3A_54 = vector.broadcast %sub3A : i32 to vector<16xi32>
      %sub3A_55 = arith.subi %get3A_53, %sub3A_54 : vector<16xi32>
      %ge3A = arith.constant 0 : i32
      %ge3A_56 = vector.broadcast %ge3A : i32 to vector<16xi32>
      %ge3A_57 = arith.cmpi sge, %sub3A_55, %ge3A_56 : vector<16xi32>
      %lt3A = arith.constant 5120 : i32
      %lt3A_58 = vector.broadcast %lt3A : i32 to vector<16xi32>
      %lt3A_59 = arith.cmpi slt, %sub3A_55, %lt3A_58 : vector<16xi32>
      %and3A = arith.andi %ge3A_57, %lt3A_59 : vector<16xi1>
      %add3A_60 = arith.addi %mul3A_6, %sub3A_55 : vector<16xi32>
      tpu.vector_store_idx %arg5[%add3A_60], %broadcast_in_dim3A_7 masked %and3A {add = true} : memref<81920xf32, #tpu.memory_space<vmem>>[vector<16xi32>], vector<16xf32>, vector<16xi1>
      %mul3A_61 = arith.constant 5 : i32
      %mul3A_62 = arith.muli %scan3A_46, %mul3A_61 : i32
      %add3A_63 = arith.constant 1 : i32
      %add3A_64 = arith.addi %mul3A_62, %add3A_63 : i32
      %mul3A_65 = arith.constant 16 : i32
      %mul3A_66 = arith.muli %add3A_64, %mul3A_65 : i32
      %get3A_67 = arith.index_cast %mul3A_66 : i32 to index
      %get3A_68 = tpu.vector_load %arg4[%get3A_67] {strides = array<i32>} : memref<10000xi32, #tpu.memory_space<vmem>>, vector<16xi32>,
      %sub3A_69 = arith.constant 0 : i32
      %sub3A_70 = vector.broadcast %sub3A_69 : i32 to vector<16xi32>
      %sub3A_71 = arith.subi %get3A_68, %sub3A_70 : vector<16xi32>
      %ge3A_72 = arith.constant 0 : i32
      %ge3A_73 = vector.broadcast %ge3A_72 : i32 to vector<16xi32>
      %ge3A_74 = arith.cmpi sge, %sub3A_71, %ge3A_73 : vector<16xi32>
      %lt3A_75 = arith.constant 5120 : i32
      %lt3A_76 = vector.broadcast %lt3A_75 : i32 to vector<16xi32>
      %lt3A_77 = arith.cmpi slt, %sub3A_71, %lt3A_76 : vector<16xi32>
      %and3A_78 = arith.andi %ge3A_74, %lt3A_77 : vector<16xi1>
      %add3A_79 = arith.addi %mul3A_6, %sub3A_71 : vector<16xi32>
      tpu.vector_store_idx %arg5[%add3A_79], %broadcast_in_dim3A_7 masked %and3A_78 {add = true} : memref<81920xf32, #tpu.memory_space<vmem>>[vector<16xi32>], vector<16xf32>, vector<16xi1>
      %mul3A_80 = arith.constant 5 : i32
      %mul3A_81 = arith.muli %scan3A_46, %mul3A_80 : i32
      %add3A_82 = arith.constant 2 : i32
      %add3A_83 = arith.addi %mul3A_81, %add3A_82 : i32
      %mul3A_84 = arith.constant 16 : i32
      %mul3A_85 = arith.muli %add3A_83, %mul3A_84 : i32
      %get3A_86 = arith.index_cast %mul3A_85 : i32 to index
      %get3A_87 = tpu.vector_load %arg4[%get3A_86] {strides = array<i32>} : memref<10000xi32, #tpu.memory_space<vmem>>, vector<16xi32>,
      %sub3A_88 = arith.constant 0 : i32
      %sub3A_89 = vector.broadcast %sub3A_88 : i32 to vector<16xi32>
      %sub3A_90 = arith.subi %get3A_87, %sub3A_89 : vector<16xi32>
      %ge3A_91 = arith.constant 0 : i32
      %ge3A_92 = vector.broadcast %ge3A_91 : i32 to vector<16xi32>
      %ge3A_93 = arith.cmpi sge, %sub3A_90, %ge3A_92 : vector<16xi32>
      %lt3A_94 = arith.constant 5120 : i32
      %lt3A_95 = vector.broadcast %lt3A_94 : i32 to vector<16xi32>
      %lt3A_96 = arith.cmpi slt, %sub3A_90, %lt3A_95 : vector<16xi32>
      %and3A_97 = arith.andi %ge3A_93, %lt3A_96 : vector<16xi1>
      %add3A_98 = arith.addi %mul3A_6, %sub3A_90 : vector<16xi32>
      tpu.vector_store_idx %arg5[%add3A_98], %broadcast_in_dim3A_7 masked %and3A_97 {add = true} : memref<81920xf32, #tpu.memory_space<vmem>>[vector<16xi32>], vector<16xf32>, vector<16xi1>
      %mul3A_99 = arith.constant 5 : i32
      %mul3A_100 = arith.muli %scan3A_46, %mul3A_99 : i32
      %add3A_101 = arith.constant 3 : i32
      %add3A_102 = arith.addi %mul3A_100, %add3A_101 : i32
      %mul3A_103 = arith.constant 16 : i32
      %mul3A_104 = arith.muli %add3A_102, %mul3A_103 : i32
      %get3A_105 = arith.index_cast %mul3A_104 : i32 to index
      %get3A_106 = tpu.vector_load %arg4[%get3A_105] {strides = array<i32>} : memref<10000xi32, #tpu.memory_space<vmem>>, vector<16xi32>,
      %sub3A_107 = arith.constant 0 : i32
      %sub3A_108 = vector.broadcast %sub3A_107 : i32 to vector<16xi32>
      %sub3A_109 = arith.subi %get3A_106, %sub3A_108 : vector<16xi32>
      %ge3A_110 = arith.constant 0 : i32
      %ge3A_111 = vector.broadcast %ge3A_110 : i32 to vector<16xi32>
      %ge3A_112 = arith.cmpi sge, %sub3A_109, %ge3A_111 : vector<16xi32>
      %lt3A_113 = arith.constant 5120 : i32
      %lt3A_114 = vector.broadcast %lt3A_113 : i32 to vector<16xi32>
      %lt3A_115 = arith.cmpi slt, %sub3A_109, %lt3A_114 : vector<16xi32>
      %and3A_116 = arith.andi %ge3A_112, %lt3A_115 : vector<16xi1>
      %add3A_117 = arith.addi %mul3A_6, %sub3A_109 : vector<16xi32>
      tpu.vector_store_idx %arg5[%add3A_117], %broadcast_in_dim3A_7 masked %and3A_116 {add = true} : memref<81920xf32, #tpu.memory_space<vmem>>[vector<16xi32>], vector<16xf32>, vector<16xi1>
      %mul3A_118 = arith.constant 5 : i32
      %mul3A_119 = arith.muli %scan3A_46, %mul3A_118 : i32
      %add3A_120 = arith.constant 4 : i32
      %add3A_121 = arith.addi %mul3A_119, %add3A_120 : i32
      %mul3A_122 = arith.constant 16 : i32
      %mul3A_123 = arith.muli %add3A_121, %mul3A_122 : i32
      %get3A_124 = arith.index_cast %mul3A_123 : i32 to index
      %get3A_125 = tpu.vector_load %arg4[%get3A_124] {strides = array<i32>} : memref<10000xi32, #tpu.memory_space<vmem>>, vector<16xi32>,
      %sub3A_126 = arith.constant 0 : i32
      %sub3A_127 = vector.broadcast %sub3A_126 : i32 to vector<16xi32>
      %sub3A_128 = arith.subi %get3A_125, %sub3A_127 : vector<16xi32>
      %ge3A_129 = arith.constant 0 : i32
      %ge3A_130 = vector.broadcast %ge3A_129 : i32 to vector<16xi32>
      %ge3A_131 = arith.cmpi sge, %sub3A_128, %ge3A_130 : vector<16xi32>
      %lt3A_132 = arith.constant 5120 : i32
      %lt3A_133 = vector.broadcast %lt3A_132 : i32 to vector<16xi32>
      %lt3A_134 = arith.cmpi slt, %sub3A_128, %lt3A_133 : vector<16xi32>
      %and3A_135 = arith.andi %ge3A_131, %lt3A_134 : vector<16xi1>
      %add3A_136 = arith.addi %mul3A_6, %sub3A_128 : vector<16xi32>
      tpu.vector_store_idx %arg5[%add3A_136], %broadcast_in_dim3A_7 masked %and3A_135 {add = true} : memref<81920xf32, #tpu.memory_space<vmem>>[vector<16xi32>], vector<16xf32>, vector<16xi1>
    }
    %scan3A_21 = arith.constant 125 : i32
    %scan3A_22 = arith.constant 0 : i32
    %scan3A_23 = arith.constant 0 : i32
    %scan3A_24 = arith.constant 320 : i32
    %scan3A_25 = arith.addi %scan3A_23, %scan3A_24 : i32
    %scan3A_26 = arith.constant 1 : i32
    scf.for %scan3A_46 = %scan3A_23 to %scan3A_25 step %scan3A_26  : i32 {
      %mul3A_47 = arith.constant 16 : i32
      %mul3A_48 = arith.muli %scan3A_46, %mul3A_47 : i32
      %get3A = arith.index_cast %mul3A_48 : i32 to index
      %get3A_49 = tpu.vector_load %arg5[%get3A] {strides = array<i32>} : memref<81920xf32, #tpu.memory_space<vmem>>, vector<16xf32>,
      %mul3A_50 = arith.constant 16 : i32
      %mul3A_51 = arith.muli %scan3A_46, %mul3A_50 : i32
      %add3A_52 = arith.constant 5120 : i32
      %add3A_53 = arith.addi %add3A_52, %mul3A_51 : i32
      %get3A_54 = arith.index_cast %add3A_53 : i32 to index
      %get3A_55 = tpu.vector_load %arg5[%get3A_54] {strides = array<i32>} : memref<81920xf32, #tpu.memory_space<vmem>>, vector<16xf32>,
      %add3A_56 = arith.addf %get3A_49, %get3A_55 : vector<16xf32>
      %mul3A_57 = arith.constant 16 : i32
      %mul3A_58 = arith.muli %scan3A_46, %mul3A_57 : i32
      %add3A_59 = arith.constant 10240 : i32
      %add3A_60 = arith.addi %add3A_59, %mul3A_58 : i32
      %get3A_61 = arith.index_cast %add3A_60 : i32 to index
      %get3A_62 = tpu.vector_load %arg5[%get3A_61] {strides = array<i32>} : memref<81920xf32, #tpu.memory_space<vmem>>, vector<16xf32>,
      %add3A_63 = arith.addf %add3A_56, %get3A_62 : vector<16xf32>
      %mul3A_64 = arith.constant 16 : i32
      %mul3A_65 = arith.muli %scan3A_46, %mul3A_64 : i32
      %add3A_66 = arith.constant 15360 : i32
      %add3A_67 = arith.addi %add3A_66, %mul3A_65 : i32
      %get3A_68 = arith.index_cast %add3A_67 : i32 to index
      %get3A_69 = tpu.vector_load %arg5[%get3A_68] {strides = array<i32>} : memref<81920xf32, #tpu.memory_space<vmem>>, vector<16xf32>,
      %add3A_70 = arith.addf %add3A_63, %get3A_69 : vector<16xf32>
      %mul3A_71 = arith.constant 16 : i32
      %mul3A_72 = arith.muli %scan3A_46, %mul3A_71 : i32
      %add3A_73 = arith.constant 20480 : i32
      %add3A_74 = arith.addi %add3A_73, %mul3A_72 : i32
      %get3A_75 = arith.index_cast %add3A_74 : i32 to index
      %get3A_76 = tpu.vector_load %arg5[%get3A_75] {strides = array<i32>} : memref<81920xf32, #tpu.memory_space<vmem>>, vector<16xf32>,
      %add3A_77 = arith.addf %add3A_70, %get3A_76 : vector<16xf32>
      %mul3A_78 = arith.constant 16 : i32
      %mul3A_79 = arith.muli %scan3A_46, %mul3A_78 : i32
      %add3A_80 = arith.constant 25600 : i32
      %add3A_81 = arith.addi %add3A_80, %mul3A_79 : i32
      %get3A_82 = arith.index_cast %add3A_81 : i32 to index
      %get3A_83 = tpu.vector_load %arg5[%get3A_82] {strides = array<i32>} : memref<81920xf32, #tpu.memory_space<vmem>>, vector<16xf32>,
      %add3A_84 = arith.addf %add3A_77, %get3A_83 : vector<16xf32>
      %mul3A_85 = arith.constant 16 : i32
      %mul3A_86 = arith.muli %scan3A_46, %mul3A_85 : i32
      %add3A_87 = arith.constant 30720 : i32
      %add3A_88 = arith.addi %add3A_87, %mul3A_86 : i32
      %get3A_89 = arith.index_cast %add3A_88 : i32 to index
      %get3A_90 = tpu.vector_load %arg5[%get3A_89] {strides = array<i32>} : memref<81920xf32, #tpu.memory_space<vmem>>, vector<16xf32>,
      %add3A_91 = arith.addf %add3A_84, %get3A_90 : vector<16xf32>
      %mul3A_92 = arith.constant 16 : i32
      %mul3A_93 = arith.muli %scan3A_46, %mul3A_92 : i32
      %add3A_94 = arith.constant 35840 : i32
      %add3A_95 = arith.addi %add3A_94, %mul3A_93 : i32
      %get3A_96 = arith.index_cast %add3A_95 : i32 to index
      %get3A_97 = tpu.vector_load %arg5[%get3A_96] {strides = array<i32>} : memref<81920xf32, #tpu.memory_space<vmem>>, vector<16xf32>,
      %add3A_98 = arith.addf %add3A_91, %get3A_97 : vector<16xf32>
      %mul3A_99 = arith.constant 16 : i32
      %mul3A_100 = arith.muli %scan3A_46, %mul3A_99 : i32
      %add3A_101 = arith.constant 40960 : i32
      %add3A_102 = arith.addi %add3A_101, %mul3A_100 : i32
      %get3A_103 = arith.index_cast %add3A_102 : i32 to index
      %get3A_104 = tpu.vector_load %arg5[%get3A_103] {strides = array<i32>} : memref<81920xf32, #tpu.memory_space<vmem>>, vector<16xf32>,
      %add3A_105 = arith.addf %add3A_98, %get3A_104 : vector<16xf32>
      %mul3A_106 = arith.constant 16 : i32
      %mul3A_107 = arith.muli %scan3A_46, %mul3A_106 : i32
      %add3A_108 = arith.constant 46080 : i32
      %add3A_109 = arith.addi %add3A_108, %mul3A_107 : i32
      %get3A_110 = arith.index_cast %add3A_109 : i32 to index
      %get3A_111 = tpu.vector_load %arg5[%get3A_110] {strides = array<i32>} : memref<81920xf32, #tpu.memory_space<vmem>>, vector<16xf32>,
      %add3A_112 = arith.addf %add3A_105, %get3A_111 : vector<16xf32>
      %mul3A_113 = arith.constant 16 : i32
      %mul3A_114 = arith.muli %scan3A_46, %mul3A_113 : i32
      %add3A_115 = arith.constant 51200 : i32
      %add3A_116 = arith.addi %add3A_115, %mul3A_114 : i32
      %get3A_117 = arith.index_cast %add3A_116 : i32 to index
      %get3A_118 = tpu.vector_load %arg5[%get3A_117] {strides = array<i32>} : memref<81920xf32, #tpu.memory_space<vmem>>, vector<16xf32>,
      %add3A_119 = arith.addf %add3A_112, %get3A_118 : vector<16xf32>
      %mul3A_120 = arith.constant 16 : i32
      %mul3A_121 = arith.muli %scan3A_46, %mul3A_120 : i32
      %add3A_122 = arith.constant 56320 : i32
      %add3A_123 = arith.addi %add3A_122, %mul3A_121 : i32
      %get3A_124 = arith.index_cast %add3A_123 : i32 to index
      %get3A_125 = tpu.vector_load %arg5[%get3A_124] {strides = array<i32>} : memref<81920xf32, #tpu.memory_space<vmem>>, vector<16xf32>,
      %add3A_126 = arith.addf %add3A_119, %get3A_125 : vector<16xf32>
      %mul3A_127 = arith.constant 16 : i32
      %mul3A_128 = arith.muli %scan3A_46, %mul3A_127 : i32
      %add3A_129 = arith.constant 61440 : i32
      %add3A_130 = arith.addi %add3A_129, %mul3A_128 : i32
      %get3A_131 = arith.index_cast %add3A_130 : i32 to index
      %get3A_132 = tpu.vector_load %arg5[%get3A_131] {strides = array<i32>} : memref<81920xf32, #tpu.memory_space<vmem>>, vector<16xf32>,
      %add3A_133 = arith.addf %add3A_126, %get3A_132 : vector<16xf32>
      %mul3A_134 = arith.constant 16 : i32
      %mul3A_135 = arith.muli %scan3A_46, %mul3A_134 : i32
      %add3A_136 = arith.constant 66560 : i32
      %add3A_137 = arith.addi %add3A_136, %mul3A_135 : i32
      %get3A_138 = arith.index_cast %add3A_137 : i32 to index
      %get3A_139 = tpu.vector_load %arg5[%get3A_138] {strides = array<i32>} : memref<81920xf32, #tpu.memory_space<vmem>>, vector<16xf32>,
      %add3A_140 = arith.addf %add3A_133, %get3A_139 : vector<16xf32>
      %mul3A_141 = arith.constant 16 : i32
      %mul3A_142 = arith.muli %scan3A_46, %mul3A_141 : i32
      %add3A_143 = arith.constant 71680 : i32
      %add3A_144 = arith.addi %add3A_143, %mul3A_142 : i32
      %get3A_145 = arith.index_cast %add3A_144 : i32 to index
      %get3A_146 = tpu.vector_load %arg5[%get3A_145] {strides = array<i32>} : memref<81920xf32, #tpu.memory_space<vmem>>, vector<16xf32>,
      %add3A_147 = arith.addf %add3A_140, %get3A_146 : vector<16xf32>
      %mul3A_148 = arith.constant 16 : i32
      %mul3A_149 = arith.muli %scan3A_46, %mul3A_148 : i32
      %add3A_150 = arith.constant 76800 : i32
      %add3A_151 = arith.addi %add3A_150, %mul3A_149 : i32
      %get3A_152 = arith.index_cast %add3A_151 : i32 to index
      %get3A_153 = tpu.vector_load %arg5[%get3A_152] {strides = array<i32>} : memref<81920xf32, #tpu.memory_space<vmem>>, vector<16xf32>,
      %add3A_154 = arith.addf %add3A_147, %get3A_153 : vector<16xf32>
      %mul3A_155 = arith.constant 16 : i32
      %mul3A_156 = arith.muli %scan3A_46, %mul3A_155 : i32
      %add3A_157 = arith.constant 0 : i32
      %add3A_158 = arith.addi %add3A_157, %mul3A_156 : i32
      %swap3A = arith.index_cast %add3A_158 : i32 to index
      %swap3A_159 = tpu.vector_load %arg6[%swap3A] {strides = array<i32>} : memref<10112xf32, #tpu.memory_space<vmem>>, vector<16xf32>,
      tpu.vector_store %arg6[%swap3A], %add3A_154 {strides = array<i32>} : memref<10112xf32, #tpu.memory_space<vmem>>, vector<16xf32>,
    }
    %scan3A_27 = arith.constant 320 : i32
    %scan3A_28 = arith.constant 0 : i32
    %scan3A_29 = arith.constant 0 : i32
    %scan3A_30 = arith.constant 640 : i32
    %scan3A_31 = arith.addi %scan3A_29, %scan3A_30 : i32
    %scan3A_32 = arith.constant 1 : i32
    scf.for %scan3A_46 = %scan3A_29 to %scan3A_31 step %scan3A_32  : i32 {
      %mul3A_47 = arith.constant 8 : i32
      %mul3A_48 = arith.muli %scan3A_46, %mul3A_47 : i32
      %add3A_49 = arith.constant 0 : i32
      %add3A_50 = arith.addi %mul3A_48, %add3A_49 : i32
      %mul3A_51 = arith.constant 16 : i32
      %mul3A_52 = arith.muli %add3A_50, %mul3A_51 : i32
      %swap3A = arith.index_cast %mul3A_52 : i32 to index
      %swap3A_53 = tpu.vector_load %arg5[%swap3A] {strides = array<i32>} : memref<81920xf32, #tpu.memory_space<vmem>>, vector<16xf32>,
      tpu.vector_store %arg5[%swap3A], %broadcast_in_dim3A_9 {strides = array<i32>} : memref<81920xf32, #tpu.memory_space<vmem>>, vector<16xf32>,
      %mul3A_54 = arith.constant 8 : i32
      %mul3A_55 = arith.muli %scan3A_46, %mul3A_54 : i32
      %add3A_56 = arith.constant 1 : i32
      %add3A_57 = arith.addi %mul3A_55, %add3A_56 : i32
      %mul3A_58 = arith.constant 16 : i32
      %mul3A_59 = arith.muli %add3A_57, %mul3A_58 : i32
      %swap3A_60 = arith.index_cast %mul3A_59 : i32 to index
      %swap3A_61 = tpu.vector_load %arg5[%swap3A_60] {strides = array<i32>} : memref<81920xf32, #tpu.memory_space<vmem>>, vector<16xf32>,
      tpu.vector_store %arg5[%swap3A_60], %broadcast_in_dim3A_9 {strides = array<i32>} : memref<81920xf32, #tpu.memory_space<vmem>>, vector<16xf32>,
      %mul3A_62 = arith.constant 8 : i32
      %mul3A_63 = arith.muli %scan3A_46, %mul3A_62 : i32
      %add3A_64 = arith.constant 2 : i32
      %add3A_65 = arith.addi %mul3A_63, %add3A_64 : i32
      %mul3A_66 = arith.constant 16 : i32
      %mul3A_67 = arith.muli %add3A_65, %mul3A_66 : i32
      %swap3A_68 = arith.index_cast %mul3A_67 : i32 to index
      %swap3A_69 = tpu.vector_load %arg5[%swap3A_68] {strides = array<i32>} : memref<81920xf32, #tpu.memory_space<vmem>>, vector<16xf32>,
      tpu.vector_store %arg5[%swap3A_68], %broadcast_in_dim3A_9 {strides = array<i32>} : memref<81920xf32, #tpu.memory_space<vmem>>, vector<16xf32>,
      %mul3A_70 = arith.constant 8 : i32
      %mul3A_71 = arith.muli %scan3A_46, %mul3A_70 : i32
      %add3A_72 = arith.constant 3 : i32
      %add3A_73 = arith.addi %mul3A_71, %add3A_72 : i32
      %mul3A_74 = arith.constant 16 : i32
      %mul3A_75 = arith.muli %add3A_73, %mul3A_74 : i32
      %swap3A_76 = arith.index_cast %mul3A_75 : i32 to index
      %swap3A_77 = tpu.vector_load %arg5[%swap3A_76] {strides = array<i32>} : memref<81920xf32, #tpu.memory_space<vmem>>, vector<16xf32>,
      tpu.vector_store %arg5[%swap3A_76], %broadcast_in_dim3A_9 {strides = array<i32>} : memref<81920xf32, #tpu.memory_space<vmem>>, vector<16xf32>,
      %mul3A_78 = arith.constant 8 : i32
      %mul3A_79 = arith.muli %scan3A_46, %mul3A_78 : i32
      %add3A_80 = arith.constant 4 : i32
      %add3A_81 = arith.addi %mul3A_79, %add3A_80 : i32
      %mul3A_82 = arith.constant 16 : i32
      %mul3A_83 = arith.muli %add3A_81, %mul3A_82 : i32
      %swap3A_84 = arith.index_cast %mul3A_83 : i32 to index
      %swap3A_85 = tpu.vector_load %arg5[%swap3A_84] {strides = array<i32>} : memref<81920xf32, #tpu.memory_space<vmem>>, vector<16xf32>,
      tpu.vector_store %arg5[%swap3A_84], %broadcast_in_dim3A_9 {strides = array<i32>} : memref<81920xf32, #tpu.memory_space<vmem>>, vector<16xf32>,
      %mul3A_86 = arith.constant 8 : i32
      %mul3A_87 = arith.muli %scan3A_46, %mul3A_86 : i32
      %add3A_88 = arith.constant 5 : i32
      %add3A_89 = arith.addi %mul3A_87, %add3A_88 : i32
      %mul3A_90 = arith.constant 16 : i32
      %mul3A_91 = arith.muli %add3A_89, %mul3A_90 : i32
      %swap3A_92 = arith.index_cast %mul3A_91 : i32 to index
      %swap3A_93 = tpu.vector_load %arg5[%swap3A_92] {strides = array<i32>} : memref<81920xf32, #tpu.memory_space<vmem>>, vector<16xf32>,
      tpu.vector_store %arg5[%swap3A_92], %broadcast_in_dim3A_9 {strides = array<i32>} : memref<81920xf32, #tpu.memory_space<vmem>>, vector<16xf32>,
      %mul3A_94 = arith.constant 8 : i32
      %mul3A_95 = arith.muli %scan3A_46, %mul3A_94 : i32
      %add3A_96 = arith.constant 6 : i32
      %add3A_97 = arith.addi %mul3A_95, %add3A_96 : i32
      %mul3A_98 = arith.constant 16 : i32
      %mul3A_99 = arith.muli %add3A_97, %mul3A_98 : i32
      %swap3A_100 = arith.index_cast %mul3A_99 : i32 to index
      %swap3A_101 = tpu.vector_load %arg5[%swap3A_100] {strides = array<i32>} : memref<81920xf32, #tpu.memory_space<vmem>>, vector<16xf32>,
      tpu.vector_store %arg5[%swap3A_100], %broadcast_in_dim3A_9 {strides = array<i32>} : memref<81920xf32, #tpu.memory_space<vmem>>, vector<16xf32>,
      %mul3A_102 = arith.constant 8 : i32
      %mul3A_103 = arith.muli %scan3A_46, %mul3A_102 : i32
      %add3A_104 = arith.constant 7 : i32
      %add3A_105 = arith.addi %mul3A_103, %add3A_104 : i32
      %mul3A_106 = arith.constant 16 : i32
      %mul3A_107 = arith.muli %add3A_105, %mul3A_106 : i32
      %swap3A_108 = arith.index_cast %mul3A_107 : i32 to index
      %swap3A_109 = tpu.vector_load %arg5[%swap3A_108] {strides = array<i32>} : memref<81920xf32, #tpu.memory_space<vmem>>, vector<16xf32>,
      tpu.vector_store %arg5[%swap3A_108], %broadcast_in_dim3A_9 {strides = array<i32>} : memref<81920xf32, #tpu.memory_space<vmem>>, vector<16xf32>,
    }
    %scan3A_33 = arith.constant 640 : i32
    %scan3A_34 = arith.constant 0 : i32
    %scan3A_35 = arith.constant 0 : i32
    %scan3A_36 = arith.constant 125 : i32
    %scan3A_37 = arith.addi %scan3A_35, %scan3A_36 : i32
    %scan3A_38 = arith.constant 1 : i32
    scf.for %scan3A_46 = %scan3A_35 to %scan3A_37 step %scan3A_38  : i32 {
      %mul3A_47 = arith.constant 5 : i32
      %mul3A_48 = arith.muli %scan3A_46, %mul3A_47 : i32
      %add3A_49 = arith.constant 0 : i32
      %add3A_50 = arith.addi %mul3A_48, %add3A_49 : i32
      %mul3A_51 = arith.constant 16 : i32
      %mul3A_52 = arith.muli %add3A_50, %mul3A_51 : i32
      %get3A = arith.index_cast %mul3A_52 : i32 to index
      %get3A_53 = tpu.vector_load %arg4[%get3A] {strides = array<i32>} : memref<10000xi32, #tpu.memory_space<vmem>>, vector<16xi32>,
      %sub3A = arith.constant 5120 : i32
      %sub3A_54 = vector.broadcast %sub3A : i32 to vector<16xi32>
      %sub3A_55 = arith.subi %get3A_53, %sub3A_54 : vector<16xi32>
      %ge3A = arith.constant 0 : i32
      %ge3A_56 = vector.broadcast %ge3A : i32 to vector<16xi32>
      %ge3A_57 = arith.cmpi sge, %sub3A_55, %ge3A_56 : vector<16xi32>
      %lt3A = arith.constant 5120 : i32
      %lt3A_58 = vector.broadcast %lt3A : i32 to vector<16xi32>
      %lt3A_59 = arith.cmpi slt, %sub3A_55, %lt3A_58 : vector<16xi32>
      %and3A = arith.andi %ge3A_57, %lt3A_59 : vector<16xi1>
      %add3A_60 = arith.addi %mul3A_6, %sub3A_55 : vector<16xi32>
      tpu.vector_store_idx %arg5[%add3A_60], %broadcast_in_dim3A_7 masked %and3A {add = true} : memref<81920xf32, #tpu.memory_space<vmem>>[vector<16xi32>], vector<16xf32>, vector<16xi1>
      %mul3A_61 = arith.constant 5 : i32
      %mul3A_62 = arith.muli %scan3A_46, %mul3A_61 : i32
      %add3A_63 = arith.constant 1 : i32
      %add3A_64 = arith.addi %mul3A_62, %add3A_63 : i32
      %mul3A_65 = arith.constant 16 : i32
      %mul3A_66 = arith.muli %add3A_64, %mul3A_65 : i32
      %get3A_67 = arith.index_cast %mul3A_66 : i32 to index
      %get3A_68 = tpu.vector_load %arg4[%get3A_67] {strides = array<i32>} : memref<10000xi32, #tpu.memory_space<vmem>>, vector<16xi32>,
      %sub3A_69 = arith.constant 5120 : i32
      %sub3A_70 = vector.broadcast %sub3A_69 : i32 to vector<16xi32>
      %sub3A_71 = arith.subi %get3A_68, %sub3A_70 : vector<16xi32>
      %ge3A_72 = arith.constant 0 : i32
      %ge3A_73 = vector.broadcast %ge3A_72 : i32 to vector<16xi32>
      %ge3A_74 = arith.cmpi sge, %sub3A_71, %ge3A_73 : vector<16xi32>
      %lt3A_75 = arith.constant 5120 : i32
      %lt3A_76 = vector.broadcast %lt3A_75 : i32 to vector<16xi32>
      %lt3A_77 = arith.cmpi slt, %sub3A_71, %lt3A_76 : vector<16xi32>
      %and3A_78 = arith.andi %ge3A_74, %lt3A_77 : vector<16xi1>
      %add3A_79 = arith.addi %mul3A_6, %sub3A_71 : vector<16xi32>
      tpu.vector_store_idx %arg5[%add3A_79], %broadcast_in_dim3A_7 masked %and3A_78 {add = true} : memref<81920xf32, #tpu.memory_space<vmem>>[vector<16xi32>], vector<16xf32>, vector<16xi1>
      %mul3A_80 = arith.constant 5 : i32
      %mul3A_81 = arith.muli %scan3A_46, %mul3A_80 : i32
      %add3A_82 = arith.constant 2 : i32
      %add3A_83 = arith.addi %mul3A_81, %add3A_82 : i32
      %mul3A_84 = arith.constant 16 : i32
      %mul3A_85 = arith.muli %add3A_83, %mul3A_84 : i32
      %get3A_86 = arith.index_cast %mul3A_85 : i32 to index
      %get3A_87 = tpu.vector_load %arg4[%get3A_86] {strides = array<i32>} : memref<10000xi32, #tpu.memory_space<vmem>>, vector<16xi32>,
      %sub3A_88 = arith.constant 5120 : i32
      %sub3A_89 = vector.broadcast %sub3A_88 : i32 to vector<16xi32>
      %sub3A_90 = arith.subi %get3A_87, %sub3A_89 : vector<16xi32>
      %ge3A_91 = arith.constant 0 : i32
      %ge3A_92 = vector.broadcast %ge3A_91 : i32 to vector<16xi32>
      %ge3A_93 = arith.cmpi sge, %sub3A_90, %ge3A_92 : vector<16xi32>
      %lt3A_94 = arith.constant 5120 : i32
      %lt3A_95 = vector.broadcast %lt3A_94 : i32 to vector<16xi32>
      %lt3A_96 = arith.cmpi slt, %sub3A_90, %lt3A_95 : vector<16xi32>
      %and3A_97 = arith.andi %ge3A_93, %lt3A_96 : vector<16xi1>
      %add3A_98 = arith.addi %mul3A_6, %sub3A_90 : vector<16xi32>
      tpu.vector_store_idx %arg5[%add3A_98], %broadcast_in_dim3A_7 masked %and3A_97 {add = true} : memref<81920xf32, #tpu.memory_space<vmem>>[vector<16xi32>], vector<16xf32>, vector<16xi1>
      %mul3A_99 = arith.constant 5 : i32
      %mul3A_100 = arith.muli %scan3A_46, %mul3A_99 : i32
      %add3A_101 = arith.constant 3 : i32
      %add3A_102 = arith.addi %mul3A_100, %add3A_101 : i32
      %mul3A_103 = arith.constant 16 : i32
      %mul3A_104 = arith.muli %add3A_102, %mul3A_103 : i32
      %get3A_105 = arith.index_cast %mul3A_104 : i32 to index
      %get3A_106 = tpu.vector_load %arg4[%get3A_105] {strides = array<i32>} : memref<10000xi32, #tpu.memory_space<vmem>>, vector<16xi32>,
      %sub3A_107 = arith.constant 5120 : i32
      %sub3A_108 = vector.broadcast %sub3A_107 : i32 to vector<16xi32>
      %sub3A_109 = arith.subi %get3A_106, %sub3A_108 : vector<16xi32>
      %ge3A_110 = arith.constant 0 : i32
      %ge3A_111 = vector.broadcast %ge3A_110 : i32 to vector<16xi32>
      %ge3A_112 = arith.cmpi sge, %sub3A_109, %ge3A_111 : vector<16xi32>
      %lt3A_113 = arith.constant 5120 : i32
      %lt3A_114 = vector.broadcast %lt3A_113 : i32 to vector<16xi32>
      %lt3A_115 = arith.cmpi slt, %sub3A_109, %lt3A_114 : vector<16xi32>
      %and3A_116 = arith.andi %ge3A_112, %lt3A_115 : vector<16xi1>
      %add3A_117 = arith.addi %mul3A_6, %sub3A_109 : vector<16xi32>
      tpu.vector_store_idx %arg5[%add3A_117], %broadcast_in_dim3A_7 masked %and3A_116 {add = true} : memref<81920xf32, #tpu.memory_space<vmem>>[vector<16xi32>], vector<16xf32>, vector<16xi1>
      %mul3A_118 = arith.constant 5 : i32
      %mul3A_119 = arith.muli %scan3A_46, %mul3A_118 : i32
      %add3A_120 = arith.constant 4 : i32
      %add3A_121 = arith.addi %mul3A_119, %add3A_120 : i32
      %mul3A_122 = arith.constant 16 : i32
      %mul3A_123 = arith.muli %add3A_121, %mul3A_122 : i32
      %get3A_124 = arith.index_cast %mul3A_123 : i32 to index
      %get3A_125 = tpu.vector_load %arg4[%get3A_124] {strides = array<i32>} : memref<10000xi32, #tpu.memory_space<vmem>>, vector<16xi32>,
      %sub3A_126 = arith.constant 5120 : i32
      %sub3A_127 = vector.broadcast %sub3A_126 : i32 to vector<16xi32>
      %sub3A_128 = arith.subi %get3A_125, %sub3A_127 : vector<16xi32>
      %ge3A_129 = arith.constant 0 : i32
      %ge3A_130 = vector.broadcast %ge3A_129 : i32 to vector<16xi32>
      %ge3A_131 = arith.cmpi sge, %sub3A_128, %ge3A_130 : vector<16xi32>
      %lt3A_132 = arith.constant 5120 : i32
      %lt3A_133 = vector.broadcast %lt3A_132 : i32 to vector<16xi32>
      %lt3A_134 = arith.cmpi slt, %sub3A_128, %lt3A_133 : vector<16xi32>
      %and3A_135 = arith.andi %ge3A_131, %lt3A_134 : vector<16xi1>
      %add3A_136 = arith.addi %mul3A_6, %sub3A_128 : vector<16xi32>
      tpu.vector_store_idx %arg5[%add3A_136], %broadcast_in_dim3A_7 masked %and3A_135 {add = true} : memref<81920xf32, #tpu.memory_space<vmem>>[vector<16xi32>], vector<16xf32>, vector<16xi1>
    }
    %scan3A_39 = arith.constant 125 : i32
    %scan3A_40 = arith.constant 0 : i32
    %scan3A_41 = arith.constant 0 : i32
    %scan3A_42 = arith.constant 312 : i32
    %scan3A_43 = arith.addi %scan3A_41, %scan3A_42 : i32
    %scan3A_44 = arith.constant 1 : i32
    scf.for %scan3A_46 = %scan3A_41 to %scan3A_43 step %scan3A_44  : i32 {
      %mul3A_47 = arith.constant 16 : i32
      %mul3A_48 = arith.muli %scan3A_46, %mul3A_47 : i32
      %get3A = arith.index_cast %mul3A_48 : i32 to index
      %get3A_49 = tpu.vector_load %arg5[%get3A] {strides = array<i32>} : memref<81920xf32, #tpu.memory_space<vmem>>, vector<16xf32>,
      %mul3A_50 = arith.constant 16 : i32
      %mul3A_51 = arith.muli %scan3A_46, %mul3A_50 : i32
      %add3A_52 = arith.constant 5120 : i32
      %add3A_53 = arith.addi %add3A_52, %mul3A_51 : i32
      %get3A_54 = arith.index_cast %add3A_53 : i32 to index
      %get3A_55 = tpu.vector_load %arg5[%get3A_54] {strides = array<i32>} : memref<81920xf32, #tpu.memory_space<vmem>>, vector<16xf32>,
      %add3A_56 = arith.addf %get3A_49, %get3A_55 : vector<16xf32>
      %mul3A_57 = arith.constant 16 : i32
      %mul3A_58 = arith.muli %scan3A_46, %mul3A_57 : i32
      %add3A_59 = arith.constant 10240 : i32
      %add3A_60 = arith.addi %add3A_59, %mul3A_58 : i32
      %get3A_61 = arith.index_cast %add3A_60 : i32 to index
      %get3A_62 = tpu.vector_load %arg5[%get3A_61] {strides = array<i32>} : memref<81920xf32, #tpu.memory_space<vmem>>, vector<16xf32>,
      %add3A_63 = arith.addf %add3A_56, %get3A_62 : vector<16xf32>
      %mul3A_64 = arith.constant 16 : i32
      %mul3A_65 = arith.muli %scan3A_46, %mul3A_64 : i32
      %add3A_66 = arith.constant 15360 : i32
      %add3A_67 = arith.addi %add3A_66, %mul3A_65 : i32
      %get3A_68 = arith.index_cast %add3A_67 : i32 to index
      %get3A_69 = tpu.vector_load %arg5[%get3A_68] {strides = array<i32>} : memref<81920xf32, #tpu.memory_space<vmem>>, vector<16xf32>,
      %add3A_70 = arith.addf %add3A_63, %get3A_69 : vector<16xf32>
      %mul3A_71 = arith.constant 16 : i32
      %mul3A_72 = arith.muli %scan3A_46, %mul3A_71 : i32
      %add3A_73 = arith.constant 20480 : i32
      %add3A_74 = arith.addi %add3A_73, %mul3A_72 : i32
      %get3A_75 = arith.index_cast %add3A_74 : i32 to index
      %get3A_76 = tpu.vector_load %arg5[%get3A_75] {strides = array<i32>} : memref<81920xf32, #tpu.memory_space<vmem>>, vector<16xf32>,
      %add3A_77 = arith.addf %add3A_70, %get3A_76 : vector<16xf32>
      %mul3A_78 = arith.constant 16 : i32
      %mul3A_79 = arith.muli %scan3A_46, %mul3A_78 : i32
      %add3A_80 = arith.constant 25600 : i32
      %add3A_81 = arith.addi %add3A_80, %mul3A_79 : i32
      %get3A_82 = arith.index_cast %add3A_81 : i32 to index
      %get3A_83 = tpu.vector_load %arg5[%get3A_82] {strides = array<i32>} : memref<81920xf32, #tpu.memory_space<vmem>>, vector<16xf32>,
      %add3A_84 = arith.addf %add3A_77, %get3A_83 : vector<16xf32>
      %mul3A_85 = arith.constant 16 : i32
      %mul3A_86 = arith.muli %scan3A_46, %mul3A_85 : i32
      %add3A_87 = arith.constant 30720 : i32
      %add3A_88 = arith.addi %add3A_87, %mul3A_86 : i32
      %get3A_89 = arith.index_cast %add3A_88 : i32 to index
      %get3A_90 = tpu.vector_load %arg5[%get3A_89] {strides = array<i32>} : memref<81920xf32, #tpu.memory_space<vmem>>, vector<16xf32>,
      %add3A_91 = arith.addf %add3A_84, %get3A_90 : vector<16xf32>
      %mul3A_92 = arith.constant 16 : i32
      %mul3A_93 = arith.muli %scan3A_46, %mul3A_92 : i32
      %add3A_94 = arith.constant 35840 : i32
      %add3A_95 = arith.addi %add3A_94, %mul3A_93 : i32
      %get3A_96 = arith.index_cast %add3A_95 : i32 to index
      %get3A_97 = tpu.vector_load %arg5[%get3A_96] {strides = array<i32>} : memref<81920xf32, #tpu.memory_space<vmem>>, vector<16xf32>,
      %add3A_98 = arith.addf %add3A_91, %get3A_97 : vector<16xf32>
      %mul3A_99 = arith.constant 16 : i32
      %mul3A_100 = arith.muli %scan3A_46, %mul3A_99 : i32
      %add3A_101 = arith.constant 40960 : i32
      %add3A_102 = arith.addi %add3A_101, %mul3A_100 : i32
      %get3A_103 = arith.index_cast %add3A_102 : i32 to index
      %get3A_104 = tpu.vector_load %arg5[%get3A_103] {strides = array<i32>} : memref<81920xf32, #tpu.memory_space<vmem>>, vector<16xf32>,
      %add3A_105 = arith.addf %add3A_98, %get3A_104 : vector<16xf32>
      %mul3A_106 = arith.constant 16 : i32
      %mul3A_107 = arith.muli %scan3A_46, %mul3A_106 : i32
      %add3A_108 = arith.constant 46080 : i32
      %add3A_109 = arith.addi %add3A_108, %mul3A_107 : i32
      %get3A_110 = arith.index_cast %add3A_109 : i32 to index
      %get3A_111 = tpu.vector_load %arg5[%get3A_110] {strides = array<i32>} : memref<81920xf32, #tpu.memory_space<vmem>>, vector<16xf32>,
      %add3A_112 = arith.addf %add3A_105, %get3A_111 : vector<16xf32>
      %mul3A_113 = arith.constant 16 : i32
      %mul3A_114 = arith.muli %scan3A_46, %mul3A_113 : i32
      %add3A_115 = arith.constant 51200 : i32
      %add3A_116 = arith.addi %add3A_115, %mul3A_114 : i32
      %get3A_117 = arith.index_cast %add3A_116 : i32 to index
      %get3A_118 = tpu.vector_load %arg5[%get3A_117] {strides = array<i32>} : memref<81920xf32, #tpu.memory_space<vmem>>, vector<16xf32>,
      %add3A_119 = arith.addf %add3A_112, %get3A_118 : vector<16xf32>
      %mul3A_120 = arith.constant 16 : i32
      %mul3A_121 = arith.muli %scan3A_46, %mul3A_120 : i32
      %add3A_122 = arith.constant 56320 : i32
      %add3A_123 = arith.addi %add3A_122, %mul3A_121 : i32
      %get3A_124 = arith.index_cast %add3A_123 : i32 to index
      %get3A_125 = tpu.vector_load %arg5[%get3A_124] {strides = array<i32>} : memref<81920xf32, #tpu.memory_space<vmem>>, vector<16xf32>,
      %add3A_126 = arith.addf %add3A_119, %get3A_125 : vector<16xf32>
      %mul3A_127 = arith.constant 16 : i32
      %mul3A_128 = arith.muli %scan3A_46, %mul3A_127 : i32
      %add3A_129 = arith.constant 61440 : i32
      %add3A_130 = arith.addi %add3A_129, %mul3A_128 : i32
      %get3A_131 = arith.index_cast %add3A_130 : i32 to index
      %get3A_132 = tpu.vector_load %arg5[%get3A_131] {strides = array<i32>} : memref<81920xf32, #tpu.memory_space<vmem>>, vector<16xf32>,
      %add3A_133 = arith.addf %add3A_126, %get3A_132 : vector<16xf32>
      %mul3A_134 = arith.constant 16 : i32
      %mul3A_135 = arith.muli %scan3A_46, %mul3A_134 : i32
      %add3A_136 = arith.constant 66560 : i32
      %add3A_137 = arith.addi %add3A_136, %mul3A_135 : i32
      %get3A_138 = arith.index_cast %add3A_137 : i32 to index
      %get3A_139 = tpu.vector_load %arg5[%get3A_138] {strides = array<i32>} : memref<81920xf32, #tpu.memory_space<vmem>>, vector<16xf32>,
      %add3A_140 = arith.addf %add3A_133, %get3A_139 : vector<16xf32>
      %mul3A_141 = arith.constant 16 : i32
      %mul3A_142 = arith.muli %scan3A_46, %mul3A_141 : i32
      %add3A_143 = arith.constant 71680 : i32
      %add3A_144 = arith.addi %add3A_143, %mul3A_142 : i32
      %get3A_145 = arith.index_cast %add3A_144 : i32 to index
      %get3A_146 = tpu.vector_load %arg5[%get3A_145] {strides = array<i32>} : memref<81920xf32, #tpu.memory_space<vmem>>, vector<16xf32>,
      %add3A_147 = arith.addf %add3A_140, %get3A_146 : vector<16xf32>
      %mul3A_148 = arith.constant 16 : i32
      %mul3A_149 = arith.muli %scan3A_46, %mul3A_148 : i32
      %add3A_150 = arith.constant 76800 : i32
      %add3A_151 = arith.addi %add3A_150, %mul3A_149 : i32
      %get3A_152 = arith.index_cast %add3A_151 : i32 to index
      %get3A_153 = tpu.vector_load %arg5[%get3A_152] {strides = array<i32>} : memref<81920xf32, #tpu.memory_space<vmem>>, vector<16xf32>,
      %add3A_154 = arith.addf %add3A_147, %get3A_153 : vector<16xf32>
      %mul3A_155 = arith.constant 16 : i32
      %mul3A_156 = arith.muli %scan3A_46, %mul3A_155 : i32
      %add3A_157 = arith.constant 5120 : i32
      %add3A_158 = arith.addi %add3A_157, %mul3A_156 : i32
      %swap3A = arith.index_cast %add3A_158 : i32 to index
      %swap3A_159 = tpu.vector_load %arg6[%swap3A] {strides = array<i32>} : memref<10112xf32, #tpu.memory_space<vmem>>, vector<16xf32>,
      tpu.vector_store %arg6[%swap3A], %add3A_154 {strides = array<i32>} : memref<10112xf32, #tpu.memory_space<vmem>>, vector<16xf32>,
    }
    %scan3A_45 = arith.constant 312 : i32
    "tpu.region"() ({
      %run_scoped3A = tpu.sem_alloc : memref<!tpu.dma_semaphore, #tpu.memory_space<semaphore_mem>>
      %dma_start3A_46 = arith.constant 0 : i32
      %dma_start3A_47 = tpu.memref_slice %arg3[%add3A, %dma_start3A_46] : memref<32x10112xf32, #tpu.memory_space<hbm>> -> memref<1x10112xf32, #tpu.memory_space<hbm>>
      %dma_start3A_48 = tpu.memref_squeeze %dma_start3A_47 : memref<1x10112xf32, #tpu.memory_space<hbm>> -> memref<10112xf32, #tpu.memory_space<hbm>>
      %dma_start3A_49 = arith.constant 0 : i32
      %dma_start3A_50 = tpu.memref_slice %arg3[%add3A, %dma_start3A_49] : memref<32x10112xf32, #tpu.memory_space<hbm>> -> memref<1x10112xf32, #tpu.memory_space<hbm>>
      %dma_start3A_51 = tpu.memref_squeeze %dma_start3A_50 : memref<1x10112xf32, #tpu.memory_space<hbm>> -> memref<10112xf32, #tpu.memory_space<hbm>>
      tpu.enqueue_dma source(%arg6 : memref<10112xf32, #tpu.memory_space<vmem>>) target(%dma_start3A_51 : memref<10112xf32, #tpu.memory_space<hbm>>) target_semaphore(%run_scoped3A : memref<!tpu.dma_semaphore, #tpu.memory_space<semaphore_mem>>)
      %dma_wait3A_52 = arith.constant 0 : i32
      %dma_wait3A_53 = tpu.memref_slice %arg3[%add3A, %dma_wait3A_52] : memref<32x10112xf32, #tpu.memory_space<hbm>> -> memref<1x10112xf32, #tpu.memory_space<hbm>>
      %dma_wait3A_54 = tpu.memref_squeeze %dma_wait3A_53 : memref<1x10112xf32, #tpu.memory_space<hbm>> -> memref<10112xf32, #tpu.memory_space<hbm>>
      %dma_wait3A_55 = arith.constant 0 : i32
      %dma_wait3A_56 = tpu.memref_slice %arg3[%add3A, %dma_wait3A_55] : memref<32x10112xf32, #tpu.memory_space<hbm>> -> memref<1x10112xf32, #tpu.memory_space<hbm>>
      %dma_wait3A_57 = tpu.memref_squeeze %dma_wait3A_56 : memref<1x10112xf32, #tpu.memory_space<hbm>> -> memref<10112xf32, #tpu.memory_space<hbm>>
      tpu.wait_dma2 semaphore(%run_scoped3A : memref<!tpu.dma_semaphore, #tpu.memory_space<semaphore_mem>>) src(%arg6 : memref<10112xf32, #tpu.memory_space<vmem>>) dst(%dma_wait3A_57 : memref<10112xf32, #tpu.memory_space<hbm>>)
      tpu.yield
    }) : () -> ()
    return
  }
}

#map = affine_map<(d0, d1) -> (0, 0)>
#map1 = affine_map<(d0, d1) -> (0)>
#map2 = affine_map<(d0, d1) -> (0, 0, 0)>
module attributes {stable_mosaic.version = 14 : i64} {
  func.func @_seg_body(%arg0: i32, %arg1: i32, %arg2: memref<10000x128xf32, #tpu.memory_space<hbm>>, %arg3: memref<320000xi32, #tpu.memory_space<hbm>>, %arg4: memref<320000xi32, #tpu.memory_space<hbm>>, %arg5: memref<10000x128xf32, #tpu.memory_space<hbm>>, %arg6: memref<2x10000x128xf32, #tpu.memory_space<hbm>>, %arg7: memref<10000xi32, #tpu.memory_space<vmem>>, %arg8: memref<10000xi32, #tpu.memory_space<vmem>>, %arg9: memref<40x128xf32, #tpu.memory_space<vmem>>, %arg10: memref<40x128xf32, #tpu.memory_space<vmem>>, %arg11: memref<40x128xf32, #tpu.memory_space<vmem>>, %arg12: memref<40x128xf32, #tpu.memory_space<vmem>>, %arg13: memref<40x128xf32, #tpu.memory_space<vmem>>, %arg14: memref<10000x128xf32, #tpu.memory_space<vmem_shared>>, %arg15: memref<!tpu.dma_semaphore, #tpu.memory_space<semaphore_mem>>, %arg16: memref<!tpu.dma_semaphore, #tpu.memory_space<semaphore_mem>>, %arg17: memref<!tpu.dma_semaphore, #tpu.memory_space<semaphore_mem>>, %arg18: memref<!tpu.dma_semaphore, #tpu.memory_space<semaphore_mem>>, %arg19: memref<!tpu.dma_semaphore, #tpu.memory_space<semaphore_mem>>, %arg20: memref<!tpu.dma_semaphore, #tpu.memory_space<semaphore_mem>>, %arg21: memref<!tpu.dma_semaphore, #tpu.memory_space<semaphore_mem>>, %arg22: memref<!tpu.dma_semaphore, #tpu.memory_space<semaphore_mem>>, %arg23: memref<!tpu.dma_semaphore, #tpu.memory_space<semaphore_mem>>, %arg24: memref<!tpu.dma_semaphore, #tpu.memory_space<semaphore_mem>>) attributes {dimension_semantics = [#tpu.dimension_semantics<core_parallel>, #tpu.dimension_semantics<subcore_parallel>], iteration_bounds = array<i64: 2, 16>, scalar_prefetch = 0 : i64, scratch_operands = 18 : i64, tpu.core_type = #tpu.core_type<sc_vector_subcore>, window_params = [{transform_indices = #map}, {transform_indices = #map1}, {transform_indices = #map1}, {transform_indices = #map}, {transform_indices = #map2}]} {
    %mul3A = arith.constant 16 : i32
    %mul3A_0 = arith.muli %arg0, %mul3A : i32
    %add3A = arith.addi %mul3A_0, %arg1 : i32
    %mul3A_1 = arith.constant 10000 : i32
    %mul3A_2 = arith.muli %add3A, %mul3A_1 : i32
    %dma_start3A = tpu.memref_slice %arg3[%mul3A_2] : memref<320000xi32, #tpu.memory_space<hbm>> -> memref<10000xi32, #tpu.memory_space<hbm>>
    %dma_start3A_3 = tpu.memref_slice %arg3[%mul3A_2] : memref<320000xi32, #tpu.memory_space<hbm>> -> memref<10000xi32, #tpu.memory_space<hbm>>
    tpu.enqueue_dma source(%dma_start3A_3 : memref<10000xi32, #tpu.memory_space<hbm>>) target(%arg7 : memref<10000xi32, #tpu.memory_space<vmem>>) target_semaphore(%arg15 : memref<!tpu.dma_semaphore, #tpu.memory_space<semaphore_mem>>)
    %mul3A_4 = arith.constant 10000 : i32
    %mul3A_5 = arith.muli %add3A, %mul3A_4 : i32
    %dma_start3A_6 = tpu.memref_slice %arg4[%mul3A_5] : memref<320000xi32, #tpu.memory_space<hbm>> -> memref<10000xi32, #tpu.memory_space<hbm>>
    %dma_start3A_7 = tpu.memref_slice %arg4[%mul3A_5] : memref<320000xi32, #tpu.memory_space<hbm>> -> memref<10000xi32, #tpu.memory_space<hbm>>
    tpu.enqueue_dma source(%dma_start3A_7 : memref<10000xi32, #tpu.memory_space<hbm>>) target(%arg8 : memref<10000xi32, #tpu.memory_space<vmem>>) target_semaphore(%arg16 : memref<!tpu.dma_semaphore, #tpu.memory_space<semaphore_mem>>)
    %lt3A = arith.constant 15 : i32
    %lt3A_8 = arith.cmpi slt, %arg1, %lt3A : i32
    %convert_element_type3A = arith.extui %lt3A_8 : i1 to i32
    %cond3A = arith.constant 0 : i32
    %cond3A_9 = arith.cmpi ne, %convert_element_type3A, %cond3A : i32
    scf.if %cond3A_9 {
      %mul3A_83 = arith.constant 624 : i32
      %mul3A_84 = arith.muli %arg1, %mul3A_83 : i32
      %mul3A_85 = arith.constant 624 : i32
      %mul3A_86 = arith.muli %arg1, %mul3A_85 : i32
      %dma_start3A_87 = arith.constant 0 : i32
      %dma_start3A_88 = tpu.memref_slice %arg14[%mul3A_86, %dma_start3A_87] : memref<10000x128xf32, #tpu.memory_space<vmem_shared>> -> memref<624x128xf32, #tpu.memory_space<vmem_shared>>
      %dma_start3A_89 = arith.constant 0 : i32
      %dma_start3A_90 = tpu.memref_slice %arg5[%mul3A_84, %dma_start3A_89] : memref<10000x128xf32, #tpu.memory_space<hbm>> -> memref<624x128xf32, #tpu.memory_space<hbm>>
      tpu.enqueue_dma source(%dma_start3A_90 : memref<624x128xf32, #tpu.memory_space<hbm>>) target(%dma_start3A_88 : memref<624x128xf32, #tpu.memory_space<vmem_shared>>) target_semaphore(%arg17 : memref<!tpu.dma_semaphore, #tpu.memory_space<semaphore_mem>>)
      %dma_wait3A_91 = arith.constant 0 : i32
      %dma_wait3A_92 = tpu.memref_slice %arg14[%mul3A_86, %dma_wait3A_91] : memref<10000x128xf32, #tpu.memory_space<vmem_shared>> -> memref<624x128xf32, #tpu.memory_space<vmem_shared>>
      %dma_wait3A_93 = arith.constant 0 : i32
      %dma_wait3A_94 = tpu.memref_slice %arg5[%mul3A_84, %dma_wait3A_93] : memref<10000x128xf32, #tpu.memory_space<hbm>> -> memref<624x128xf32, #tpu.memory_space<hbm>>
      tpu.wait_dma2 semaphore(%arg17 : memref<!tpu.dma_semaphore, #tpu.memory_space<semaphore_mem>>) src(%dma_wait3A_94 : memref<624x128xf32, #tpu.memory_space<hbm>>) dst(%dma_wait3A_92 : memref<624x128xf32, #tpu.memory_space<vmem_shared>>)
    } else {
    }
    %eq3A = arith.constant 15 : i32
    %eq3A_10 = arith.cmpi eq, %arg1, %eq3A : i32
    %convert_element_type3A_11 = arith.extui %eq3A_10 : i1 to i32
    %cond3A_12 = arith.constant 0 : i32
    %cond3A_13 = arith.cmpi ne, %convert_element_type3A_11, %cond3A_12 : i32
    scf.if %cond3A_13 {
      %dma_start3A_83 = arith.constant 9360 : i32
      %dma_start3A_84 = arith.constant 0 : i32
      %dma_start3A_85 = tpu.memref_slice %arg14[%dma_start3A_83, %dma_start3A_84] : memref<10000x128xf32, #tpu.memory_space<vmem_shared>> -> memref<640x128xf32, #tpu.memory_space<vmem_shared>>
      %dma_start3A_86 = arith.constant 9360 : i32
      %dma_start3A_87 = arith.constant 0 : i32
      %dma_start3A_88 = tpu.memref_slice %arg5[%dma_start3A_86, %dma_start3A_87] : memref<10000x128xf32, #tpu.memory_space<hbm>> -> memref<640x128xf32, #tpu.memory_space<hbm>>
      tpu.enqueue_dma source(%dma_start3A_88 : memref<640x128xf32, #tpu.memory_space<hbm>>) target(%dma_start3A_85 : memref<640x128xf32, #tpu.memory_space<vmem_shared>>) target_semaphore(%arg17 : memref<!tpu.dma_semaphore, #tpu.memory_space<semaphore_mem>>)
      %dma_wait3A_89 = arith.constant 9360 : i32
      %dma_wait3A_90 = arith.constant 0 : i32
      %dma_wait3A_91 = tpu.memref_slice %arg14[%dma_wait3A_89, %dma_wait3A_90] : memref<10000x128xf32, #tpu.memory_space<vmem_shared>> -> memref<640x128xf32, #tpu.memory_space<vmem_shared>>
      %dma_wait3A_92 = arith.constant 9360 : i32
      %dma_wait3A_93 = arith.constant 0 : i32
      %dma_wait3A_94 = tpu.memref_slice %arg5[%dma_wait3A_92, %dma_wait3A_93] : memref<10000x128xf32, #tpu.memory_space<hbm>> -> memref<640x128xf32, #tpu.memory_space<hbm>>
      tpu.wait_dma2 semaphore(%arg17 : memref<!tpu.dma_semaphore, #tpu.memory_space<semaphore_mem>>) src(%dma_wait3A_94 : memref<640x128xf32, #tpu.memory_space<hbm>>) dst(%dma_wait3A_91 : memref<640x128xf32, #tpu.memory_space<vmem_shared>>)
    } else {
    }
    %dma_wait3A = tpu.memref_slice %arg3[%mul3A_2] : memref<320000xi32, #tpu.memory_space<hbm>> -> memref<10000xi32, #tpu.memory_space<hbm>>
    %dma_wait3A_14 = tpu.memref_slice %arg3[%mul3A_2] : memref<320000xi32, #tpu.memory_space<hbm>> -> memref<10000xi32, #tpu.memory_space<hbm>>
    tpu.wait_dma2 semaphore(%arg15 : memref<!tpu.dma_semaphore, #tpu.memory_space<semaphore_mem>>) src(%dma_wait3A_14 : memref<10000xi32, #tpu.memory_space<hbm>>) dst(%arg7 : memref<10000xi32, #tpu.memory_space<vmem>>)
    %dma_wait3A_15 = tpu.memref_slice %arg4[%mul3A_5] : memref<320000xi32, #tpu.memory_space<hbm>> -> memref<10000xi32, #tpu.memory_space<hbm>>
    %dma_wait3A_16 = tpu.memref_slice %arg4[%mul3A_5] : memref<320000xi32, #tpu.memory_space<hbm>> -> memref<10000xi32, #tpu.memory_space<hbm>>
    tpu.wait_dma2 semaphore(%arg16 : memref<!tpu.dma_semaphore, #tpu.memory_space<semaphore_mem>>) src(%dma_wait3A_16 : memref<10000xi32, #tpu.memory_space<hbm>>) dst(%arg8 : memref<10000xi32, #tpu.memory_space<vmem>>)
    %barrier3A = arith.constant 0 : index
    tpu.barrier barrier_id(%barrier3A)
    %dma_start3A_17 = arith.constant 0 : i32
    %dma_start3A_18 = tpu.memref_slice %arg7[%dma_start3A_17] : memref<10000xi32, #tpu.memory_space<vmem>> -> memref<40xi32, #tpu.memory_space<vmem>>
    %dma_start3A_19 = arith.constant 0 : i32
    %dma_start3A_20 = arith.constant 0 : i32
    %dma_start3A_21 = tpu.memref_slice %arg2[%dma_start3A_19, %dma_start3A_20] : memref<10000x128xf32, #tpu.memory_space<hbm>> -> memref<10000x128xf32, #tpu.memory_space<hbm>>
    tpu.enqueue_indirect_dma source(%dma_start3A_21 : memref<10000x128xf32, #tpu.memory_space<hbm>>) target(%arg9 : memref<40x128xf32, #tpu.memory_space<vmem>>) offsets(%dma_start3A_18 : memref<40xi32, #tpu.memory_space<vmem>>) semaphore(%arg15 : memref<!tpu.dma_semaphore, #tpu.memory_space<semaphore_mem>>)
    %dma_start3A_22 = arith.constant 40 : i32
    %dma_start3A_23 = tpu.memref_slice %arg7[%dma_start3A_22] : memref<10000xi32, #tpu.memory_space<vmem>> -> memref<40xi32, #tpu.memory_space<vmem>>
    %dma_start3A_24 = arith.constant 0 : i32
    %dma_start3A_25 = arith.constant 0 : i32
    %dma_start3A_26 = tpu.memref_slice %arg2[%dma_start3A_24, %dma_start3A_25] : memref<10000x128xf32, #tpu.memory_space<hbm>> -> memref<10000x128xf32, #tpu.memory_space<hbm>>
    tpu.enqueue_indirect_dma source(%dma_start3A_26 : memref<10000x128xf32, #tpu.memory_space<hbm>>) target(%arg10 : memref<40x128xf32, #tpu.memory_space<vmem>>) offsets(%dma_start3A_23 : memref<40xi32, #tpu.memory_space<vmem>>) semaphore(%arg16 : memref<!tpu.dma_semaphore, #tpu.memory_space<semaphore_mem>>)
    %dma_start3A_27 = arith.constant 80 : i32
    %dma_start3A_28 = tpu.memref_slice %arg7[%dma_start3A_27] : memref<10000xi32, #tpu.memory_space<vmem>> -> memref<40xi32, #tpu.memory_space<vmem>>
    %dma_start3A_29 = arith.constant 0 : i32
    %dma_start3A_30 = arith.constant 0 : i32
    %dma_start3A_31 = tpu.memref_slice %arg2[%dma_start3A_29, %dma_start3A_30] : memref<10000x128xf32, #tpu.memory_space<hbm>> -> memref<10000x128xf32, #tpu.memory_space<hbm>>
    tpu.enqueue_indirect_dma source(%dma_start3A_31 : memref<10000x128xf32, #tpu.memory_space<hbm>>) target(%arg11 : memref<40x128xf32, #tpu.memory_space<vmem>>) offsets(%dma_start3A_28 : memref<40xi32, #tpu.memory_space<vmem>>) semaphore(%arg17 : memref<!tpu.dma_semaphore, #tpu.memory_space<semaphore_mem>>)
    %dma_start3A_32 = arith.constant 120 : i32
    %dma_start3A_33 = tpu.memref_slice %arg7[%dma_start3A_32] : memref<10000xi32, #tpu.memory_space<vmem>> -> memref<40xi32, #tpu.memory_space<vmem>>
    %dma_start3A_34 = arith.constant 0 : i32
    %dma_start3A_35 = arith.constant 0 : i32
    %dma_start3A_36 = tpu.memref_slice %arg2[%dma_start3A_34, %dma_start3A_35] : memref<10000x128xf32, #tpu.memory_space<hbm>> -> memref<10000x128xf32, #tpu.memory_space<hbm>>
    tpu.enqueue_indirect_dma source(%dma_start3A_36 : memref<10000x128xf32, #tpu.memory_space<hbm>>) target(%arg12 : memref<40x128xf32, #tpu.memory_space<vmem>>) offsets(%dma_start3A_33 : memref<40xi32, #tpu.memory_space<vmem>>) semaphore(%arg18 : memref<!tpu.dma_semaphore, #tpu.memory_space<semaphore_mem>>)
    %dma_start3A_37 = arith.constant 160 : i32
    %dma_start3A_38 = tpu.memref_slice %arg7[%dma_start3A_37] : memref<10000xi32, #tpu.memory_space<vmem>> -> memref<40xi32, #tpu.memory_space<vmem>>
    %dma_start3A_39 = arith.constant 0 : i32
    %dma_start3A_40 = arith.constant 0 : i32
    %dma_start3A_41 = tpu.memref_slice %arg2[%dma_start3A_39, %dma_start3A_40] : memref<10000x128xf32, #tpu.memory_space<hbm>> -> memref<10000x128xf32, #tpu.memory_space<hbm>>
    tpu.enqueue_indirect_dma source(%dma_start3A_41 : memref<10000x128xf32, #tpu.memory_space<hbm>>) target(%arg13 : memref<40x128xf32, #tpu.memory_space<vmem>>) offsets(%dma_start3A_38 : memref<40xi32, #tpu.memory_space<vmem>>) semaphore(%arg19 : memref<!tpu.dma_semaphore, #tpu.memory_space<semaphore_mem>>)
    %scan3A = arith.constant 0 : i32
    %scan3A_42 = arith.constant 0 : i32
    %scan3A_43 = arith.constant 50 : i32
    %scan3A_44 = arith.addi %scan3A_42, %scan3A_43 : i32
    %scan3A_45 = arith.constant 1 : i32
    scf.for %scan3A_83 = %scan3A_42 to %scan3A_44 step %scan3A_45  : i32 {
      %mul3A_84 = arith.constant 5 : i32
      %mul3A_85 = arith.muli %scan3A_83, %mul3A_84 : i32
      %add3A_86 = arith.constant 0 : i32
      %add3A_87 = arith.addi %mul3A_85, %add3A_86 : i32
      %mul3A_88 = arith.constant 40 : i32
      %mul3A_89 = arith.muli %add3A_87, %mul3A_88 : i32
      %dma_wait3A_90 = tpu.memref_slice %arg7[%mul3A_89] : memref<10000xi32, #tpu.memory_space<vmem>> -> memref<40xi32, #tpu.memory_space<vmem>>
      %dma_wait3A_91 = arith.constant 0 : i32
      %dma_wait3A_92 = arith.constant 0 : i32
      %dma_wait3A_93 = tpu.memref_slice %arg2[%dma_wait3A_91, %dma_wait3A_92] : memref<10000x128xf32, #tpu.memory_space<hbm>> -> memref<10000x128xf32, #tpu.memory_space<hbm>>
      tpu.wait_indirect_dma semaphore(%arg15 : memref<!tpu.dma_semaphore, #tpu.memory_space<semaphore_mem>>) src(%dma_wait3A_93 : memref<10000x128xf32, #tpu.memory_space<hbm>>) dst(%arg9 : memref<40x128xf32, #tpu.memory_space<vmem>>)
      %mul3A_94 = arith.constant 40 : i32
      %mul3A_95 = arith.muli %add3A_87, %mul3A_94 : i32
      %dma_start3A_96 = tpu.memref_slice %arg8[%mul3A_95] : memref<10000xi32, #tpu.memory_space<vmem>> -> memref<40xi32, #tpu.memory_space<vmem>>
      %dma_start3A_97 = arith.constant 0 : i32
      %dma_start3A_98 = arith.constant 0 : i32
      %dma_start3A_99 = tpu.memref_slice %arg14[%dma_start3A_97, %dma_start3A_98] : memref<10000x128xf32, #tpu.memory_space<vmem_shared>> -> memref<10000x128xf32, #tpu.memory_space<vmem_shared>>
      tpu.enqueue_indirect_dma source(%arg9 : memref<40x128xf32, #tpu.memory_space<vmem>>) target(%dma_start3A_99 : memref<10000x128xf32, #tpu.memory_space<vmem_shared>>) offsets(%dma_start3A_96 : memref<40xi32, #tpu.memory_space<vmem>>) semaphore(%arg20 : memref<!tpu.dma_semaphore, #tpu.memory_space<semaphore_mem>>) {add = true}
      %mul3A_100 = arith.constant 5 : i32
      %mul3A_101 = arith.muli %scan3A_83, %mul3A_100 : i32
      %add3A_102 = arith.constant 1 : i32
      %add3A_103 = arith.addi %mul3A_101, %add3A_102 : i32
      %mul3A_104 = arith.constant 40 : i32
      %mul3A_105 = arith.muli %add3A_103, %mul3A_104 : i32
      %dma_wait3A_106 = tpu.memref_slice %arg7[%mul3A_105] : memref<10000xi32, #tpu.memory_space<vmem>> -> memref<40xi32, #tpu.memory_space<vmem>>
      %dma_wait3A_107 = arith.constant 0 : i32
      %dma_wait3A_108 = arith.constant 0 : i32
      %dma_wait3A_109 = tpu.memref_slice %arg2[%dma_wait3A_107, %dma_wait3A_108] : memref<10000x128xf32, #tpu.memory_space<hbm>> -> memref<10000x128xf32, #tpu.memory_space<hbm>>
      tpu.wait_indirect_dma semaphore(%arg16 : memref<!tpu.dma_semaphore, #tpu.memory_space<semaphore_mem>>) src(%dma_wait3A_109 : memref<10000x128xf32, #tpu.memory_space<hbm>>) dst(%arg10 : memref<40x128xf32, #tpu.memory_space<vmem>>)
      %mul3A_110 = arith.constant 40 : i32
      %mul3A_111 = arith.muli %add3A_103, %mul3A_110 : i32
      %dma_start3A_112 = tpu.memref_slice %arg8[%mul3A_111] : memref<10000xi32, #tpu.memory_space<vmem>> -> memref<40xi32, #tpu.memory_space<vmem>>
      %dma_start3A_113 = arith.constant 0 : i32
      %dma_start3A_114 = arith.constant 0 : i32
      %dma_start3A_115 = tpu.memref_slice %arg14[%dma_start3A_113, %dma_start3A_114] : memref<10000x128xf32, #tpu.memory_space<vmem_shared>> -> memref<10000x128xf32, #tpu.memory_space<vmem_shared>>
      tpu.enqueue_indirect_dma source(%arg10 : memref<40x128xf32, #tpu.memory_space<vmem>>) target(%dma_start3A_115 : memref<10000x128xf32, #tpu.memory_space<vmem_shared>>) offsets(%dma_start3A_112 : memref<40xi32, #tpu.memory_space<vmem>>) semaphore(%arg21 : memref<!tpu.dma_semaphore, #tpu.memory_space<semaphore_mem>>) {add = true}
      %mul3A_116 = arith.constant 5 : i32
      %mul3A_117 = arith.muli %scan3A_83, %mul3A_116 : i32
      %add3A_118 = arith.constant 2 : i32
      %add3A_119 = arith.addi %mul3A_117, %add3A_118 : i32
      %mul3A_120 = arith.constant 40 : i32
      %mul3A_121 = arith.muli %add3A_119, %mul3A_120 : i32
      %dma_wait3A_122 = tpu.memref_slice %arg7[%mul3A_121] : memref<10000xi32, #tpu.memory_space<vmem>> -> memref<40xi32, #tpu.memory_space<vmem>>
      %dma_wait3A_123 = arith.constant 0 : i32
      %dma_wait3A_124 = arith.constant 0 : i32
      %dma_wait3A_125 = tpu.memref_slice %arg2[%dma_wait3A_123, %dma_wait3A_124] : memref<10000x128xf32, #tpu.memory_space<hbm>> -> memref<10000x128xf32, #tpu.memory_space<hbm>>
      tpu.wait_indirect_dma semaphore(%arg17 : memref<!tpu.dma_semaphore, #tpu.memory_space<semaphore_mem>>) src(%dma_wait3A_125 : memref<10000x128xf32, #tpu.memory_space<hbm>>) dst(%arg11 : memref<40x128xf32, #tpu.memory_space<vmem>>)
      %mul3A_126 = arith.constant 40 : i32
      %mul3A_127 = arith.muli %add3A_119, %mul3A_126 : i32
      %dma_start3A_128 = tpu.memref_slice %arg8[%mul3A_127] : memref<10000xi32, #tpu.memory_space<vmem>> -> memref<40xi32, #tpu.memory_space<vmem>>
      %dma_start3A_129 = arith.constant 0 : i32
      %dma_start3A_130 = arith.constant 0 : i32
      %dma_start3A_131 = tpu.memref_slice %arg14[%dma_start3A_129, %dma_start3A_130] : memref<10000x128xf32, #tpu.memory_space<vmem_shared>> -> memref<10000x128xf32, #tpu.memory_space<vmem_shared>>
      tpu.enqueue_indirect_dma source(%arg11 : memref<40x128xf32, #tpu.memory_space<vmem>>) target(%dma_start3A_131 : memref<10000x128xf32, #tpu.memory_space<vmem_shared>>) offsets(%dma_start3A_128 : memref<40xi32, #tpu.memory_space<vmem>>) semaphore(%arg22 : memref<!tpu.dma_semaphore, #tpu.memory_space<semaphore_mem>>) {add = true}
      %mul3A_132 = arith.constant 5 : i32
      %mul3A_133 = arith.muli %scan3A_83, %mul3A_132 : i32
      %add3A_134 = arith.constant 3 : i32
      %add3A_135 = arith.addi %mul3A_133, %add3A_134 : i32
      %mul3A_136 = arith.constant 40 : i32
      %mul3A_137 = arith.muli %add3A_135, %mul3A_136 : i32
      %dma_wait3A_138 = tpu.memref_slice %arg7[%mul3A_137] : memref<10000xi32, #tpu.memory_space<vmem>> -> memref<40xi32, #tpu.memory_space<vmem>>
      %dma_wait3A_139 = arith.constant 0 : i32
      %dma_wait3A_140 = arith.constant 0 : i32
      %dma_wait3A_141 = tpu.memref_slice %arg2[%dma_wait3A_139, %dma_wait3A_140] : memref<10000x128xf32, #tpu.memory_space<hbm>> -> memref<10000x128xf32, #tpu.memory_space<hbm>>
      tpu.wait_indirect_dma semaphore(%arg18 : memref<!tpu.dma_semaphore, #tpu.memory_space<semaphore_mem>>) src(%dma_wait3A_141 : memref<10000x128xf32, #tpu.memory_space<hbm>>) dst(%arg12 : memref<40x128xf32, #tpu.memory_space<vmem>>)
      %mul3A_142 = arith.constant 40 : i32
      %mul3A_143 = arith.muli %add3A_135, %mul3A_142 : i32
      %dma_start3A_144 = tpu.memref_slice %arg8[%mul3A_143] : memref<10000xi32, #tpu.memory_space<vmem>> -> memref<40xi32, #tpu.memory_space<vmem>>
      %dma_start3A_145 = arith.constant 0 : i32
      %dma_start3A_146 = arith.constant 0 : i32
      %dma_start3A_147 = tpu.memref_slice %arg14[%dma_start3A_145, %dma_start3A_146] : memref<10000x128xf32, #tpu.memory_space<vmem_shared>> -> memref<10000x128xf32, #tpu.memory_space<vmem_shared>>
      tpu.enqueue_indirect_dma source(%arg12 : memref<40x128xf32, #tpu.memory_space<vmem>>) target(%dma_start3A_147 : memref<10000x128xf32, #tpu.memory_space<vmem_shared>>) offsets(%dma_start3A_144 : memref<40xi32, #tpu.memory_space<vmem>>) semaphore(%arg23 : memref<!tpu.dma_semaphore, #tpu.memory_space<semaphore_mem>>) {add = true}
      %mul3A_148 = arith.constant 5 : i32
      %mul3A_149 = arith.muli %scan3A_83, %mul3A_148 : i32
      %add3A_150 = arith.constant 4 : i32
      %add3A_151 = arith.addi %mul3A_149, %add3A_150 : i32
      %mul3A_152 = arith.constant 40 : i32
      %mul3A_153 = arith.muli %add3A_151, %mul3A_152 : i32
      %dma_wait3A_154 = tpu.memref_slice %arg7[%mul3A_153] : memref<10000xi32, #tpu.memory_space<vmem>> -> memref<40xi32, #tpu.memory_space<vmem>>
      %dma_wait3A_155 = arith.constant 0 : i32
      %dma_wait3A_156 = arith.constant 0 : i32
      %dma_wait3A_157 = tpu.memref_slice %arg2[%dma_wait3A_155, %dma_wait3A_156] : memref<10000x128xf32, #tpu.memory_space<hbm>> -> memref<10000x128xf32, #tpu.memory_space<hbm>>
      tpu.wait_indirect_dma semaphore(%arg19 : memref<!tpu.dma_semaphore, #tpu.memory_space<semaphore_mem>>) src(%dma_wait3A_157 : memref<10000x128xf32, #tpu.memory_space<hbm>>) dst(%arg13 : memref<40x128xf32, #tpu.memory_space<vmem>>)
      %mul3A_158 = arith.constant 40 : i32
      %mul3A_159 = arith.muli %add3A_151, %mul3A_158 : i32
      %dma_start3A_160 = tpu.memref_slice %arg8[%mul3A_159] : memref<10000xi32, #tpu.memory_space<vmem>> -> memref<40xi32, #tpu.memory_space<vmem>>
      %dma_start3A_161 = arith.constant 0 : i32
      %dma_start3A_162 = arith.constant 0 : i32
      %dma_start3A_163 = tpu.memref_slice %arg14[%dma_start3A_161, %dma_start3A_162] : memref<10000x128xf32, #tpu.memory_space<vmem_shared>> -> memref<10000x128xf32, #tpu.memory_space<vmem_shared>>
      tpu.enqueue_indirect_dma source(%arg13 : memref<40x128xf32, #tpu.memory_space<vmem>>) target(%dma_start3A_163 : memref<10000x128xf32, #tpu.memory_space<vmem_shared>>) offsets(%dma_start3A_160 : memref<40xi32, #tpu.memory_space<vmem>>) semaphore(%arg24 : memref<!tpu.dma_semaphore, #tpu.memory_space<semaphore_mem>>) {add = true}
      %lt3A_164 = arith.constant 49 : i32
      %lt3A_165 = arith.cmpi slt, %scan3A_83, %lt3A_164 : i32
      %convert_element_type3A_166 = arith.extui %lt3A_165 : i1 to i32
      %cond3A_167 = arith.constant 0 : i32
      %cond3A_168 = arith.cmpi ne, %convert_element_type3A_166, %cond3A_167 : i32
      scf.if %cond3A_168 {
        %mul3A_169 = arith.constant 5 : i32
        %mul3A_170 = arith.muli %scan3A_83, %mul3A_169 : i32
        %add3A_171 = arith.constant 0 : i32
        %add3A_172 = arith.addi %mul3A_170, %add3A_171 : i32
        %mul3A_173 = arith.constant 40 : i32
        %mul3A_174 = arith.muli %add3A_172, %mul3A_173 : i32
        %dma_wait3A_175 = tpu.memref_slice %arg8[%mul3A_174] : memref<10000xi32, #tpu.memory_space<vmem>> -> memref<40xi32, #tpu.memory_space<vmem>>
        %dma_wait3A_176 = arith.constant 0 : i32
        %dma_wait3A_177 = arith.constant 0 : i32
        %dma_wait3A_178 = tpu.memref_slice %arg14[%dma_wait3A_176, %dma_wait3A_177] : memref<10000x128xf32, #tpu.memory_space<vmem_shared>> -> memref<10000x128xf32, #tpu.memory_space<vmem_shared>>
        tpu.wait_indirect_dma semaphore(%arg20 : memref<!tpu.dma_semaphore, #tpu.memory_space<semaphore_mem>>) src(%arg9 : memref<40x128xf32, #tpu.memory_space<vmem>>) dst(%dma_wait3A_178 : memref<10000x128xf32, #tpu.memory_space<vmem_shared>>)
        %add3A_179 = arith.constant 5 : i32
        %add3A_180 = arith.addi %add3A_172, %add3A_179 : i32
        %mul3A_181 = arith.constant 40 : i32
        %mul3A_182 = arith.muli %add3A_180, %mul3A_181 : i32
        %dma_start3A_183 = tpu.memref_slice %arg7[%mul3A_182] : memref<10000xi32, #tpu.memory_space<vmem>> -> memref<40xi32, #tpu.memory_space<vmem>>
        %dma_start3A_184 = arith.constant 0 : i32
        %dma_start3A_185 = arith.constant 0 : i32
        %dma_start3A_186 = tpu.memref_slice %arg2[%dma_start3A_184, %dma_start3A_185] : memref<10000x128xf32, #tpu.memory_space<hbm>> -> memref<10000x128xf32, #tpu.memory_space<hbm>>
        tpu.enqueue_indirect_dma source(%dma_start3A_186 : memref<10000x128xf32, #tpu.memory_space<hbm>>) target(%arg9 : memref<40x128xf32, #tpu.memory_space<vmem>>) offsets(%dma_start3A_183 : memref<40xi32, #tpu.memory_space<vmem>>) semaphore(%arg15 : memref<!tpu.dma_semaphore, #tpu.memory_space<semaphore_mem>>)
        %mul3A_187 = arith.constant 5 : i32
        %mul3A_188 = arith.muli %scan3A_83, %mul3A_187 : i32
        %add3A_189 = arith.constant 1 : i32
        %add3A_190 = arith.addi %mul3A_188, %add3A_189 : i32
        %mul3A_191 = arith.constant 40 : i32
        %mul3A_192 = arith.muli %add3A_190, %mul3A_191 : i32
        %dma_wait3A_193 = tpu.memref_slice %arg8[%mul3A_192] : memref<10000xi32, #tpu.memory_space<vmem>> -> memref<40xi32, #tpu.memory_space<vmem>>
        %dma_wait3A_194 = arith.constant 0 : i32
        %dma_wait3A_195 = arith.constant 0 : i32
        %dma_wait3A_196 = tpu.memref_slice %arg14[%dma_wait3A_194, %dma_wait3A_195] : memref<10000x128xf32, #tpu.memory_space<vmem_shared>> -> memref<10000x128xf32, #tpu.memory_space<vmem_shared>>
        tpu.wait_indirect_dma semaphore(%arg21 : memref<!tpu.dma_semaphore, #tpu.memory_space<semaphore_mem>>) src(%arg10 : memref<40x128xf32, #tpu.memory_space<vmem>>) dst(%dma_wait3A_196 : memref<10000x128xf32, #tpu.memory_space<vmem_shared>>)
        %add3A_197 = arith.constant 5 : i32
        %add3A_198 = arith.addi %add3A_190, %add3A_197 : i32
        %mul3A_199 = arith.constant 40 : i32
        %mul3A_200 = arith.muli %add3A_198, %mul3A_199 : i32
        %dma_start3A_201 = tpu.memref_slice %arg7[%mul3A_200] : memref<10000xi32, #tpu.memory_space<vmem>> -> memref<40xi32, #tpu.memory_space<vmem>>
        %dma_start3A_202 = arith.constant 0 : i32
        %dma_start3A_203 = arith.constant 0 : i32
        %dma_start3A_204 = tpu.memref_slice %arg2[%dma_start3A_202, %dma_start3A_203] : memref<10000x128xf32, #tpu.memory_space<hbm>> -> memref<10000x128xf32, #tpu.memory_space<hbm>>
        tpu.enqueue_indirect_dma source(%dma_start3A_204 : memref<10000x128xf32, #tpu.memory_space<hbm>>) target(%arg10 : memref<40x128xf32, #tpu.memory_space<vmem>>) offsets(%dma_start3A_201 : memref<40xi32, #tpu.memory_space<vmem>>) semaphore(%arg16 : memref<!tpu.dma_semaphore, #tpu.memory_space<semaphore_mem>>)
        %mul3A_205 = arith.constant 5 : i32
        %mul3A_206 = arith.muli %scan3A_83, %mul3A_205 : i32
        %add3A_207 = arith.constant 2 : i32
        %add3A_208 = arith.addi %mul3A_206, %add3A_207 : i32
        %mul3A_209 = arith.constant 40 : i32
        %mul3A_210 = arith.muli %add3A_208, %mul3A_209 : i32
        %dma_wait3A_211 = tpu.memref_slice %arg8[%mul3A_210] : memref<10000xi32, #tpu.memory_space<vmem>> -> memref<40xi32, #tpu.memory_space<vmem>>
        %dma_wait3A_212 = arith.constant 0 : i32
        %dma_wait3A_213 = arith.constant 0 : i32
        %dma_wait3A_214 = tpu.memref_slice %arg14[%dma_wait3A_212, %dma_wait3A_213] : memref<10000x128xf32, #tpu.memory_space<vmem_shared>> -> memref<10000x128xf32, #tpu.memory_space<vmem_shared>>
        tpu.wait_indirect_dma semaphore(%arg22 : memref<!tpu.dma_semaphore, #tpu.memory_space<semaphore_mem>>) src(%arg11 : memref<40x128xf32, #tpu.memory_space<vmem>>) dst(%dma_wait3A_214 : memref<10000x128xf32, #tpu.memory_space<vmem_shared>>)
        %add3A_215 = arith.constant 5 : i32
        %add3A_216 = arith.addi %add3A_208, %add3A_215 : i32
        %mul3A_217 = arith.constant 40 : i32
        %mul3A_218 = arith.muli %add3A_216, %mul3A_217 : i32
        %dma_start3A_219 = tpu.memref_slice %arg7[%mul3A_218] : memref<10000xi32, #tpu.memory_space<vmem>> -> memref<40xi32, #tpu.memory_space<vmem>>
        %dma_start3A_220 = arith.constant 0 : i32
        %dma_start3A_221 = arith.constant 0 : i32
        %dma_start3A_222 = tpu.memref_slice %arg2[%dma_start3A_220, %dma_start3A_221] : memref<10000x128xf32, #tpu.memory_space<hbm>> -> memref<10000x128xf32, #tpu.memory_space<hbm>>
        tpu.enqueue_indirect_dma source(%dma_start3A_222 : memref<10000x128xf32, #tpu.memory_space<hbm>>) target(%arg11 : memref<40x128xf32, #tpu.memory_space<vmem>>) offsets(%dma_start3A_219 : memref<40xi32, #tpu.memory_space<vmem>>) semaphore(%arg17 : memref<!tpu.dma_semaphore, #tpu.memory_space<semaphore_mem>>)
        %mul3A_223 = arith.constant 5 : i32
        %mul3A_224 = arith.muli %scan3A_83, %mul3A_223 : i32
        %add3A_225 = arith.constant 3 : i32
        %add3A_226 = arith.addi %mul3A_224, %add3A_225 : i32
        %mul3A_227 = arith.constant 40 : i32
        %mul3A_228 = arith.muli %add3A_226, %mul3A_227 : i32
        %dma_wait3A_229 = tpu.memref_slice %arg8[%mul3A_228] : memref<10000xi32, #tpu.memory_space<vmem>> -> memref<40xi32, #tpu.memory_space<vmem>>
        %dma_wait3A_230 = arith.constant 0 : i32
        %dma_wait3A_231 = arith.constant 0 : i32
        %dma_wait3A_232 = tpu.memref_slice %arg14[%dma_wait3A_230, %dma_wait3A_231] : memref<10000x128xf32, #tpu.memory_space<vmem_shared>> -> memref<10000x128xf32, #tpu.memory_space<vmem_shared>>
        tpu.wait_indirect_dma semaphore(%arg23 : memref<!tpu.dma_semaphore, #tpu.memory_space<semaphore_mem>>) src(%arg12 : memref<40x128xf32, #tpu.memory_space<vmem>>) dst(%dma_wait3A_232 : memref<10000x128xf32, #tpu.memory_space<vmem_shared>>)
        %add3A_233 = arith.constant 5 : i32
        %add3A_234 = arith.addi %add3A_226, %add3A_233 : i32
        %mul3A_235 = arith.constant 40 : i32
        %mul3A_236 = arith.muli %add3A_234, %mul3A_235 : i32
        %dma_start3A_237 = tpu.memref_slice %arg7[%mul3A_236] : memref<10000xi32, #tpu.memory_space<vmem>> -> memref<40xi32, #tpu.memory_space<vmem>>
        %dma_start3A_238 = arith.constant 0 : i32
        %dma_start3A_239 = arith.constant 0 : i32
        %dma_start3A_240 = tpu.memref_slice %arg2[%dma_start3A_238, %dma_start3A_239] : memref<10000x128xf32, #tpu.memory_space<hbm>> -> memref<10000x128xf32, #tpu.memory_space<hbm>>
        tpu.enqueue_indirect_dma source(%dma_start3A_240 : memref<10000x128xf32, #tpu.memory_space<hbm>>) target(%arg12 : memref<40x128xf32, #tpu.memory_space<vmem>>) offsets(%dma_start3A_237 : memref<40xi32, #tpu.memory_space<vmem>>) semaphore(%arg18 : memref<!tpu.dma_semaphore, #tpu.memory_space<semaphore_mem>>)
        %mul3A_241 = arith.constant 5 : i32
        %mul3A_242 = arith.muli %scan3A_83, %mul3A_241 : i32
        %add3A_243 = arith.constant 4 : i32
        %add3A_244 = arith.addi %mul3A_242, %add3A_243 : i32
        %mul3A_245 = arith.constant 40 : i32
        %mul3A_246 = arith.muli %add3A_244, %mul3A_245 : i32
        %dma_wait3A_247 = tpu.memref_slice %arg8[%mul3A_246] : memref<10000xi32, #tpu.memory_space<vmem>> -> memref<40xi32, #tpu.memory_space<vmem>>
        %dma_wait3A_248 = arith.constant 0 : i32
        %dma_wait3A_249 = arith.constant 0 : i32
        %dma_wait3A_250 = tpu.memref_slice %arg14[%dma_wait3A_248, %dma_wait3A_249] : memref<10000x128xf32, #tpu.memory_space<vmem_shared>> -> memref<10000x128xf32, #tpu.memory_space<vmem_shared>>
        tpu.wait_indirect_dma semaphore(%arg24 : memref<!tpu.dma_semaphore, #tpu.memory_space<semaphore_mem>>) src(%arg13 : memref<40x128xf32, #tpu.memory_space<vmem>>) dst(%dma_wait3A_250 : memref<10000x128xf32, #tpu.memory_space<vmem_shared>>)
        %add3A_251 = arith.constant 5 : i32
        %add3A_252 = arith.addi %add3A_244, %add3A_251 : i32
        %mul3A_253 = arith.constant 40 : i32
        %mul3A_254 = arith.muli %add3A_252, %mul3A_253 : i32
        %dma_start3A_255 = tpu.memref_slice %arg7[%mul3A_254] : memref<10000xi32, #tpu.memory_space<vmem>> -> memref<40xi32, #tpu.memory_space<vmem>>
        %dma_start3A_256 = arith.constant 0 : i32
        %dma_start3A_257 = arith.constant 0 : i32
        %dma_start3A_258 = tpu.memref_slice %arg2[%dma_start3A_256, %dma_start3A_257] : memref<10000x128xf32, #tpu.memory_space<hbm>> -> memref<10000x128xf32, #tpu.memory_space<hbm>>
        tpu.enqueue_indirect_dma source(%dma_start3A_258 : memref<10000x128xf32, #tpu.memory_space<hbm>>) target(%arg13 : memref<40x128xf32, #tpu.memory_space<vmem>>) offsets(%dma_start3A_255 : memref<40xi32, #tpu.memory_space<vmem>>) semaphore(%arg19 : memref<!tpu.dma_semaphore, #tpu.memory_space<semaphore_mem>>)
      } else {
      }
    }
    %scan3A_46 = arith.constant 50 : i32
    %dma_wait3A_47 = arith.constant 0 : i32
    %dma_wait3A_48 = tpu.memref_slice %arg8[%dma_wait3A_47] : memref<10000xi32, #tpu.memory_space<vmem>> -> memref<40xi32, #tpu.memory_space<vmem>>
    %dma_wait3A_49 = arith.constant 0 : i32
    %dma_wait3A_50 = arith.constant 0 : i32
    %dma_wait3A_51 = tpu.memref_slice %arg14[%dma_wait3A_49, %dma_wait3A_50] : memref<10000x128xf32, #tpu.memory_space<vmem_shared>> -> memref<10000x128xf32, #tpu.memory_space<vmem_shared>>
    tpu.wait_indirect_dma semaphore(%arg20 : memref<!tpu.dma_semaphore, #tpu.memory_space<semaphore_mem>>) src(%arg9 : memref<40x128xf32, #tpu.memory_space<vmem>>) dst(%dma_wait3A_51 : memref<10000x128xf32, #tpu.memory_space<vmem_shared>>)
    %dma_wait3A_52 = arith.constant 0 : i32
    %dma_wait3A_53 = tpu.memref_slice %arg8[%dma_wait3A_52] : memref<10000xi32, #tpu.memory_space<vmem>> -> memref<40xi32, #tpu.memory_space<vmem>>
    %dma_wait3A_54 = arith.constant 0 : i32
    %dma_wait3A_55 = arith.constant 0 : i32
    %dma_wait3A_56 = tpu.memref_slice %arg14[%dma_wait3A_54, %dma_wait3A_55] : memref<10000x128xf32, #tpu.memory_space<vmem_shared>> -> memref<10000x128xf32, #tpu.memory_space<vmem_shared>>
    tpu.wait_indirect_dma semaphore(%arg21 : memref<!tpu.dma_semaphore, #tpu.memory_space<semaphore_mem>>) src(%arg10 : memref<40x128xf32, #tpu.memory_space<vmem>>) dst(%dma_wait3A_56 : memref<10000x128xf32, #tpu.memory_space<vmem_shared>>)
    %dma_wait3A_57 = arith.constant 0 : i32
    %dma_wait3A_58 = tpu.memref_slice %arg8[%dma_wait3A_57] : memref<10000xi32, #tpu.memory_space<vmem>> -> memref<40xi32, #tpu.memory_space<vmem>>
    %dma_wait3A_59 = arith.constant 0 : i32
    %dma_wait3A_60 = arith.constant 0 : i32
    %dma_wait3A_61 = tpu.memref_slice %arg14[%dma_wait3A_59, %dma_wait3A_60] : memref<10000x128xf32, #tpu.memory_space<vmem_shared>> -> memref<10000x128xf32, #tpu.memory_space<vmem_shared>>
    tpu.wait_indirect_dma semaphore(%arg22 : memref<!tpu.dma_semaphore, #tpu.memory_space<semaphore_mem>>) src(%arg11 : memref<40x128xf32, #tpu.memory_space<vmem>>) dst(%dma_wait3A_61 : memref<10000x128xf32, #tpu.memory_space<vmem_shared>>)
    %dma_wait3A_62 = arith.constant 0 : i32
    %dma_wait3A_63 = tpu.memref_slice %arg8[%dma_wait3A_62] : memref<10000xi32, #tpu.memory_space<vmem>> -> memref<40xi32, #tpu.memory_space<vmem>>
    %dma_wait3A_64 = arith.constant 0 : i32
    %dma_wait3A_65 = arith.constant 0 : i32
    %dma_wait3A_66 = tpu.memref_slice %arg14[%dma_wait3A_64, %dma_wait3A_65] : memref<10000x128xf32, #tpu.memory_space<vmem_shared>> -> memref<10000x128xf32, #tpu.memory_space<vmem_shared>>
    tpu.wait_indirect_dma semaphore(%arg23 : memref<!tpu.dma_semaphore, #tpu.memory_space<semaphore_mem>>) src(%arg12 : memref<40x128xf32, #tpu.memory_space<vmem>>) dst(%dma_wait3A_66 : memref<10000x128xf32, #tpu.memory_space<vmem_shared>>)
    %dma_wait3A_67 = arith.constant 0 : i32
    %dma_wait3A_68 = tpu.memref_slice %arg8[%dma_wait3A_67] : memref<10000xi32, #tpu.memory_space<vmem>> -> memref<40xi32, #tpu.memory_space<vmem>>
    %dma_wait3A_69 = arith.constant 0 : i32
    %dma_wait3A_70 = arith.constant 0 : i32
    %dma_wait3A_71 = tpu.memref_slice %arg14[%dma_wait3A_69, %dma_wait3A_70] : memref<10000x128xf32, #tpu.memory_space<vmem_shared>> -> memref<10000x128xf32, #tpu.memory_space<vmem_shared>>
    tpu.wait_indirect_dma semaphore(%arg24 : memref<!tpu.dma_semaphore, #tpu.memory_space<semaphore_mem>>) src(%arg13 : memref<40x128xf32, #tpu.memory_space<vmem>>) dst(%dma_wait3A_71 : memref<10000x128xf32, #tpu.memory_space<vmem_shared>>)
    %barrier3A_72 = arith.constant 0 : index
    tpu.barrier barrier_id(%barrier3A_72)
    %lt3A_73 = arith.constant 15 : i32
    %lt3A_74 = arith.cmpi slt, %arg1, %lt3A_73 : i32
    %convert_element_type3A_75 = arith.extui %lt3A_74 : i1 to i32
    %cond3A_76 = arith.constant 0 : i32
    %cond3A_77 = arith.cmpi ne, %convert_element_type3A_75, %cond3A_76 : i32
    scf.if %cond3A_77 {
      %mul3A_83 = arith.constant 624 : i32
      %mul3A_84 = arith.muli %arg1, %mul3A_83 : i32
      %mul3A_85 = arith.constant 624 : i32
      %mul3A_86 = arith.muli %arg1, %mul3A_85 : i32
      "tpu.region"() ({
        %run_scoped3A = tpu.sem_alloc : memref<!tpu.dma_semaphore, #tpu.memory_space<semaphore_mem>>
        %dma_start3A_87 = arith.constant 0 : i32
        %dma_start3A_88 = tpu.memref_slice %arg6[%arg0, %mul3A_86, %dma_start3A_87] : memref<2x10000x128xf32, #tpu.memory_space<hbm>> -> memref<1x624x128xf32, #tpu.memory_space<hbm>>
        %dma_start3A_89 = tpu.memref_squeeze %dma_start3A_88 : memref<1x624x128xf32, #tpu.memory_space<hbm>> -> memref<624x128xf32, #tpu.memory_space<hbm>>
        %dma_start3A_90 = arith.constant 0 : i32
        %dma_start3A_91 = tpu.memref_slice %arg14[%mul3A_84, %dma_start3A_90] : memref<10000x128xf32, #tpu.memory_space<vmem_shared>> -> memref<624x128xf32, #tpu.memory_space<vmem_shared>>
        tpu.enqueue_dma source(%dma_start3A_91 : memref<624x128xf32, #tpu.memory_space<vmem_shared>>) target(%dma_start3A_89 : memref<624x128xf32, #tpu.memory_space<hbm>>) target_semaphore(%run_scoped3A : memref<!tpu.dma_semaphore, #tpu.memory_space<semaphore_mem>>)
        %dma_wait3A_92 = arith.constant 0 : i32
        %dma_wait3A_93 = tpu.memref_slice %arg6[%arg0, %mul3A_86, %dma_wait3A_92] : memref<2x10000x128xf32, #tpu.memory_space<hbm>> -> memref<1x624x128xf32, #tpu.memory_space<hbm>>
        %dma_wait3A_94 = tpu.memref_squeeze %dma_wait3A_93 : memref<1x624x128xf32, #tpu.memory_space<hbm>> -> memref<624x128xf32, #tpu.memory_space<hbm>>
        %dma_wait3A_95 = arith.constant 0 : i32
        %dma_wait3A_96 = tpu.memref_slice %arg14[%mul3A_84, %dma_wait3A_95] : memref<10000x128xf32, #tpu.memory_space<vmem_shared>> -> memref<624x128xf32, #tpu.memory_space<vmem_shared>>
        tpu.wait_dma2 semaphore(%run_scoped3A : memref<!tpu.dma_semaphore, #tpu.memory_space<semaphore_mem>>) src(%dma_wait3A_96 : memref<624x128xf32, #tpu.memory_space<vmem_shared>>) dst(%dma_wait3A_94 : memref<624x128xf32, #tpu.memory_space<hbm>>)
        tpu.yield
      }) : () -> ()
    } else {
    }
    %eq3A_78 = arith.constant 15 : i32
    %eq3A_79 = arith.cmpi eq, %arg1, %eq3A_78 : i32
    %convert_element_type3A_80 = arith.extui %eq3A_79 : i1 to i32
    %cond3A_81 = arith.constant 0 : i32
    %cond3A_82 = arith.cmpi ne, %convert_element_type3A_80, %cond3A_81 : i32
    scf.if %cond3A_82 {
      "tpu.region"() ({
        %run_scoped3A = tpu.sem_alloc : memref<!tpu.dma_semaphore, #tpu.memory_space<semaphore_mem>>
        %dma_start3A_83 = arith.constant 9360 : i32
        %dma_start3A_84 = arith.constant 0 : i32
        %dma_start3A_85 = tpu.memref_slice %arg6[%arg0, %dma_start3A_83, %dma_start3A_84] : memref<2x10000x128xf32, #tpu.memory_space<hbm>> -> memref<1x640x128xf32, #tpu.memory_space<hbm>>
        %dma_start3A_86 = tpu.memref_squeeze %dma_start3A_85 : memref<1x640x128xf32, #tpu.memory_space<hbm>> -> memref<640x128xf32, #tpu.memory_space<hbm>>
        %dma_start3A_87 = arith.constant 9360 : i32
        %dma_start3A_88 = arith.constant 0 : i32
        %dma_start3A_89 = tpu.memref_slice %arg14[%dma_start3A_87, %dma_start3A_88] : memref<10000x128xf32, #tpu.memory_space<vmem_shared>> -> memref<640x128xf32, #tpu.memory_space<vmem_shared>>
        tpu.enqueue_dma source(%dma_start3A_89 : memref<640x128xf32, #tpu.memory_space<vmem_shared>>) target(%dma_start3A_86 : memref<640x128xf32, #tpu.memory_space<hbm>>) target_semaphore(%run_scoped3A : memref<!tpu.dma_semaphore, #tpu.memory_space<semaphore_mem>>)
        %dma_wait3A_90 = arith.constant 9360 : i32
        %dma_wait3A_91 = arith.constant 0 : i32
        %dma_wait3A_92 = tpu.memref_slice %arg6[%arg0, %dma_wait3A_90, %dma_wait3A_91] : memref<2x10000x128xf32, #tpu.memory_space<hbm>> -> memref<1x640x128xf32, #tpu.memory_space<hbm>>
        %dma_wait3A_93 = tpu.memref_squeeze %dma_wait3A_92 : memref<1x640x128xf32, #tpu.memory_space<hbm>> -> memref<640x128xf32, #tpu.memory_space<hbm>>
        %dma_wait3A_94 = arith.constant 9360 : i32
        %dma_wait3A_95 = arith.constant 0 : i32
        %dma_wait3A_96 = tpu.memref_slice %arg14[%dma_wait3A_94, %dma_wait3A_95] : memref<10000x128xf32, #tpu.memory_space<vmem_shared>> -> memref<640x128xf32, #tpu.memory_space<vmem_shared>>
        tpu.wait_dma2 semaphore(%run_scoped3A : memref<!tpu.dma_semaphore, #tpu.memory_space<semaphore_mem>>) src(%dma_wait3A_96 : memref<640x128xf32, #tpu.memory_space<vmem_shared>>) dst(%dma_wait3A_93 : memref<640x128xf32, #tpu.memory_space<hbm>>)
        tpu.yield
      }) : () -> ()
    } else {
    }
    return
  }
}

#map = affine_map<(d0, d1) -> (0, 0)>
#map1 = affine_map<(d0, d1) -> (0)>
#map2 = affine_map<(d0, d1) -> (0, 0, 0)>
module attributes {stable_mosaic.version = 14 : i64} {
  func.func @_seg_body(%arg0: i32, %arg1: i32, %arg2: memref<10000x128xf32, #tpu.memory_space<hbm>>, %arg3: memref<320000xi32, #tpu.memory_space<hbm>>, %arg4: memref<320000xi32, #tpu.memory_space<hbm>>, %arg5: memref<10000x128xf32, #tpu.memory_space<hbm>>, %arg6: memref<2x10000x128xf32, #tpu.memory_space<hbm>>, %arg7: memref<10000xi32, #tpu.memory_space<vmem>>, %arg8: memref<10000xi32, #tpu.memory_space<vmem>>, %arg9: memref<40x128xf32, #tpu.memory_space<vmem>>, %arg10: memref<40x128xf32, #tpu.memory_space<vmem>>, %arg11: memref<40x128xf32, #tpu.memory_space<vmem>>, %arg12: memref<40x128xf32, #tpu.memory_space<vmem>>, %arg13: memref<40x128xf32, #tpu.memory_space<vmem>>, %arg14: memref<10000x128xf32, #tpu.memory_space<vmem_shared>>, %arg15: memref<!tpu.dma_semaphore, #tpu.memory_space<semaphore_mem>>, %arg16: memref<!tpu.dma_semaphore, #tpu.memory_space<semaphore_mem>>, %arg17: memref<!tpu.dma_semaphore, #tpu.memory_space<semaphore_mem>>, %arg18: memref<!tpu.dma_semaphore, #tpu.memory_space<semaphore_mem>>, %arg19: memref<!tpu.dma_semaphore, #tpu.memory_space<semaphore_mem>>, %arg20: memref<!tpu.dma_semaphore, #tpu.memory_space<semaphore_mem>>, %arg21: memref<!tpu.dma_semaphore, #tpu.memory_space<semaphore_mem>>, %arg22: memref<!tpu.dma_semaphore, #tpu.memory_space<semaphore_mem>>, %arg23: memref<!tpu.dma_semaphore, #tpu.memory_space<semaphore_mem>>, %arg24: memref<!tpu.dma_semaphore, #tpu.memory_space<semaphore_mem>>) attributes {dimension_semantics = [#tpu.dimension_semantics<core_parallel>, #tpu.dimension_semantics<subcore_parallel>], iteration_bounds = array<i64: 2, 16>, scalar_prefetch = 0 : i64, scratch_operands = 18 : i64, tpu.core_type = #tpu.core_type<sc_vector_subcore>, window_params = [{transform_indices = #map}, {transform_indices = #map1}, {transform_indices = #map1}, {transform_indices = #map}, {transform_indices = #map2}]} {
    %mul3A = arith.constant 16 : i32
    %mul3A_0 = arith.muli %arg0, %mul3A : i32
    %add3A = arith.addi %mul3A_0, %arg1 : i32
    %mul3A_1 = arith.constant 10000 : i32
    %mul3A_2 = arith.muli %add3A, %mul3A_1 : i32
    %dma_start3A = tpu.memref_slice %arg3[%mul3A_2] : memref<320000xi32, #tpu.memory_space<hbm>> -> memref<10000xi32, #tpu.memory_space<hbm>>
    %dma_start3A_3 = tpu.memref_slice %arg3[%mul3A_2] : memref<320000xi32, #tpu.memory_space<hbm>> -> memref<10000xi32, #tpu.memory_space<hbm>>
    tpu.enqueue_dma source(%dma_start3A_3 : memref<10000xi32, #tpu.memory_space<hbm>>) target(%arg7 : memref<10000xi32, #tpu.memory_space<vmem>>) target_semaphore(%arg15 : memref<!tpu.dma_semaphore, #tpu.memory_space<semaphore_mem>>)
    %mul3A_4 = arith.constant 10000 : i32
    %mul3A_5 = arith.muli %add3A, %mul3A_4 : i32
    %dma_start3A_6 = tpu.memref_slice %arg4[%mul3A_5] : memref<320000xi32, #tpu.memory_space<hbm>> -> memref<10000xi32, #tpu.memory_space<hbm>>
    %dma_start3A_7 = tpu.memref_slice %arg4[%mul3A_5] : memref<320000xi32, #tpu.memory_space<hbm>> -> memref<10000xi32, #tpu.memory_space<hbm>>
    tpu.enqueue_dma source(%dma_start3A_7 : memref<10000xi32, #tpu.memory_space<hbm>>) target(%arg8 : memref<10000xi32, #tpu.memory_space<vmem>>) target_semaphore(%arg16 : memref<!tpu.dma_semaphore, #tpu.memory_space<semaphore_mem>>)
    %lt3A = arith.constant 15 : i32
    %lt3A_8 = arith.cmpi slt, %arg1, %lt3A : i32
    %convert_element_type3A = arith.extui %lt3A_8 : i1 to i32
    %cond3A = arith.constant 0 : i32
    %cond3A_9 = arith.cmpi ne, %convert_element_type3A, %cond3A : i32
    scf.if %cond3A_9 {
      %mul3A_83 = arith.constant 624 : i32
      %mul3A_84 = arith.muli %arg1, %mul3A_83 : i32
      %mul3A_85 = arith.constant 624 : i32
      %mul3A_86 = arith.muli %arg1, %mul3A_85 : i32
      %dma_start3A_87 = arith.constant 0 : i32
      %dma_start3A_88 = tpu.memref_slice %arg14[%mul3A_86, %dma_start3A_87] : memref<10000x128xf32, #tpu.memory_space<vmem_shared>> -> memref<624x128xf32, #tpu.memory_space<vmem_shared>>
      %dma_start3A_89 = arith.constant 0 : i32
      %dma_start3A_90 = tpu.memref_slice %arg5[%mul3A_84, %dma_start3A_89] : memref<10000x128xf32, #tpu.memory_space<hbm>> -> memref<624x128xf32, #tpu.memory_space<hbm>>
      tpu.enqueue_dma source(%dma_start3A_90 : memref<624x128xf32, #tpu.memory_space<hbm>>) target(%dma_start3A_88 : memref<624x128xf32, #tpu.memory_space<vmem_shared>>) target_semaphore(%arg17 : memref<!tpu.dma_semaphore, #tpu.memory_space<semaphore_mem>>)
      %dma_wait3A_91 = arith.constant 0 : i32
      %dma_wait3A_92 = tpu.memref_slice %arg14[%mul3A_86, %dma_wait3A_91] : memref<10000x128xf32, #tpu.memory_space<vmem_shared>> -> memref<624x128xf32, #tpu.memory_space<vmem_shared>>
      %dma_wait3A_93 = arith.constant 0 : i32
      %dma_wait3A_94 = tpu.memref_slice %arg5[%mul3A_84, %dma_wait3A_93] : memref<10000x128xf32, #tpu.memory_space<hbm>> -> memref<624x128xf32, #tpu.memory_space<hbm>>
      tpu.wait_dma2 semaphore(%arg17 : memref<!tpu.dma_semaphore, #tpu.memory_space<semaphore_mem>>) src(%dma_wait3A_94 : memref<624x128xf32, #tpu.memory_space<hbm>>) dst(%dma_wait3A_92 : memref<624x128xf32, #tpu.memory_space<vmem_shared>>)
    } else {
    }
    %eq3A = arith.constant 15 : i32
    %eq3A_10 = arith.cmpi eq, %arg1, %eq3A : i32
    %convert_element_type3A_11 = arith.extui %eq3A_10 : i1 to i32
    %cond3A_12 = arith.constant 0 : i32
    %cond3A_13 = arith.cmpi ne, %convert_element_type3A_11, %cond3A_12 : i32
    scf.if %cond3A_13 {
      %dma_start3A_83 = arith.constant 9360 : i32
      %dma_start3A_84 = arith.constant 0 : i32
      %dma_start3A_85 = tpu.memref_slice %arg14[%dma_start3A_83, %dma_start3A_84] : memref<10000x128xf32, #tpu.memory_space<vmem_shared>> -> memref<640x128xf32, #tpu.memory_space<vmem_shared>>
      %dma_start3A_86 = arith.constant 9360 : i32
      %dma_start3A_87 = arith.constant 0 : i32
      %dma_start3A_88 = tpu.memref_slice %arg5[%dma_start3A_86, %dma_start3A_87] : memref<10000x128xf32, #tpu.memory_space<hbm>> -> memref<640x128xf32, #tpu.memory_space<hbm>>
      tpu.enqueue_dma source(%dma_start3A_88 : memref<640x128xf32, #tpu.memory_space<hbm>>) target(%dma_start3A_85 : memref<640x128xf32, #tpu.memory_space<vmem_shared>>) target_semaphore(%arg17 : memref<!tpu.dma_semaphore, #tpu.memory_space<semaphore_mem>>)
      %dma_wait3A_89 = arith.constant 9360 : i32
      %dma_wait3A_90 = arith.constant 0 : i32
      %dma_wait3A_91 = tpu.memref_slice %arg14[%dma_wait3A_89, %dma_wait3A_90] : memref<10000x128xf32, #tpu.memory_space<vmem_shared>> -> memref<640x128xf32, #tpu.memory_space<vmem_shared>>
      %dma_wait3A_92 = arith.constant 9360 : i32
      %dma_wait3A_93 = arith.constant 0 : i32
      %dma_wait3A_94 = tpu.memref_slice %arg5[%dma_wait3A_92, %dma_wait3A_93] : memref<10000x128xf32, #tpu.memory_space<hbm>> -> memref<640x128xf32, #tpu.memory_space<hbm>>
      tpu.wait_dma2 semaphore(%arg17 : memref<!tpu.dma_semaphore, #tpu.memory_space<semaphore_mem>>) src(%dma_wait3A_94 : memref<640x128xf32, #tpu.memory_space<hbm>>) dst(%dma_wait3A_91 : memref<640x128xf32, #tpu.memory_space<vmem_shared>>)
    } else {
    }
    %dma_wait3A = tpu.memref_slice %arg3[%mul3A_2] : memref<320000xi32, #tpu.memory_space<hbm>> -> memref<10000xi32, #tpu.memory_space<hbm>>
    %dma_wait3A_14 = tpu.memref_slice %arg3[%mul3A_2] : memref<320000xi32, #tpu.memory_space<hbm>> -> memref<10000xi32, #tpu.memory_space<hbm>>
    tpu.wait_dma2 semaphore(%arg15 : memref<!tpu.dma_semaphore, #tpu.memory_space<semaphore_mem>>) src(%dma_wait3A_14 : memref<10000xi32, #tpu.memory_space<hbm>>) dst(%arg7 : memref<10000xi32, #tpu.memory_space<vmem>>)
    %dma_wait3A_15 = tpu.memref_slice %arg4[%mul3A_5] : memref<320000xi32, #tpu.memory_space<hbm>> -> memref<10000xi32, #tpu.memory_space<hbm>>
    %dma_wait3A_16 = tpu.memref_slice %arg4[%mul3A_5] : memref<320000xi32, #tpu.memory_space<hbm>> -> memref<10000xi32, #tpu.memory_space<hbm>>
    tpu.wait_dma2 semaphore(%arg16 : memref<!tpu.dma_semaphore, #tpu.memory_space<semaphore_mem>>) src(%dma_wait3A_16 : memref<10000xi32, #tpu.memory_space<hbm>>) dst(%arg8 : memref<10000xi32, #tpu.memory_space<vmem>>)
    %barrier3A = arith.constant 0 : index
    tpu.barrier barrier_id(%barrier3A)
    %dma_start3A_17 = arith.constant 0 : i32
    %dma_start3A_18 = tpu.memref_slice %arg7[%dma_start3A_17] : memref<10000xi32, #tpu.memory_space<vmem>> -> memref<40xi32, #tpu.memory_space<vmem>>
    %dma_start3A_19 = arith.constant 0 : i32
    %dma_start3A_20 = arith.constant 0 : i32
    %dma_start3A_21 = tpu.memref_slice %arg2[%dma_start3A_19, %dma_start3A_20] : memref<10000x128xf32, #tpu.memory_space<hbm>> -> memref<10000x128xf32, #tpu.memory_space<hbm>>
    tpu.enqueue_indirect_dma source(%dma_start3A_21 : memref<10000x128xf32, #tpu.memory_space<hbm>>) target(%arg9 : memref<40x128xf32, #tpu.memory_space<vmem>>) offsets(%dma_start3A_18 : memref<40xi32, #tpu.memory_space<vmem>>) semaphore(%arg15 : memref<!tpu.dma_semaphore, #tpu.memory_space<semaphore_mem>>)
    %dma_start3A_22 = arith.constant 40 : i32
    %dma_start3A_23 = tpu.memref_slice %arg7[%dma_start3A_22] : memref<10000xi32, #tpu.memory_space<vmem>> -> memref<40xi32, #tpu.memory_space<vmem>>
    %dma_start3A_24 = arith.constant 0 : i32
    %dma_start3A_25 = arith.constant 0 : i32
    %dma_start3A_26 = tpu.memref_slice %arg2[%dma_start3A_24, %dma_start3A_25] : memref<10000x128xf32, #tpu.memory_space<hbm>> -> memref<10000x128xf32, #tpu.memory_space<hbm>>
    tpu.enqueue_indirect_dma source(%dma_start3A_26 : memref<10000x128xf32, #tpu.memory_space<hbm>>) target(%arg10 : memref<40x128xf32, #tpu.memory_space<vmem>>) offsets(%dma_start3A_23 : memref<40xi32, #tpu.memory_space<vmem>>) semaphore(%arg16 : memref<!tpu.dma_semaphore, #tpu.memory_space<semaphore_mem>>)
    %dma_start3A_27 = arith.constant 80 : i32
    %dma_start3A_28 = tpu.memref_slice %arg7[%dma_start3A_27] : memref<10000xi32, #tpu.memory_space<vmem>> -> memref<40xi32, #tpu.memory_space<vmem>>
    %dma_start3A_29 = arith.constant 0 : i32
    %dma_start3A_30 = arith.constant 0 : i32
    %dma_start3A_31 = tpu.memref_slice %arg2[%dma_start3A_29, %dma_start3A_30] : memref<10000x128xf32, #tpu.memory_space<hbm>> -> memref<10000x128xf32, #tpu.memory_space<hbm>>
    tpu.enqueue_indirect_dma source(%dma_start3A_31 : memref<10000x128xf32, #tpu.memory_space<hbm>>) target(%arg11 : memref<40x128xf32, #tpu.memory_space<vmem>>) offsets(%dma_start3A_28 : memref<40xi32, #tpu.memory_space<vmem>>) semaphore(%arg17 : memref<!tpu.dma_semaphore, #tpu.memory_space<semaphore_mem>>)
    %dma_start3A_32 = arith.constant 120 : i32
    %dma_start3A_33 = tpu.memref_slice %arg7[%dma_start3A_32] : memref<10000xi32, #tpu.memory_space<vmem>> -> memref<40xi32, #tpu.memory_space<vmem>>
    %dma_start3A_34 = arith.constant 0 : i32
    %dma_start3A_35 = arith.constant 0 : i32
    %dma_start3A_36 = tpu.memref_slice %arg2[%dma_start3A_34, %dma_start3A_35] : memref<10000x128xf32, #tpu.memory_space<hbm>> -> memref<10000x128xf32, #tpu.memory_space<hbm>>
    tpu.enqueue_indirect_dma source(%dma_start3A_36 : memref<10000x128xf32, #tpu.memory_space<hbm>>) target(%arg12 : memref<40x128xf32, #tpu.memory_space<vmem>>) offsets(%dma_start3A_33 : memref<40xi32, #tpu.memory_space<vmem>>) semaphore(%arg18 : memref<!tpu.dma_semaphore, #tpu.memory_space<semaphore_mem>>)
    %dma_start3A_37 = arith.constant 160 : i32
    %dma_start3A_38 = tpu.memref_slice %arg7[%dma_start3A_37] : memref<10000xi32, #tpu.memory_space<vmem>> -> memref<40xi32, #tpu.memory_space<vmem>>
    %dma_start3A_39 = arith.constant 0 : i32
    %dma_start3A_40 = arith.constant 0 : i32
    %dma_start3A_41 = tpu.memref_slice %arg2[%dma_start3A_39, %dma_start3A_40] : memref<10000x128xf32, #tpu.memory_space<hbm>> -> memref<10000x128xf32, #tpu.memory_space<hbm>>
    tpu.enqueue_indirect_dma source(%dma_start3A_41 : memref<10000x128xf32, #tpu.memory_space<hbm>>) target(%arg13 : memref<40x128xf32, #tpu.memory_space<vmem>>) offsets(%dma_start3A_38 : memref<40xi32, #tpu.memory_space<vmem>>) semaphore(%arg19 : memref<!tpu.dma_semaphore, #tpu.memory_space<semaphore_mem>>)
    %scan3A = arith.constant 0 : i32
    %scan3A_42 = arith.constant 0 : i32
    %scan3A_43 = arith.constant 50 : i32
    %scan3A_44 = arith.addi %scan3A_42, %scan3A_43 : i32
    %scan3A_45 = arith.constant 1 : i32
    scf.for %scan3A_83 = %scan3A_42 to %scan3A_44 step %scan3A_45  : i32 {
      %mul3A_84 = arith.constant 5 : i32
      %mul3A_85 = arith.muli %scan3A_83, %mul3A_84 : i32
      %add3A_86 = arith.constant 0 : i32
      %add3A_87 = arith.addi %mul3A_85, %add3A_86 : i32
      %mul3A_88 = arith.constant 40 : i32
      %mul3A_89 = arith.muli %add3A_87, %mul3A_88 : i32
      %dma_wait3A_90 = tpu.memref_slice %arg7[%mul3A_89] : memref<10000xi32, #tpu.memory_space<vmem>> -> memref<40xi32, #tpu.memory_space<vmem>>
      %dma_wait3A_91 = arith.constant 0 : i32
      %dma_wait3A_92 = arith.constant 0 : i32
      %dma_wait3A_93 = tpu.memref_slice %arg2[%dma_wait3A_91, %dma_wait3A_92] : memref<10000x128xf32, #tpu.memory_space<hbm>> -> memref<10000x128xf32, #tpu.memory_space<hbm>>
      tpu.wait_indirect_dma semaphore(%arg15 : memref<!tpu.dma_semaphore, #tpu.memory_space<semaphore_mem>>) src(%dma_wait3A_93 : memref<10000x128xf32, #tpu.memory_space<hbm>>) dst(%arg9 : memref<40x128xf32, #tpu.memory_space<vmem>>)
      %mul3A_94 = arith.constant 40 : i32
      %mul3A_95 = arith.muli %add3A_87, %mul3A_94 : i32
      %dma_start3A_96 = tpu.memref_slice %arg8[%mul3A_95] : memref<10000xi32, #tpu.memory_space<vmem>> -> memref<40xi32, #tpu.memory_space<vmem>>
      %dma_start3A_97 = arith.constant 0 : i32
      %dma_start3A_98 = arith.constant 0 : i32
      %dma_start3A_99 = tpu.memref_slice %arg14[%dma_start3A_97, %dma_start3A_98] : memref<10000x128xf32, #tpu.memory_space<vmem_shared>> -> memref<10000x128xf32, #tpu.memory_space<vmem_shared>>
      tpu.enqueue_indirect_dma source(%arg9 : memref<40x128xf32, #tpu.memory_space<vmem>>) target(%dma_start3A_99 : memref<10000x128xf32, #tpu.memory_space<vmem_shared>>) offsets(%dma_start3A_96 : memref<40xi32, #tpu.memory_space<vmem>>) semaphore(%arg20 : memref<!tpu.dma_semaphore, #tpu.memory_space<semaphore_mem>>) {add = true}
      %mul3A_100 = arith.constant 5 : i32
      %mul3A_101 = arith.muli %scan3A_83, %mul3A_100 : i32
      %add3A_102 = arith.constant 1 : i32
      %add3A_103 = arith.addi %mul3A_101, %add3A_102 : i32
      %mul3A_104 = arith.constant 40 : i32
      %mul3A_105 = arith.muli %add3A_103, %mul3A_104 : i32
      %dma_wait3A_106 = tpu.memref_slice %arg7[%mul3A_105] : memref<10000xi32, #tpu.memory_space<vmem>> -> memref<40xi32, #tpu.memory_space<vmem>>
      %dma_wait3A_107 = arith.constant 0 : i32
      %dma_wait3A_108 = arith.constant 0 : i32
      %dma_wait3A_109 = tpu.memref_slice %arg2[%dma_wait3A_107, %dma_wait3A_108] : memref<10000x128xf32, #tpu.memory_space<hbm>> -> memref<10000x128xf32, #tpu.memory_space<hbm>>
      tpu.wait_indirect_dma semaphore(%arg16 : memref<!tpu.dma_semaphore, #tpu.memory_space<semaphore_mem>>) src(%dma_wait3A_109 : memref<10000x128xf32, #tpu.memory_space<hbm>>) dst(%arg10 : memref<40x128xf32, #tpu.memory_space<vmem>>)
      %mul3A_110 = arith.constant 40 : i32
      %mul3A_111 = arith.muli %add3A_103, %mul3A_110 : i32
      %dma_start3A_112 = tpu.memref_slice %arg8[%mul3A_111] : memref<10000xi32, #tpu.memory_space<vmem>> -> memref<40xi32, #tpu.memory_space<vmem>>
      %dma_start3A_113 = arith.constant 0 : i32
      %dma_start3A_114 = arith.constant 0 : i32
      %dma_start3A_115 = tpu.memref_slice %arg14[%dma_start3A_113, %dma_start3A_114] : memref<10000x128xf32, #tpu.memory_space<vmem_shared>> -> memref<10000x128xf32, #tpu.memory_space<vmem_shared>>
      tpu.enqueue_indirect_dma source(%arg10 : memref<40x128xf32, #tpu.memory_space<vmem>>) target(%dma_start3A_115 : memref<10000x128xf32, #tpu.memory_space<vmem_shared>>) offsets(%dma_start3A_112 : memref<40xi32, #tpu.memory_space<vmem>>) semaphore(%arg21 : memref<!tpu.dma_semaphore, #tpu.memory_space<semaphore_mem>>) {add = true}
      %mul3A_116 = arith.constant 5 : i32
      %mul3A_117 = arith.muli %scan3A_83, %mul3A_116 : i32
      %add3A_118 = arith.constant 2 : i32
      %add3A_119 = arith.addi %mul3A_117, %add3A_118 : i32
      %mul3A_120 = arith.constant 40 : i32
      %mul3A_121 = arith.muli %add3A_119, %mul3A_120 : i32
      %dma_wait3A_122 = tpu.memref_slice %arg7[%mul3A_121] : memref<10000xi32, #tpu.memory_space<vmem>> -> memref<40xi32, #tpu.memory_space<vmem>>
      %dma_wait3A_123 = arith.constant 0 : i32
      %dma_wait3A_124 = arith.constant 0 : i32
      %dma_wait3A_125 = tpu.memref_slice %arg2[%dma_wait3A_123, %dma_wait3A_124] : memref<10000x128xf32, #tpu.memory_space<hbm>> -> memref<10000x128xf32, #tpu.memory_space<hbm>>
      tpu.wait_indirect_dma semaphore(%arg17 : memref<!tpu.dma_semaphore, #tpu.memory_space<semaphore_mem>>) src(%dma_wait3A_125 : memref<10000x128xf32, #tpu.memory_space<hbm>>) dst(%arg11 : memref<40x128xf32, #tpu.memory_space<vmem>>)
      %mul3A_126 = arith.constant 40 : i32
      %mul3A_127 = arith.muli %add3A_119, %mul3A_126 : i32
      %dma_start3A_128 = tpu.memref_slice %arg8[%mul3A_127] : memref<10000xi32, #tpu.memory_space<vmem>> -> memref<40xi32, #tpu.memory_space<vmem>>
      %dma_start3A_129 = arith.constant 0 : i32
      %dma_start3A_130 = arith.constant 0 : i32
      %dma_start3A_131 = tpu.memref_slice %arg14[%dma_start3A_129, %dma_start3A_130] : memref<10000x128xf32, #tpu.memory_space<vmem_shared>> -> memref<10000x128xf32, #tpu.memory_space<vmem_shared>>
      tpu.enqueue_indirect_dma source(%arg11 : memref<40x128xf32, #tpu.memory_space<vmem>>) target(%dma_start3A_131 : memref<10000x128xf32, #tpu.memory_space<vmem_shared>>) offsets(%dma_start3A_128 : memref<40xi32, #tpu.memory_space<vmem>>) semaphore(%arg22 : memref<!tpu.dma_semaphore, #tpu.memory_space<semaphore_mem>>) {add = true}
      %mul3A_132 = arith.constant 5 : i32
      %mul3A_133 = arith.muli %scan3A_83, %mul3A_132 : i32
      %add3A_134 = arith.constant 3 : i32
      %add3A_135 = arith.addi %mul3A_133, %add3A_134 : i32
      %mul3A_136 = arith.constant 40 : i32
      %mul3A_137 = arith.muli %add3A_135, %mul3A_136 : i32
      %dma_wait3A_138 = tpu.memref_slice %arg7[%mul3A_137] : memref<10000xi32, #tpu.memory_space<vmem>> -> memref<40xi32, #tpu.memory_space<vmem>>
      %dma_wait3A_139 = arith.constant 0 : i32
      %dma_wait3A_140 = arith.constant 0 : i32
      %dma_wait3A_141 = tpu.memref_slice %arg2[%dma_wait3A_139, %dma_wait3A_140] : memref<10000x128xf32, #tpu.memory_space<hbm>> -> memref<10000x128xf32, #tpu.memory_space<hbm>>
      tpu.wait_indirect_dma semaphore(%arg18 : memref<!tpu.dma_semaphore, #tpu.memory_space<semaphore_mem>>) src(%dma_wait3A_141 : memref<10000x128xf32, #tpu.memory_space<hbm>>) dst(%arg12 : memref<40x128xf32, #tpu.memory_space<vmem>>)
      %mul3A_142 = arith.constant 40 : i32
      %mul3A_143 = arith.muli %add3A_135, %mul3A_142 : i32
      %dma_start3A_144 = tpu.memref_slice %arg8[%mul3A_143] : memref<10000xi32, #tpu.memory_space<vmem>> -> memref<40xi32, #tpu.memory_space<vmem>>
      %dma_start3A_145 = arith.constant 0 : i32
      %dma_start3A_146 = arith.constant 0 : i32
      %dma_start3A_147 = tpu.memref_slice %arg14[%dma_start3A_145, %dma_start3A_146] : memref<10000x128xf32, #tpu.memory_space<vmem_shared>> -> memref<10000x128xf32, #tpu.memory_space<vmem_shared>>
      tpu.enqueue_indirect_dma source(%arg12 : memref<40x128xf32, #tpu.memory_space<vmem>>) target(%dma_start3A_147 : memref<10000x128xf32, #tpu.memory_space<vmem_shared>>) offsets(%dma_start3A_144 : memref<40xi32, #tpu.memory_space<vmem>>) semaphore(%arg23 : memref<!tpu.dma_semaphore, #tpu.memory_space<semaphore_mem>>) {add = true}
      %mul3A_148 = arith.constant 5 : i32
      %mul3A_149 = arith.muli %scan3A_83, %mul3A_148 : i32
      %add3A_150 = arith.constant 4 : i32
      %add3A_151 = arith.addi %mul3A_149, %add3A_150 : i32
      %mul3A_152 = arith.constant 40 : i32
      %mul3A_153 = arith.muli %add3A_151, %mul3A_152 : i32
      %dma_wait3A_154 = tpu.memref_slice %arg7[%mul3A_153] : memref<10000xi32, #tpu.memory_space<vmem>> -> memref<40xi32, #tpu.memory_space<vmem>>
      %dma_wait3A_155 = arith.constant 0 : i32
      %dma_wait3A_156 = arith.constant 0 : i32
      %dma_wait3A_157 = tpu.memref_slice %arg2[%dma_wait3A_155, %dma_wait3A_156] : memref<10000x128xf32, #tpu.memory_space<hbm>> -> memref<10000x128xf32, #tpu.memory_space<hbm>>
      tpu.wait_indirect_dma semaphore(%arg19 : memref<!tpu.dma_semaphore, #tpu.memory_space<semaphore_mem>>) src(%dma_wait3A_157 : memref<10000x128xf32, #tpu.memory_space<hbm>>) dst(%arg13 : memref<40x128xf32, #tpu.memory_space<vmem>>)
      %mul3A_158 = arith.constant 40 : i32
      %mul3A_159 = arith.muli %add3A_151, %mul3A_158 : i32
      %dma_start3A_160 = tpu.memref_slice %arg8[%mul3A_159] : memref<10000xi32, #tpu.memory_space<vmem>> -> memref<40xi32, #tpu.memory_space<vmem>>
      %dma_start3A_161 = arith.constant 0 : i32
      %dma_start3A_162 = arith.constant 0 : i32
      %dma_start3A_163 = tpu.memref_slice %arg14[%dma_start3A_161, %dma_start3A_162] : memref<10000x128xf32, #tpu.memory_space<vmem_shared>> -> memref<10000x128xf32, #tpu.memory_space<vmem_shared>>
      tpu.enqueue_indirect_dma source(%arg13 : memref<40x128xf32, #tpu.memory_space<vmem>>) target(%dma_start3A_163 : memref<10000x128xf32, #tpu.memory_space<vmem_shared>>) offsets(%dma_start3A_160 : memref<40xi32, #tpu.memory_space<vmem>>) semaphore(%arg24 : memref<!tpu.dma_semaphore, #tpu.memory_space<semaphore_mem>>) {add = true}
      %lt3A_164 = arith.constant 49 : i32
      %lt3A_165 = arith.cmpi slt, %scan3A_83, %lt3A_164 : i32
      %convert_element_type3A_166 = arith.extui %lt3A_165 : i1 to i32
      %cond3A_167 = arith.constant 0 : i32
      %cond3A_168 = arith.cmpi ne, %convert_element_type3A_166, %cond3A_167 : i32
      scf.if %cond3A_168 {
        %mul3A_169 = arith.constant 5 : i32
        %mul3A_170 = arith.muli %scan3A_83, %mul3A_169 : i32
        %add3A_171 = arith.constant 0 : i32
        %add3A_172 = arith.addi %mul3A_170, %add3A_171 : i32
        %mul3A_173 = arith.constant 40 : i32
        %mul3A_174 = arith.muli %add3A_172, %mul3A_173 : i32
        %dma_wait3A_175 = tpu.memref_slice %arg8[%mul3A_174] : memref<10000xi32, #tpu.memory_space<vmem>> -> memref<40xi32, #tpu.memory_space<vmem>>
        %dma_wait3A_176 = arith.constant 0 : i32
        %dma_wait3A_177 = arith.constant 0 : i32
        %dma_wait3A_178 = tpu.memref_slice %arg14[%dma_wait3A_176, %dma_wait3A_177] : memref<10000x128xf32, #tpu.memory_space<vmem_shared>> -> memref<10000x128xf32, #tpu.memory_space<vmem_shared>>
        tpu.wait_indirect_dma semaphore(%arg20 : memref<!tpu.dma_semaphore, #tpu.memory_space<semaphore_mem>>) src(%arg9 : memref<40x128xf32, #tpu.memory_space<vmem>>) dst(%dma_wait3A_178 : memref<10000x128xf32, #tpu.memory_space<vmem_shared>>)
        %add3A_179 = arith.constant 5 : i32
        %add3A_180 = arith.addi %add3A_172, %add3A_179 : i32
        %mul3A_181 = arith.constant 40 : i32
        %mul3A_182 = arith.muli %add3A_180, %mul3A_181 : i32
        %dma_start3A_183 = tpu.memref_slice %arg7[%mul3A_182] : memref<10000xi32, #tpu.memory_space<vmem>> -> memref<40xi32, #tpu.memory_space<vmem>>
        %dma_start3A_184 = arith.constant 0 : i32
        %dma_start3A_185 = arith.constant 0 : i32
        %dma_start3A_186 = tpu.memref_slice %arg2[%dma_start3A_184, %dma_start3A_185] : memref<10000x128xf32, #tpu.memory_space<hbm>> -> memref<10000x128xf32, #tpu.memory_space<hbm>>
        tpu.enqueue_indirect_dma source(%dma_start3A_186 : memref<10000x128xf32, #tpu.memory_space<hbm>>) target(%arg9 : memref<40x128xf32, #tpu.memory_space<vmem>>) offsets(%dma_start3A_183 : memref<40xi32, #tpu.memory_space<vmem>>) semaphore(%arg15 : memref<!tpu.dma_semaphore, #tpu.memory_space<semaphore_mem>>)
        %mul3A_187 = arith.constant 5 : i32
        %mul3A_188 = arith.muli %scan3A_83, %mul3A_187 : i32
        %add3A_189 = arith.constant 1 : i32
        %add3A_190 = arith.addi %mul3A_188, %add3A_189 : i32
        %mul3A_191 = arith.constant 40 : i32
        %mul3A_192 = arith.muli %add3A_190, %mul3A_191 : i32
        %dma_wait3A_193 = tpu.memref_slice %arg8[%mul3A_192] : memref<10000xi32, #tpu.memory_space<vmem>> -> memref<40xi32, #tpu.memory_space<vmem>>
        %dma_wait3A_194 = arith.constant 0 : i32
        %dma_wait3A_195 = arith.constant 0 : i32
        %dma_wait3A_196 = tpu.memref_slice %arg14[%dma_wait3A_194, %dma_wait3A_195] : memref<10000x128xf32, #tpu.memory_space<vmem_shared>> -> memref<10000x128xf32, #tpu.memory_space<vmem_shared>>
        tpu.wait_indirect_dma semaphore(%arg21 : memref<!tpu.dma_semaphore, #tpu.memory_space<semaphore_mem>>) src(%arg10 : memref<40x128xf32, #tpu.memory_space<vmem>>) dst(%dma_wait3A_196 : memref<10000x128xf32, #tpu.memory_space<vmem_shared>>)
        %add3A_197 = arith.constant 5 : i32
        %add3A_198 = arith.addi %add3A_190, %add3A_197 : i32
        %mul3A_199 = arith.constant 40 : i32
        %mul3A_200 = arith.muli %add3A_198, %mul3A_199 : i32
        %dma_start3A_201 = tpu.memref_slice %arg7[%mul3A_200] : memref<10000xi32, #tpu.memory_space<vmem>> -> memref<40xi32, #tpu.memory_space<vmem>>
        %dma_start3A_202 = arith.constant 0 : i32
        %dma_start3A_203 = arith.constant 0 : i32
        %dma_start3A_204 = tpu.memref_slice %arg2[%dma_start3A_202, %dma_start3A_203] : memref<10000x128xf32, #tpu.memory_space<hbm>> -> memref<10000x128xf32, #tpu.memory_space<hbm>>
        tpu.enqueue_indirect_dma source(%dma_start3A_204 : memref<10000x128xf32, #tpu.memory_space<hbm>>) target(%arg10 : memref<40x128xf32, #tpu.memory_space<vmem>>) offsets(%dma_start3A_201 : memref<40xi32, #tpu.memory_space<vmem>>) semaphore(%arg16 : memref<!tpu.dma_semaphore, #tpu.memory_space<semaphore_mem>>)
        %mul3A_205 = arith.constant 5 : i32
        %mul3A_206 = arith.muli %scan3A_83, %mul3A_205 : i32
        %add3A_207 = arith.constant 2 : i32
        %add3A_208 = arith.addi %mul3A_206, %add3A_207 : i32
        %mul3A_209 = arith.constant 40 : i32
        %mul3A_210 = arith.muli %add3A_208, %mul3A_209 : i32
        %dma_wait3A_211 = tpu.memref_slice %arg8[%mul3A_210] : memref<10000xi32, #tpu.memory_space<vmem>> -> memref<40xi32, #tpu.memory_space<vmem>>
        %dma_wait3A_212 = arith.constant 0 : i32
        %dma_wait3A_213 = arith.constant 0 : i32
        %dma_wait3A_214 = tpu.memref_slice %arg14[%dma_wait3A_212, %dma_wait3A_213] : memref<10000x128xf32, #tpu.memory_space<vmem_shared>> -> memref<10000x128xf32, #tpu.memory_space<vmem_shared>>
        tpu.wait_indirect_dma semaphore(%arg22 : memref<!tpu.dma_semaphore, #tpu.memory_space<semaphore_mem>>) src(%arg11 : memref<40x128xf32, #tpu.memory_space<vmem>>) dst(%dma_wait3A_214 : memref<10000x128xf32, #tpu.memory_space<vmem_shared>>)
        %add3A_215 = arith.constant 5 : i32
        %add3A_216 = arith.addi %add3A_208, %add3A_215 : i32
        %mul3A_217 = arith.constant 40 : i32
        %mul3A_218 = arith.muli %add3A_216, %mul3A_217 : i32
        %dma_start3A_219 = tpu.memref_slice %arg7[%mul3A_218] : memref<10000xi32, #tpu.memory_space<vmem>> -> memref<40xi32, #tpu.memory_space<vmem>>
        %dma_start3A_220 = arith.constant 0 : i32
        %dma_start3A_221 = arith.constant 0 : i32
        %dma_start3A_222 = tpu.memref_slice %arg2[%dma_start3A_220, %dma_start3A_221] : memref<10000x128xf32, #tpu.memory_space<hbm>> -> memref<10000x128xf32, #tpu.memory_space<hbm>>
        tpu.enqueue_indirect_dma source(%dma_start3A_222 : memref<10000x128xf32, #tpu.memory_space<hbm>>) target(%arg11 : memref<40x128xf32, #tpu.memory_space<vmem>>) offsets(%dma_start3A_219 : memref<40xi32, #tpu.memory_space<vmem>>) semaphore(%arg17 : memref<!tpu.dma_semaphore, #tpu.memory_space<semaphore_mem>>)
        %mul3A_223 = arith.constant 5 : i32
        %mul3A_224 = arith.muli %scan3A_83, %mul3A_223 : i32
        %add3A_225 = arith.constant 3 : i32
        %add3A_226 = arith.addi %mul3A_224, %add3A_225 : i32
        %mul3A_227 = arith.constant 40 : i32
        %mul3A_228 = arith.muli %add3A_226, %mul3A_227 : i32
        %dma_wait3A_229 = tpu.memref_slice %arg8[%mul3A_228] : memref<10000xi32, #tpu.memory_space<vmem>> -> memref<40xi32, #tpu.memory_space<vmem>>
        %dma_wait3A_230 = arith.constant 0 : i32
        %dma_wait3A_231 = arith.constant 0 : i32
        %dma_wait3A_232 = tpu.memref_slice %arg14[%dma_wait3A_230, %dma_wait3A_231] : memref<10000x128xf32, #tpu.memory_space<vmem_shared>> -> memref<10000x128xf32, #tpu.memory_space<vmem_shared>>
        tpu.wait_indirect_dma semaphore(%arg23 : memref<!tpu.dma_semaphore, #tpu.memory_space<semaphore_mem>>) src(%arg12 : memref<40x128xf32, #tpu.memory_space<vmem>>) dst(%dma_wait3A_232 : memref<10000x128xf32, #tpu.memory_space<vmem_shared>>)
        %add3A_233 = arith.constant 5 : i32
        %add3A_234 = arith.addi %add3A_226, %add3A_233 : i32
        %mul3A_235 = arith.constant 40 : i32
        %mul3A_236 = arith.muli %add3A_234, %mul3A_235 : i32
        %dma_start3A_237 = tpu.memref_slice %arg7[%mul3A_236] : memref<10000xi32, #tpu.memory_space<vmem>> -> memref<40xi32, #tpu.memory_space<vmem>>
        %dma_start3A_238 = arith.constant 0 : i32
        %dma_start3A_239 = arith.constant 0 : i32
        %dma_start3A_240 = tpu.memref_slice %arg2[%dma_start3A_238, %dma_start3A_239] : memref<10000x128xf32, #tpu.memory_space<hbm>> -> memref<10000x128xf32, #tpu.memory_space<hbm>>
        tpu.enqueue_indirect_dma source(%dma_start3A_240 : memref<10000x128xf32, #tpu.memory_space<hbm>>) target(%arg12 : memref<40x128xf32, #tpu.memory_space<vmem>>) offsets(%dma_start3A_237 : memref<40xi32, #tpu.memory_space<vmem>>) semaphore(%arg18 : memref<!tpu.dma_semaphore, #tpu.memory_space<semaphore_mem>>)
        %mul3A_241 = arith.constant 5 : i32
        %mul3A_242 = arith.muli %scan3A_83, %mul3A_241 : i32
        %add3A_243 = arith.constant 4 : i32
        %add3A_244 = arith.addi %mul3A_242, %add3A_243 : i32
        %mul3A_245 = arith.constant 40 : i32
        %mul3A_246 = arith.muli %add3A_244, %mul3A_245 : i32
        %dma_wait3A_247 = tpu.memref_slice %arg8[%mul3A_246] : memref<10000xi32, #tpu.memory_space<vmem>> -> memref<40xi32, #tpu.memory_space<vmem>>
        %dma_wait3A_248 = arith.constant 0 : i32
        %dma_wait3A_249 = arith.constant 0 : i32
        %dma_wait3A_250 = tpu.memref_slice %arg14[%dma_wait3A_248, %dma_wait3A_249] : memref<10000x128xf32, #tpu.memory_space<vmem_shared>> -> memref<10000x128xf32, #tpu.memory_space<vmem_shared>>
        tpu.wait_indirect_dma semaphore(%arg24 : memref<!tpu.dma_semaphore, #tpu.memory_space<semaphore_mem>>) src(%arg13 : memref<40x128xf32, #tpu.memory_space<vmem>>) dst(%dma_wait3A_250 : memref<10000x128xf32, #tpu.memory_space<vmem_shared>>)
        %add3A_251 = arith.constant 5 : i32
        %add3A_252 = arith.addi %add3A_244, %add3A_251 : i32
        %mul3A_253 = arith.constant 40 : i32
        %mul3A_254 = arith.muli %add3A_252, %mul3A_253 : i32
        %dma_start3A_255 = tpu.memref_slice %arg7[%mul3A_254] : memref<10000xi32, #tpu.memory_space<vmem>> -> memref<40xi32, #tpu.memory_space<vmem>>
        %dma_start3A_256 = arith.constant 0 : i32
        %dma_start3A_257 = arith.constant 0 : i32
        %dma_start3A_258 = tpu.memref_slice %arg2[%dma_start3A_256, %dma_start3A_257] : memref<10000x128xf32, #tpu.memory_space<hbm>> -> memref<10000x128xf32, #tpu.memory_space<hbm>>
        tpu.enqueue_indirect_dma source(%dma_start3A_258 : memref<10000x128xf32, #tpu.memory_space<hbm>>) target(%arg13 : memref<40x128xf32, #tpu.memory_space<vmem>>) offsets(%dma_start3A_255 : memref<40xi32, #tpu.memory_space<vmem>>) semaphore(%arg19 : memref<!tpu.dma_semaphore, #tpu.memory_space<semaphore_mem>>)
      } else {
      }
    }
    %scan3A_46 = arith.constant 50 : i32
    %dma_wait3A_47 = arith.constant 0 : i32
    %dma_wait3A_48 = tpu.memref_slice %arg8[%dma_wait3A_47] : memref<10000xi32, #tpu.memory_space<vmem>> -> memref<40xi32, #tpu.memory_space<vmem>>
    %dma_wait3A_49 = arith.constant 0 : i32
    %dma_wait3A_50 = arith.constant 0 : i32
    %dma_wait3A_51 = tpu.memref_slice %arg14[%dma_wait3A_49, %dma_wait3A_50] : memref<10000x128xf32, #tpu.memory_space<vmem_shared>> -> memref<10000x128xf32, #tpu.memory_space<vmem_shared>>
    tpu.wait_indirect_dma semaphore(%arg20 : memref<!tpu.dma_semaphore, #tpu.memory_space<semaphore_mem>>) src(%arg9 : memref<40x128xf32, #tpu.memory_space<vmem>>) dst(%dma_wait3A_51 : memref<10000x128xf32, #tpu.memory_space<vmem_shared>>)
    %dma_wait3A_52 = arith.constant 0 : i32
    %dma_wait3A_53 = tpu.memref_slice %arg8[%dma_wait3A_52] : memref<10000xi32, #tpu.memory_space<vmem>> -> memref<40xi32, #tpu.memory_space<vmem>>
    %dma_wait3A_54 = arith.constant 0 : i32
    %dma_wait3A_55 = arith.constant 0 : i32
    %dma_wait3A_56 = tpu.memref_slice %arg14[%dma_wait3A_54, %dma_wait3A_55] : memref<10000x128xf32, #tpu.memory_space<vmem_shared>> -> memref<10000x128xf32, #tpu.memory_space<vmem_shared>>
    tpu.wait_indirect_dma semaphore(%arg21 : memref<!tpu.dma_semaphore, #tpu.memory_space<semaphore_mem>>) src(%arg10 : memref<40x128xf32, #tpu.memory_space<vmem>>) dst(%dma_wait3A_56 : memref<10000x128xf32, #tpu.memory_space<vmem_shared>>)
    %dma_wait3A_57 = arith.constant 0 : i32
    %dma_wait3A_58 = tpu.memref_slice %arg8[%dma_wait3A_57] : memref<10000xi32, #tpu.memory_space<vmem>> -> memref<40xi32, #tpu.memory_space<vmem>>
    %dma_wait3A_59 = arith.constant 0 : i32
    %dma_wait3A_60 = arith.constant 0 : i32
    %dma_wait3A_61 = tpu.memref_slice %arg14[%dma_wait3A_59, %dma_wait3A_60] : memref<10000x128xf32, #tpu.memory_space<vmem_shared>> -> memref<10000x128xf32, #tpu.memory_space<vmem_shared>>
    tpu.wait_indirect_dma semaphore(%arg22 : memref<!tpu.dma_semaphore, #tpu.memory_space<semaphore_mem>>) src(%arg11 : memref<40x128xf32, #tpu.memory_space<vmem>>) dst(%dma_wait3A_61 : memref<10000x128xf32, #tpu.memory_space<vmem_shared>>)
    %dma_wait3A_62 = arith.constant 0 : i32
    %dma_wait3A_63 = tpu.memref_slice %arg8[%dma_wait3A_62] : memref<10000xi32, #tpu.memory_space<vmem>> -> memref<40xi32, #tpu.memory_space<vmem>>
    %dma_wait3A_64 = arith.constant 0 : i32
    %dma_wait3A_65 = arith.constant 0 : i32
    %dma_wait3A_66 = tpu.memref_slice %arg14[%dma_wait3A_64, %dma_wait3A_65] : memref<10000x128xf32, #tpu.memory_space<vmem_shared>> -> memref<10000x128xf32, #tpu.memory_space<vmem_shared>>
    tpu.wait_indirect_dma semaphore(%arg23 : memref<!tpu.dma_semaphore, #tpu.memory_space<semaphore_mem>>) src(%arg12 : memref<40x128xf32, #tpu.memory_space<vmem>>) dst(%dma_wait3A_66 : memref<10000x128xf32, #tpu.memory_space<vmem_shared>>)
    %dma_wait3A_67 = arith.constant 0 : i32
    %dma_wait3A_68 = tpu.memref_slice %arg8[%dma_wait3A_67] : memref<10000xi32, #tpu.memory_space<vmem>> -> memref<40xi32, #tpu.memory_space<vmem>>
    %dma_wait3A_69 = arith.constant 0 : i32
    %dma_wait3A_70 = arith.constant 0 : i32
    %dma_wait3A_71 = tpu.memref_slice %arg14[%dma_wait3A_69, %dma_wait3A_70] : memref<10000x128xf32, #tpu.memory_space<vmem_shared>> -> memref<10000x128xf32, #tpu.memory_space<vmem_shared>>
    tpu.wait_indirect_dma semaphore(%arg24 : memref<!tpu.dma_semaphore, #tpu.memory_space<semaphore_mem>>) src(%arg13 : memref<40x128xf32, #tpu.memory_space<vmem>>) dst(%dma_wait3A_71 : memref<10000x128xf32, #tpu.memory_space<vmem_shared>>)
    %barrier3A_72 = arith.constant 0 : index
    tpu.barrier barrier_id(%barrier3A_72)
    %lt3A_73 = arith.constant 15 : i32
    %lt3A_74 = arith.cmpi slt, %arg1, %lt3A_73 : i32
    %convert_element_type3A_75 = arith.extui %lt3A_74 : i1 to i32
    %cond3A_76 = arith.constant 0 : i32
    %cond3A_77 = arith.cmpi ne, %convert_element_type3A_75, %cond3A_76 : i32
    scf.if %cond3A_77 {
      %mul3A_83 = arith.constant 624 : i32
      %mul3A_84 = arith.muli %arg1, %mul3A_83 : i32
      %mul3A_85 = arith.constant 624 : i32
      %mul3A_86 = arith.muli %arg1, %mul3A_85 : i32
      "tpu.region"() ({
        %run_scoped3A = tpu.sem_alloc : memref<!tpu.dma_semaphore, #tpu.memory_space<semaphore_mem>>
        %dma_start3A_87 = arith.constant 0 : i32
        %dma_start3A_88 = tpu.memref_slice %arg6[%arg0, %mul3A_86, %dma_start3A_87] : memref<2x10000x128xf32, #tpu.memory_space<hbm>> -> memref<1x624x128xf32, #tpu.memory_space<hbm>>
        %dma_start3A_89 = tpu.memref_squeeze %dma_start3A_88 : memref<1x624x128xf32, #tpu.memory_space<hbm>> -> memref<624x128xf32, #tpu.memory_space<hbm>>
        %dma_start3A_90 = arith.constant 0 : i32
        %dma_start3A_91 = tpu.memref_slice %arg14[%mul3A_84, %dma_start3A_90] : memref<10000x128xf32, #tpu.memory_space<vmem_shared>> -> memref<624x128xf32, #tpu.memory_space<vmem_shared>>
        tpu.enqueue_dma source(%dma_start3A_91 : memref<624x128xf32, #tpu.memory_space<vmem_shared>>) target(%dma_start3A_89 : memref<624x128xf32, #tpu.memory_space<hbm>>) target_semaphore(%run_scoped3A : memref<!tpu.dma_semaphore, #tpu.memory_space<semaphore_mem>>)
        %dma_wait3A_92 = arith.constant 0 : i32
        %dma_wait3A_93 = tpu.memref_slice %arg6[%arg0, %mul3A_86, %dma_wait3A_92] : memref<2x10000x128xf32, #tpu.memory_space<hbm>> -> memref<1x624x128xf32, #tpu.memory_space<hbm>>
        %dma_wait3A_94 = tpu.memref_squeeze %dma_wait3A_93 : memref<1x624x128xf32, #tpu.memory_space<hbm>> -> memref<624x128xf32, #tpu.memory_space<hbm>>
        %dma_wait3A_95 = arith.constant 0 : i32
        %dma_wait3A_96 = tpu.memref_slice %arg14[%mul3A_84, %dma_wait3A_95] : memref<10000x128xf32, #tpu.memory_space<vmem_shared>> -> memref<624x128xf32, #tpu.memory_space<vmem_shared>>
        tpu.wait_dma2 semaphore(%run_scoped3A : memref<!tpu.dma_semaphore, #tpu.memory_space<semaphore_mem>>) src(%dma_wait3A_96 : memref<624x128xf32, #tpu.memory_space<vmem_shared>>) dst(%dma_wait3A_94 : memref<624x128xf32, #tpu.memory_space<hbm>>)
        tpu.yield
      }) : () -> ()
    } else {
    }
    %eq3A_78 = arith.constant 15 : i32
    %eq3A_79 = arith.cmpi eq, %arg1, %eq3A_78 : i32
    %convert_element_type3A_80 = arith.extui %eq3A_79 : i1 to i32
    %cond3A_81 = arith.constant 0 : i32
    %cond3A_82 = arith.cmpi ne, %convert_element_type3A_80, %cond3A_81 : i32
    scf.if %cond3A_82 {
      "tpu.region"() ({
        %run_scoped3A = tpu.sem_alloc : memref<!tpu.dma_semaphore, #tpu.memory_space<semaphore_mem>>
        %dma_start3A_83 = arith.constant 9360 : i32
        %dma_start3A_84 = arith.constant 0 : i32
        %dma_start3A_85 = tpu.memref_slice %arg6[%arg0, %dma_start3A_83, %dma_start3A_84] : memref<2x10000x128xf32, #tpu.memory_space<hbm>> -> memref<1x640x128xf32, #tpu.memory_space<hbm>>
        %dma_start3A_86 = tpu.memref_squeeze %dma_start3A_85 : memref<1x640x128xf32, #tpu.memory_space<hbm>> -> memref<640x128xf32, #tpu.memory_space<hbm>>
        %dma_start3A_87 = arith.constant 9360 : i32
        %dma_start3A_88 = arith.constant 0 : i32
        %dma_start3A_89 = tpu.memref_slice %arg14[%dma_start3A_87, %dma_start3A_88] : memref<10000x128xf32, #tpu.memory_space<vmem_shared>> -> memref<640x128xf32, #tpu.memory_space<vmem_shared>>
        tpu.enqueue_dma source(%dma_start3A_89 : memref<640x128xf32, #tpu.memory_space<vmem_shared>>) target(%dma_start3A_86 : memref<640x128xf32, #tpu.memory_space<hbm>>) target_semaphore(%run_scoped3A : memref<!tpu.dma_semaphore, #tpu.memory_space<semaphore_mem>>)
        %dma_wait3A_90 = arith.constant 9360 : i32
        %dma_wait3A_91 = arith.constant 0 : i32
        %dma_wait3A_92 = tpu.memref_slice %arg6[%arg0, %dma_wait3A_90, %dma_wait3A_91] : memref<2x10000x128xf32, #tpu.memory_space<hbm>> -> memref<1x640x128xf32, #tpu.memory_space<hbm>>
        %dma_wait3A_93 = tpu.memref_squeeze %dma_wait3A_92 : memref<1x640x128xf32, #tpu.memory_space<hbm>> -> memref<640x128xf32, #tpu.memory_space<hbm>>
        %dma_wait3A_94 = arith.constant 9360 : i32
        %dma_wait3A_95 = arith.constant 0 : i32
        %dma_wait3A_96 = tpu.memref_slice %arg14[%dma_wait3A_94, %dma_wait3A_95] : memref<10000x128xf32, #tpu.memory_space<vmem_shared>> -> memref<640x128xf32, #tpu.memory_space<vmem_shared>>
        tpu.wait_dma2 semaphore(%run_scoped3A : memref<!tpu.dma_semaphore, #tpu.memory_space<semaphore_mem>>) src(%dma_wait3A_96 : memref<640x128xf32, #tpu.memory_space<vmem_shared>>) dst(%dma_wait3A_93 : memref<640x128xf32, #tpu.memory_space<hbm>>)
        tpu.yield
      }) : () -> ()
    } else {
    }
    return
  }
}

#map = affine_map<(d0, d1) -> (0, 0)>
#map1 = affine_map<(d0, d1) -> (0)>
#map2 = affine_map<(d0, d1) -> (0, 0, 0)>
module attributes {stable_mosaic.version = 14 : i64} {
  func.func @_seg_body(%arg0: i32, %arg1: i32, %arg2: memref<10000x128xf32, #tpu.memory_space<hbm>>, %arg3: memref<320000xi32, #tpu.memory_space<hbm>>, %arg4: memref<320000xi32, #tpu.memory_space<hbm>>, %arg5: memref<10000x128xf32, #tpu.memory_space<hbm>>, %arg6: memref<2x10000x128xf32, #tpu.memory_space<hbm>>, %arg7: memref<10000xi32, #tpu.memory_space<vmem>>, %arg8: memref<10000xi32, #tpu.memory_space<vmem>>, %arg9: memref<40x128xf32, #tpu.memory_space<vmem>>, %arg10: memref<40x128xf32, #tpu.memory_space<vmem>>, %arg11: memref<40x128xf32, #tpu.memory_space<vmem>>, %arg12: memref<40x128xf32, #tpu.memory_space<vmem>>, %arg13: memref<40x128xf32, #tpu.memory_space<vmem>>, %arg14: memref<10000x128xf32, #tpu.memory_space<vmem_shared>>, %arg15: memref<!tpu.dma_semaphore, #tpu.memory_space<semaphore_mem>>, %arg16: memref<!tpu.dma_semaphore, #tpu.memory_space<semaphore_mem>>, %arg17: memref<!tpu.dma_semaphore, #tpu.memory_space<semaphore_mem>>, %arg18: memref<!tpu.dma_semaphore, #tpu.memory_space<semaphore_mem>>, %arg19: memref<!tpu.dma_semaphore, #tpu.memory_space<semaphore_mem>>, %arg20: memref<!tpu.dma_semaphore, #tpu.memory_space<semaphore_mem>>, %arg21: memref<!tpu.dma_semaphore, #tpu.memory_space<semaphore_mem>>, %arg22: memref<!tpu.dma_semaphore, #tpu.memory_space<semaphore_mem>>, %arg23: memref<!tpu.dma_semaphore, #tpu.memory_space<semaphore_mem>>, %arg24: memref<!tpu.dma_semaphore, #tpu.memory_space<semaphore_mem>>) attributes {dimension_semantics = [#tpu.dimension_semantics<core_parallel>, #tpu.dimension_semantics<subcore_parallel>], iteration_bounds = array<i64: 2, 16>, scalar_prefetch = 0 : i64, scratch_operands = 18 : i64, tpu.core_type = #tpu.core_type<sc_vector_subcore>, window_params = [{transform_indices = #map}, {transform_indices = #map1}, {transform_indices = #map1}, {transform_indices = #map}, {transform_indices = #map2}]} {
    %mul3A = arith.constant 16 : i32
    %mul3A_0 = arith.muli %arg0, %mul3A : i32
    %add3A = arith.addi %mul3A_0, %arg1 : i32
    %mul3A_1 = arith.constant 10000 : i32
    %mul3A_2 = arith.muli %add3A, %mul3A_1 : i32
    %dma_start3A = tpu.memref_slice %arg3[%mul3A_2] : memref<320000xi32, #tpu.memory_space<hbm>> -> memref<10000xi32, #tpu.memory_space<hbm>>
    %dma_start3A_3 = tpu.memref_slice %arg3[%mul3A_2] : memref<320000xi32, #tpu.memory_space<hbm>> -> memref<10000xi32, #tpu.memory_space<hbm>>
    tpu.enqueue_dma source(%dma_start3A_3 : memref<10000xi32, #tpu.memory_space<hbm>>) target(%arg7 : memref<10000xi32, #tpu.memory_space<vmem>>) target_semaphore(%arg15 : memref<!tpu.dma_semaphore, #tpu.memory_space<semaphore_mem>>)
    %mul3A_4 = arith.constant 10000 : i32
    %mul3A_5 = arith.muli %add3A, %mul3A_4 : i32
    %dma_start3A_6 = tpu.memref_slice %arg4[%mul3A_5] : memref<320000xi32, #tpu.memory_space<hbm>> -> memref<10000xi32, #tpu.memory_space<hbm>>
    %dma_start3A_7 = tpu.memref_slice %arg4[%mul3A_5] : memref<320000xi32, #tpu.memory_space<hbm>> -> memref<10000xi32, #tpu.memory_space<hbm>>
    tpu.enqueue_dma source(%dma_start3A_7 : memref<10000xi32, #tpu.memory_space<hbm>>) target(%arg8 : memref<10000xi32, #tpu.memory_space<vmem>>) target_semaphore(%arg16 : memref<!tpu.dma_semaphore, #tpu.memory_space<semaphore_mem>>)
    %lt3A = arith.constant 15 : i32
    %lt3A_8 = arith.cmpi slt, %arg1, %lt3A : i32
    %convert_element_type3A = arith.extui %lt3A_8 : i1 to i32
    %cond3A = arith.constant 0 : i32
    %cond3A_9 = arith.cmpi ne, %convert_element_type3A, %cond3A : i32
    scf.if %cond3A_9 {
      %mul3A_83 = arith.constant 624 : i32
      %mul3A_84 = arith.muli %arg1, %mul3A_83 : i32
      %mul3A_85 = arith.constant 624 : i32
      %mul3A_86 = arith.muli %arg1, %mul3A_85 : i32
      %dma_start3A_87 = arith.constant 0 : i32
      %dma_start3A_88 = tpu.memref_slice %arg14[%mul3A_86, %dma_start3A_87] : memref<10000x128xf32, #tpu.memory_space<vmem_shared>> -> memref<624x128xf32, #tpu.memory_space<vmem_shared>>
      %dma_start3A_89 = arith.constant 0 : i32
      %dma_start3A_90 = tpu.memref_slice %arg5[%mul3A_84, %dma_start3A_89] : memref<10000x128xf32, #tpu.memory_space<hbm>> -> memref<624x128xf32, #tpu.memory_space<hbm>>
      tpu.enqueue_dma source(%dma_start3A_90 : memref<624x128xf32, #tpu.memory_space<hbm>>) target(%dma_start3A_88 : memref<624x128xf32, #tpu.memory_space<vmem_shared>>) target_semaphore(%arg17 : memref<!tpu.dma_semaphore, #tpu.memory_space<semaphore_mem>>)
      %dma_wait3A_91 = arith.constant 0 : i32
      %dma_wait3A_92 = tpu.memref_slice %arg14[%mul3A_86, %dma_wait3A_91] : memref<10000x128xf32, #tpu.memory_space<vmem_shared>> -> memref<624x128xf32, #tpu.memory_space<vmem_shared>>
      %dma_wait3A_93 = arith.constant 0 : i32
      %dma_wait3A_94 = tpu.memref_slice %arg5[%mul3A_84, %dma_wait3A_93] : memref<10000x128xf32, #tpu.memory_space<hbm>> -> memref<624x128xf32, #tpu.memory_space<hbm>>
      tpu.wait_dma2 semaphore(%arg17 : memref<!tpu.dma_semaphore, #tpu.memory_space<semaphore_mem>>) src(%dma_wait3A_94 : memref<624x128xf32, #tpu.memory_space<hbm>>) dst(%dma_wait3A_92 : memref<624x128xf32, #tpu.memory_space<vmem_shared>>)
    } else {
    }
    %eq3A = arith.constant 15 : i32
    %eq3A_10 = arith.cmpi eq, %arg1, %eq3A : i32
    %convert_element_type3A_11 = arith.extui %eq3A_10 : i1 to i32
    %cond3A_12 = arith.constant 0 : i32
    %cond3A_13 = arith.cmpi ne, %convert_element_type3A_11, %cond3A_12 : i32
    scf.if %cond3A_13 {
      %dma_start3A_83 = arith.constant 9360 : i32
      %dma_start3A_84 = arith.constant 0 : i32
      %dma_start3A_85 = tpu.memref_slice %arg14[%dma_start3A_83, %dma_start3A_84] : memref<10000x128xf32, #tpu.memory_space<vmem_shared>> -> memref<640x128xf32, #tpu.memory_space<vmem_shared>>
      %dma_start3A_86 = arith.constant 9360 : i32
      %dma_start3A_87 = arith.constant 0 : i32
      %dma_start3A_88 = tpu.memref_slice %arg5[%dma_start3A_86, %dma_start3A_87] : memref<10000x128xf32, #tpu.memory_space<hbm>> -> memref<640x128xf32, #tpu.memory_space<hbm>>
      tpu.enqueue_dma source(%dma_start3A_88 : memref<640x128xf32, #tpu.memory_space<hbm>>) target(%dma_start3A_85 : memref<640x128xf32, #tpu.memory_space<vmem_shared>>) target_semaphore(%arg17 : memref<!tpu.dma_semaphore, #tpu.memory_space<semaphore_mem>>)
      %dma_wait3A_89 = arith.constant 9360 : i32
      %dma_wait3A_90 = arith.constant 0 : i32
      %dma_wait3A_91 = tpu.memref_slice %arg14[%dma_wait3A_89, %dma_wait3A_90] : memref<10000x128xf32, #tpu.memory_space<vmem_shared>> -> memref<640x128xf32, #tpu.memory_space<vmem_shared>>
      %dma_wait3A_92 = arith.constant 9360 : i32
      %dma_wait3A_93 = arith.constant 0 : i32
      %dma_wait3A_94 = tpu.memref_slice %arg5[%dma_wait3A_92, %dma_wait3A_93] : memref<10000x128xf32, #tpu.memory_space<hbm>> -> memref<640x128xf32, #tpu.memory_space<hbm>>
      tpu.wait_dma2 semaphore(%arg17 : memref<!tpu.dma_semaphore, #tpu.memory_space<semaphore_mem>>) src(%dma_wait3A_94 : memref<640x128xf32, #tpu.memory_space<hbm>>) dst(%dma_wait3A_91 : memref<640x128xf32, #tpu.memory_space<vmem_shared>>)
    } else {
    }
    %dma_wait3A = tpu.memref_slice %arg3[%mul3A_2] : memref<320000xi32, #tpu.memory_space<hbm>> -> memref<10000xi32, #tpu.memory_space<hbm>>
    %dma_wait3A_14 = tpu.memref_slice %arg3[%mul3A_2] : memref<320000xi32, #tpu.memory_space<hbm>> -> memref<10000xi32, #tpu.memory_space<hbm>>
    tpu.wait_dma2 semaphore(%arg15 : memref<!tpu.dma_semaphore, #tpu.memory_space<semaphore_mem>>) src(%dma_wait3A_14 : memref<10000xi32, #tpu.memory_space<hbm>>) dst(%arg7 : memref<10000xi32, #tpu.memory_space<vmem>>)
    %dma_wait3A_15 = tpu.memref_slice %arg4[%mul3A_5] : memref<320000xi32, #tpu.memory_space<hbm>> -> memref<10000xi32, #tpu.memory_space<hbm>>
    %dma_wait3A_16 = tpu.memref_slice %arg4[%mul3A_5] : memref<320000xi32, #tpu.memory_space<hbm>> -> memref<10000xi32, #tpu.memory_space<hbm>>
    tpu.wait_dma2 semaphore(%arg16 : memref<!tpu.dma_semaphore, #tpu.memory_space<semaphore_mem>>) src(%dma_wait3A_16 : memref<10000xi32, #tpu.memory_space<hbm>>) dst(%arg8 : memref<10000xi32, #tpu.memory_space<vmem>>)
    %barrier3A = arith.constant 0 : index
    tpu.barrier barrier_id(%barrier3A)
    %dma_start3A_17 = arith.constant 0 : i32
    %dma_start3A_18 = tpu.memref_slice %arg7[%dma_start3A_17] : memref<10000xi32, #tpu.memory_space<vmem>> -> memref<40xi32, #tpu.memory_space<vmem>>
    %dma_start3A_19 = arith.constant 0 : i32
    %dma_start3A_20 = arith.constant 0 : i32
    %dma_start3A_21 = tpu.memref_slice %arg2[%dma_start3A_19, %dma_start3A_20] : memref<10000x128xf32, #tpu.memory_space<hbm>> -> memref<10000x128xf32, #tpu.memory_space<hbm>>
    tpu.enqueue_indirect_dma source(%dma_start3A_21 : memref<10000x128xf32, #tpu.memory_space<hbm>>) target(%arg9 : memref<40x128xf32, #tpu.memory_space<vmem>>) offsets(%dma_start3A_18 : memref<40xi32, #tpu.memory_space<vmem>>) semaphore(%arg15 : memref<!tpu.dma_semaphore, #tpu.memory_space<semaphore_mem>>)
    %dma_start3A_22 = arith.constant 40 : i32
    %dma_start3A_23 = tpu.memref_slice %arg7[%dma_start3A_22] : memref<10000xi32, #tpu.memory_space<vmem>> -> memref<40xi32, #tpu.memory_space<vmem>>
    %dma_start3A_24 = arith.constant 0 : i32
    %dma_start3A_25 = arith.constant 0 : i32
    %dma_start3A_26 = tpu.memref_slice %arg2[%dma_start3A_24, %dma_start3A_25] : memref<10000x128xf32, #tpu.memory_space<hbm>> -> memref<10000x128xf32, #tpu.memory_space<hbm>>
    tpu.enqueue_indirect_dma source(%dma_start3A_26 : memref<10000x128xf32, #tpu.memory_space<hbm>>) target(%arg10 : memref<40x128xf32, #tpu.memory_space<vmem>>) offsets(%dma_start3A_23 : memref<40xi32, #tpu.memory_space<vmem>>) semaphore(%arg16 : memref<!tpu.dma_semaphore, #tpu.memory_space<semaphore_mem>>)
    %dma_start3A_27 = arith.constant 80 : i32
    %dma_start3A_28 = tpu.memref_slice %arg7[%dma_start3A_27] : memref<10000xi32, #tpu.memory_space<vmem>> -> memref<40xi32, #tpu.memory_space<vmem>>
    %dma_start3A_29 = arith.constant 0 : i32
    %dma_start3A_30 = arith.constant 0 : i32
    %dma_start3A_31 = tpu.memref_slice %arg2[%dma_start3A_29, %dma_start3A_30] : memref<10000x128xf32, #tpu.memory_space<hbm>> -> memref<10000x128xf32, #tpu.memory_space<hbm>>
    tpu.enqueue_indirect_dma source(%dma_start3A_31 : memref<10000x128xf32, #tpu.memory_space<hbm>>) target(%arg11 : memref<40x128xf32, #tpu.memory_space<vmem>>) offsets(%dma_start3A_28 : memref<40xi32, #tpu.memory_space<vmem>>) semaphore(%arg17 : memref<!tpu.dma_semaphore, #tpu.memory_space<semaphore_mem>>)
    %dma_start3A_32 = arith.constant 120 : i32
    %dma_start3A_33 = tpu.memref_slice %arg7[%dma_start3A_32] : memref<10000xi32, #tpu.memory_space<vmem>> -> memref<40xi32, #tpu.memory_space<vmem>>
    %dma_start3A_34 = arith.constant 0 : i32
    %dma_start3A_35 = arith.constant 0 : i32
    %dma_start3A_36 = tpu.memref_slice %arg2[%dma_start3A_34, %dma_start3A_35] : memref<10000x128xf32, #tpu.memory_space<hbm>> -> memref<10000x128xf32, #tpu.memory_space<hbm>>
    tpu.enqueue_indirect_dma source(%dma_start3A_36 : memref<10000x128xf32, #tpu.memory_space<hbm>>) target(%arg12 : memref<40x128xf32, #tpu.memory_space<vmem>>) offsets(%dma_start3A_33 : memref<40xi32, #tpu.memory_space<vmem>>) semaphore(%arg18 : memref<!tpu.dma_semaphore, #tpu.memory_space<semaphore_mem>>)
    %dma_start3A_37 = arith.constant 160 : i32
    %dma_start3A_38 = tpu.memref_slice %arg7[%dma_start3A_37] : memref<10000xi32, #tpu.memory_space<vmem>> -> memref<40xi32, #tpu.memory_space<vmem>>
    %dma_start3A_39 = arith.constant 0 : i32
    %dma_start3A_40 = arith.constant 0 : i32
    %dma_start3A_41 = tpu.memref_slice %arg2[%dma_start3A_39, %dma_start3A_40] : memref<10000x128xf32, #tpu.memory_space<hbm>> -> memref<10000x128xf32, #tpu.memory_space<hbm>>
    tpu.enqueue_indirect_dma source(%dma_start3A_41 : memref<10000x128xf32, #tpu.memory_space<hbm>>) target(%arg13 : memref<40x128xf32, #tpu.memory_space<vmem>>) offsets(%dma_start3A_38 : memref<40xi32, #tpu.memory_space<vmem>>) semaphore(%arg19 : memref<!tpu.dma_semaphore, #tpu.memory_space<semaphore_mem>>)
    %scan3A = arith.constant 0 : i32
    %scan3A_42 = arith.constant 0 : i32
    %scan3A_43 = arith.constant 50 : i32
    %scan3A_44 = arith.addi %scan3A_42, %scan3A_43 : i32
    %scan3A_45 = arith.constant 1 : i32
    scf.for %scan3A_83 = %scan3A_42 to %scan3A_44 step %scan3A_45  : i32 {
      %mul3A_84 = arith.constant 5 : i32
      %mul3A_85 = arith.muli %scan3A_83, %mul3A_84 : i32
      %add3A_86 = arith.constant 0 : i32
      %add3A_87 = arith.addi %mul3A_85, %add3A_86 : i32
      %mul3A_88 = arith.constant 40 : i32
      %mul3A_89 = arith.muli %add3A_87, %mul3A_88 : i32
      %dma_wait3A_90 = tpu.memref_slice %arg7[%mul3A_89] : memref<10000xi32, #tpu.memory_space<vmem>> -> memref<40xi32, #tpu.memory_space<vmem>>
      %dma_wait3A_91 = arith.constant 0 : i32
      %dma_wait3A_92 = arith.constant 0 : i32
      %dma_wait3A_93 = tpu.memref_slice %arg2[%dma_wait3A_91, %dma_wait3A_92] : memref<10000x128xf32, #tpu.memory_space<hbm>> -> memref<10000x128xf32, #tpu.memory_space<hbm>>
      tpu.wait_indirect_dma semaphore(%arg15 : memref<!tpu.dma_semaphore, #tpu.memory_space<semaphore_mem>>) src(%dma_wait3A_93 : memref<10000x128xf32, #tpu.memory_space<hbm>>) dst(%arg9 : memref<40x128xf32, #tpu.memory_space<vmem>>)
      %mul3A_94 = arith.constant 40 : i32
      %mul3A_95 = arith.muli %add3A_87, %mul3A_94 : i32
      %dma_start3A_96 = tpu.memref_slice %arg8[%mul3A_95] : memref<10000xi32, #tpu.memory_space<vmem>> -> memref<40xi32, #tpu.memory_space<vmem>>
      %dma_start3A_97 = arith.constant 0 : i32
      %dma_start3A_98 = arith.constant 0 : i32
      %dma_start3A_99 = tpu.memref_slice %arg14[%dma_start3A_97, %dma_start3A_98] : memref<10000x128xf32, #tpu.memory_space<vmem_shared>> -> memref<10000x128xf32, #tpu.memory_space<vmem_shared>>
      tpu.enqueue_indirect_dma source(%arg9 : memref<40x128xf32, #tpu.memory_space<vmem>>) target(%dma_start3A_99 : memref<10000x128xf32, #tpu.memory_space<vmem_shared>>) offsets(%dma_start3A_96 : memref<40xi32, #tpu.memory_space<vmem>>) semaphore(%arg20 : memref<!tpu.dma_semaphore, #tpu.memory_space<semaphore_mem>>) {add = true}
      %mul3A_100 = arith.constant 5 : i32
      %mul3A_101 = arith.muli %scan3A_83, %mul3A_100 : i32
      %add3A_102 = arith.constant 1 : i32
      %add3A_103 = arith.addi %mul3A_101, %add3A_102 : i32
      %mul3A_104 = arith.constant 40 : i32
      %mul3A_105 = arith.muli %add3A_103, %mul3A_104 : i32
      %dma_wait3A_106 = tpu.memref_slice %arg7[%mul3A_105] : memref<10000xi32, #tpu.memory_space<vmem>> -> memref<40xi32, #tpu.memory_space<vmem>>
      %dma_wait3A_107 = arith.constant 0 : i32
      %dma_wait3A_108 = arith.constant 0 : i32
      %dma_wait3A_109 = tpu.memref_slice %arg2[%dma_wait3A_107, %dma_wait3A_108] : memref<10000x128xf32, #tpu.memory_space<hbm>> -> memref<10000x128xf32, #tpu.memory_space<hbm>>
      tpu.wait_indirect_dma semaphore(%arg16 : memref<!tpu.dma_semaphore, #tpu.memory_space<semaphore_mem>>) src(%dma_wait3A_109 : memref<10000x128xf32, #tpu.memory_space<hbm>>) dst(%arg10 : memref<40x128xf32, #tpu.memory_space<vmem>>)
      %mul3A_110 = arith.constant 40 : i32
      %mul3A_111 = arith.muli %add3A_103, %mul3A_110 : i32
      %dma_start3A_112 = tpu.memref_slice %arg8[%mul3A_111] : memref<10000xi32, #tpu.memory_space<vmem>> -> memref<40xi32, #tpu.memory_space<vmem>>
      %dma_start3A_113 = arith.constant 0 : i32
      %dma_start3A_114 = arith.constant 0 : i32
      %dma_start3A_115 = tpu.memref_slice %arg14[%dma_start3A_113, %dma_start3A_114] : memref<10000x128xf32, #tpu.memory_space<vmem_shared>> -> memref<10000x128xf32, #tpu.memory_space<vmem_shared>>
      tpu.enqueue_indirect_dma source(%arg10 : memref<40x128xf32, #tpu.memory_space<vmem>>) target(%dma_start3A_115 : memref<10000x128xf32, #tpu.memory_space<vmem_shared>>) offsets(%dma_start3A_112 : memref<40xi32, #tpu.memory_space<vmem>>) semaphore(%arg21 : memref<!tpu.dma_semaphore, #tpu.memory_space<semaphore_mem>>) {add = true}
      %mul3A_116 = arith.constant 5 : i32
      %mul3A_117 = arith.muli %scan3A_83, %mul3A_116 : i32
      %add3A_118 = arith.constant 2 : i32
      %add3A_119 = arith.addi %mul3A_117, %add3A_118 : i32
      %mul3A_120 = arith.constant 40 : i32
      %mul3A_121 = arith.muli %add3A_119, %mul3A_120 : i32
      %dma_wait3A_122 = tpu.memref_slice %arg7[%mul3A_121] : memref<10000xi32, #tpu.memory_space<vmem>> -> memref<40xi32, #tpu.memory_space<vmem>>
      %dma_wait3A_123 = arith.constant 0 : i32
      %dma_wait3A_124 = arith.constant 0 : i32
      %dma_wait3A_125 = tpu.memref_slice %arg2[%dma_wait3A_123, %dma_wait3A_124] : memref<10000x128xf32, #tpu.memory_space<hbm>> -> memref<10000x128xf32, #tpu.memory_space<hbm>>
      tpu.wait_indirect_dma semaphore(%arg17 : memref<!tpu.dma_semaphore, #tpu.memory_space<semaphore_mem>>) src(%dma_wait3A_125 : memref<10000x128xf32, #tpu.memory_space<hbm>>) dst(%arg11 : memref<40x128xf32, #tpu.memory_space<vmem>>)
      %mul3A_126 = arith.constant 40 : i32
      %mul3A_127 = arith.muli %add3A_119, %mul3A_126 : i32
      %dma_start3A_128 = tpu.memref_slice %arg8[%mul3A_127] : memref<10000xi32, #tpu.memory_space<vmem>> -> memref<40xi32, #tpu.memory_space<vmem>>
      %dma_start3A_129 = arith.constant 0 : i32
      %dma_start3A_130 = arith.constant 0 : i32
      %dma_start3A_131 = tpu.memref_slice %arg14[%dma_start3A_129, %dma_start3A_130] : memref<10000x128xf32, #tpu.memory_space<vmem_shared>> -> memref<10000x128xf32, #tpu.memory_space<vmem_shared>>
      tpu.enqueue_indirect_dma source(%arg11 : memref<40x128xf32, #tpu.memory_space<vmem>>) target(%dma_start3A_131 : memref<10000x128xf32, #tpu.memory_space<vmem_shared>>) offsets(%dma_start3A_128 : memref<40xi32, #tpu.memory_space<vmem>>) semaphore(%arg22 : memref<!tpu.dma_semaphore, #tpu.memory_space<semaphore_mem>>) {add = true}
      %mul3A_132 = arith.constant 5 : i32
      %mul3A_133 = arith.muli %scan3A_83, %mul3A_132 : i32
      %add3A_134 = arith.constant 3 : i32
      %add3A_135 = arith.addi %mul3A_133, %add3A_134 : i32
      %mul3A_136 = arith.constant 40 : i32
      %mul3A_137 = arith.muli %add3A_135, %mul3A_136 : i32
      %dma_wait3A_138 = tpu.memref_slice %arg7[%mul3A_137] : memref<10000xi32, #tpu.memory_space<vmem>> -> memref<40xi32, #tpu.memory_space<vmem>>
      %dma_wait3A_139 = arith.constant 0 : i32
      %dma_wait3A_140 = arith.constant 0 : i32
      %dma_wait3A_141 = tpu.memref_slice %arg2[%dma_wait3A_139, %dma_wait3A_140] : memref<10000x128xf32, #tpu.memory_space<hbm>> -> memref<10000x128xf32, #tpu.memory_space<hbm>>
      tpu.wait_indirect_dma semaphore(%arg18 : memref<!tpu.dma_semaphore, #tpu.memory_space<semaphore_mem>>) src(%dma_wait3A_141 : memref<10000x128xf32, #tpu.memory_space<hbm>>) dst(%arg12 : memref<40x128xf32, #tpu.memory_space<vmem>>)
      %mul3A_142 = arith.constant 40 : i32
      %mul3A_143 = arith.muli %add3A_135, %mul3A_142 : i32
      %dma_start3A_144 = tpu.memref_slice %arg8[%mul3A_143] : memref<10000xi32, #tpu.memory_space<vmem>> -> memref<40xi32, #tpu.memory_space<vmem>>
      %dma_start3A_145 = arith.constant 0 : i32
      %dma_start3A_146 = arith.constant 0 : i32
      %dma_start3A_147 = tpu.memref_slice %arg14[%dma_start3A_145, %dma_start3A_146] : memref<10000x128xf32, #tpu.memory_space<vmem_shared>> -> memref<10000x128xf32, #tpu.memory_space<vmem_shared>>
      tpu.enqueue_indirect_dma source(%arg12 : memref<40x128xf32, #tpu.memory_space<vmem>>) target(%dma_start3A_147 : memref<10000x128xf32, #tpu.memory_space<vmem_shared>>) offsets(%dma_start3A_144 : memref<40xi32, #tpu.memory_space<vmem>>) semaphore(%arg23 : memref<!tpu.dma_semaphore, #tpu.memory_space<semaphore_mem>>) {add = true}
      %mul3A_148 = arith.constant 5 : i32
      %mul3A_149 = arith.muli %scan3A_83, %mul3A_148 : i32
      %add3A_150 = arith.constant 4 : i32
      %add3A_151 = arith.addi %mul3A_149, %add3A_150 : i32
      %mul3A_152 = arith.constant 40 : i32
      %mul3A_153 = arith.muli %add3A_151, %mul3A_152 : i32
      %dma_wait3A_154 = tpu.memref_slice %arg7[%mul3A_153] : memref<10000xi32, #tpu.memory_space<vmem>> -> memref<40xi32, #tpu.memory_space<vmem>>
      %dma_wait3A_155 = arith.constant 0 : i32
      %dma_wait3A_156 = arith.constant 0 : i32
      %dma_wait3A_157 = tpu.memref_slice %arg2[%dma_wait3A_155, %dma_wait3A_156] : memref<10000x128xf32, #tpu.memory_space<hbm>> -> memref<10000x128xf32, #tpu.memory_space<hbm>>
      tpu.wait_indirect_dma semaphore(%arg19 : memref<!tpu.dma_semaphore, #tpu.memory_space<semaphore_mem>>) src(%dma_wait3A_157 : memref<10000x128xf32, #tpu.memory_space<hbm>>) dst(%arg13 : memref<40x128xf32, #tpu.memory_space<vmem>>)
      %mul3A_158 = arith.constant 40 : i32
      %mul3A_159 = arith.muli %add3A_151, %mul3A_158 : i32
      %dma_start3A_160 = tpu.memref_slice %arg8[%mul3A_159] : memref<10000xi32, #tpu.memory_space<vmem>> -> memref<40xi32, #tpu.memory_space<vmem>>
      %dma_start3A_161 = arith.constant 0 : i32
      %dma_start3A_162 = arith.constant 0 : i32
      %dma_start3A_163 = tpu.memref_slice %arg14[%dma_start3A_161, %dma_start3A_162] : memref<10000x128xf32, #tpu.memory_space<vmem_shared>> -> memref<10000x128xf32, #tpu.memory_space<vmem_shared>>
      tpu.enqueue_indirect_dma source(%arg13 : memref<40x128xf32, #tpu.memory_space<vmem>>) target(%dma_start3A_163 : memref<10000x128xf32, #tpu.memory_space<vmem_shared>>) offsets(%dma_start3A_160 : memref<40xi32, #tpu.memory_space<vmem>>) semaphore(%arg24 : memref<!tpu.dma_semaphore, #tpu.memory_space<semaphore_mem>>) {add = true}
      %lt3A_164 = arith.constant 49 : i32
      %lt3A_165 = arith.cmpi slt, %scan3A_83, %lt3A_164 : i32
      %convert_element_type3A_166 = arith.extui %lt3A_165 : i1 to i32
      %cond3A_167 = arith.constant 0 : i32
      %cond3A_168 = arith.cmpi ne, %convert_element_type3A_166, %cond3A_167 : i32
      scf.if %cond3A_168 {
        %mul3A_169 = arith.constant 5 : i32
        %mul3A_170 = arith.muli %scan3A_83, %mul3A_169 : i32
        %add3A_171 = arith.constant 0 : i32
        %add3A_172 = arith.addi %mul3A_170, %add3A_171 : i32
        %mul3A_173 = arith.constant 40 : i32
        %mul3A_174 = arith.muli %add3A_172, %mul3A_173 : i32
        %dma_wait3A_175 = tpu.memref_slice %arg8[%mul3A_174] : memref<10000xi32, #tpu.memory_space<vmem>> -> memref<40xi32, #tpu.memory_space<vmem>>
        %dma_wait3A_176 = arith.constant 0 : i32
        %dma_wait3A_177 = arith.constant 0 : i32
        %dma_wait3A_178 = tpu.memref_slice %arg14[%dma_wait3A_176, %dma_wait3A_177] : memref<10000x128xf32, #tpu.memory_space<vmem_shared>> -> memref<10000x128xf32, #tpu.memory_space<vmem_shared>>
        tpu.wait_indirect_dma semaphore(%arg20 : memref<!tpu.dma_semaphore, #tpu.memory_space<semaphore_mem>>) src(%arg9 : memref<40x128xf32, #tpu.memory_space<vmem>>) dst(%dma_wait3A_178 : memref<10000x128xf32, #tpu.memory_space<vmem_shared>>)
        %add3A_179 = arith.constant 5 : i32
        %add3A_180 = arith.addi %add3A_172, %add3A_179 : i32
        %mul3A_181 = arith.constant 40 : i32
        %mul3A_182 = arith.muli %add3A_180, %mul3A_181 : i32
        %dma_start3A_183 = tpu.memref_slice %arg7[%mul3A_182] : memref<10000xi32, #tpu.memory_space<vmem>> -> memref<40xi32, #tpu.memory_space<vmem>>
        %dma_start3A_184 = arith.constant 0 : i32
        %dma_start3A_185 = arith.constant 0 : i32
        %dma_start3A_186 = tpu.memref_slice %arg2[%dma_start3A_184, %dma_start3A_185] : memref<10000x128xf32, #tpu.memory_space<hbm>> -> memref<10000x128xf32, #tpu.memory_space<hbm>>
        tpu.enqueue_indirect_dma source(%dma_start3A_186 : memref<10000x128xf32, #tpu.memory_space<hbm>>) target(%arg9 : memref<40x128xf32, #tpu.memory_space<vmem>>) offsets(%dma_start3A_183 : memref<40xi32, #tpu.memory_space<vmem>>) semaphore(%arg15 : memref<!tpu.dma_semaphore, #tpu.memory_space<semaphore_mem>>)
        %mul3A_187 = arith.constant 5 : i32
        %mul3A_188 = arith.muli %scan3A_83, %mul3A_187 : i32
        %add3A_189 = arith.constant 1 : i32
        %add3A_190 = arith.addi %mul3A_188, %add3A_189 : i32
        %mul3A_191 = arith.constant 40 : i32
        %mul3A_192 = arith.muli %add3A_190, %mul3A_191 : i32
        %dma_wait3A_193 = tpu.memref_slice %arg8[%mul3A_192] : memref<10000xi32, #tpu.memory_space<vmem>> -> memref<40xi32, #tpu.memory_space<vmem>>
        %dma_wait3A_194 = arith.constant 0 : i32
        %dma_wait3A_195 = arith.constant 0 : i32
        %dma_wait3A_196 = tpu.memref_slice %arg14[%dma_wait3A_194, %dma_wait3A_195] : memref<10000x128xf32, #tpu.memory_space<vmem_shared>> -> memref<10000x128xf32, #tpu.memory_space<vmem_shared>>
        tpu.wait_indirect_dma semaphore(%arg21 : memref<!tpu.dma_semaphore, #tpu.memory_space<semaphore_mem>>) src(%arg10 : memref<40x128xf32, #tpu.memory_space<vmem>>) dst(%dma_wait3A_196 : memref<10000x128xf32, #tpu.memory_space<vmem_shared>>)
        %add3A_197 = arith.constant 5 : i32
        %add3A_198 = arith.addi %add3A_190, %add3A_197 : i32
        %mul3A_199 = arith.constant 40 : i32
        %mul3A_200 = arith.muli %add3A_198, %mul3A_199 : i32
        %dma_start3A_201 = tpu.memref_slice %arg7[%mul3A_200] : memref<10000xi32, #tpu.memory_space<vmem>> -> memref<40xi32, #tpu.memory_space<vmem>>
        %dma_start3A_202 = arith.constant 0 : i32
        %dma_start3A_203 = arith.constant 0 : i32
        %dma_start3A_204 = tpu.memref_slice %arg2[%dma_start3A_202, %dma_start3A_203] : memref<10000x128xf32, #tpu.memory_space<hbm>> -> memref<10000x128xf32, #tpu.memory_space<hbm>>
        tpu.enqueue_indirect_dma source(%dma_start3A_204 : memref<10000x128xf32, #tpu.memory_space<hbm>>) target(%arg10 : memref<40x128xf32, #tpu.memory_space<vmem>>) offsets(%dma_start3A_201 : memref<40xi32, #tpu.memory_space<vmem>>) semaphore(%arg16 : memref<!tpu.dma_semaphore, #tpu.memory_space<semaphore_mem>>)
        %mul3A_205 = arith.constant 5 : i32
        %mul3A_206 = arith.muli %scan3A_83, %mul3A_205 : i32
        %add3A_207 = arith.constant 2 : i32
        %add3A_208 = arith.addi %mul3A_206, %add3A_207 : i32
        %mul3A_209 = arith.constant 40 : i32
        %mul3A_210 = arith.muli %add3A_208, %mul3A_209 : i32
        %dma_wait3A_211 = tpu.memref_slice %arg8[%mul3A_210] : memref<10000xi32, #tpu.memory_space<vmem>> -> memref<40xi32, #tpu.memory_space<vmem>>
        %dma_wait3A_212 = arith.constant 0 : i32
        %dma_wait3A_213 = arith.constant 0 : i32
        %dma_wait3A_214 = tpu.memref_slice %arg14[%dma_wait3A_212, %dma_wait3A_213] : memref<10000x128xf32, #tpu.memory_space<vmem_shared>> -> memref<10000x128xf32, #tpu.memory_space<vmem_shared>>
        tpu.wait_indirect_dma semaphore(%arg22 : memref<!tpu.dma_semaphore, #tpu.memory_space<semaphore_mem>>) src(%arg11 : memref<40x128xf32, #tpu.memory_space<vmem>>) dst(%dma_wait3A_214 : memref<10000x128xf32, #tpu.memory_space<vmem_shared>>)
        %add3A_215 = arith.constant 5 : i32
        %add3A_216 = arith.addi %add3A_208, %add3A_215 : i32
        %mul3A_217 = arith.constant 40 : i32
        %mul3A_218 = arith.muli %add3A_216, %mul3A_217 : i32
        %dma_start3A_219 = tpu.memref_slice %arg7[%mul3A_218] : memref<10000xi32, #tpu.memory_space<vmem>> -> memref<40xi32, #tpu.memory_space<vmem>>
        %dma_start3A_220 = arith.constant 0 : i32
        %dma_start3A_221 = arith.constant 0 : i32
        %dma_start3A_222 = tpu.memref_slice %arg2[%dma_start3A_220, %dma_start3A_221] : memref<10000x128xf32, #tpu.memory_space<hbm>> -> memref<10000x128xf32, #tpu.memory_space<hbm>>
        tpu.enqueue_indirect_dma source(%dma_start3A_222 : memref<10000x128xf32, #tpu.memory_space<hbm>>) target(%arg11 : memref<40x128xf32, #tpu.memory_space<vmem>>) offsets(%dma_start3A_219 : memref<40xi32, #tpu.memory_space<vmem>>) semaphore(%arg17 : memref<!tpu.dma_semaphore, #tpu.memory_space<semaphore_mem>>)
        %mul3A_223 = arith.constant 5 : i32
        %mul3A_224 = arith.muli %scan3A_83, %mul3A_223 : i32
        %add3A_225 = arith.constant 3 : i32
        %add3A_226 = arith.addi %mul3A_224, %add3A_225 : i32
        %mul3A_227 = arith.constant 40 : i32
        %mul3A_228 = arith.muli %add3A_226, %mul3A_227 : i32
        %dma_wait3A_229 = tpu.memref_slice %arg8[%mul3A_228] : memref<10000xi32, #tpu.memory_space<vmem>> -> memref<40xi32, #tpu.memory_space<vmem>>
        %dma_wait3A_230 = arith.constant 0 : i32
        %dma_wait3A_231 = arith.constant 0 : i32
        %dma_wait3A_232 = tpu.memref_slice %arg14[%dma_wait3A_230, %dma_wait3A_231] : memref<10000x128xf32, #tpu.memory_space<vmem_shared>> -> memref<10000x128xf32, #tpu.memory_space<vmem_shared>>
        tpu.wait_indirect_dma semaphore(%arg23 : memref<!tpu.dma_semaphore, #tpu.memory_space<semaphore_mem>>) src(%arg12 : memref<40x128xf32, #tpu.memory_space<vmem>>) dst(%dma_wait3A_232 : memref<10000x128xf32, #tpu.memory_space<vmem_shared>>)
        %add3A_233 = arith.constant 5 : i32
        %add3A_234 = arith.addi %add3A_226, %add3A_233 : i32
        %mul3A_235 = arith.constant 40 : i32
        %mul3A_236 = arith.muli %add3A_234, %mul3A_235 : i32
        %dma_start3A_237 = tpu.memref_slice %arg7[%mul3A_236] : memref<10000xi32, #tpu.memory_space<vmem>> -> memref<40xi32, #tpu.memory_space<vmem>>
        %dma_start3A_238 = arith.constant 0 : i32
        %dma_start3A_239 = arith.constant 0 : i32
        %dma_start3A_240 = tpu.memref_slice %arg2[%dma_start3A_238, %dma_start3A_239] : memref<10000x128xf32, #tpu.memory_space<hbm>> -> memref<10000x128xf32, #tpu.memory_space<hbm>>
        tpu.enqueue_indirect_dma source(%dma_start3A_240 : memref<10000x128xf32, #tpu.memory_space<hbm>>) target(%arg12 : memref<40x128xf32, #tpu.memory_space<vmem>>) offsets(%dma_start3A_237 : memref<40xi32, #tpu.memory_space<vmem>>) semaphore(%arg18 : memref<!tpu.dma_semaphore, #tpu.memory_space<semaphore_mem>>)
        %mul3A_241 = arith.constant 5 : i32
        %mul3A_242 = arith.muli %scan3A_83, %mul3A_241 : i32
        %add3A_243 = arith.constant 4 : i32
        %add3A_244 = arith.addi %mul3A_242, %add3A_243 : i32
        %mul3A_245 = arith.constant 40 : i32
        %mul3A_246 = arith.muli %add3A_244, %mul3A_245 : i32
        %dma_wait3A_247 = tpu.memref_slice %arg8[%mul3A_246] : memref<10000xi32, #tpu.memory_space<vmem>> -> memref<40xi32, #tpu.memory_space<vmem>>
        %dma_wait3A_248 = arith.constant 0 : i32
        %dma_wait3A_249 = arith.constant 0 : i32
        %dma_wait3A_250 = tpu.memref_slice %arg14[%dma_wait3A_248, %dma_wait3A_249] : memref<10000x128xf32, #tpu.memory_space<vmem_shared>> -> memref<10000x128xf32, #tpu.memory_space<vmem_shared>>
        tpu.wait_indirect_dma semaphore(%arg24 : memref<!tpu.dma_semaphore, #tpu.memory_space<semaphore_mem>>) src(%arg13 : memref<40x128xf32, #tpu.memory_space<vmem>>) dst(%dma_wait3A_250 : memref<10000x128xf32, #tpu.memory_space<vmem_shared>>)
        %add3A_251 = arith.constant 5 : i32
        %add3A_252 = arith.addi %add3A_244, %add3A_251 : i32
        %mul3A_253 = arith.constant 40 : i32
        %mul3A_254 = arith.muli %add3A_252, %mul3A_253 : i32
        %dma_start3A_255 = tpu.memref_slice %arg7[%mul3A_254] : memref<10000xi32, #tpu.memory_space<vmem>> -> memref<40xi32, #tpu.memory_space<vmem>>
        %dma_start3A_256 = arith.constant 0 : i32
        %dma_start3A_257 = arith.constant 0 : i32
        %dma_start3A_258 = tpu.memref_slice %arg2[%dma_start3A_256, %dma_start3A_257] : memref<10000x128xf32, #tpu.memory_space<hbm>> -> memref<10000x128xf32, #tpu.memory_space<hbm>>
        tpu.enqueue_indirect_dma source(%dma_start3A_258 : memref<10000x128xf32, #tpu.memory_space<hbm>>) target(%arg13 : memref<40x128xf32, #tpu.memory_space<vmem>>) offsets(%dma_start3A_255 : memref<40xi32, #tpu.memory_space<vmem>>) semaphore(%arg19 : memref<!tpu.dma_semaphore, #tpu.memory_space<semaphore_mem>>)
      } else {
      }
    }
    %scan3A_46 = arith.constant 50 : i32
    %dma_wait3A_47 = arith.constant 0 : i32
    %dma_wait3A_48 = tpu.memref_slice %arg8[%dma_wait3A_47] : memref<10000xi32, #tpu.memory_space<vmem>> -> memref<40xi32, #tpu.memory_space<vmem>>
    %dma_wait3A_49 = arith.constant 0 : i32
    %dma_wait3A_50 = arith.constant 0 : i32
    %dma_wait3A_51 = tpu.memref_slice %arg14[%dma_wait3A_49, %dma_wait3A_50] : memref<10000x128xf32, #tpu.memory_space<vmem_shared>> -> memref<10000x128xf32, #tpu.memory_space<vmem_shared>>
    tpu.wait_indirect_dma semaphore(%arg20 : memref<!tpu.dma_semaphore, #tpu.memory_space<semaphore_mem>>) src(%arg9 : memref<40x128xf32, #tpu.memory_space<vmem>>) dst(%dma_wait3A_51 : memref<10000x128xf32, #tpu.memory_space<vmem_shared>>)
    %dma_wait3A_52 = arith.constant 0 : i32
    %dma_wait3A_53 = tpu.memref_slice %arg8[%dma_wait3A_52] : memref<10000xi32, #tpu.memory_space<vmem>> -> memref<40xi32, #tpu.memory_space<vmem>>
    %dma_wait3A_54 = arith.constant 0 : i32
    %dma_wait3A_55 = arith.constant 0 : i32
    %dma_wait3A_56 = tpu.memref_slice %arg14[%dma_wait3A_54, %dma_wait3A_55] : memref<10000x128xf32, #tpu.memory_space<vmem_shared>> -> memref<10000x128xf32, #tpu.memory_space<vmem_shared>>
    tpu.wait_indirect_dma semaphore(%arg21 : memref<!tpu.dma_semaphore, #tpu.memory_space<semaphore_mem>>) src(%arg10 : memref<40x128xf32, #tpu.memory_space<vmem>>) dst(%dma_wait3A_56 : memref<10000x128xf32, #tpu.memory_space<vmem_shared>>)
    %dma_wait3A_57 = arith.constant 0 : i32
    %dma_wait3A_58 = tpu.memref_slice %arg8[%dma_wait3A_57] : memref<10000xi32, #tpu.memory_space<vmem>> -> memref<40xi32, #tpu.memory_space<vmem>>
    %dma_wait3A_59 = arith.constant 0 : i32
    %dma_wait3A_60 = arith.constant 0 : i32
    %dma_wait3A_61 = tpu.memref_slice %arg14[%dma_wait3A_59, %dma_wait3A_60] : memref<10000x128xf32, #tpu.memory_space<vmem_shared>> -> memref<10000x128xf32, #tpu.memory_space<vmem_shared>>
    tpu.wait_indirect_dma semaphore(%arg22 : memref<!tpu.dma_semaphore, #tpu.memory_space<semaphore_mem>>) src(%arg11 : memref<40x128xf32, #tpu.memory_space<vmem>>) dst(%dma_wait3A_61 : memref<10000x128xf32, #tpu.memory_space<vmem_shared>>)
    %dma_wait3A_62 = arith.constant 0 : i32
    %dma_wait3A_63 = tpu.memref_slice %arg8[%dma_wait3A_62] : memref<10000xi32, #tpu.memory_space<vmem>> -> memref<40xi32, #tpu.memory_space<vmem>>
    %dma_wait3A_64 = arith.constant 0 : i32
    %dma_wait3A_65 = arith.constant 0 : i32
    %dma_wait3A_66 = tpu.memref_slice %arg14[%dma_wait3A_64, %dma_wait3A_65] : memref<10000x128xf32, #tpu.memory_space<vmem_shared>> -> memref<10000x128xf32, #tpu.memory_space<vmem_shared>>
    tpu.wait_indirect_dma semaphore(%arg23 : memref<!tpu.dma_semaphore, #tpu.memory_space<semaphore_mem>>) src(%arg12 : memref<40x128xf32, #tpu.memory_space<vmem>>) dst(%dma_wait3A_66 : memref<10000x128xf32, #tpu.memory_space<vmem_shared>>)
    %dma_wait3A_67 = arith.constant 0 : i32
    %dma_wait3A_68 = tpu.memref_slice %arg8[%dma_wait3A_67] : memref<10000xi32, #tpu.memory_space<vmem>> -> memref<40xi32, #tpu.memory_space<vmem>>
    %dma_wait3A_69 = arith.constant 0 : i32
    %dma_wait3A_70 = arith.constant 0 : i32
    %dma_wait3A_71 = tpu.memref_slice %arg14[%dma_wait3A_69, %dma_wait3A_70] : memref<10000x128xf32, #tpu.memory_space<vmem_shared>> -> memref<10000x128xf32, #tpu.memory_space<vmem_shared>>
    tpu.wait_indirect_dma semaphore(%arg24 : memref<!tpu.dma_semaphore, #tpu.memory_space<semaphore_mem>>) src(%arg13 : memref<40x128xf32, #tpu.memory_space<vmem>>) dst(%dma_wait3A_71 : memref<10000x128xf32, #tpu.memory_space<vmem_shared>>)
    %barrier3A_72 = arith.constant 0 : index
    tpu.barrier barrier_id(%barrier3A_72)
    %lt3A_73 = arith.constant 15 : i32
    %lt3A_74 = arith.cmpi slt, %arg1, %lt3A_73 : i32
    %convert_element_type3A_75 = arith.extui %lt3A_74 : i1 to i32
    %cond3A_76 = arith.constant 0 : i32
    %cond3A_77 = arith.cmpi ne, %convert_element_type3A_75, %cond3A_76 : i32
    scf.if %cond3A_77 {
      %mul3A_83 = arith.constant 624 : i32
      %mul3A_84 = arith.muli %arg1, %mul3A_83 : i32
      %mul3A_85 = arith.constant 624 : i32
      %mul3A_86 = arith.muli %arg1, %mul3A_85 : i32
      "tpu.region"() ({
        %run_scoped3A = tpu.sem_alloc : memref<!tpu.dma_semaphore, #tpu.memory_space<semaphore_mem>>
        %dma_start3A_87 = arith.constant 0 : i32
        %dma_start3A_88 = tpu.memref_slice %arg6[%arg0, %mul3A_86, %dma_start3A_87] : memref<2x10000x128xf32, #tpu.memory_space<hbm>> -> memref<1x624x128xf32, #tpu.memory_space<hbm>>
        %dma_start3A_89 = tpu.memref_squeeze %dma_start3A_88 : memref<1x624x128xf32, #tpu.memory_space<hbm>> -> memref<624x128xf32, #tpu.memory_space<hbm>>
        %dma_start3A_90 = arith.constant 0 : i32
        %dma_start3A_91 = tpu.memref_slice %arg14[%mul3A_84, %dma_start3A_90] : memref<10000x128xf32, #tpu.memory_space<vmem_shared>> -> memref<624x128xf32, #tpu.memory_space<vmem_shared>>
        tpu.enqueue_dma source(%dma_start3A_91 : memref<624x128xf32, #tpu.memory_space<vmem_shared>>) target(%dma_start3A_89 : memref<624x128xf32, #tpu.memory_space<hbm>>) target_semaphore(%run_scoped3A : memref<!tpu.dma_semaphore, #tpu.memory_space<semaphore_mem>>)
        %dma_wait3A_92 = arith.constant 0 : i32
        %dma_wait3A_93 = tpu.memref_slice %arg6[%arg0, %mul3A_86, %dma_wait3A_92] : memref<2x10000x128xf32, #tpu.memory_space<hbm>> -> memref<1x624x128xf32, #tpu.memory_space<hbm>>
        %dma_wait3A_94 = tpu.memref_squeeze %dma_wait3A_93 : memref<1x624x128xf32, #tpu.memory_space<hbm>> -> memref<624x128xf32, #tpu.memory_space<hbm>>
        %dma_wait3A_95 = arith.constant 0 : i32
        %dma_wait3A_96 = tpu.memref_slice %arg14[%mul3A_84, %dma_wait3A_95] : memref<10000x128xf32, #tpu.memory_space<vmem_shared>> -> memref<624x128xf32, #tpu.memory_space<vmem_shared>>
        tpu.wait_dma2 semaphore(%run_scoped3A : memref<!tpu.dma_semaphore, #tpu.memory_space<semaphore_mem>>) src(%dma_wait3A_96 : memref<624x128xf32, #tpu.memory_space<vmem_shared>>) dst(%dma_wait3A_94 : memref<624x128xf32, #tpu.memory_space<hbm>>)
        tpu.yield
      }) : () -> ()
    } else {
    }
    %eq3A_78 = arith.constant 15 : i32
    %eq3A_79 = arith.cmpi eq, %arg1, %eq3A_78 : i32
    %convert_element_type3A_80 = arith.extui %eq3A_79 : i1 to i32
    %cond3A_81 = arith.constant 0 : i32
    %cond3A_82 = arith.cmpi ne, %convert_element_type3A_80, %cond3A_81 : i32
    scf.if %cond3A_82 {
      "tpu.region"() ({
        %run_scoped3A = tpu.sem_alloc : memref<!tpu.dma_semaphore, #tpu.memory_space<semaphore_mem>>
        %dma_start3A_83 = arith.constant 9360 : i32
        %dma_start3A_84 = arith.constant 0 : i32
        %dma_start3A_85 = tpu.memref_slice %arg6[%arg0, %dma_start3A_83, %dma_start3A_84] : memref<2x10000x128xf32, #tpu.memory_space<hbm>> -> memref<1x640x128xf32, #tpu.memory_space<hbm>>
        %dma_start3A_86 = tpu.memref_squeeze %dma_start3A_85 : memref<1x640x128xf32, #tpu.memory_space<hbm>> -> memref<640x128xf32, #tpu.memory_space<hbm>>
        %dma_start3A_87 = arith.constant 9360 : i32
        %dma_start3A_88 = arith.constant 0 : i32
        %dma_start3A_89 = tpu.memref_slice %arg14[%dma_start3A_87, %dma_start3A_88] : memref<10000x128xf32, #tpu.memory_space<vmem_shared>> -> memref<640x128xf32, #tpu.memory_space<vmem_shared>>
        tpu.enqueue_dma source(%dma_start3A_89 : memref<640x128xf32, #tpu.memory_space<vmem_shared>>) target(%dma_start3A_86 : memref<640x128xf32, #tpu.memory_space<hbm>>) target_semaphore(%run_scoped3A : memref<!tpu.dma_semaphore, #tpu.memory_space<semaphore_mem>>)
        %dma_wait3A_90 = arith.constant 9360 : i32
        %dma_wait3A_91 = arith.constant 0 : i32
        %dma_wait3A_92 = tpu.memref_slice %arg6[%arg0, %dma_wait3A_90, %dma_wait3A_91] : memref<2x10000x128xf32, #tpu.memory_space<hbm>> -> memref<1x640x128xf32, #tpu.memory_space<hbm>>
        %dma_wait3A_93 = tpu.memref_squeeze %dma_wait3A_92 : memref<1x640x128xf32, #tpu.memory_space<hbm>> -> memref<640x128xf32, #tpu.memory_space<hbm>>
        %dma_wait3A_94 = arith.constant 9360 : i32
        %dma_wait3A_95 = arith.constant 0 : i32
        %dma_wait3A_96 = tpu.memref_slice %arg14[%dma_wait3A_94, %dma_wait3A_95] : memref<10000x128xf32, #tpu.memory_space<vmem_shared>> -> memref<640x128xf32, #tpu.memory_space<vmem_shared>>
        tpu.wait_dma2 semaphore(%run_scoped3A : memref<!tpu.dma_semaphore, #tpu.memory_space<semaphore_mem>>) src(%dma_wait3A_96 : memref<640x128xf32, #tpu.memory_space<vmem_shared>>) dst(%dma_wait3A_93 : memref<640x128xf32, #tpu.memory_space<hbm>>)
        tpu.yield
      }) : () -> ()
    } else {
    }
    return
  }
}

module attributes {stable_mosaic.version = 14 : i64} {
  func.func @_proj_body(%arg0: i32, %arg1: memref<2000x128xf32, #tpu.memory_space<vmem>>, %arg2: memref<128x128xf32, #tpu.memory_space<vmem>>, %arg3: memref<1x128xf32, #tpu.memory_space<vmem>>, %arg4: memref<2000x128xf32, #tpu.memory_space<vmem>>) attributes {dimension_semantics = [#tpu.dimension_semantics<arbitrary>], iteration_bounds = array<i64: 5>, scalar_prefetch = 0 : i64, scratch_operands = 0 : i64, tpu.core_type = #tpu.core_type<tc>, window_params = [{transform_indices = @transform_0, window_bounds = array<i64: 2000, 128>}, {pipeline_mode = #tpu.pipeline_mode<synchronous>, transform_indices = @transform_1, window_bounds = array<i64: 128, 128>}, {pipeline_mode = #tpu.pipeline_mode<synchronous>, transform_indices = @transform_2, window_bounds = array<i64: 1, 128>}, {transform_indices = @transform_3, window_bounds = array<i64: 2000, 128>}]} {
    %get3A = arith.constant 0 : index
    %get3A_0 = arith.constant 0 : index
    %get3A_1 = vector.load %arg1[%get3A, %get3A_0] : memref<2000x128xf32, #tpu.memory_space<vmem>>, vector<2000x128xf32>
    %get3A_2 = arith.constant 0 : index
    %get3A_3 = arith.constant 0 : index
    %get3A_4 = vector.load %arg2[%get3A_2, %get3A_3] : memref<128x128xf32, #tpu.memory_space<vmem>>, vector<128x128xf32>
    %dot_general3A = arith.constant dense<0.000000e+00> : vector<2000x128xf32>
    %dot_general3A_5 = tpu.matmul %get3A_1, %get3A_4, %dot_general3A {dimension_numbers = #tpu.dot_dimension_numbers<[1], [0], [0], [1], [0, 0, 1, 1], [], []>, precision = #tpu.contract_precision<fp32>, transpose_lhs_hint = false} : vector<2000x128xf32>, vector<128x128xf32>, vector<2000x128xf32> -> vector<2000x128xf32>
    %get3A_6 = arith.constant 0 : index
    %get3A_7 = arith.constant 0 : index
    %get3A_8 = vector.load %arg3[%get3A_6, %get3A_7] : memref<1x128xf32, #tpu.memory_space<vmem>>, vector<1x128xf32>
    %add3A = vector.broadcast %get3A_8 : vector<1x128xf32> to vector<2000x128xf32>
    %add3A_9 = arith.addf %dot_general3A_5, %add3A : vector<2000x128xf32>
    %swap3A = arith.constant 0 : index
    %swap3A_10 = arith.constant 0 : index
    %swap3A_11 = vector.load %arg4[%swap3A, %swap3A_10] : memref<2000x128xf32, #tpu.memory_space<vmem>>, vector<2000x128xf32>
    tpu.vector_store %arg4[%swap3A, %swap3A_10], %add3A_9 {strides = array<i32>} : memref<2000x128xf32, #tpu.memory_space<vmem>>, vector<2000x128xf32>,
    return
  }
  func.func @transform_0(%arg0: i32) -> (i32, i32) {
    %c0_i32 = arith.constant 0 : i32
    %c0_i32_0 = arith.constant 0 : i32
    return %arg0, %c0_i32 : i32, i32
  }
  func.func @transform_1(%arg0: i32) -> (i32, i32) {
    %c0_i32 = arith.constant 0 : i32
    %c0_i32_0 = arith.constant 0 : i32
    %c0_i32_1 = arith.constant 0 : i32
    return %c0_i32, %c0_i32_0 : i32, i32
  }
  func.func @transform_2(%arg0: i32) -> (i32, i32) {
    %c0_i32 = arith.constant 0 : i32
    %c0_i32_0 = arith.constant 0 : i32
    %c0_i32_1 = arith.constant 0 : i32
    return %c0_i32, %c0_i32_0 : i32, i32
  }
  func.func @transform_3(%arg0: i32) -> (i32, i32) {
    %c0_i32 = arith.constant 0 : i32
    %c0_i32_0 = arith.constant 0 : i32
    return %arg0, %c0_i32 : i32, i32
  }
}

module attributes {stable_mosaic.version = 14 : i64} {
  func.func @_scalemm_body(%arg0: i32, %arg1: memref<32x10112xf32, #tpu.memory_space<vmem>>, %arg2: memref<2000x128xf32, #tpu.memory_space<vmem>>, %arg3: memref<128x128xf32, #tpu.memory_space<vmem>>, %arg4: memref<2000x128xf32, #tpu.memory_space<vmem>>, %arg5: memref<10112x1xf32, #tpu.memory_space<vmem>>, %arg6: memref<10112x1xf32, #tpu.memory_space<vmem>>) attributes {dimension_semantics = [#tpu.dimension_semantics<arbitrary>], iteration_bounds = array<i64: 5>, scalar_prefetch = 0 : i64, scratch_operands = 1 : i64, tpu.core_type = #tpu.core_type<tc>, window_params = [{pipeline_mode = #tpu.pipeline_mode<synchronous>, transform_indices = @transform_0, window_bounds = array<i64: 32, 10112>}, {transform_indices = @transform_1, window_bounds = array<i64: 2000, 128>}, {pipeline_mode = #tpu.pipeline_mode<synchronous>, transform_indices = @transform_2, window_bounds = array<i64: 128, 128>}, {transform_indices = @transform_3, window_bounds = array<i64: 2000, 128>}, {pipeline_mode = #tpu.pipeline_mode<synchronous>, transform_indices = @transform_4, window_bounds = array<i64: 10112, 1>}]} {
    %eq3A = arith.constant 0 : i32
    %eq3A_0 = arith.cmpi eq, %arg0, %eq3A : i32
    %convert_element_type3A = arith.extui %eq3A_0 : i1 to i32
    %cond3A = arith.constant 0 : i32
    %cond3A_1 = arith.cmpi ne, %convert_element_type3A, %cond3A : i32
    scf.if %cond3A_1 {
      %broadcast_in_dim3A = arith.constant 1.000000e+00 : f32
      %broadcast_in_dim3A_16 = vector.broadcast %broadcast_in_dim3A : f32 to vector<32x1xf32>
      %get3A_17 = arith.constant 0 : index
      %get3A_18 = arith.constant 0 : index
      %get3A_19 = vector.load %arg1[%get3A_17, %get3A_18] : memref<32x10112xf32, #tpu.memory_space<vmem>>, vector<32x10112xf32>
      %dot_general3A_20 = arith.constant dense<0.000000e+00> : vector<10112x1xf32>
      %dot_general3A_21 = tpu.matmul %get3A_19, %broadcast_in_dim3A_16, %dot_general3A_20 {dimension_numbers = #tpu.dot_dimension_numbers<[0], [0], [1], [1], [0, 1, 1, 1], [], []>, precision = #tpu.contract_precision<fp32>, transpose_lhs_hint = false} : vector<32x10112xf32>, vector<32x1xf32>, vector<10112x1xf32> -> vector<10112x1xf32>
      %add3A = arith.constant 2.000000e+00 : f32
      %add3A_22 = vector.broadcast %add3A : f32 to vector<10112x1xf32>
      %add3A_23 = arith.addf %dot_general3A_21, %add3A_22 : vector<10112x1xf32>
      %rsqrt3A = math.rsqrt %add3A_23 : vector<10112x1xf32>
      %swap3A_24 = arith.constant 0 : index
      %swap3A_25 = arith.constant 0 : index
      %swap3A_26 = vector.load %arg6[%swap3A_24, %swap3A_25] : memref<10112x1xf32, #tpu.memory_space<vmem>>, vector<10112x1xf32>
      tpu.vector_store %arg6[%swap3A_24, %swap3A_25], %rsqrt3A {strides = array<i32>} : memref<10112x1xf32, #tpu.memory_space<vmem>>, vector<10112x1xf32>,
      %swap3A_27 = arith.constant 0 : index
      %swap3A_28 = arith.constant 0 : index
      %swap3A_29 = vector.load %arg5[%swap3A_27, %swap3A_28] : memref<10112x1xf32, #tpu.memory_space<vmem>>, vector<10112x1xf32>
      tpu.vector_store %arg5[%swap3A_27, %swap3A_28], %rsqrt3A {strides = array<i32>} : memref<10112x1xf32, #tpu.memory_space<vmem>>, vector<10112x1xf32>,
    } else {
    }
    %get3A = arith.constant 0 : index
    %get3A_2 = arith.constant 0 : index
    %get3A_3 = vector.load %arg2[%get3A, %get3A_2] : memref<2000x128xf32, #tpu.memory_space<vmem>>, vector<2000x128xf32>
    %get3A_4 = arith.constant 0 : index
    %get3A_5 = arith.constant 0 : index
    %get3A_6 = vector.load %arg3[%get3A_4, %get3A_5] : memref<128x128xf32, #tpu.memory_space<vmem>>, vector<128x128xf32>
    %dot_general3A = arith.constant dense<0.000000e+00> : vector<2000x128xf32>
    %dot_general3A_7 = tpu.matmul %get3A_3, %get3A_6, %dot_general3A {dimension_numbers = #tpu.dot_dimension_numbers<[1], [0], [0], [1], [0, 0, 1, 1], [], []>, precision = #tpu.contract_precision<fp32>, transpose_lhs_hint = false} : vector<2000x128xf32>, vector<128x128xf32>, vector<2000x128xf32> -> vector<2000x128xf32>
    %mul3A = arith.constant 2000 : i32
    %mul3A_8 = arith.muli %arg0, %mul3A : i32
    %get3A_9 = arith.index_cast %mul3A_8 : i32 to index
    %get3A_10 = arith.constant 0 : index
    %get3A_11 = vector.load %arg6[%get3A_9, %get3A_10] : memref<10112x1xf32, #tpu.memory_space<vmem>>, vector<2000x1xf32>
    %mul3A_12 = vector.broadcast %get3A_11 : vector<2000x1xf32> to vector<2000x128xf32>
    %mul3A_13 = arith.mulf %dot_general3A_7, %mul3A_12 : vector<2000x128xf32>
    %swap3A = arith.constant 0 : index
    %swap3A_14 = arith.constant 0 : index
    %swap3A_15 = vector.load %arg4[%swap3A, %swap3A_14] : memref<2000x128xf32, #tpu.memory_space<vmem>>, vector<2000x128xf32>
    tpu.vector_store %arg4[%swap3A, %swap3A_14], %mul3A_13 {strides = array<i32>} : memref<2000x128xf32, #tpu.memory_space<vmem>>, vector<2000x128xf32>,
    return
  }
  func.func @transform_0(%arg0: i32) -> (i32, i32) {
    %c0_i32 = arith.constant 0 : i32
    %c0_i32_0 = arith.constant 0 : i32
    %c0_i32_1 = arith.constant 0 : i32
    return %c0_i32, %c0_i32_0 : i32, i32
  }
  func.func @transform_1(%arg0: i32) -> (i32, i32) {
    %c0_i32 = arith.constant 0 : i32
    %c0_i32_0 = arith.constant 0 : i32
    return %arg0, %c0_i32 : i32, i32
  }
  func.func @transform_2(%arg0: i32) -> (i32, i32) {
    %c0_i32 = arith.constant 0 : i32
    %c0_i32_0 = arith.constant 0 : i32
    %c0_i32_1 = arith.constant 0 : i32
    return %c0_i32, %c0_i32_0 : i32, i32
  }
  func.func @transform_3(%arg0: i32) -> (i32, i32) {
    %c0_i32 = arith.constant 0 : i32
    %c0_i32_0 = arith.constant 0 : i32
    return %arg0, %c0_i32 : i32, i32
  }
  func.func @transform_4(%arg0: i32) -> (i32, i32) {
    %c0_i32 = arith.constant 0 : i32
    %c0_i32_0 = arith.constant 0 : i32
    %c0_i32_1 = arith.constant 0 : i32
    return %c0_i32, %c0_i32_0 : i32, i32
  }
}

module attributes {stable_mosaic.version = 14 : i64} {
  func.func @_postmm_body(%arg0: i32, %arg1: i32, %arg2: memref<2x2000x128xf32, #tpu.memory_space<vmem>>, %arg3: memref<2000x128xf32, #tpu.memory_space<vmem>>, %arg4: memref<2000x1xf32, #tpu.memory_space<vmem>>, %arg5: memref<1x128xf32, #tpu.memory_space<vmem>>, %arg6: memref<1x128xf32, #tpu.memory_space<vmem>>, %arg7: memref<1x128xf32, #tpu.memory_space<vmem>>, %arg8: memref<2000x128xf32, #tpu.memory_space<vmem>>, %arg9: memref<128x128xf32, #tpu.memory_space<vmem>>, %arg10: memref<2000x128xf32, #tpu.memory_space<vmem>>, %arg11: memref<2000x128xf32, #tpu.memory_space<vmem>>, %arg12: memref<10000x128xf32, #tpu.memory_space<vmem>>, %arg13: memref<8x128xf32, #tpu.memory_space<vmem>>, %arg14: memref<8x128xf32, #tpu.memory_space<vmem>>) attributes {dimension_semantics = [#tpu.dimension_semantics<arbitrary>, #tpu.dimension_semantics<arbitrary>], iteration_bounds = array<i64: 2, 5>, scalar_prefetch = 0 : i64, scratch_operands = 3 : i64, tpu.core_type = #tpu.core_type<tc>, window_params = [{transform_indices = @transform_0, window_bounds = array<i64: 2, 2000, 128>}, {transform_indices = @transform_1, window_bounds = array<i64: 2000, 128>}, {transform_indices = @transform_2, window_bounds = array<i64: 2000, 1>}, {pipeline_mode = #tpu.pipeline_mode<synchronous>, transform_indices = @transform_3, window_bounds = array<i64: 1, 128>}, {pipeline_mode = #tpu.pipeline_mode<synchronous>, transform_indices = @transform_4, window_bounds = array<i64: 1, 128>}, {pipeline_mode = #tpu.pipeline_mode<synchronous>, transform_indices = @transform_5, window_bounds = array<i64: 1, 128>}, {transform_indices = @transform_6, window_bounds = array<i64: 2000, 128>}, {pipeline_mode = #tpu.pipeline_mode<synchronous>, transform_indices = @transform_7, window_bounds = array<i64: 128, 128>}, {transform_indices = @transform_8, window_bounds = array<i64: 2000, 128>}, {transform_indices = @transform_9, window_bounds = array<i64: 2000, 128>}]} {
    %eq3A = arith.constant 0 : i32
    %eq3A_0 = arith.cmpi eq, %arg0, %eq3A : i32
    %convert_element_type3A = arith.extui %eq3A_0 : i1 to i32
    %cond3A = arith.constant 0 : i32
    %cond3A_1 = arith.cmpi ne, %convert_element_type3A, %cond3A : i32
    scf.if %cond3A_1 {
      %get3A = arith.constant 0 : index
      %get3A_7 = arith.constant 0 : index
      %get3A_8 = vector.load %arg4[%get3A, %get3A_7] : memref<2000x1xf32, #tpu.memory_space<vmem>>, vector<2000x1xf32>
      %get3A_9 = arith.constant 0 : index
      %get3A_10 = arith.constant 0 : index
      %get3A_11 = arith.constant 0 : index
      %get3A_12 = vector.load %arg2[%get3A_9, %get3A_10, %get3A_11] : memref<2x2000x128xf32, #tpu.memory_space<vmem>>, vector<1x2000x128xf32>
      %get3A_13 = vector.shape_cast %get3A_12 : vector<1x2000x128xf32> to vector<2000x128xf32>
      %get3A_14 = arith.constant 1 : index
      %get3A_15 = arith.constant 0 : index
      %get3A_16 = arith.constant 0 : index
      %get3A_17 = vector.load %arg2[%get3A_14, %get3A_15, %get3A_16] : memref<2x2000x128xf32, #tpu.memory_space<vmem>>, vector<1x2000x128xf32>
      %get3A_18 = vector.shape_cast %get3A_17 : vector<1x2000x128xf32> to vector<2000x128xf32>
      %add3A = arith.addf %get3A_13, %get3A_18 : vector<2000x128xf32>
      %get3A_19 = arith.constant 0 : index
      %get3A_20 = arith.constant 0 : index
      %get3A_21 = vector.load %arg3[%get3A_19, %get3A_20] : memref<2000x128xf32, #tpu.memory_space<vmem>>, vector<2000x128xf32>
      %mul3A = arith.constant 2.000000e+00 : f32
      %mul3A_22 = vector.broadcast %mul3A : f32 to vector<2000x128xf32>
      %mul3A_23 = arith.mulf %mul3A_22, %get3A_21 : vector<2000x128xf32>
      %add3A_24 = arith.addf %add3A, %mul3A_23 : vector<2000x128xf32>
      %mul3A_25 = vector.broadcast %get3A_8 : vector<2000x1xf32> to vector<2000x128xf32>
      %mul3A_26 = arith.mulf %mul3A_25, %add3A_24 : vector<2000x128xf32>
      %get3A_27 = arith.constant 0 : index
      %get3A_28 = arith.constant 0 : index
      %get3A_29 = vector.load %arg5[%get3A_27, %get3A_28] : memref<1x128xf32, #tpu.memory_space<vmem>>, vector<1x128xf32>
      %add3A_30 = vector.broadcast %get3A_29 : vector<1x128xf32> to vector<2000x128xf32>
      %add3A_31 = arith.addf %mul3A_26, %add3A_30 : vector<2000x128xf32>
      %mul3A_32 = arith.constant 2000 : i32
      %mul3A_33 = arith.muli %arg1, %mul3A_32 : i32
      %swap3A = arith.index_cast %mul3A_33 : i32 to index
      %swap3A_34 = arith.constant 0 : index
      %swap3A_35 = vector.load %arg12[%swap3A, %swap3A_34] : memref<10000x128xf32, #tpu.memory_space<vmem>>, vector<2000x128xf32>
      tpu.vector_store %arg12[%swap3A, %swap3A_34], %add3A_31 {strides = array<i32>} : memref<10000x128xf32, #tpu.memory_space<vmem>>, vector<2000x128xf32>,
      %reduce_sum3A = arith.constant dense<0.000000e+00> : vector<128xf32>
      %reduce_sum3A_36 = vector.multi_reduction <add>, %add3A_31, %reduce_sum3A [0] : vector<2000x128xf32> to vector<128xf32>
      %broadcast_in_dim3A = vector.shape_cast %reduce_sum3A_36 : vector<128xf32> to vector<1x128xf32>
      %mul3A_37 = arith.mulf %add3A_31, %add3A_31 : vector<2000x128xf32>
      %reduce_sum3A_38 = arith.constant dense<0.000000e+00> : vector<128xf32>
      %reduce_sum3A_39 = vector.multi_reduction <add>, %mul3A_37, %reduce_sum3A_38 [0] : vector<2000x128xf32> to vector<128xf32>
      %broadcast_in_dim3A_40 = vector.shape_cast %reduce_sum3A_39 : vector<128xf32> to vector<1x128xf32>
      %eq3A_41 = arith.constant 0 : i32
      %eq3A_42 = arith.cmpi eq, %arg1, %eq3A_41 : i32
      %convert_element_type3A_43 = arith.extui %eq3A_42 : i1 to i32
      %cond3A_44 = arith.constant 0 : i32
      %cond3A_45 = arith.cmpi ne, %convert_element_type3A_43, %cond3A_44 : i32
      scf.if %cond3A_45 {
        %swap3A_50 = arith.constant 0 : index
        %swap3A_51 = arith.constant 0 : index
        %swap3A_52 = vector.load %arg13[%swap3A_50, %swap3A_51] : memref<8x128xf32, #tpu.memory_space<vmem>>, vector<1x128xf32>
        tpu.vector_store %arg13[%swap3A_50, %swap3A_51], %broadcast_in_dim3A {strides = array<i32>} : memref<8x128xf32, #tpu.memory_space<vmem>>, vector<1x128xf32>,
        %swap3A_53 = arith.constant 0 : index
        %swap3A_54 = arith.constant 0 : index
        %swap3A_55 = vector.load %arg14[%swap3A_53, %swap3A_54] : memref<8x128xf32, #tpu.memory_space<vmem>>, vector<1x128xf32>
        tpu.vector_store %arg14[%swap3A_53, %swap3A_54], %broadcast_in_dim3A_40 {strides = array<i32>} : memref<8x128xf32, #tpu.memory_space<vmem>>, vector<1x128xf32>,
      } else {
      }
      %gt3A = arith.constant 0 : i32
      %gt3A_46 = arith.cmpi sgt, %arg1, %gt3A : i32
      %convert_element_type3A_47 = arith.extui %gt3A_46 : i1 to i32
      %cond3A_48 = arith.constant 0 : i32
      %cond3A_49 = arith.cmpi ne, %convert_element_type3A_47, %cond3A_48 : i32
      scf.if %cond3A_49 {
        %get3A_50 = arith.constant 0 : index
        %get3A_51 = arith.constant 0 : index
        %get3A_52 = vector.load %arg13[%get3A_50, %get3A_51] : memref<8x128xf32, #tpu.memory_space<vmem>>, vector<1x128xf32>
        %add3A_53 = arith.addf %get3A_52, %broadcast_in_dim3A : vector<1x128xf32>
        %swap3A_54 = arith.constant 0 : index
        %swap3A_55 = arith.constant 0 : index
        %swap3A_56 = vector.load %arg13[%swap3A_54, %swap3A_55] : memref<8x128xf32, #tpu.memory_space<vmem>>, vector<1x128xf32>
        tpu.vector_store %arg13[%swap3A_54, %swap3A_55], %add3A_53 {strides = array<i32>} : memref<8x128xf32, #tpu.memory_space<vmem>>, vector<1x128xf32>,
        %get3A_57 = arith.constant 0 : index
        %get3A_58 = arith.constant 0 : index
        %get3A_59 = vector.load %arg14[%get3A_57, %get3A_58] : memref<8x128xf32, #tpu.memory_space<vmem>>, vector<1x128xf32>
        %add3A_60 = arith.addf %get3A_59, %broadcast_in_dim3A_40 : vector<1x128xf32>
        %swap3A_61 = arith.constant 0 : index
        %swap3A_62 = arith.constant 0 : index
        %swap3A_63 = vector.load %arg14[%swap3A_61, %swap3A_62] : memref<8x128xf32, #tpu.memory_space<vmem>>, vector<1x128xf32>
        tpu.vector_store %arg14[%swap3A_61, %swap3A_62], %add3A_60 {strides = array<i32>} : memref<8x128xf32, #tpu.memory_space<vmem>>, vector<1x128xf32>,
      } else {
      }
    } else {
    }
    %eq3A_2 = arith.constant 1 : i32
    %eq3A_3 = arith.cmpi eq, %arg0, %eq3A_2 : i32
    %convert_element_type3A_4 = arith.extui %eq3A_3 : i1 to i32
    %cond3A_5 = arith.constant 0 : i32
    %cond3A_6 = arith.cmpi ne, %convert_element_type3A_4, %cond3A_5 : i32
    scf.if %cond3A_6 {
      %get3A = arith.constant 0 : index
      %get3A_7 = arith.constant 0 : index
      %get3A_8 = vector.load %arg13[%get3A, %get3A_7] : memref<8x128xf32, #tpu.memory_space<vmem>>, vector<1x128xf32>
      %div3A = arith.constant 1.000000e+04 : f32
      %div3A_9 = vector.broadcast %div3A : f32 to vector<1x128xf32>
      %div3A_10 = arith.divf %get3A_8, %div3A_9 : vector<1x128xf32>
      %get3A_11 = arith.constant 0 : index
      %get3A_12 = arith.constant 0 : index
      %get3A_13 = vector.load %arg14[%get3A_11, %get3A_12] : memref<8x128xf32, #tpu.memory_space<vmem>>, vector<1x128xf32>
      %div3A_14 = arith.constant 1.000000e+04 : f32
      %div3A_15 = vector.broadcast %div3A_14 : f32 to vector<1x128xf32>
      %div3A_16 = arith.divf %get3A_13, %div3A_15 : vector<1x128xf32>
      %mul3A = arith.mulf %div3A_10, %div3A_10 : vector<1x128xf32>
      %sub3A = arith.subf %div3A_16, %mul3A : vector<1x128xf32>
      %mul3A_17 = arith.constant 2000 : i32
      %mul3A_18 = arith.muli %arg1, %mul3A_17 : i32
      %get3A_19 = arith.index_cast %mul3A_18 : i32 to index
      %get3A_20 = arith.constant 0 : index
      %get3A_21 = vector.load %arg12[%get3A_19, %get3A_20] : memref<10000x128xf32, #tpu.memory_space<vmem>>, vector<2000x128xf32>
      %sub3A_22 = vector.broadcast %div3A_10 : vector<1x128xf32> to vector<2000x128xf32>
      %sub3A_23 = arith.subf %get3A_21, %sub3A_22 : vector<2000x128xf32>
      %add3A = arith.constant 9.99999974E-6 : f32
      %add3A_24 = vector.broadcast %add3A : f32 to vector<1x128xf32>
      %add3A_25 = arith.addf %sub3A, %add3A_24 : vector<1x128xf32>
      %rsqrt3A = math.rsqrt %add3A_25 : vector<1x128xf32>
      %mul3A_26 = vector.broadcast %rsqrt3A : vector<1x128xf32> to vector<2000x128xf32>
      %mul3A_27 = arith.mulf %sub3A_23, %mul3A_26 : vector<2000x128xf32>
      %get3A_28 = arith.constant 0 : index
      %get3A_29 = arith.constant 0 : index
      %get3A_30 = vector.load %arg6[%get3A_28, %get3A_29] : memref<1x128xf32, #tpu.memory_space<vmem>>, vector<1x128xf32>
      %mul3A_31 = vector.broadcast %get3A_30 : vector<1x128xf32> to vector<2000x128xf32>
      %mul3A_32 = arith.mulf %mul3A_27, %mul3A_31 : vector<2000x128xf32>
      %get3A_33 = arith.constant 0 : index
      %get3A_34 = arith.constant 0 : index
      %get3A_35 = vector.load %arg7[%get3A_33, %get3A_34] : memref<1x128xf32, #tpu.memory_space<vmem>>, vector<1x128xf32>
      %add3A_36 = vector.broadcast %get3A_35 : vector<1x128xf32> to vector<2000x128xf32>
      %add3A_37 = arith.addf %mul3A_32, %add3A_36 : vector<2000x128xf32>
      %max3A = arith.constant 0.000000e+00 : f32
      %max3A_38 = vector.broadcast %max3A : f32 to vector<2000x128xf32>
      %max3A_39 = arith.maximumf %add3A_37, %max3A_38 : vector<2000x128xf32>
      %get3A_40 = arith.constant 0 : index
      %get3A_41 = arith.constant 0 : index
      %get3A_42 = vector.load %arg8[%get3A_40, %get3A_41] : memref<2000x128xf32, #tpu.memory_space<vmem>>, vector<2000x128xf32>
      %add3A_43 = arith.addf %max3A_39, %get3A_42 : vector<2000x128xf32>
      %swap3A = arith.constant 0 : index
      %swap3A_44 = arith.constant 0 : index
      %swap3A_45 = vector.load %arg10[%swap3A, %swap3A_44] : memref<2000x128xf32, #tpu.memory_space<vmem>>, vector<2000x128xf32>
      tpu.vector_store %arg10[%swap3A, %swap3A_44], %add3A_43 {strides = array<i32>} : memref<2000x128xf32, #tpu.memory_space<vmem>>, vector<2000x128xf32>,
      %get3A_46 = arith.constant 0 : index
      %get3A_47 = arith.constant 0 : index
      %get3A_48 = vector.load %arg9[%get3A_46, %get3A_47] : memref<128x128xf32, #tpu.memory_space<vmem>>, vector<128x128xf32>
      %dot_general3A = arith.constant dense<0.000000e+00> : vector<2000x128xf32>
      %dot_general3A_49 = tpu.matmul %add3A_43, %get3A_48, %dot_general3A {dimension_numbers = #tpu.dot_dimension_numbers<[1], [0], [0], [1], [0, 0, 1, 1], [], []>, precision = #tpu.contract_precision<fp32>, transpose_lhs_hint = false} : vector<2000x128xf32>, vector<128x128xf32>, vector<2000x128xf32> -> vector<2000x128xf32>
      %get3A_50 = arith.constant 0 : index
      %get3A_51 = arith.constant 0 : index
      %get3A_52 = vector.load %arg4[%get3A_50, %get3A_51] : memref<2000x1xf32, #tpu.memory_space<vmem>>, vector<2000x1xf32>
      %mul3A_53 = vector.broadcast %get3A_52 : vector<2000x1xf32> to vector<2000x128xf32>
      %mul3A_54 = arith.mulf %dot_general3A_49, %mul3A_53 : vector<2000x128xf32>
      %swap3A_55 = arith.constant 0 : index
      %swap3A_56 = arith.constant 0 : index
      %swap3A_57 = vector.load %arg11[%swap3A_55, %swap3A_56] : memref<2000x128xf32, #tpu.memory_space<vmem>>, vector<2000x128xf32>
      tpu.vector_store %arg11[%swap3A_55, %swap3A_56], %mul3A_54 {strides = array<i32>} : memref<2000x128xf32, #tpu.memory_space<vmem>>, vector<2000x128xf32>,
    } else {
    }
    return
  }
  func.func @transform_0(%arg0: i32, %arg1: i32) -> (i32, i32, i32) {
    %sub3A = arith.constant 1 : i32
    %sub3A_0 = arith.subi %sub3A, %arg0 : i32
    %mul3A = arith.muli %sub3A_0, %arg1 : i32
    %c0_i32 = arith.constant 0 : i32
    %c0_i32_1 = arith.constant 0 : i32
    %c0_i32_2 = arith.constant 0 : i32
    return %c0_i32, %mul3A, %c0_i32_1 : i32, i32, i32
  }
  func.func @transform_1(%arg0: i32, %arg1: i32) -> (i32, i32) {
    %sub3A = arith.constant 1 : i32
    %sub3A_0 = arith.subi %sub3A, %arg0 : i32
    %mul3A = arith.muli %sub3A_0, %arg1 : i32
    %c0_i32 = arith.constant 0 : i32
    %c0_i32_1 = arith.constant 0 : i32
    return %mul3A, %c0_i32 : i32, i32
  }
  func.func @transform_2(%arg0: i32, %arg1: i32) -> (i32, i32) {
    %c0_i32 = arith.constant 0 : i32
    %c0_i32_0 = arith.constant 0 : i32
    return %arg1, %c0_i32 : i32, i32
  }
  func.func @transform_3(%arg0: i32, %arg1: i32) -> (i32, i32) {
    %c0_i32 = arith.constant 0 : i32
    %c0_i32_0 = arith.constant 0 : i32
    %c0_i32_1 = arith.constant 0 : i32
    return %c0_i32, %c0_i32_0 : i32, i32
  }
  func.func @transform_4(%arg0: i32, %arg1: i32) -> (i32, i32) {
    %c0_i32 = arith.constant 0 : i32
    %c0_i32_0 = arith.constant 0 : i32
    %c0_i32_1 = arith.constant 0 : i32
    return %c0_i32, %c0_i32_0 : i32, i32
  }
  func.func @transform_5(%arg0: i32, %arg1: i32) -> (i32, i32) {
    %c0_i32 = arith.constant 0 : i32
    %c0_i32_0 = arith.constant 0 : i32
    %c0_i32_1 = arith.constant 0 : i32
    return %c0_i32, %c0_i32_0 : i32, i32
  }
  func.func @transform_6(%arg0: i32, %arg1: i32) -> (i32, i32) {
    %mul3A = arith.muli %arg0, %arg1 : i32
    %c0_i32 = arith.constant 0 : i32
    %c0_i32_0 = arith.constant 0 : i32
    return %mul3A, %c0_i32 : i32, i32
  }
  func.func @transform_7(%arg0: i32, %arg1: i32) -> (i32, i32) {
    %c0_i32 = arith.constant 0 : i32
    %c0_i32_0 = arith.constant 0 : i32
    %c0_i32_1 = arith.constant 0 : i32
    return %c0_i32, %c0_i32_0 : i32, i32
  }
  func.func @transform_8(%arg0: i32, %arg1: i32) -> (i32, i32) {
    %mul3A = arith.muli %arg0, %arg1 : i32
    %c0_i32 = arith.constant 0 : i32
    %c0_i32_0 = arith.constant 0 : i32
    return %mul3A, %c0_i32 : i32, i32
  }
  func.func @transform_9(%arg0: i32, %arg1: i32) -> (i32, i32) {
    %mul3A = arith.muli %arg0, %arg1 : i32
    %c0_i32 = arith.constant 0 : i32
    %c0_i32_0 = arith.constant 0 : i32
    return %mul3A, %c0_i32 : i32, i32
  }
}

module attributes {stable_mosaic.version = 14 : i64} {
  func.func @_posttail_body(%arg0: i32, %arg1: i32, %arg2: memref<2x2000x128xf32, #tpu.memory_space<vmem>>, %arg3: memref<2000x128xf32, #tpu.memory_space<vmem>>, %arg4: memref<2000x1xf32, #tpu.memory_space<vmem>>, %arg5: memref<1x128xf32, #tpu.memory_space<vmem>>, %arg6: memref<1x128xf32, #tpu.memory_space<vmem>>, %arg7: memref<1x128xf32, #tpu.memory_space<vmem>>, %arg8: memref<2000x128xf32, #tpu.memory_space<vmem>>, %arg9: memref<1x1x2000xi32, #tpu.memory_space<vmem>>, %arg10: memref<128x128xf32, #tpu.memory_space<vmem>>, %arg11: memref<1x128xf32, #tpu.memory_space<vmem>>, %arg12: memref<128x16xf32, #tpu.memory_space<vmem>>, %arg13: memref<1x16xf32, #tpu.memory_space<vmem>>, %arg14: memref<64x16xf32, #tpu.memory_space<vmem>>, %arg15: memref<10000x128xf32, #tpu.memory_space<vmem>>, %arg16: memref<8x128xf32, #tpu.memory_space<vmem>>, %arg17: memref<8x128xf32, #tpu.memory_space<vmem>>, %arg18: memref<64x128xf32, #tpu.memory_space<vmem>>, %arg19: memref<64x128xf32, #tpu.memory_space<vmem>>) attributes {dimension_semantics = [#tpu.dimension_semantics<arbitrary>, #tpu.dimension_semantics<arbitrary>], iteration_bounds = array<i64: 2, 5>, scalar_prefetch = 0 : i64, scratch_operands = 5 : i64, tpu.core_type = #tpu.core_type<tc>, window_params = [{transform_indices = @transform_0, window_bounds = array<i64: 2, 2000, 128>}, {transform_indices = @transform_1, window_bounds = array<i64: 2000, 128>}, {transform_indices = @transform_2, window_bounds = array<i64: 2000, 1>}, {pipeline_mode = #tpu.pipeline_mode<synchronous>, transform_indices = @transform_3, window_bounds = array<i64: 1, 128>}, {pipeline_mode = #tpu.pipeline_mode<synchronous>, transform_indices = @transform_4, window_bounds = array<i64: 1, 128>}, {pipeline_mode = #tpu.pipeline_mode<synchronous>, transform_indices = @transform_5, window_bounds = array<i64: 1, 128>}, {transform_indices = @transform_6, window_bounds = array<i64: 2000, 128>}, {transform_indices = @transform_7, window_bounds = array<i64: 1, 1, 2000>}, {pipeline_mode = #tpu.pipeline_mode<synchronous>, transform_indices = @transform_8, window_bounds = array<i64: 128, 128>}, {pipeline_mode = #tpu.pipeline_mode<synchronous>, transform_indices = @transform_9, window_bounds = array<i64: 1, 128>}, {pipeline_mode = #tpu.pipeline_mode<synchronous>, transform_indices = @transform_10, window_bounds = array<i64: 128, 16>}, {pipeline_mode = #tpu.pipeline_mode<synchronous>, transform_indices = @transform_11, window_bounds = array<i64: 1, 16>}, {pipeline_mode = #tpu.pipeline_mode<synchronous>, transform_indices = @transform_12, window_bounds = array<i64: 64, 16>}]} {
    %eq3A = arith.constant 0 : i32
    %eq3A_0 = arith.cmpi eq, %arg0, %eq3A : i32
    %convert_element_type3A = arith.extui %eq3A_0 : i1 to i32
    %cond3A = arith.constant 0 : i32
    %cond3A_1 = arith.cmpi ne, %convert_element_type3A, %cond3A : i32
    scf.if %cond3A_1 {
      %get3A = arith.constant 0 : index
      %get3A_7 = arith.constant 0 : index
      %get3A_8 = vector.load %arg4[%get3A, %get3A_7] : memref<2000x1xf32, #tpu.memory_space<vmem>>, vector<2000x1xf32>
      %get3A_9 = arith.constant 0 : index
      %get3A_10 = arith.constant 0 : index
      %get3A_11 = arith.constant 0 : index
      %get3A_12 = vector.load %arg2[%get3A_9, %get3A_10, %get3A_11] : memref<2x2000x128xf32, #tpu.memory_space<vmem>>, vector<1x2000x128xf32>
      %get3A_13 = vector.shape_cast %get3A_12 : vector<1x2000x128xf32> to vector<2000x128xf32>
      %get3A_14 = arith.constant 1 : index
      %get3A_15 = arith.constant 0 : index
      %get3A_16 = arith.constant 0 : index
      %get3A_17 = vector.load %arg2[%get3A_14, %get3A_15, %get3A_16] : memref<2x2000x128xf32, #tpu.memory_space<vmem>>, vector<1x2000x128xf32>
      %get3A_18 = vector.shape_cast %get3A_17 : vector<1x2000x128xf32> to vector<2000x128xf32>
      %add3A = arith.addf %get3A_13, %get3A_18 : vector<2000x128xf32>
      %get3A_19 = arith.constant 0 : index
      %get3A_20 = arith.constant 0 : index
      %get3A_21 = vector.load %arg3[%get3A_19, %get3A_20] : memref<2000x128xf32, #tpu.memory_space<vmem>>, vector<2000x128xf32>
      %mul3A = arith.constant 2.000000e+00 : f32
      %mul3A_22 = vector.broadcast %mul3A : f32 to vector<2000x128xf32>
      %mul3A_23 = arith.mulf %mul3A_22, %get3A_21 : vector<2000x128xf32>
      %add3A_24 = arith.addf %add3A, %mul3A_23 : vector<2000x128xf32>
      %mul3A_25 = vector.broadcast %get3A_8 : vector<2000x1xf32> to vector<2000x128xf32>
      %mul3A_26 = arith.mulf %mul3A_25, %add3A_24 : vector<2000x128xf32>
      %get3A_27 = arith.constant 0 : index
      %get3A_28 = arith.constant 0 : index
      %get3A_29 = vector.load %arg5[%get3A_27, %get3A_28] : memref<1x128xf32, #tpu.memory_space<vmem>>, vector<1x128xf32>
      %add3A_30 = vector.broadcast %get3A_29 : vector<1x128xf32> to vector<2000x128xf32>
      %add3A_31 = arith.addf %mul3A_26, %add3A_30 : vector<2000x128xf32>
      %mul3A_32 = arith.constant 2000 : i32
      %mul3A_33 = arith.muli %arg1, %mul3A_32 : i32
      %swap3A = arith.index_cast %mul3A_33 : i32 to index
      %swap3A_34 = arith.constant 0 : index
      %swap3A_35 = vector.load %arg15[%swap3A, %swap3A_34] : memref<10000x128xf32, #tpu.memory_space<vmem>>, vector<2000x128xf32>
      tpu.vector_store %arg15[%swap3A, %swap3A_34], %add3A_31 {strides = array<i32>} : memref<10000x128xf32, #tpu.memory_space<vmem>>, vector<2000x128xf32>,
      %reduce_sum3A = arith.constant dense<0.000000e+00> : vector<128xf32>
      %reduce_sum3A_36 = vector.multi_reduction <add>, %add3A_31, %reduce_sum3A [0] : vector<2000x128xf32> to vector<128xf32>
      %broadcast_in_dim3A = vector.shape_cast %reduce_sum3A_36 : vector<128xf32> to vector<1x128xf32>
      %mul3A_37 = arith.mulf %add3A_31, %add3A_31 : vector<2000x128xf32>
      %reduce_sum3A_38 = arith.constant dense<0.000000e+00> : vector<128xf32>
      %reduce_sum3A_39 = vector.multi_reduction <add>, %mul3A_37, %reduce_sum3A_38 [0] : vector<2000x128xf32> to vector<128xf32>
      %broadcast_in_dim3A_40 = vector.shape_cast %reduce_sum3A_39 : vector<128xf32> to vector<1x128xf32>
      %eq3A_41 = arith.constant 0 : i32
      %eq3A_42 = arith.cmpi eq, %arg1, %eq3A_41 : i32
      %convert_element_type3A_43 = arith.extui %eq3A_42 : i1 to i32
      %cond3A_44 = arith.constant 0 : i32
      %cond3A_45 = arith.cmpi ne, %convert_element_type3A_43, %cond3A_44 : i32
      scf.if %cond3A_45 {
        %swap3A_50 = arith.constant 0 : index
        %swap3A_51 = arith.constant 0 : index
        %swap3A_52 = vector.load %arg16[%swap3A_50, %swap3A_51] : memref<8x128xf32, #tpu.memory_space<vmem>>, vector<1x128xf32>
        tpu.vector_store %arg16[%swap3A_50, %swap3A_51], %broadcast_in_dim3A {strides = array<i32>} : memref<8x128xf32, #tpu.memory_space<vmem>>, vector<1x128xf32>,
        %swap3A_53 = arith.constant 0 : index
        %swap3A_54 = arith.constant 0 : index
        %swap3A_55 = vector.load %arg17[%swap3A_53, %swap3A_54] : memref<8x128xf32, #tpu.memory_space<vmem>>, vector<1x128xf32>
        tpu.vector_store %arg17[%swap3A_53, %swap3A_54], %broadcast_in_dim3A_40 {strides = array<i32>} : memref<8x128xf32, #tpu.memory_space<vmem>>, vector<1x128xf32>,
      } else {
      }
      %gt3A = arith.constant 0 : i32
      %gt3A_46 = arith.cmpi sgt, %arg1, %gt3A : i32
      %convert_element_type3A_47 = arith.extui %gt3A_46 : i1 to i32
      %cond3A_48 = arith.constant 0 : i32
      %cond3A_49 = arith.cmpi ne, %convert_element_type3A_47, %cond3A_48 : i32
      scf.if %cond3A_49 {
        %get3A_50 = arith.constant 0 : index
        %get3A_51 = arith.constant 0 : index
        %get3A_52 = vector.load %arg16[%get3A_50, %get3A_51] : memref<8x128xf32, #tpu.memory_space<vmem>>, vector<1x128xf32>
        %add3A_53 = arith.addf %get3A_52, %broadcast_in_dim3A : vector<1x128xf32>
        %swap3A_54 = arith.constant 0 : index
        %swap3A_55 = arith.constant 0 : index
        %swap3A_56 = vector.load %arg16[%swap3A_54, %swap3A_55] : memref<8x128xf32, #tpu.memory_space<vmem>>, vector<1x128xf32>
        tpu.vector_store %arg16[%swap3A_54, %swap3A_55], %add3A_53 {strides = array<i32>} : memref<8x128xf32, #tpu.memory_space<vmem>>, vector<1x128xf32>,
        %get3A_57 = arith.constant 0 : index
        %get3A_58 = arith.constant 0 : index
        %get3A_59 = vector.load %arg17[%get3A_57, %get3A_58] : memref<8x128xf32, #tpu.memory_space<vmem>>, vector<1x128xf32>
        %add3A_60 = arith.addf %get3A_59, %broadcast_in_dim3A_40 : vector<1x128xf32>
        %swap3A_61 = arith.constant 0 : index
        %swap3A_62 = arith.constant 0 : index
        %swap3A_63 = vector.load %arg17[%swap3A_61, %swap3A_62] : memref<8x128xf32, #tpu.memory_space<vmem>>, vector<1x128xf32>
        tpu.vector_store %arg17[%swap3A_61, %swap3A_62], %add3A_60 {strides = array<i32>} : memref<8x128xf32, #tpu.memory_space<vmem>>, vector<1x128xf32>,
      } else {
      }
    } else {
    }
    %eq3A_2 = arith.constant 1 : i32
    %eq3A_3 = arith.cmpi eq, %arg0, %eq3A_2 : i32
    %convert_element_type3A_4 = arith.extui %eq3A_3 : i1 to i32
    %cond3A_5 = arith.constant 0 : i32
    %cond3A_6 = arith.cmpi ne, %convert_element_type3A_4, %cond3A_5 : i32
    scf.if %cond3A_6 {
      %get3A = arith.constant 0 : index
      %get3A_7 = arith.constant 0 : index
      %get3A_8 = vector.load %arg16[%get3A, %get3A_7] : memref<8x128xf32, #tpu.memory_space<vmem>>, vector<1x128xf32>
      %div3A = arith.constant 1.000000e+04 : f32
      %div3A_9 = vector.broadcast %div3A : f32 to vector<1x128xf32>
      %div3A_10 = arith.divf %get3A_8, %div3A_9 : vector<1x128xf32>
      %get3A_11 = arith.constant 0 : index
      %get3A_12 = arith.constant 0 : index
      %get3A_13 = vector.load %arg17[%get3A_11, %get3A_12] : memref<8x128xf32, #tpu.memory_space<vmem>>, vector<1x128xf32>
      %div3A_14 = arith.constant 1.000000e+04 : f32
      %div3A_15 = vector.broadcast %div3A_14 : f32 to vector<1x128xf32>
      %div3A_16 = arith.divf %get3A_13, %div3A_15 : vector<1x128xf32>
      %mul3A = arith.mulf %div3A_10, %div3A_10 : vector<1x128xf32>
      %sub3A = arith.subf %div3A_16, %mul3A : vector<1x128xf32>
      %mul3A_17 = arith.constant 2000 : i32
      %mul3A_18 = arith.muli %arg1, %mul3A_17 : i32
      %get3A_19 = arith.index_cast %mul3A_18 : i32 to index
      %get3A_20 = arith.constant 0 : index
      %get3A_21 = vector.load %arg15[%get3A_19, %get3A_20] : memref<10000x128xf32, #tpu.memory_space<vmem>>, vector<2000x128xf32>
      %sub3A_22 = vector.broadcast %div3A_10 : vector<1x128xf32> to vector<2000x128xf32>
      %sub3A_23 = arith.subf %get3A_21, %sub3A_22 : vector<2000x128xf32>
      %add3A = arith.constant 9.99999974E-6 : f32
      %add3A_24 = vector.broadcast %add3A : f32 to vector<1x128xf32>
      %add3A_25 = arith.addf %sub3A, %add3A_24 : vector<1x128xf32>
      %rsqrt3A = math.rsqrt %add3A_25 : vector<1x128xf32>
      %mul3A_26 = vector.broadcast %rsqrt3A : vector<1x128xf32> to vector<2000x128xf32>
      %mul3A_27 = arith.mulf %sub3A_23, %mul3A_26 : vector<2000x128xf32>
      %get3A_28 = arith.constant 0 : index
      %get3A_29 = arith.constant 0 : index
      %get3A_30 = vector.load %arg6[%get3A_28, %get3A_29] : memref<1x128xf32, #tpu.memory_space<vmem>>, vector<1x128xf32>
      %mul3A_31 = vector.broadcast %get3A_30 : vector<1x128xf32> to vector<2000x128xf32>
      %mul3A_32 = arith.mulf %mul3A_27, %mul3A_31 : vector<2000x128xf32>
      %get3A_33 = arith.constant 0 : index
      %get3A_34 = arith.constant 0 : index
      %get3A_35 = vector.load %arg7[%get3A_33, %get3A_34] : memref<1x128xf32, #tpu.memory_space<vmem>>, vector<1x128xf32>
      %add3A_36 = vector.broadcast %get3A_35 : vector<1x128xf32> to vector<2000x128xf32>
      %add3A_37 = arith.addf %mul3A_32, %add3A_36 : vector<2000x128xf32>
      %max3A = arith.constant 0.000000e+00 : f32
      %max3A_38 = vector.broadcast %max3A : f32 to vector<2000x128xf32>
      %max3A_39 = arith.maximumf %add3A_37, %max3A_38 : vector<2000x128xf32>
      %get3A_40 = arith.constant 0 : index
      %get3A_41 = arith.constant 0 : index
      %get3A_42 = vector.load %arg8[%get3A_40, %get3A_41] : memref<2000x128xf32, #tpu.memory_space<vmem>>, vector<2000x128xf32>
      %add3A_43 = arith.addf %max3A_39, %get3A_42 : vector<2000x128xf32>
      %get3A_44 = arith.constant 0 : index
      %get3A_45 = arith.constant 0 : index
      %get3A_46 = arith.constant 0 : index
      %get3A_47 = vector.load %arg9[%get3A_44, %get3A_45, %get3A_46] : memref<1x1x2000xi32, #tpu.memory_space<vmem>>, vector<1x1x2000xi32>
      %get3A_48 = vector.shape_cast %get3A_47 : vector<1x1x2000xi32> to vector<1x2000xi32>
      %iota3A = tpu.iota {dimensions = array<i32: 0>} : vector<64x2000xi32>
      %broadcast_in_dim3A = vector.shape_cast %get3A_48 : vector<1x2000xi32> to vector<1x2000xi32>
      %broadcast_in_dim3A_49 = vector.broadcast %broadcast_in_dim3A : vector<1x2000xi32> to vector<64x2000xi32>
      %eq3A_50 = arith.cmpi eq, %broadcast_in_dim3A_49, %iota3A : vector<64x2000xi32>
      %convert_element_type3A_51 = arith.extui %eq3A_50 : vector<64x2000xi1> to vector<64x2000xi32>
      %convert_element_type3A_52 = arith.sitofp %convert_element_type3A_51 : vector<64x2000xi32> to vector<64x2000xf32>
      %dot_general3A = arith.constant dense<0.000000e+00> : vector<64x128xf32>
      %dot_general3A_53 = tpu.matmul %convert_element_type3A_52, %add3A_43, %dot_general3A {dimension_numbers = #tpu.dot_dimension_numbers<[1], [0], [0], [1], [0, 0, 1, 1], [], []>, precision = #tpu.contract_precision<fp32>, transpose_lhs_hint = false} : vector<64x2000xf32>, vector<2000x128xf32>, vector<64x128xf32> -> vector<64x128xf32>
      %reduce_sum3A = arith.constant dense<0.000000e+00> : vector<64xf32>
      %reduce_sum3A_54 = vector.multi_reduction <add>, %convert_element_type3A_52, %reduce_sum3A [1] : vector<64x2000xf32> to vector<64xf32>
      %broadcast_in_dim3A_55 = vector.shape_cast %reduce_sum3A_54 : vector<64xf32> to vector<64x1xf32>
      %eq3A_56 = arith.constant 0 : i32
      %eq3A_57 = arith.cmpi eq, %arg1, %eq3A_56 : i32
      %convert_element_type3A_58 = arith.extui %eq3A_57 : i1 to i32
      %cond3A_59 = arith.constant 0 : i32
      %cond3A_60 = arith.cmpi ne, %convert_element_type3A_58, %cond3A_59 : i32
      scf.if %cond3A_60 {
        %swap3A = arith.constant 0 : index
        %swap3A_70 = arith.constant 0 : index
        %swap3A_71 = vector.load %arg18[%swap3A, %swap3A_70] : memref<64x128xf32, #tpu.memory_space<vmem>>, vector<64x128xf32>
        tpu.vector_store %arg18[%swap3A, %swap3A_70], %dot_general3A_53 {strides = array<i32>} : memref<64x128xf32, #tpu.memory_space<vmem>>, vector<64x128xf32>,
        %broadcast_in_dim3A_72 = vector.shape_cast %broadcast_in_dim3A_55 : vector<64x1xf32> to vector<64x1xf32>
        %broadcast_in_dim3A_73 = vector.broadcast %broadcast_in_dim3A_72 : vector<64x1xf32> to vector<64x128xf32>
        %swap3A_74 = arith.constant 0 : index
        %swap3A_75 = arith.constant 0 : index
        %swap3A_76 = vector.load %arg19[%swap3A_74, %swap3A_75] : memref<64x128xf32, #tpu.memory_space<vmem>>, vector<64x128xf32>
        tpu.vector_store %arg19[%swap3A_74, %swap3A_75], %broadcast_in_dim3A_73 {strides = array<i32>} : memref<64x128xf32, #tpu.memory_space<vmem>>, vector<64x128xf32>,
      } else {
      }
      %gt3A = arith.constant 0 : i32
      %gt3A_61 = arith.cmpi sgt, %arg1, %gt3A : i32
      %convert_element_type3A_62 = arith.extui %gt3A_61 : i1 to i32
      %cond3A_63 = arith.constant 0 : i32
      %cond3A_64 = arith.cmpi ne, %convert_element_type3A_62, %cond3A_63 : i32
      scf.if %cond3A_64 {
        %get3A_70 = arith.constant 0 : index
        %get3A_71 = arith.constant 0 : index
        %get3A_72 = vector.load %arg18[%get3A_70, %get3A_71] : memref<64x128xf32, #tpu.memory_space<vmem>>, vector<64x128xf32>
        %add3A_73 = arith.addf %get3A_72, %dot_general3A_53 : vector<64x128xf32>
        %swap3A = arith.constant 0 : index
        %swap3A_74 = arith.constant 0 : index
        %swap3A_75 = vector.load %arg18[%swap3A, %swap3A_74] : memref<64x128xf32, #tpu.memory_space<vmem>>, vector<64x128xf32>
        tpu.vector_store %arg18[%swap3A, %swap3A_74], %add3A_73 {strides = array<i32>} : memref<64x128xf32, #tpu.memory_space<vmem>>, vector<64x128xf32>,
        %get3A_76 = arith.constant 0 : index
        %get3A_77 = arith.constant 0 : index
        %get3A_78 = vector.load %arg19[%get3A_76, %get3A_77] : memref<64x128xf32, #tpu.memory_space<vmem>>, vector<64x128xf32>
        %broadcast_in_dim3A_79 = vector.shape_cast %broadcast_in_dim3A_55 : vector<64x1xf32> to vector<64x1xf32>
        %broadcast_in_dim3A_80 = vector.broadcast %broadcast_in_dim3A_79 : vector<64x1xf32> to vector<64x128xf32>
        %add3A_81 = arith.addf %get3A_78, %broadcast_in_dim3A_80 : vector<64x128xf32>
        %swap3A_82 = arith.constant 0 : index
        %swap3A_83 = arith.constant 0 : index
        %swap3A_84 = vector.load %arg19[%swap3A_82, %swap3A_83] : memref<64x128xf32, #tpu.memory_space<vmem>>, vector<64x128xf32>
        tpu.vector_store %arg19[%swap3A_82, %swap3A_83], %add3A_81 {strides = array<i32>} : memref<64x128xf32, #tpu.memory_space<vmem>>, vector<64x128xf32>,
      } else {
      }
      %eq3A_65 = arith.constant 4 : i32
      %eq3A_66 = arith.cmpi eq, %arg1, %eq3A_65 : i32
      %convert_element_type3A_67 = arith.extui %eq3A_66 : i1 to i32
      %cond3A_68 = arith.constant 0 : i32
      %cond3A_69 = arith.cmpi ne, %convert_element_type3A_67, %cond3A_68 : i32
      scf.if %cond3A_69 {
        %get3A_70 = arith.constant 0 : index
        %get3A_71 = arith.constant 0 : index
        %get3A_72 = vector.load %arg18[%get3A_70, %get3A_71] : memref<64x128xf32, #tpu.memory_space<vmem>>, vector<64x128xf32>
        %get3A_73 = arith.constant 0 : index
        %get3A_74 = arith.constant 0 : index
        %get3A_75 = vector.load %arg19[%get3A_73, %get3A_74] : memref<64x128xf32, #tpu.memory_space<vmem>>, vector<64x128xf32>
        %max3A_76 = arith.constant 1.000000e+00 : f32
        %max3A_77 = vector.broadcast %max3A_76 : f32 to vector<64x128xf32>
        %max3A_78 = arith.maximumf %get3A_75, %max3A_77 : vector<64x128xf32>
        %div3A_79 = arith.divf %get3A_72, %max3A_78 : vector<64x128xf32>
        %get3A_80 = arith.constant 0 : index
        %get3A_81 = arith.constant 0 : index
        %get3A_82 = vector.load %arg10[%get3A_80, %get3A_81] : memref<128x128xf32, #tpu.memory_space<vmem>>, vector<128x128xf32>
        %dot_general3A_83 = arith.constant dense<0.000000e+00> : vector<64x128xf32>
        %dot_general3A_84 = tpu.matmul %div3A_79, %get3A_82, %dot_general3A_83 {dimension_numbers = #tpu.dot_dimension_numbers<[1], [0], [0], [1], [0, 0, 1, 1], [], []>, precision = #tpu.contract_precision<fp32>, transpose_lhs_hint = false} : vector<64x128xf32>, vector<128x128xf32>, vector<64x128xf32> -> vector<64x128xf32>
        %get3A_85 = arith.constant 0 : index
        %get3A_86 = arith.constant 0 : index
        %get3A_87 = vector.load %arg11[%get3A_85, %get3A_86] : memref<1x128xf32, #tpu.memory_space<vmem>>, vector<1x128xf32>
        %add3A_88 = vector.broadcast %get3A_87 : vector<1x128xf32> to vector<64x128xf32>
        %add3A_89 = arith.addf %dot_general3A_84, %add3A_88 : vector<64x128xf32>
        %max3A_90 = arith.constant 0.000000e+00 : f32
        %max3A_91 = vector.broadcast %max3A_90 : f32 to vector<64x128xf32>
        %max3A_92 = arith.maximumf %add3A_89, %max3A_91 : vector<64x128xf32>
        %get3A_93 = arith.constant 0 : index
        %get3A_94 = arith.constant 0 : index
        %get3A_95 = vector.load %arg12[%get3A_93, %get3A_94] : memref<128x16xf32, #tpu.memory_space<vmem>>, vector<128x16xf32>
        %dot_general3A_96 = arith.constant dense<0.000000e+00> : vector<64x16xf32>
        %dot_general3A_97 = tpu.matmul %max3A_92, %get3A_95, %dot_general3A_96 {dimension_numbers = #tpu.dot_dimension_numbers<[1], [0], [0], [1], [0, 0, 1, 1], [], []>, precision = #tpu.contract_precision<fp32>, transpose_lhs_hint = false} : vector<64x128xf32>, vector<128x16xf32>, vector<64x16xf32> -> vector<64x16xf32>
        %get3A_98 = arith.constant 0 : index
        %get3A_99 = arith.constant 0 : index
        %get3A_100 = vector.load %arg13[%get3A_98, %get3A_99] : memref<1x16xf32, #tpu.memory_space<vmem>>, vector<1x16xf32>
        %add3A_101 = vector.broadcast %get3A_100 : vector<1x16xf32> to vector<64x16xf32>
        %add3A_102 = arith.addf %dot_general3A_97, %add3A_101 : vector<64x16xf32>
        %swap3A = arith.constant 0 : index
        %swap3A_103 = arith.constant 0 : index
        %swap3A_104 = vector.load %arg14[%swap3A, %swap3A_103] : memref<64x16xf32, #tpu.memory_space<vmem>>, vector<64x16xf32>
        tpu.vector_store %arg14[%swap3A, %swap3A_103], %add3A_102 {strides = array<i32>} : memref<64x16xf32, #tpu.memory_space<vmem>>, vector<64x16xf32>,
      } else {
      }
    } else {
    }
    return
  }
  func.func @transform_0(%arg0: i32, %arg1: i32) -> (i32, i32, i32) {
    %sub3A = arith.constant 1 : i32
    %sub3A_0 = arith.subi %sub3A, %arg0 : i32
    %mul3A = arith.muli %sub3A_0, %arg1 : i32
    %c0_i32 = arith.constant 0 : i32
    %c0_i32_1 = arith.constant 0 : i32
    %c0_i32_2 = arith.constant 0 : i32
    return %c0_i32, %mul3A, %c0_i32_1 : i32, i32, i32
  }
  func.func @transform_1(%arg0: i32, %arg1: i32) -> (i32, i32) {
    %sub3A = arith.constant 1 : i32
    %sub3A_0 = arith.subi %sub3A, %arg0 : i32
    %mul3A = arith.muli %sub3A_0, %arg1 : i32
    %c0_i32 = arith.constant 0 : i32
    %c0_i32_1 = arith.constant 0 : i32
    return %mul3A, %c0_i32 : i32, i32
  }
  func.func @transform_2(%arg0: i32, %arg1: i32) -> (i32, i32) {
    %c0_i32 = arith.constant 0 : i32
    %c0_i32_0 = arith.constant 0 : i32
    return %arg1, %c0_i32 : i32, i32
  }
  func.func @transform_3(%arg0: i32, %arg1: i32) -> (i32, i32) {
    %c0_i32 = arith.constant 0 : i32
    %c0_i32_0 = arith.constant 0 : i32
    %c0_i32_1 = arith.constant 0 : i32
    return %c0_i32, %c0_i32_0 : i32, i32
  }
  func.func @transform_4(%arg0: i32, %arg1: i32) -> (i32, i32) {
    %c0_i32 = arith.constant 0 : i32
    %c0_i32_0 = arith.constant 0 : i32
    %c0_i32_1 = arith.constant 0 : i32
    return %c0_i32, %c0_i32_0 : i32, i32
  }
  func.func @transform_5(%arg0: i32, %arg1: i32) -> (i32, i32) {
    %c0_i32 = arith.constant 0 : i32
    %c0_i32_0 = arith.constant 0 : i32
    %c0_i32_1 = arith.constant 0 : i32
    return %c0_i32, %c0_i32_0 : i32, i32
  }
  func.func @transform_6(%arg0: i32, %arg1: i32) -> (i32, i32) {
    %mul3A = arith.muli %arg0, %arg1 : i32
    %c0_i32 = arith.constant 0 : i32
    %c0_i32_0 = arith.constant 0 : i32
    return %mul3A, %c0_i32 : i32, i32
  }
  func.func @transform_7(%arg0: i32, %arg1: i32) -> (i32, i32, i32) {
    %mul3A = arith.muli %arg0, %arg1 : i32
    %c0_i32 = arith.constant 0 : i32
    %c0_i32_0 = arith.constant 0 : i32
    %c0_i32_1 = arith.constant 0 : i32
    return %mul3A, %c0_i32, %c0_i32_0 : i32, i32, i32
  }
  func.func @transform_8(%arg0: i32, %arg1: i32) -> (i32, i32) {
    %c0_i32 = arith.constant 0 : i32
    %c0_i32_0 = arith.constant 0 : i32
    %c0_i32_1 = arith.constant 0 : i32
    return %c0_i32, %c0_i32_0 : i32, i32
  }
  func.func @transform_9(%arg0: i32, %arg1: i32) -> (i32, i32) {
    %c0_i32 = arith.constant 0 : i32
    %c0_i32_0 = arith.constant 0 : i32
    %c0_i32_1 = arith.constant 0 : i32
    return %c0_i32, %c0_i32_0 : i32, i32
  }
  func.func @transform_10(%arg0: i32, %arg1: i32) -> (i32, i32) {
    %c0_i32 = arith.constant 0 : i32
    %c0_i32_0 = arith.constant 0 : i32
    %c0_i32_1 = arith.constant 0 : i32
    return %c0_i32, %c0_i32_0 : i32, i32
  }
  func.func @transform_11(%arg0: i32, %arg1: i32) -> (i32, i32) {
    %c0_i32 = arith.constant 0 : i32
    %c0_i32_0 = arith.constant 0 : i32
    %c0_i32_1 = arith.constant 0 : i32
    return %c0_i32, %c0_i32_0 : i32, i32
  }
  func.func @transform_12(%arg0: i32, %arg1: i32) -> (i32, i32) {
    %c0_i32 = arith.constant 0 : i32
    %c0_i32_0 = arith.constant 0 : i32
    %c0_i32_1 = arith.constant 0 : i32
    return %c0_i32, %c0_i32_0 : i32, i32
  }
}

</mosaic_0001>

<sc_bundles>
// kernel: kernel.11.cloned.1.call-start
scs
__scs_entry_jumppad:
0x0: {  	(pc) =	sbr.rel $0x88, $3  }
0x1: {  	(tag) =	ssettag $0x0;
	lr =	simm.s32 $0x1  }
0x2: {  	[smem:$0x3F8C] =	sst lr;
	_ =	strace $0xD0000000  }
0x3: {  	_ = 	snop  }
0x4: {  	_ = 	snop  }
0x5: {  	_ = 	snop  }
0x6: {  	_ = 	snop  }
0x7: {  	_ = 	snop  }
__scs_overlays_trampoline_lowered:
0x8: {  	[smem:$0x3F9B] =	sst s0  }
0x9: {  	[smem:$0x3F9C] =	sst s1  }
0xa: {  	[smem:$0x3F9D] =	sst s2  }
0xb: {  	[smem:$0x3F9E] =	sst s3  }
0xc: {  	[smem:$0x3F9F] =	sst s4  }
0xd: {  	[smem:$0x3FA0] =	sst s5  }
0xe: {  	[smem:$0x3FA1] =	sst s6  }
0xf: {  	[smem:$0x3FA2] =	sst s7  }
0x10: {  	[smem:$0x3FA3] =	sst s8  }
0x11: {  	[smem:$0x3FA4] =	sst s9;
	s0 =	simm.s32 @!p0 $0x0  }
0x12: {  	s1 =	sld [smem:$0x3F8A];
	s0 =	simm.s32 @p0 $0x1  }
0x13: {  	[smem:$0x3FA5] =	sst s0;
	s0 =	simm.s32 @!p1 $0x0  }
0x14: {  	s2 =	sld [smem:$0x3F89];
	s0 =	simm.s32 @p1 $0x1  }
0x15: {  	[smem:$0x3FA6] =	sst s0;
	s0 =	simm.s32 @!p2 $0x0  }
0x16: {  	s3 =	sld [smem:$0x3FDB];
	s0 =	simm.s32 @p2 $0x1  }
0x17: {  	s4 =	simm.s32 $0x1BF5;
	[smem:$0x3FA8] =	sst s0  }
0x18: {  	s0 =	sld [smem:$0x3F8B];
	_ =	swait.ge [sflag:s4], $0x0  }
0x19: {  	s7 =	sld [smem:$0x3F8C]  }
0x1a: {  	s8 =	sadd.s32 $0xFFFFE003, lr  }
0x1b: {  	s9 =	sadd.s32 $0xFFFFFEF7, lr;
	s5 =	simm.s32 $0xFFFFFFFF;
	p2 =	slt.u32 s8, $0xFFFFF086  }
0x1c: {  	p1 =	slt.u32 s9, $0xF7A;
	s5 =	simm.s32 @!p2 $0x0  }
0x1d: {  	s5 =	simm.s32 @p1 $0x1;
	p0 =	seq.s32 s7, s2  }
0x1e: {  	s7 =	smul.u32 @!p0 $0xF7A, s2;
	p2 =	seq.s32 @!p0 s5, $0x0  }
0x1f: {  	s9 =	smul.u32 $0xF7A, s1;
	s8 =	simm.s32 @!p0 $0x1BF5;
	p2 =	por !p2, p0  }
0x20: {  	[sflag:s8] =	ssyncset.s32 @!p0 $0xFFFFF086;
	s6 =	sadd.s32 @!p0 s3, s7;
	s7 =	simm.s32 @!p0 $0x108  }
0x21: {  	s3 =	sadd.s32 s3, s9;
	s6 =	sadd.s32 @!p0 $0x88, s6;
	s7 =	simm.s32 @p2 $0x1082  }
0x22: {  	[simem:s7], [sflag:s8] =	dma.local @!p0 [hbm:s6], $0xF7A  }
0x23: {  	s9 =	sor.u32 $0xD0000000, s2;
	s6 =	simm.s32 $0x108;
	_ =	swait.ge @!p0 [sflag:s8], $0x0  }
0x24: {  	s3 =	sadd.s32 $0x88, s3;
	s6 =	simm.s32 @!p1 $0x1082;
	[sflag:s4] =	ssyncset.s32 $0xFFFFF086  }
0x25: {  	[simem:s6], [sflag:s4] =	dma.local [hbm:s3], $0xF7A  }
0x26: {  	[smem:$0x3F8C] =	sst s1;
	(tag) =	ssettag s2;
	_ =	strace s9  }
0x27: {  	s1 =	sld [smem:$0x3F9C]  }
0x28: {  	s2 =	sld [smem:$0x3F9D]  }
0x29: {  	s4 =	sld [smem:$0x3F9F]  }
0x2a: {  	p0 =	seq.s32 s5, $0x0;
	s5 =	sld [smem:$0x3FA0]  }
0x2b: {  	s6 =	sld [smem:$0x3FA1]  }
0x2c: {  	s7 =	sld [smem:$0x3FA2]  }
0x2d: {  	s3 =	simm.s32 $0x108;
	s8 =	sld [smem:$0x3FA3]  }
0x2e: {  	s3 =	simm.s32 @!p0 $0x1082;
	s9 =	sld [smem:$0x3FA4]  }
0x2f: {  	lr =	sadd.s32 s0, s3;
	s0 =	sld [smem:$0x3F9B]  }
0x30: {  	s3 =	sld [smem:$0x3F9E]  }
0x31: {  	[smem:$0x3FA7] =	sst s10  }
0x32: {  	s10 =	sld [smem:$0x3FA5];
	_ =	sdelay $0x3  }
0x33: {  	p0 =	seq.s32 s10, $0x1;
	s10 =	sld [smem:$0x3FA7];
	_ =	sdelay $0x3  }
0x34: {  	[smem:$0x3FA7] =	sst s10  }
0x35: {  	s10 =	sld [smem:$0x3FA6];
	_ =	sdelay $0x3  }
0x36: {  	p1 =	seq.s32 s10, $0x1;
	s10 =	sld [smem:$0x3FA7];
	_ =	sdelay $0x3  }
0x37: {  	[smem:$0x3FA7] =	sst s10  }
0x38: {  	s10 =	sld [smem:$0x3FA8]  }
0x39: {  	_ = 	snop;
	(pc) =	sbr.ind lr, $3  }
0x3a: {  	_ = 	snop  }
0x3b: {  	_ = 	snop  }
0x3c: {  	p2 =	seq.s32 s10, $0x1;
	s10 =	sld [smem:$0x3FA7]  }
0x3d: {  	_ =	shalt  }
0x3e: {  	_ =	shalt  }
0x3f: {  	_ =	shalt  }
0x40: {  	_ =	shalt  }
0x41: {  	_ =	shalt  }
0x42: {  	_ =	shalt  }
0x43: {  	_ =	shalt  }
0x44: {  	_ =	shalt  }
0x45: {  	_ =	shalt  }
0x46: {  	_ =	shalt  }
0x47: {  	_ =	shalt  }
0x48: {  	_ =	shalt  }
0x49: {  	_ =	shalt  }
0x4a: {  	_ =	shalt  }
0x4b: {  	_ =	shalt  }
0x4c: {  	_ =	shalt  }
0x4d: {  	_ =	shalt  }
0x4e: {  	_ =	shalt  }
0x4f: {  	_ =	shalt  }
0x50: {  	_ =	shalt  }
0x51: {  	_ =	shalt  }
0x52: {  	_ =	shalt  }
0x53: {  	_ =	shalt  }
0x54: {  	_ =	shalt  }
0x55: {  	_ =	shalt  }
0x56: {  	_ =	shalt  }
0x57: {  	_ =	shalt  }
0x58: {  	_ =	shalt  }
0x59: {  	_ =	shalt  }
0x5a: {  	_ =	shalt  }
0x5b: {  	_ =	shalt  }
0x5c: {  	_ =	shalt  }
0x5d: {  	_ =	shalt  }
0x5e: {  	_ =	shalt  }
0x5f: {  	_ =	shalt  }
0x60: {  	_ =	shalt  }
0x61: {  	_ =	shalt  }
0x62: {  	_ =	shalt  }
0x63: {  	_ =	shalt  }
0x64: {  	_ =	shalt  }
0x65: {  	_ =	shalt  }
0x66: {  	_ =	shalt  }
0x67: {  	_ =	shalt  }
0x68: {  	_ =	shalt  }
0x69: {  	_ =	shalt  }
0x6a: {  	_ =	shalt  }
0x6b: {  	_ =	shalt  }
0x6c: {  	_ =	shalt  }
0x6d: {  	_ =	shalt  }
0x6e: {  	_ =	shalt  }
0x6f: {  	_ =	shalt  }
0x70: {  	_ =	shalt  }
0x71: {  	_ =	shalt  }
0x72: {  	_ =	shalt  }
0x73: {  	_ =	shalt  }
0x74: {  	_ =	shalt  }
0x75: {  	_ =	shalt  }
0x76: {  	_ =	shalt  }
0x77: {  	_ =	shalt  }
0x78: {  	_ =	shalt  }
0x79: {  	_ =	shalt  }
0x7a: {  	_ =	shalt  }
0x7b: {  	_ =	shalt  }
0x7c: {  	_ =	shalt  }
0x7d: {  	_ =	shalt  }
0x7e: {  	_ =	shalt  }
0x7f: {  	_ =	shalt  }
0x80: {  	_ =	shalt  }
0x81: {  	_ =	shalt  }
0x82: {  	_ =	shalt  }
0x83: {  	_ =	shalt  }
0x84: {  	_ =	shalt  }
0x85: {  	_ =	shalt  }
0x86: {  	_ =	shalt  }
0x87: {  	_ =	shalt  }
.Lfunc_end0:
.L_simem_size_0:
called_computation_lowered:
.L_overlay_start_0:
0x88: {  	s2 =	sld [smem:$0x3FD9]  }
0x89: {  	s3 =	sld [smem:$0x3FFE];
	_ =	sdelay $0x1  }
0x8a: {  	s1 =	srdreg.scid  }
0x8b: {  	s0 =	sand.u32 $0x1, s1  }
0x8c: {  	s16 =	sshll.u32 s0, $0xA;
	s2 =	sadd.s32 s3, s2  }
0x8d: {  	s2 =	sadd.s32 s2, s16  }
0x8e: {  	[smem:$0x3FB3] =	sst s2  }
0x8f: {  	_ = 	snop  }
0x90: {  	(tm) =	ssettm $0x1  }
0x91: {  	s17 =	sld [smem:$0x3FFB];
	_ =	sdelay $0x3  }
0x92: {  	_ =	strace s17  }
0x93: {  	s2 =	sld [smem:$0x3FFC];
	_ =	sdelay $0x3  }
0x94: {  	_ =	strace s2  }
0x95: {  	s2 =	sld [smem:$0x3FFD];
	_ =	sdelay $0x3  }
0x96: {  	_ =	strace s2  }
0x97: {  	_ =	strace $0x8FFFFFFF  }
0x98: {  	s18 =	sld [smem:$0x3FDB];
	_ =	sdelay $0x1  }
0x99: {  	s19 =	simm.s32 $_scs_section_size  }
0x9a: {  	s4 =	simm.s32 $_size__tile_overlayer_lowered;
	s5 =	simm.s32 $_tile_overlayer_lowered  }
0x9b: {  	s22 =	simm.s32 $0x1BFF;
	s21 =	sshll.u32 s5, $0x1;
	s2 =	sadd.s32 s19, s18  }
0x9c: {  	s6 =	simm.s32 $0x0;
	s20 =	sshll.u32 s4, $0x1;
	s4 =	sadd.s32 s21, s2  }
0x9d: {  	[timem:s6], [sflag:s22] =	dma.local [hbm:s4], s20  }
0x9e: {  	_ =	swait.ge [sflag:s22], s20  }
0x9f: {  	s3 =	ssub.s32 $0x0, s20;
	[sflag:s22] =	ssyncset.done $0x0  }
0xa0: {  	[sflag:s22] =	ssyncadd.s32 s3;
	_ =	sdelay $0x1  }
0xa1: {  	s23 =	simm.s32 $0x1B8B  }
0xa2: {  	_ =	swait.ge [sflag:s23], $0x1  }
0xa3: {  	[sflag:s23] =	ssyncset.done $0x0  }
0xa4: {  	s25 =	simm.s32 $0x1B8E;
	s24 =	sld [smem:$0x3FFE];
	[sflag:s23] =	ssyncadd.s32 $0xFFFFFFFF  }
0xa5: {  	s26 =	simm.s32 $execute0_lowered;
	[smem:$0x3FD2] =	sst s25  }
0xa6: {  	s4 =	sshll.u32 s26, $0x1;
	_ =	strace $0x80000046;
	[dreg:$0x1] =	wrdreg $0xFFFFFFFF  }
0xa7: {  	s28 =	simm.s32 $_size_execute0_lowered;
	s2 =	sadd.s32 s2, s4;
	[dreg:$0x0] =	wrdreg $0x0  }
0xa8: {  	s4 =	sshll.u32 s28, $0x1;
	[dreg:$0x2] =	wrdreg s2  }
0xa9: {  	[dreg:$0x3] =	wrdreg s4  }
0xaa: {  	[dreg:$0x4] =	wrdreg $0xC0  }
0xab: {  	_ =	task [dreg:s6], $0x5FFFF  }
0xac: {  	[dreg:$0x1] =	wrdreg $0xFFFFFFFF  }
0xad: {  	[dreg:$0x0] =	wrdreg $0x60  }
0xae: {  	[dreg:$0x2] =	wrdreg s24  }
0xaf: {  	[dreg:$0x3] =	wrdreg $0x9  }
0xb0: {  	_ =	task.clear_ibuf [dreg:s6], $0x4FFFF;
	_ =	strace $0x90000046  }
0xb1: {  	s29 =	simm.s32 $0x9;
	_ =	strace $0x80000048  }
0xb2: {  	_ =	swait.ge [sflag:s29], $0x1  }
0xb3: {  	[sflag:s29] =	ssyncadd.s32 $0xFFFFFFFF  }
0xb4: {  	_ =	strace $0x90000048  }
0xb5: {  	_ =	sfence  }
0xb6: {  	s30 =	sld [smem:$0x0];
	_ =	sdelay $0x2  }
0xb7: {  	s31 =	sshll.u32 s1, $0xD;
	s1 =	sshrl.u32 s1, $0x2  }
0xb8: {  	s3 =	sand.u32 $0x4000, s31;
	s1 =	sadd.s32 s1, s30  }
0xb9: {  	s0 =	sor.u32 s3, s0;
	s1 =	sshll.u32 s1, $0x11  }
0xba: {  	s0 =	sor.u32 s1, s0  }
0xbb: {  	s0 =	sadd.s32 $0x8F2B, s0  }
0xbc: {  	[sflag:s0] =	ssyncadd.remote.s32 $0x1  }
0xbd: {  	_ =	sfence.sel $0xFFFF  }
0xbe: {  	[dreg:$0x0] =	wrdreg $0xFFFFFFFF;
	(pc) =	sbr.abs _section_cstart, $3  }
0xbf: {  	[dreg:$0x1] =	wrdreg $0xFFFFFFFF  }
0xc0: {  	_ =	task.clear_ibuf [dreg:s6], $0x2FFFF;
	_ =	strace $0x9FFFFFFF  }
0xc1: {  	(tm) =	ssettm $0x7FFFFFFF  }
tec
execute0_lowered:
.L_overlay_start_1:
0x0: {  	(tag) =	ssettag $0x1  }
0x1: {  	s0 =	srdreg.scid  }
0x2: {  	s4 =	rddreg [dreg:$0x0];
	s2 =	simm.s32 $0x0;
	s3 =	sand.u32 $0x1, s0  }
0x3: {  	s8 =	simm.s32 $0x400;
	s0 =	stileid.u32;
	s1 =	sshll.u32 s3, $0x4  }
0x4: {  	s9 =	simm.s32 $0x16780;
	s10 =	simm.s32 $0x2;
	s5 =	sor.u32 s0, s1  }
0x5: {  	s11 =	simm.s32 $0x0;
	[smem:$0x7FF] =	sst s2;
	s6 =	sshrl.u32 s5, $0x3  }
0x6: {  	s7 =	sshll.u32 s0, $0x7;
	s3 =	ssub.s32 $0x2, s3;
	s6 =	smul.u32 $0x13C00, s6  }
0x7: {  	s1 =	rddreg [dreg:$0x1];
	s7 =	sand.u32 $0x380, s7;
	s5 =	smul.u32 $0x4E2, s5  }
0x8: {  	v0 =	vlaneseq.u32;
	_ =	strace $0x80000047;
	s30 =	sshrl.u32 s3, $0x1;
	s6 =	sor.u32 s7, s6  }
0x9: {  	v0 =	vmul.u32 $0x1400, v0;
	s31 =	ssub.s32 s3, s30;
	s5 =	sadd.s32 s5, s4;
	s6 =	sshrl.u32 s6, $0x3  }
0xa: {  	s3 =	sadd.s32 $0xEC00, s5;
	s5 =	smax.u32 s31, $0x1;
	s4 =	sadd.s32 s6, s4  }
0xb: {  	v1 =	vimm.f32 $0.0e+00;
	v2 =	vimm.f32 $1.000000000e+00;
	v3 =	vadd.s32 $0xFFFFEC00, v0;
	s7 =	simm.s32 $0x80;
	s6 =	simm.s32 $0x1;
	s4 =	sadd.s32 $0x18A00, s4  }
.LBB2_1:
0xc: {  	[tilespmem:s2], [sflag:$0x1] =	stream.linear.gather [hbm4b:s3+s2], $0x2710, $0x38;
	[tilespmem:$0x18F00] =	vst v63  }
0xd: {  	s12 =	simm.s32 $0x0;
	s13 =	simm.s32 $0x200  }
.LBB2_2:
0xe: {  	p0 =	sne.s32 s13, $0x4FE00;
	[tilespmem:s12+$0x27F0] =	vst v1  }
0xf: {  	[tilespmem:s12+$0x2780] =	vst v1  }
0x10: {  	[tilespmem:s12+$0x2790] =	vst v1  }
.Ltmp0:
0x11: {  	[tilespmem:s12+$0x27A0] =	vst v1;
	(pc) =	sbr.rel @p0 .LBB2_2-.Ltmp0, $4  }
0x12: {  	[tilespmem:s12+$0x27B0] =	vst v1  }
0x13: {  	[tilespmem:s12+$0x27C0] =	vst v1  }
0x14: {  	[tilespmem:s12+$0x27D0] =	vst v1  }
0x15: {  	[tilespmem:s12+$0x27E0] =	vst v1;
	s12 =	sshra.s32 s13, $0x2;
	s13 =	sadd.s32 $0x200, s13  }
0x16: {  	[tilespmem:s12+$0x27F0] =	vst v1  }
0x17: {  	[tilespmem:s12+$0x2780] =	vst v1  }
0x18: {  	[tilespmem:s12+$0x2790] =	vst v1  }
0x19: {  	[tilespmem:s12+$0x27A0] =	vst v1  }
0x1a: {  	[tilespmem:s12+$0x27B0] =	vst v1  }
0x1b: {  	[tilespmem:s12+$0x27C0] =	vst v1  }
0x1c: {  	[tilespmem:s12+$0x27D0] =	vst v1  }
0x1d: {  	[tilespmem:s12+$0x27E0] =	vst v1  }
0x1e: {  	_ =	swait.ge [sflag:s6], $0x2710  }
0x1f: {  	[sflag:s6] =	ssyncset.done $0x0  }
0x20: {  	s12 =	simm.s32 $0x0;
	s13 =	simm.s32 $0x0;
	[sflag:s6] =	ssyncadd.s32 $0xFFFFD8F0  }
.LBB2_4:
0x21: {  	s15 =	sshra.s32 s13, $0x2  }
0x22: {  	v4 =	vld [tilespmem:s15+$0x0];
	_ =	sdelay $0x4  }
0x23: {  	vm0 =	vlt.u32 v4, $0x1400  }
0x24: {  	v4 =	vadd.s32 v0, v4;
	_ =	sdelay $0x3  }
0x25: {  	s14 =	simm.s32 $0x2780  }
0x26: {  	[tilespmem:v4+s14+$0x0] =	vst.idx.add.f32.msk vm0, v2  }
0x27: {  	v4 =	vld [tilespmem:s15+$0x10];
	_ =	sdelay $0x4  }
0x28: {  	vm12 =	vlt.u32 v4, $0x1400  }
0x29: {  	v4 =	vadd.s32 v0, v4;
	_ =	sdelay $0x4  }
0x2a: {  	[tilespmem:v4+s14+$0x0] =	vst.idx.add.f32.msk vm12, v2  }
0x2b: {  	v4 =	vld [tilespmem:s15+$0x20];
	_ =	sdelay $0x4  }
0x2c: {  	vm13 =	vlt.u32 v4, $0x1400  }
0x2d: {  	v4 =	vadd.s32 v0, v4;
	_ =	sdelay $0x4  }
0x2e: {  	[tilespmem:v4+s14+$0x0] =	vst.idx.add.f32.msk vm13, v2  }
0x2f: {  	v4 =	vld [tilespmem:s15+$0x30];
	_ =	sdelay $0x4  }
0x30: {  	vm14 =	vlt.u32 v4, $0x1400  }
0x31: {  	v4 =	vadd.s32 v0, v4;
	_ =	sdelay $0x4  }
0x32: {  	[tilespmem:v4+s14+$0x0] =	vst.idx.add.f32.msk vm14, v2  }
0x33: {  	v4 =	vld [tilespmem:s15+$0x40];
	_ =	sdelay $0x4  }
0x34: {  	vm15 =	vlt.u32 v4, $0x1400  }
0x35: {  	p0 =	sne.s32 s13, $0x9B00;
	v4 =	vadd.s32 v0, v4  }
.Ltmp1:
0x36: {  	_ = 	snop;
	(pc) =	sbr.rel @p0 .LBB2_4-.Ltmp1, $2  }
0x37: {  	_ =	sdelay $0x2  }
0x38: {  	s13 =	sadd.s32 $0x140, s13;
	[tilespmem:v4+s14+$0x0] =	vst.idx.add.f32.msk vm15, v2  }
0x39: {  	s12 =	sand.u32 $0x1FF0, s12;
	v5 =	vld [tilespmem:s14+$0x0]  }
0x3a: {  	v4 =	vld [tilespmem:s12+$0x3B80];
	_ =	sdelay $0x1  }
0x3b: {  	v6 =	vld [tilespmem:s12+$0x4F80];
	_ =	sdelay $0x1  }
0x3c: {  	v7 =	vld [tilespmem:s12+$0x6380]  }
0x3d: {  	v4 =	vadd.f32 v4, v5  }
0x3e: {  	v5 =	vld [tilespmem:s12+$0x7780]  }
0x3f: {  	v4 =	vadd.f32 v6, v4  }
0x40: {  	v6 =	vld [tilespmem:s12+$0x8B80]  }
0x41: {  	v4 =	vadd.f32 v7, v4  }
0x42: {  	v7 =	vld [tilespmem:s12+$0x9F80]  }
0x43: {  	v4 =	vadd.f32 v5, v4  }
0x44: {  	v5 =	vld [tilespmem:s12+$0xB380]  }
0x45: {  	v4 =	vadd.f32 v6, v4  }
0x46: {  	v6 =	vld [tilespmem:s12+$0xC780]  }
0x47: {  	v4 =	vadd.f32 v7, v4  }
0x48: {  	v7 =	vld [tilespmem:s12+$0xDB80]  }
0x49: {  	v4 =	vadd.f32 v5, v4  }
0x4a: {  	v5 =	vld [tilespmem:s12+$0xEF80]  }
0x4b: {  	v4 =	vadd.f32 v6, v4  }
0x4c: {  	v6 =	vld [tilespmem:s12+$0x10380]  }
0x4d: {  	v4 =	vadd.f32 v7, v4  }
0x4e: {  	v7 =	vld [tilespmem:s12+$0x11780]  }
0x4f: {  	v4 =	vadd.f32 v5, v4  }
0x50: {  	v5 =	vld [tilespmem:s12+$0x12B80]  }
0x51: {  	v4 =	vadd.f32 v6, v4  }
0x52: {  	v6 =	vld [tilespmem:s12+$0x13F80]  }
0x53: {  	v4 =	vadd.f32 v7, v4  }
0x54: {  	v7 =	vld [tilespmem:s12+$0x15380]  }
0x55: {  	v4 =	vadd.f32 v5, v4;
	_ =	sdelay $0x1  }
0x56: {  	v4 =	vadd.f32 v6, v4;
	_ =	sdelay $0x1  }
0x57: {  	v4 =	vadd.f32 v7, v4  }
0x58: {  	s13 =	simm.s32 $0x10;
	s12 =	simm.s32 $0x16780  }
0x59: {  	s13 =	sand.u32 $0x1FF0, s13;
	[tilespmem:s12+$0x0] =	vst v4  }
0x5a: {  	s15 =	simm.s32 $0x20;
	s14 =	simm.s32 $0x2790;
	v4 =	vld [tilespmem:s13+$0x3B80]  }
.LBB2_6:
0x5b: {  	p0 =	sne.s32 s15, $0x13F0;
	v5 =	vld [tilespmem:s14+$0x0];
	_ =	sdelay $0x1  }
0x5c: {  	v6 =	vld [tilespmem:s13+$0x4F80];
	_ =	sdelay $0x1  }
0x5d: {  	v7 =	vld [tilespmem:s13+$0x6380]  }
0x5e: {  	v4 =	vadd.f32 v4, v5  }
0x5f: {  	v5 =	vld [tilespmem:s13+$0x7780]  }
0x60: {  	v4 =	vadd.f32 v6, v4  }
0x61: {  	v6 =	vld [tilespmem:s13+$0x8B80]  }
0x62: {  	v4 =	vadd.f32 v7, v4  }
0x63: {  	v7 =	vld [tilespmem:s13+$0x9F80]  }
0x64: {  	v4 =	vadd.f32 v5, v4  }
0x65: {  	v5 =	vld [tilespmem:s13+$0xB380]  }
0x66: {  	v4 =	vadd.f32 v6, v4  }
0x67: {  	v6 =	vld [tilespmem:s13+$0xC780]  }
0x68: {  	v4 =	vadd.f32 v7, v4  }
0x69: {  	v7 =	vld [tilespmem:s13+$0xDB80]  }
0x6a: {  	v4 =	vadd.f32 v5, v4  }
0x6b: {  	v5 =	vld [tilespmem:s13+$0xEF80]  }
0x6c: {  	v4 =	vadd.f32 v6, v4  }
0x6d: {  	v6 =	vld [tilespmem:s13+$0x10380]  }
0x6e: {  	v4 =	vadd.f32 v7, v4  }
0x6f: {  	v7 =	vld [tilespmem:s13+$0x11780]  }
0x70: {  	v4 =	vadd.f32 v5, v4  }
0x71: {  	v5 =	vld [tilespmem:s13+$0x12B80]  }
0x72: {  	v4 =	vadd.f32 v6, v4  }
0x73: {  	v6 =	vld [tilespmem:s13+$0x13F80]  }
0x74: {  	v4 =	vadd.f32 v7, v4  }
0x75: {  	v7 =	vld [tilespmem:s13+$0x15380]  }
0x76: {  	v4 =	vadd.f32 v5, v4;
	_ =	sdelay $0x1  }
0x77: {  	v4 =	vadd.f32 v6, v4  }
.Ltmp2:
0x78: {  	(pc) =	sbr.rel @p0 .LBB2_6-.Ltmp2, $4  }
0x79: {  	v4 =	vadd.f32 v7, v4  }
0x7a: {  	s12 =	sadd.s32 $0x10, s12  }
0x7b: {  	s13 =	sand.u32 $0x1FF0, s15;
	[tilespmem:s12+$0x0] =	vst v4  }
0x7c: {  	s14 =	sadd.s32 $0x10, s14;
	s15 =	sadd.s32 $0x10, s15;
	v4 =	vld [tilespmem:s13+$0x3B80]  }
0x7d: {  	v5 =	vld [tilespmem:s14+$0x0];
	_ =	sdelay $0x1  }
0x7e: {  	v6 =	vld [tilespmem:s13+$0x4F80];
	_ =	sdelay $0x1  }
0x7f: {  	v7 =	vld [tilespmem:s13+$0x6380]  }
0x80: {  	v4 =	vadd.f32 v4, v5  }
0x81: {  	v5 =	vld [tilespmem:s13+$0x7780]  }
0x82: {  	v4 =	vadd.f32 v6, v4  }
0x83: {  	v56 =	vld [tilespmem:s13+$0x8B80]  }
0x84: {  	v4 =	vadd.f32 v7, v4  }
0x85: {  	v57 =	vld [tilespmem:s13+$0x9F80]  }
0x86: {  	v4 =	vadd.f32 v5, v4  }
0x87: {  	v5 =	vld [tilespmem:s13+$0xB380]  }
0x88: {  	v4 =	vadd.f32 v56, v4  }
0x89: {  	v58 =	vld [tilespmem:s13+$0xC780]  }
0x8a: {  	v4 =	vadd.f32 v57, v4  }
0x8b: {  	v59 =	vld [tilespmem:s13+$0xDB80]  }
0x8c: {  	v4 =	vadd.f32 v5, v4  }
0x8d: {  	v5 =	vld [tilespmem:s13+$0xEF80]  }
0x8e: {  	v4 =	vadd.f32 v58, v4  }
0x8f: {  	v60 =	vld [tilespmem:s13+$0x10380]  }
0x90: {  	v4 =	vadd.f32 v59, v4  }
0x91: {  	v61 =	vld [tilespmem:s13+$0x11780]  }
0x92: {  	v4 =	vadd.f32 v5, v4  }
0x93: {  	v5 =	vld [tilespmem:s13+$0x12B80]  }
0x94: {  	v4 =	vadd.f32 v60, v4  }
0x95: {  	v62 =	vld [tilespmem:s13+$0x13F80]  }
0x96: {  	v4 =	vadd.f32 v61, v4  }
0x97: {  	v63 =	vld [tilespmem:s13+$0x15380]  }
0x98: {  	v4 =	vadd.f32 v5, v4  }
0x99: {  	p0 =	por $0x1, $0x1  }
.Ltmp3:
0x9a: {  	v4 =	vadd.f32 v62, v4;
	(pc) =	sbr.rel @!p0 .LBB2_9-.Ltmp3, $4  }
0x9b: {  	_ = 	snop  }
0x9c: {  	v4 =	vadd.f32 v63, v4  }
0x9d: {  	s12 =	sadd.s32 $0x10, s12  }
0x9e: {  	s14 =	simm.s32 $0x200;
	s13 =	simm.s32 $0x0;
	[tilespmem:s12+$0x0] =	vst v4;
	s12 =	simm.s32 $0x0  }
.LBB2_8:
0x9f: {  	p0 =	sne.s32 s14, $0x4FE00;
	[tilespmem:s13+$0x27F0] =	vst v1  }
0xa0: {  	[tilespmem:s13+$0x2780] =	vst v1  }
0xa1: {  	[tilespmem:s13+$0x2790] =	vst v1  }
.Ltmp4:
0xa2: {  	[tilespmem:s13+$0x27A0] =	vst v1;
	(pc) =	sbr.rel @p0 .LBB2_8-.Ltmp4, $4  }
0xa3: {  	[tilespmem:s13+$0x27B0] =	vst v1  }
0xa4: {  	[tilespmem:s13+$0x27C0] =	vst v1  }
0xa5: {  	[tilespmem:s13+$0x27D0] =	vst v1  }
0xa6: {  	[tilespmem:s13+$0x27E0] =	vst v1;
	s13 =	sshra.s32 s14, $0x2;
	s14 =	sadd.s32 $0x200, s14  }
.LBB2_9:
0xa7: {  	[tilespmem:s13+$0x27F0] =	vst v1  }
0xa8: {  	[tilespmem:s13+$0x2780] =	vst v1  }
0xa9: {  	[tilespmem:s13+$0x2790] =	vst v1  }
0xaa: {  	[tilespmem:s13+$0x27A0] =	vst v1  }
0xab: {  	[tilespmem:s13+$0x27B0] =	vst v1  }
0xac: {  	[tilespmem:s13+$0x27C0] =	vst v1  }
0xad: {  	[tilespmem:s13+$0x27D0] =	vst v1  }
0xae: {  	[tilespmem:s13+$0x27E0] =	vst v1  }
.LBB2_10:
0xaf: {  	s14 =	sshra.s32 s12, $0x2  }
0xb0: {  	v4 =	vld [tilespmem:s14+$0x0];
	_ =	sdelay $0x4  }
0xb1: {  	v5 =	vadd.s32 $0xFFFFEC00, v4  }
0xb2: {  	vm0 =	vlt.u32 v5, $0x1400  }
0xb3: {  	v4 =	vadd.s32 v3, v4;
	_ =	sdelay $0x3  }
0xb4: {  	s13 =	simm.s32 $0x2780  }
0xb5: {  	[tilespmem:v4+s13+$0x0] =	vst.idx.add.f32.msk vm0, v2  }
0xb6: {  	v4 =	vld [tilespmem:s14+$0x10];
	_ =	sdelay $0x4  }
0xb7: {  	v5 =	vadd.s32 $0xFFFFEC00, v4  }
0xb8: {  	vm12 =	vlt.u32 v5, $0x1400  }
0xb9: {  	v4 =	vadd.s32 v3, v4;
	_ =	sdelay $0x4  }
0xba: {  	[tilespmem:v4+s13+$0x0] =	vst.idx.add.f32.msk vm12, v2  }
0xbb: {  	v4 =	vld [tilespmem:s14+$0x20];
	_ =	sdelay $0x4  }
0xbc: {  	v5 =	vadd.s32 $0xFFFFEC00, v4  }
0xbd: {  	vm13 =	vlt.u32 v5, $0x1400  }
0xbe: {  	v4 =	vadd.s32 v3, v4;
	_ =	sdelay $0x4  }
0xbf: {  	[tilespmem:v4+s13+$0x0] =	vst.idx.add.f32.msk vm13, v2  }
0xc0: {  	v4 =	vld [tilespmem:s14+$0x30];
	_ =	sdelay $0x4  }
0xc1: {  	v5 =	vadd.s32 $0xFFFFEC00, v4  }
0xc2: {  	vm14 =	vlt.u32 v5, $0x1400  }
0xc3: {  	v4 =	vadd.s32 v3, v4;
	_ =	sdelay $0x4  }
0xc4: {  	[tilespmem:v4+s13+$0x0] =	vst.idx.add.f32.msk vm14, v2  }
0xc5: {  	v4 =	vld [tilespmem:s14+$0x40];
	_ =	sdelay $0x4  }
0xc6: {  	v5 =	vadd.s32 $0xFFFFEC00, v4  }
0xc7: {  	vm15 =	vlt.u32 v5, $0x1400  }
0xc8: {  	p0 =	sne.s32 s12, $0x9B00;
	v4 =	vadd.s32 v3, v4  }
.Ltmp5:
0xc9: {  	_ = 	snop;
	(pc) =	sbr.rel @p0 .LBB2_10-.Ltmp5, $2  }
0xca: {  	_ =	sdelay $0x2  }
0xcb: {  	s12 =	sadd.s32 $0x140, s12;
	[tilespmem:v4+s13+$0x0] =	vst.idx.add.f32.msk vm15, v2  }
0xcc: {  	s12 =	simm.s32 $0x0  }
0xcd: {  	s12 =	sand.u32 $0x1FF0, s12  }
0xce: {  	s14 =	simm.s32 $0x10;
	v4 =	vld [tilespmem:s12+$0x3B80]  }
.LBB2_12:
0xcf: {  	p0 =	sne.s32 s14, $0x1370;
	v5 =	vld [tilespmem:s13+$0x0];
	_ =	sdelay $0x1  }
0xd0: {  	v6 =	vld [tilespmem:s12+$0x4F80];
	_ =	sdelay $0x1  }
0xd1: {  	v7 =	vld [tilespmem:s12+$0x6380]  }
0xd2: {  	v4 =	vadd.f32 v4, v5  }
0xd3: {  	v5 =	vld [tilespmem:s12+$0x7780]  }
0xd4: {  	v4 =	vadd.f32 v6, v4  }
0xd5: {  	v6 =	vld [tilespmem:s12+$0x8B80]  }
0xd6: {  	v4 =	vadd.f32 v7, v4  }
0xd7: {  	v7 =	vld [tilespmem:s12+$0x9F80]  }
0xd8: {  	v4 =	vadd.f32 v5, v4  }
0xd9: {  	v5 =	vld [tilespmem:s12+$0xB380]  }
0xda: {  	v4 =	vadd.f32 v6, v4  }
0xdb: {  	v6 =	vld [tilespmem:s12+$0xC780]  }
0xdc: {  	v4 =	vadd.f32 v7, v4  }
0xdd: {  	v7 =	vld [tilespmem:s12+$0xDB80]  }
0xde: {  	v4 =	vadd.f32 v5, v4  }
0xdf: {  	v5 =	vld [tilespmem:s12+$0xEF80]  }
0xe0: {  	v4 =	vadd.f32 v6, v4  }
0xe1: {  	v6 =	vld [tilespmem:s12+$0x10380]  }
0xe2: {  	v4 =	vadd.f32 v7, v4  }
0xe3: {  	v7 =	vld [tilespmem:s12+$0x11780]  }
0xe4: {  	v4 =	vadd.f32 v5, v4  }
0xe5: {  	v5 =	vld [tilespmem:s12+$0x12B80]  }
0xe6: {  	v4 =	vadd.f32 v6, v4  }
0xe7: {  	v6 =	vld [tilespmem:s12+$0x13F80]  }
0xe8: {  	v4 =	vadd.f32 v7, v4  }
0xe9: {  	v7 =	vld [tilespmem:s12+$0x15380]  }
0xea: {  	v4 =	vadd.f32 v5, v4;
	_ =	sdelay $0x1  }
.Ltmp6:
0xeb: {  	v4 =	vadd.f32 v6, v4;
	(pc) =	sbr.rel @p0 .LBB2_12-.Ltmp6, $4  }
0xec: {  	_ = 	snop  }
0xed: {  	v5 =	vadd.f32 v7, v4  }
0xee: {  	s15 =	sand.u32 $0x1FF0, s14  }
0xef: {  	s14 =	sadd.s32 $0x10, s14;
	s13 =	sadd.s32 $0x10, s13;
	v4 =	vld [tilespmem:s15+$0x3B80];
	[tilespmem:s12+$0x17B80] =	vst v5;
	s12 =	smov.u32 s15  }
0xf0: {  	v5 =	vld [tilespmem:s13+$0x0];
	_ =	sdelay $0x1  }
0xf1: {  	v6 =	vld [tilespmem:s12+$0x4F80];
	_ =	sdelay $0x1  }
0xf2: {  	v7 =	vld [tilespmem:s12+$0x6380]  }
0xf3: {  	v4 =	vadd.f32 v4, v5  }
0xf4: {  	v5 =	vld [tilespmem:s12+$0x7780]  }
0xf5: {  	v4 =	vadd.f32 v6, v4  }
0xf6: {  	v56 =	vld [tilespmem:s12+$0x8B80]  }
0xf7: {  	v4 =	vadd.f32 v7, v4  }
0xf8: {  	v57 =	vld [tilespmem:s12+$0x9F80]  }
0xf9: {  	v4 =	vadd.f32 v5, v4  }
0xfa: {  	v5 =	vld [tilespmem:s12+$0xB380]  }
0xfb: {  	v4 =	vadd.f32 v56, v4  }
0xfc: {  	v58 =	vld [tilespmem:s12+$0xC780]  }
0xfd: {  	v4 =	vadd.f32 v57, v4  }
0xfe: {  	v59 =	vld [tilespmem:s12+$0xDB80]  }
0xff: {  	v4 =	vadd.f32 v5, v4  }
0x100: {  	v5 =	vld [tilespmem:s12+$0xEF80]  }
0x101: {  	v4 =	vadd.f32 v58, v4  }
0x102: {  	v60 =	vld [tilespmem:s12+$0x10380]  }
0x103: {  	v4 =	vadd.f32 v59, v4  }
0x104: {  	v61 =	vld [tilespmem:s12+$0x11780]  }
0x105: {  	v4 =	vadd.f32 v5, v4  }
0x106: {  	v5 =	vld [tilespmem:s12+$0x12B80]  }
0x107: {  	v4 =	vadd.f32 v60, v4  }
0x108: {  	v62 =	vld [tilespmem:s12+$0x13F80]  }
0x109: {  	v4 =	vadd.f32 v61, v4  }
0x10a: {  	v63 =	vld [tilespmem:s12+$0x15380]  }
0x10b: {  	v4 =	vadd.f32 v5, v4;
	_ =	sdelay $0x1  }
0x10c: {  	v4 =	vadd.f32 v62, v4;
	_ =	sdelay $0x1  }
0x10d: {  	s11 =	sadd.s32 $0x1, s11;
	v4 =	vadd.f32 v63, v4  }
0x10e: {  	p0 =	sne.s32 s11, s5  }
.Ltmp7:
0x10f: {  	[tilespmem:s12+$0x17B80] =	vst v4;
	(pc) =	sbr.rel @p0 .LBB2_1-.Ltmp7, $4  }
0x110: {  	[hbm4b:s4+s7] =	stream.strided.scatter [tilespmem:s9], [sflag:$0x2], $0x2780, s8, s7, $0x38;
	[tilespmem:$0x18F00] =	vst v63  }
0x111: {  	_ =	swait.ge [sflag:s10], $0x2780  }
0x112: {  	[sflag:s10] =	ssyncset.done $0x0  }
0x113: {  	[sflag:s10] =	ssyncadd.s32 $0xFFFFD880  }
0x114: {  	_ =	sfence.sel $0x180000  }
0x115: {  	[bflag:$0x0] =	sbarrier.arrive $0xFFFF  }
0x116: {  	p0 =	sne.s32 s0, $0x0;
	_ =	strace $0x90000047  }
0x117: {  	s0 =	sadd.s32 @!p0 $0x100000, s1;
	[bflag:$0x2] =	sbarrier.arrive $0xFFFF  }
0x118: {  	[sflag:s0] =	ssyncadd.tile.s32 @!p0 $0x1;
	_ =	shalt  }
.Lfunc_end2:
_tile_overlayer_lowered:
.L_overlay_start_2:
0x119: {  	(tag) =	ssettag $0x2  }
0x11a: {  	s0 =	rddreg [dreg:$0x0];
	s2 =	stileid.u32  }
0x11b: {  	s1 =	rddreg [dreg:$0x1];
	p0 =	sne.s32 s2, $0x0  }
0x11c: {  	s3 =	rddreg [dreg:$0x2];
	[bflag:$0x3] =	sbarrier.arrive $0xFFFF;
	s2 =	simm.s32 @!p0 $0x1C02  }
0x11d: {  	[timem:s3], [sflag:s2] =	dma.local @!p0 [hbm:s0], s1  }
0x11e: {  	s0 =	simm.s32 @!p0 $0x2  }
0x11f: {  	_ =	swait.ge @!p0 [sflag:s0], s1  }
0x120: {  	s1 =	ssub.s32 @!p0 $0x0, s1;
	[sflag:s0] =	ssyncset.done @!p0 $0x0  }
0x121: {  	[sflag:s0] =	ssyncadd.s32 @!p0 s1  }
0x122: {  	[bflag:$0x3] =	sbarrier.arrive $0xFFFF  }
0x123: {  	_ =	shalt  }

// kernel: kernel.14.cloned.1.call-start
scs
__scs_entry_jumppad:
0x0: {  	(pc) =	sbr.rel $0x88, $3  }
0x1: {  	(tag) =	ssettag $0x0;
	lr =	simm.s32 $0x1  }
0x2: {  	[smem:$0x3F8C] =	sst lr;
	_ =	strace $0xD0000000  }
0x3: {  	_ = 	snop  }
0x4: {  	_ = 	snop  }
0x5: {  	_ = 	snop  }
0x6: {  	_ = 	snop  }
0x7: {  	_ = 	snop  }
__scs_overlays_trampoline_lowered:
0x8: {  	[smem:$0x3F9B] =	sst s0  }
0x9: {  	[smem:$0x3F9C] =	sst s1  }
0xa: {  	[smem:$0x3F9D] =	sst s2  }
0xb: {  	[smem:$0x3F9E] =	sst s3  }
0xc: {  	[smem:$0x3F9F] =	sst s4  }
0xd: {  	[smem:$0x3FA0] =	sst s5  }
0xe: {  	[smem:$0x3FA1] =	sst s6  }
0xf: {  	[smem:$0x3FA2] =	sst s7  }
0x10: {  	[smem:$0x3FA3] =	sst s8  }
0x11: {  	[smem:$0x3FA4] =	sst s9;
	s0 =	simm.s32 @!p0 $0x0  }
0x12: {  	s1 =	sld [smem:$0x3F8A];
	s0 =	simm.s32 @p0 $0x1  }
0x13: {  	[smem:$0x3FA5] =	sst s0;
	s0 =	simm.s32 @!p1 $0x0  }
0x14: {  	s2 =	sld [smem:$0x3F89];
	s0 =	simm.s32 @p1 $0x1  }
0x15: {  	[smem:$0x3FA6] =	sst s0;
	s0 =	simm.s32 @!p2 $0x0  }
0x16: {  	s3 =	sld [smem:$0x3FDB];
	s0 =	simm.s32 @p2 $0x1  }
0x17: {  	s4 =	simm.s32 $0x1BF5;
	[smem:$0x3FA8] =	sst s0  }
0x18: {  	s0 =	sld [smem:$0x3F8B];
	_ =	swait.ge [sflag:s4], $0x0  }
0x19: {  	s7 =	sld [smem:$0x3F8C]  }
0x1a: {  	s8 =	sadd.s32 $0xFFFFE003, lr  }
0x1b: {  	s9 =	sadd.s32 $0xFFFFFEF7, lr;
	s5 =	simm.s32 $0xFFFFFFFF;
	p2 =	slt.u32 s8, $0xFFFFF086  }
0x1c: {  	p1 =	slt.u32 s9, $0xF7A;
	s5 =	simm.s32 @!p2 $0x0  }
0x1d: {  	s5 =	simm.s32 @p1 $0x1;
	p0 =	seq.s32 s7, s2  }
0x1e: {  	s7 =	smul.u32 @!p0 $0xF7A, s2;
	p2 =	seq.s32 @!p0 s5, $0x0  }
0x1f: {  	s9 =	smul.u32 $0xF7A, s1;
	s8 =	simm.s32 @!p0 $0x1BF5;
	p2 =	por !p2, p0  }
0x20: {  	[sflag:s8] =	ssyncset.s32 @!p0 $0xFFFFF086;
	s6 =	sadd.s32 @!p0 s3, s7;
	s7 =	simm.s32 @!p0 $0x108  }
0x21: {  	s3 =	sadd.s32 s3, s9;
	s6 =	sadd.s32 @!p0 $0x88, s6;
	s7 =	simm.s32 @p2 $0x1082  }
0x22: {  	[simem:s7], [sflag:s8] =	dma.local @!p0 [hbm:s6], $0xF7A  }
0x23: {  	s9 =	sor.u32 $0xD0000000, s2;
	s6 =	simm.s32 $0x108;
	_ =	swait.ge @!p0 [sflag:s8], $0x0  }
0x24: {  	s3 =	sadd.s32 $0x88, s3;
	s6 =	simm.s32 @!p1 $0x1082;
	[sflag:s4] =	ssyncset.s32 $0xFFFFF086  }
0x25: {  	[simem:s6], [sflag:s4] =	dma.local [hbm:s3], $0xF7A  }
0x26: {  	[smem:$0x3F8C] =	sst s1;
	(tag) =	ssettag s2;
	_ =	strace s9  }
0x27: {  	s1 =	sld [smem:$0x3F9C]  }
0x28: {  	s2 =	sld [smem:$0x3F9D]  }
0x29: {  	s4 =	sld [smem:$0x3F9F]  }
0x2a: {  	p0 =	seq.s32 s5, $0x0;
	s5 =	sld [smem:$0x3FA0]  }
0x2b: {  	s6 =	sld [smem:$0x3FA1]  }
0x2c: {  	s7 =	sld [smem:$0x3FA2]  }
0x2d: {  	s3 =	simm.s32 $0x108;
	s8 =	sld [smem:$0x3FA3]  }
0x2e: {  	s3 =	simm.s32 @!p0 $0x1082;
	s9 =	sld [smem:$0x3FA4]  }
0x2f: {  	lr =	sadd.s32 s0, s3;
	s0 =	sld [smem:$0x3F9B]  }
0x30: {  	s3 =	sld [smem:$0x3F9E]  }
0x31: {  	[smem:$0x3FA7] =	sst s10  }
0x32: {  	s10 =	sld [smem:$0x3FA5];
	_ =	sdelay $0x3  }
0x33: {  	p0 =	seq.s32 s10, $0x1;
	s10 =	sld [smem:$0x3FA7];
	_ =	sdelay $0x3  }
0x34: {  	[smem:$0x3FA7] =	sst s10  }
0x35: {  	s10 =	sld [smem:$0x3FA6];
	_ =	sdelay $0x3  }
0x36: {  	p1 =	seq.s32 s10, $0x1;
	s10 =	sld [smem:$0x3FA7];
	_ =	sdelay $0x3  }
0x37: {  	[smem:$0x3FA7] =	sst s10  }
0x38: {  	s10 =	sld [smem:$0x3FA8]  }
0x39: {  	_ = 	snop;
	(pc) =	sbr.ind lr, $3  }
0x3a: {  	_ = 	snop  }
0x3b: {  	_ = 	snop  }
0x3c: {  	p2 =	seq.s32 s10, $0x1;
	s10 =	sld [smem:$0x3FA7]  }
0x3d: {  	_ =	shalt  }
0x3e: {  	_ =	shalt  }
0x3f: {  	_ =	shalt  }
0x40: {  	_ =	shalt  }
0x41: {  	_ =	shalt  }
0x42: {  	_ =	shalt  }
0x43: {  	_ =	shalt  }
0x44: {  	_ =	shalt  }
0x45: {  	_ =	shalt  }
0x46: {  	_ =	shalt  }
0x47: {  	_ =	shalt  }
0x48: {  	_ =	shalt  }
0x49: {  	_ =	shalt  }
0x4a: {  	_ =	shalt  }
0x4b: {  	_ =	shalt  }
0x4c: {  	_ =	shalt  }
0x4d: {  	_ =	shalt  }
0x4e: {  	_ =	shalt  }
0x4f: {  	_ =	shalt  }
0x50: {  	_ =	shalt  }
0x51: {  	_ =	shalt  }
0x52: {  	_ =	shalt  }
0x53: {  	_ =	shalt  }
0x54: {  	_ =	shalt  }
0x55: {  	_ =	shalt  }
0x56: {  	_ =	shalt  }
0x57: {  	_ =	shalt  }
0x58: {  	_ =	shalt  }
0x59: {  	_ =	shalt  }
0x5a: {  	_ =	shalt  }
0x5b: {  	_ =	shalt  }
0x5c: {  	_ =	shalt  }
0x5d: {  	_ =	shalt  }
0x5e: {  	_ =	shalt  }
0x5f: {  	_ =	shalt  }
0x60: {  	_ =	shalt  }
0x61: {  	_ =	shalt  }
0x62: {  	_ =	shalt  }
0x63: {  	_ =	shalt  }
0x64: {  	_ =	shalt  }
0x65: {  	_ =	shalt  }
0x66: {  	_ =	shalt  }
0x67: {  	_ =	shalt  }
0x68: {  	_ =	shalt  }
0x69: {  	_ =	shalt  }
0x6a: {  	_ =	shalt  }
0x6b: {  	_ =	shalt  }
0x6c: {  	_ =	shalt  }
0x6d: {  	_ =	shalt  }
0x6e: {  	_ =	shalt  }
0x6f: {  	_ =	shalt  }
0x70: {  	_ =	shalt  }
0x71: {  	_ =	shalt  }
0x72: {  	_ =	shalt  }
0x73: {  	_ =	shalt  }
0x74: {  	_ =	shalt  }
0x75: {  	_ =	shalt  }
0x76: {  	_ =	shalt  }
0x77: {  	_ =	shalt  }
0x78: {  	_ =	shalt  }
0x79: {  	_ =	shalt  }
0x7a: {  	_ =	shalt  }
0x7b: {  	_ =	shalt  }
0x7c: {  	_ =	shalt  }
0x7d: {  	_ =	shalt  }
0x7e: {  	_ =	shalt  }
0x7f: {  	_ =	shalt  }
0x80: {  	_ =	shalt  }
0x81: {  	_ =	shalt  }
0x82: {  	_ =	shalt  }
0x83: {  	_ =	shalt  }
0x84: {  	_ =	shalt  }
0x85: {  	_ =	shalt  }
0x86: {  	_ =	shalt  }
0x87: {  	_ =	shalt  }
.Lfunc_end0:
.L_simem_size_0:
called_computation.1_lowered:
.L_overlay_start_0:
0x88: {  	s2 =	sld [smem:$0x3FD9]  }
0x89: {  	s3 =	sld [smem:$0x3FFE];
	_ =	sdelay $0x1  }
0x8a: {  	s1 =	srdreg.scid  }
0x8b: {  	s0 =	sand.u32 $0x1, s1  }
0x8c: {  	s16 =	sshll.u32 s0, $0xA;
	s2 =	sadd.s32 s3, s2  }
0x8d: {  	s2 =	sadd.s32 s2, s16  }
0x8e: {  	[smem:$0x3FB3] =	sst s2  }
0x8f: {  	_ = 	snop  }
0x90: {  	(tm) =	ssettm $0x1  }
0x91: {  	s17 =	sld [smem:$0x3FFB];
	_ =	sdelay $0x3  }
0x92: {  	_ =	strace s17  }
0x93: {  	s2 =	sld [smem:$0x3FFC];
	_ =	sdelay $0x3  }
0x94: {  	_ =	strace s2  }
0x95: {  	s2 =	sld [smem:$0x3FFD];
	_ =	sdelay $0x3  }
0x96: {  	_ =	strace s2  }
0x97: {  	_ =	strace $0x8FFFFFFF  }
0x98: {  	s18 =	sld [smem:$0x3FDB];
	_ =	sdelay $0x1  }
0x99: {  	s19 =	simm.s32 $_scs_section_size  }
0x9a: {  	s4 =	simm.s32 $_size__tile_overlayer_lowered;
	s5 =	simm.s32 $_tile_overlayer_lowered  }
0x9b: {  	s22 =	simm.s32 $0x1BFF;
	s21 =	sshll.u32 s5, $0x1;
	s2 =	sadd.s32 s19, s18  }
0x9c: {  	s6 =	simm.s32 $0x0;
	s20 =	sshll.u32 s4, $0x1;
	s4 =	sadd.s32 s21, s2  }
0x9d: {  	[timem:s6], [sflag:s22] =	dma.local [hbm:s4], s20  }
0x9e: {  	_ =	swait.ge [sflag:s22], s20  }
0x9f: {  	s3 =	ssub.s32 $0x0, s20;
	[sflag:s22] =	ssyncset.done $0x0  }
0xa0: {  	[sflag:s22] =	ssyncadd.s32 s3;
	_ =	sdelay $0x1  }
0xa1: {  	s23 =	simm.s32 $0x1B8B  }
0xa2: {  	_ =	swait.ge [sflag:s23], $0x1  }
0xa3: {  	[sflag:s23] =	ssyncset.done $0x0  }
0xa4: {  	s25 =	simm.s32 $0x1B8E;
	s24 =	sld [smem:$0x3FFE];
	[sflag:s23] =	ssyncadd.s32 $0xFFFFFFFF  }
0xa5: {  	s26 =	simm.s32 $execute0_lowered;
	[smem:$0x3FD2] =	sst s25  }
0xa6: {  	s4 =	sshll.u32 s26, $0x1;
	_ =	strace $0x80000049;
	[dreg:$0x1] =	wrdreg $0xFFFFFFFF  }
0xa7: {  	s28 =	simm.s32 $_size_execute0_lowered;
	s2 =	sadd.s32 s2, s4;
	[dreg:$0x0] =	wrdreg $0x0  }
0xa8: {  	s4 =	sshll.u32 s28, $0x1;
	[dreg:$0x2] =	wrdreg s2  }
0xa9: {  	[dreg:$0x3] =	wrdreg s4  }
0xaa: {  	[dreg:$0x4] =	wrdreg $0xC0  }
0xab: {  	_ =	task [dreg:s6], $0x5FFFF  }
0xac: {  	[dreg:$0x1] =	wrdreg $0xFFFFFFFF  }
0xad: {  	[dreg:$0x0] =	wrdreg $0x60  }
0xae: {  	[dreg:$0x2] =	wrdreg s24  }
0xaf: {  	[dreg:$0x3] =	wrdreg $0xB3000  }
0xb0: {  	[dreg:$0x4] =	wrdreg $0x9  }
0xb1: {  	_ =	task.clear_ibuf [dreg:s6], $0x5FFFF;
	_ =	strace $0x90000049  }
0xb2: {  	s29 =	simm.s32 $0x9;
	_ =	strace $0x8000004B  }
0xb3: {  	_ =	swait.ge [sflag:s29], $0x1  }
0xb4: {  	[sflag:s29] =	ssyncadd.s32 $0xFFFFFFFF  }
0xb5: {  	_ =	strace $0x9000004B  }
0xb6: {  	_ =	sfence  }
0xb7: {  	s30 =	sld [smem:$0x0];
	_ =	sdelay $0x2  }
0xb8: {  	s31 =	sshll.u32 s1, $0xD;
	s1 =	sshrl.u32 s1, $0x2  }
0xb9: {  	s3 =	sand.u32 $0x4000, s31;
	s1 =	sadd.s32 s1, s30  }
0xba: {  	s0 =	sor.u32 s3, s0;
	s1 =	sshll.u32 s1, $0x11  }
0xbb: {  	s0 =	sor.u32 s1, s0  }
0xbc: {  	s0 =	sadd.s32 $0x8F2B, s0  }
0xbd: {  	[sflag:s0] =	ssyncadd.remote.s32 $0x1  }
0xbe: {  	_ =	sfence.sel $0xFFFF  }
0xbf: {  	[dreg:$0x0] =	wrdreg $0xFFFFFFFF;
	(pc) =	sbr.abs _section_cstart, $3  }
0xc0: {  	[dreg:$0x1] =	wrdreg $0xFFFFFFFF  }
0xc1: {  	_ =	task.clear_ibuf [dreg:s6], $0x2FFFF;
	_ =	strace $0x9FFFFFFF  }
0xc2: {  	(tm) =	ssettm $0x7FFFFFFF  }
0xc3: {  	_ =	shalt  }
tec
execute0_lowered:
.L_overlay_start_1:
0x0: {  	(tag) =	ssettag $0x1  }
0x1: {  	s0 =	srdreg.scid;
	s1 =	rddreg [dreg:$0x0]  }
0x2: {  	s2 =	rddreg [dreg:$0x1];
	s14 =	stileid.u32  }
0x3: {  	s3 =	simm.s32 $0x0;
	s17 =	simm.s32 $0x1;
	s18 =	simm.s32 $0x2  }
0x4: {  	s19 =	simm.s32 $0x28;
	s20 =	simm.s32 $0x4F00;
	s21 =	simm.s32 $0x6300  }
0x5: {  	s28 =	simm.s32 $0x9F00;
	s29 =	simm.s32 $0x3;
	s30 =	simm.s32 $0x4  }
0x6: {  	s31 =	simm.s32 $0x5;
	s22 =	simm.s32 $0x9;
	s6 =	smul.u32 $0x2700, s14  }
0x7: {  	s0 =	sand.u32 $0x1, s0;
	[smem:$0x7FF] =	sst s3;
	s8 =	smul.u32 $0x4E000, s14  }
0x8: {  	s10 =	sadd.s32 $0x97E00, s1;
	s23 =	smul.u32 $0x13800, s14;
	s12 =	sadd.s32 $0x124800, s2  }
0x9: {  	p0 =	seq.s32 s14, $0xF;
	s4 =	sshll.u32 s0, $0x4;
	_ =	strace $0x8000004A  }
0xa: {  	s7 =	ssub.s32 $0x2, s0;
	s0 =	smul.u32 $0x138800, s0;
	s13 =	sshrl.u32 @p0 s12, $0x3  }
0xb: {  	s12 =	simm.s32 $0x8;
	s4 =	sor.u32 s14, s4;
	s6 =	sadd.s32 s6, s1  }
0xc: {  	s9 =	sshrl.u32 s7, $0x1;
	s25 =	sshrl.u32 s8, $0x2;
	s8 =	sadd.s32 $0x95500, s1  }
0xd: {  	s14 =	sshll.u32 @!p0 s14, $0x6;
	s5 =	smul.u32 $0x4E2, s4;
	s4 =	sadd.s32 $0x49A00, s1  }
0xe: {  	s11 =	ssub.s32 s7, s9;
	s6 =	sadd.s32 $0x70C00, s6;
	s26 =	sadd.s32 s23, s0  }
0xf: {  	s0 =	sshrl.u32 s0, $0x3;
	s15 =	sor.u32 @!p0 $0x1C03, s14;
	s23 =	simm.s32 $0x7700  }
0x10: {  	[dreg:$0x5] =	wrdreg s6;
	s6 =	sshrl.u32 s26, $0x3;
	s0 =	sadd.s32 s10, s0  }
0x11: {  	s11 =	smax.u32 s11, $0x1;
	s26 =	simm.s32 $0x0;
	s5 =	sadd.s32 s5, s1  }
0x12: {  	s9 =	sadd.s32 s10, s6;
	s10 =	sadd.s32 $0x24900, s0;
	s24 =	sadd.s32 $0x4E00, s5  }
0x13: {  	s0 =	simm.s32 $0x6;
	s5 =	sadd.s32 $0xEC00, s5;
	[dreg:$0x3] =	wrdreg s24  }
0x14: {  	s1 =	simm.s32 $0x7;
	[dreg:$0x4] =	wrdreg s5;
	s5 =	sadd.s32 s25, s2  }
0x15: {  	s25 =	simm.s32 $0x8B00;
	s24 =	simm.s32 $0xA;
	s16 =	sshrl.u32 @!p0 s5, $0x3  }
.LBB2_1:
0x16: {  	s5 =	rddreg [dreg:$0x3]  }
0x17: {  	[tilespmem:s3], [sflag:$0x1] =	stream.linear.gather [hbm4b:s5+s3], $0x2710, $0x38;
	[tilespmem:$0x1EB80] =	vst v63  }
0x18: {  	s7 =	rddreg [dreg:$0x4];
	s6 =	simm.s32 $0x2780;
	s5 =	simm.s32 @p0 $0x1FC3  }
0x19: {  	[tilespmem:s6], [sflag:$0x2] =	stream.linear.gather [hbm4b:s7+s3], $0x2710, $0x38;
	[tilespmem:$0x1EB80] =	vst v63  }
0x1a: {  	[spmem:s13], [sflag:s5] =	dma.local @p0 [hbm:s8], $0x2800  }
0x1b: {  	s5 =	simm.s32 @p0 $0x3  }
0x1c: {  	_ =	swait.ge @p0 [sflag:s5], $0x2800  }
0x1d: {  	[sflag:s5] =	ssyncset.done @p0 $0x0  }
0x1e: {  	[sflag:s5] =	ssyncadd.s32 @p0 $0xFFFFD800;
	s5 =	rddreg [dreg:$0x5]  }
0x1f: {  	[spmem:s16], [sflag:s15] =	dma.local @!p0 [hbm:s5], $0x2700  }
0x20: {  	s5 =	simm.s32 @!p0 $0x3  }
0x21: {  	_ =	swait.ge @!p0 [sflag:s5], $0x2700  }
0x22: {  	[sflag:s5] =	ssyncset.done @!p0 $0x0  }
0x23: {  	[sflag:s5] =	ssyncadd.s32 @!p0 $0xFFFFD900  }
0x24: {  	_ =	swait.ge [sflag:s17], $0x2710  }
0x25: {  	[sflag:s17] =	ssyncset.done $0x0  }
0x26: {  	[sflag:s17] =	ssyncadd.s32 $0xFFFFD8F0  }
0x27: {  	_ =	swait.ge [sflag:s18], $0x2710  }
0x28: {  	[sflag:s18] =	ssyncset.done $0x0  }
0x29: {  	[sflag:s18] =	ssyncadd.s32 $0xFFFFD8F0  }
0x2a: {  	[bflag:$0x0] =	sbarrier.arrive $0xFFFF  }
0x2b: {  	[tilespmem:s20], [sflag:$0x1] =	stream.indirect.gather [hbm4b:s4+s19], $0x80, s3, s19, $0xb8;
	[tilespmem:$0x1EB80] =	vst v63  }
0x2c: {  	_ = 	snop  }
0x2d: {  	[tilespmem:s21], [sflag:$0x2] =	stream.indirect.gather [hbm4b:s4+s19], $0x80, s19, s19, $0xb8;
	[tilespmem:$0x1EB80] =	vst v63  }
0x2e: {  	s6 =	simm.s32 $0x50  }
0x2f: {  	[tilespmem:s23], [sflag:$0x3] =	stream.indirect.gather [hbm4b:s4+s19], $0x80, s6, s19, $0xb8;
	[tilespmem:$0x1EB80] =	vst v63  }
0x30: {  	s7 =	simm.s32 $0x78  }
0x31: {  	[tilespmem:s25], [sflag:$0x4] =	stream.indirect.gather [hbm4b:s4+s19], $0x80, s7, s19, $0xb8;
	[tilespmem:$0x1EB80] =	vst v63  }
0x32: {  	s6 =	simm.s32 $0xA0  }
0x33: {  	[tilespmem:s28], [sflag:$0x5] =	stream.indirect.gather [hbm4b:s4+s19], $0x80, s6, s19, $0xb8;
	[tilespmem:$0x1EB80] =	vst v63  }
0x34: {  	_ =	swait.ge [sflag:s17], $0x1400  }
0x35: {  	[sflag:s17] =	ssyncset.done $0x0  }
0x36: {  	s7 =	simm.s32 $0x2780;
	[sflag:s17] =	ssyncadd.s32 $0xFFFFEC00  }
0x37: {  	[spmem:s2] =	stream.indirect.scatter.add.f32 [tilespmem:s20], [sflag:$0x6], $0x80, s7, s19, $0xb8;
	[tilespmem:$0x1EB80] =	vst v63  }
0x38: {  	_ =	swait.ge [sflag:s18], $0x1400  }
0x39: {  	[sflag:s18] =	ssyncset.done $0x0  }
0x3a: {  	s6 =	simm.s32 $0x27A8;
	[sflag:s18] =	ssyncadd.s32 $0xFFFFEC00  }
0x3b: {  	[spmem:s2] =	stream.indirect.scatter.add.f32 [tilespmem:s21], [sflag:$0x7], $0x80, s6, s19, $0xb8;
	[tilespmem:$0x1EB80] =	vst v63  }
0x3c: {  	_ =	swait.ge [sflag:s29], $0x1400  }
0x3d: {  	[sflag:s29] =	ssyncset.done $0x0  }
0x3e: {  	s7 =	simm.s32 $0x27D0;
	[sflag:s29] =	ssyncadd.s32 $0xFFFFEC00  }
0x3f: {  	[spmem:s2] =	stream.indirect.scatter.add.f32 [tilespmem:s23], [sflag:$0x8], $0x80, s7, s19, $0xb8;
	[tilespmem:$0x1EB80] =	vst v63  }
0x40: {  	_ =	swait.ge [sflag:s30], $0x1400  }
0x41: {  	[sflag:s30] =	ssyncset.done $0x0  }
0x42: {  	s6 =	simm.s32 $0x27F8;
	[sflag:s30] =	ssyncadd.s32 $0xFFFFEC00  }
0x43: {  	[spmem:s2] =	stream.indirect.scatter.add.f32 [tilespmem:s25], [sflag:$0x9], $0x80, s6, s19, $0xb8;
	[tilespmem:$0x1EB80] =	vst v63  }
0x44: {  	_ =	swait.ge [sflag:s31], $0x1400  }
0x45: {  	[sflag:s31] =	ssyncset.done $0x0  }
0x46: {  	s7 =	simm.s32 $0x2820;
	[sflag:s31] =	ssyncadd.s32 $0xFFFFEC00  }
0x47: {  	[spmem:s2] =	stream.indirect.scatter.add.f32 [tilespmem:s28], [sflag:$0xA], $0x80, s7, s19, $0xb8;
	[tilespmem:$0x1EB80] =	vst v63  }
0x48: {  	_ =	swait.ge [sflag:s0], $0x1400  }
0x49: {  	[sflag:s0] =	ssyncset.done $0x0  }
0x4a: {  	s6 =	simm.s32 $0xC8;
	[sflag:s0] =	ssyncadd.s32 $0xFFFFEC00  }
0x4b: {  	[tilespmem:s20], [sflag:$0x1] =	stream.indirect.gather [hbm4b:s4+s19], $0x80, s6, s19, $0xb8;
	[tilespmem:$0x1EB80] =	vst v63  }
0x4c: {  	_ =	swait.ge [sflag:s1], $0x1400  }
0x4d: {  	[sflag:s1] =	ssyncset.done $0x0  }
0x4e: {  	s7 =	simm.s32 $0xF0;
	[sflag:s1] =	ssyncadd.s32 $0xFFFFEC00  }
0x4f: {  	[tilespmem:s21], [sflag:$0x2] =	stream.indirect.gather [hbm4b:s4+s19], $0x80, s7, s19, $0xb8;
	[tilespmem:$0x1EB80] =	vst v63  }
0x50: {  	_ =	swait.ge [sflag:s12], $0x1400  }
0x51: {  	[sflag:s12] =	ssyncset.done $0x0  }
0x52: {  	s6 =	simm.s32 $0x118;
	[sflag:s12] =	ssyncadd.s32 $0xFFFFEC00  }
0x53: {  	[tilespmem:s23], [sflag:$0x3] =	stream.indirect.gather [hbm4b:s4+s19], $0x80, s6, s19, $0xb8;
	[tilespmem:$0x1EB80] =	vst v63  }
0x54: {  	_ =	swait.ge [sflag:s22], $0x1400  }
0x55: {  	[sflag:s22] =	ssyncset.done $0x0  }
0x56: {  	s7 =	simm.s32 $0x140;
	[sflag:s22] =	ssyncadd.s32 $0xFFFFEC00  }
0x57: {  	[tilespmem:s25], [sflag:$0x4] =	stream.indirect.gather [hbm4b:s4+s19], $0x80, s7, s19, $0xb8;
	[tilespmem:$0x1EB80] =	vst v63  }
0x58: {  	_ =	swait.ge [sflag:s24], $0x1400  }
0x59: {  	[sflag:s24] =	ssyncset.done $0x0  }
0x5a: {  	s5 =	simm.s32 $0x320;
	s6 =	simm.s32 $0x168;
	[sflag:s24] =	ssyncadd.s32 $0xFFFFEC00  }
.LBB2_2:
0x5b: {  	[tilespmem:s28], [sflag:$0x5] =	stream.indirect.gather [hbm4b:s4+s19], $0x80, s6, s19, $0xb8;
	[tilespmem:$0x1EB80] =	vst v63  }
0x5c: {  	s6 =	smov.u32 s5  }
0x5d: {  	p1 =	sne.s32 s5, $0x9600;
	s5 =	sadd.s32 $0x320, s5;
	_ =	swait.ge [sflag:s17], $0x1400  }
0x5e: {  	s6 =	sshra.s32 s6, $0x2;
	[sflag:s17] =	ssyncset.done $0x0  }
0x5f: {  	s7 =	sadd.s32 $0x2780, s6;
	[sflag:s17] =	ssyncadd.s32 $0xFFFFEC00  }
0x60: {  	[spmem:s2] =	stream.indirect.scatter.add.f32 [tilespmem:s20], [sflag:$0x6], $0x80, s7, s19, $0xb8;
	[tilespmem:$0x1EB80] =	vst v63  }
0x61: {  	_ =	swait.ge [sflag:s18], $0x1400  }
0x62: {  	[sflag:s18] =	ssyncset.done $0x0  }
0x63: {  	s7 =	sadd.s32 $0x27A8, s6;
	[sflag:s18] =	ssyncadd.s32 $0xFFFFEC00  }
0x64: {  	[spmem:s2] =	stream.indirect.scatter.add.f32 [tilespmem:s21], [sflag:$0x7], $0x80, s7, s19, $0xb8;
	[tilespmem:$0x1EB80] =	vst v63  }
0x65: {  	_ =	swait.ge [sflag:s29], $0x1400  }
0x66: {  	[sflag:s29] =	ssyncset.done $0x0  }
0x67: {  	s7 =	sadd.s32 $0x27D0, s6;
	[sflag:s29] =	ssyncadd.s32 $0xFFFFEC00  }
0x68: {  	[spmem:s2] =	stream.indirect.scatter.add.f32 [tilespmem:s23], [sflag:$0x8], $0x80, s7, s19, $0xb8;
	[tilespmem:$0x1EB80] =	vst v63  }
0x69: {  	_ =	swait.ge [sflag:s30], $0x1400  }
0x6a: {  	[sflag:s30] =	ssyncset.done $0x0  }
0x6b: {  	s7 =	sadd.s32 $0x27F8, s6;
	[sflag:s30] =	ssyncadd.s32 $0xFFFFEC00  }
0x6c: {  	[spmem:s2] =	stream.indirect.scatter.add.f32 [tilespmem:s25], [sflag:$0x9], $0x80, s7, s19, $0xb8;
	[tilespmem:$0x1EB80] =	vst v63  }
0x6d: {  	_ =	swait.ge [sflag:s31], $0x1400  }
0x6e: {  	[sflag:s31] =	ssyncset.done $0x0  }
0x6f: {  	s7 =	sadd.s32 $0x2820, s6;
	[sflag:s31] =	ssyncadd.s32 $0xFFFFEC00  }
0x70: {  	[spmem:s2] =	stream.indirect.scatter.add.f32 [tilespmem:s28], [sflag:$0xA], $0x80, s7, s19, $0xb8;
	[tilespmem:$0x1EB80] =	vst v63  }
0x71: {  	_ =	swait.ge [sflag:s0], $0x1400  }
0x72: {  	[sflag:s0] =	ssyncset.done $0x0  }
0x73: {  	s7 =	sadd.s32 $0xC8, s6;
	[sflag:s0] =	ssyncadd.s32 $0xFFFFEC00  }
0x74: {  	[tilespmem:s20], [sflag:$0x1] =	stream.indirect.gather [hbm4b:s4+s19], $0x80, s7, s19, $0xb8;
	[tilespmem:$0x1EB80] =	vst v63  }
0x75: {  	_ =	swait.ge [sflag:s1], $0x1400  }
0x76: {  	[sflag:s1] =	ssyncset.done $0x0  }
0x77: {  	s7 =	sadd.s32 $0xF0, s6;
	[sflag:s1] =	ssyncadd.s32 $0xFFFFEC00  }
0x78: {  	[tilespmem:s21], [sflag:$0x2] =	stream.indirect.gather [hbm4b:s4+s19], $0x80, s7, s19, $0xb8;
	[tilespmem:$0x1EB80] =	vst v63  }
0x79: {  	_ =	swait.ge [sflag:s12], $0x1400  }
0x7a: {  	[sflag:s12] =	ssyncset.done $0x0  }
0x7b: {  	s7 =	sadd.s32 $0x118, s6;
	[sflag:s12] =	ssyncadd.s32 $0xFFFFEC00  }
0x7c: {  	[tilespmem:s23], [sflag:$0x3] =	stream.indirect.gather [hbm4b:s4+s19], $0x80, s7, s19, $0xb8;
	[tilespmem:$0x1EB80] =	vst v63  }
0x7d: {  	_ =	swait.ge [sflag:s22], $0x1400  }
0x7e: {  	[sflag:s22] =	ssyncset.done $0x0  }
.Ltmp0:
0x7f: {  	s7 =	sadd.s32 $0x140, s6;
	[sflag:s22] =	ssyncadd.s32 $0xFFFFEC00;
	(pc) =	sbr.rel @p1 .LBB2_2-.Ltmp0, $4  }
0x80: {  	[tilespmem:s25], [sflag:$0x4] =	stream.indirect.gather [hbm4b:s4+s19], $0x80, s7, s19, $0xb8;
	[tilespmem:$0x1EB80] =	vst v63  }
0x81: {  	_ =	swait.ge [sflag:s24], $0x1400  }
0x82: {  	[sflag:s24] =	ssyncset.done $0x0  }
0x83: {  	s6 =	sadd.s32 $0x168, s6;
	[sflag:s24] =	ssyncadd.s32 $0xFFFFEC00  }
0x84: {  	[tilespmem:s28], [sflag:$0x5] =	stream.indirect.gather [hbm4b:s4+s19], $0x80, s6, s19, $0xb8;
	[tilespmem:$0x1EB80] =	vst v63  }
0x85: {  	_ =	swait.ge [sflag:s17], $0x1400  }
0x86: {  	[sflag:s17] =	ssyncset.done $0x0  }
0x87: {  	s5 =	simm.s32 $0x4DC8;
	[sflag:s17] =	ssyncadd.s32 $0xFFFFEC00  }
0x88: {  	[spmem:s2] =	stream.indirect.scatter.add.f32 [tilespmem:s20], [sflag:$0x6], $0x80, s5, s19, $0xb8;
	[tilespmem:$0x1EB80] =	vst v63  }
0x89: {  	_ =	swait.ge [sflag:s18], $0x1400  }
0x8a: {  	[sflag:s18] =	ssyncset.done $0x0  }
0x8b: {  	s6 =	simm.s32 $0x4DF0;
	[sflag:s18] =	ssyncadd.s32 $0xFFFFEC00  }
0x8c: {  	[spmem:s2] =	stream.indirect.scatter.add.f32 [tilespmem:s21], [sflag:$0x7], $0x80, s6, s19, $0xb8;
	[tilespmem:$0x1EB80] =	vst v63  }
0x8d: {  	_ =	swait.ge [sflag:s29], $0x1400  }
0x8e: {  	[sflag:s29] =	ssyncset.done $0x0  }
0x8f: {  	s7 =	simm.s32 $0x4E18;
	[sflag:s29] =	ssyncadd.s32 $0xFFFFEC00  }
0x90: {  	[spmem:s2] =	stream.indirect.scatter.add.f32 [tilespmem:s23], [sflag:$0x8], $0x80, s7, s19, $0xb8;
	[tilespmem:$0x1EB80] =	vst v63  }
0x91: {  	_ =	swait.ge [sflag:s30], $0x1400  }
0x92: {  	[sflag:s30] =	ssyncset.done $0x0  }
0x93: {  	s6 =	simm.s32 $0x4E40;
	[sflag:s30] =	ssyncadd.s32 $0xFFFFEC00  }
0x94: {  	[spmem:s2] =	stream.indirect.scatter.add.f32 [tilespmem:s25], [sflag:$0x9], $0x80, s6, s19, $0xb8;
	[tilespmem:$0x1EB80] =	vst v63  }
0x95: {  	_ =	swait.ge [sflag:s31], $0x1400  }
0x96: {  	[sflag:s31] =	ssyncset.done $0x0  }
0x97: {  	s7 =	simm.s32 $0x4E68;
	[sflag:s31] =	ssyncadd.s32 $0xFFFFEC00  }
0x98: {  	[spmem:s2] =	stream.indirect.scatter.add.f32 [tilespmem:s28], [sflag:$0xA], $0x80, s7, s19, $0xb8;
	[tilespmem:$0x1EB80] =	vst v63  }
0x99: {  	_ =	swait.ge [sflag:s0], $0x1400  }
0x9a: {  	[sflag:s0] =	ssyncset.done $0x0  }
0x9b: {  	[sflag:s0] =	ssyncadd.s32 $0xFFFFEC00  }
0x9c: {  	_ =	swait.ge [sflag:s1], $0x1400  }
0x9d: {  	[sflag:s1] =	ssyncset.done $0x0  }
0x9e: {  	[sflag:s1] =	ssyncadd.s32 $0xFFFFEC00  }
0x9f: {  	_ =	swait.ge [sflag:s12], $0x1400  }
0xa0: {  	[sflag:s12] =	ssyncset.done $0x0  }
0xa1: {  	[sflag:s12] =	ssyncadd.s32 $0xFFFFEC00  }
0xa2: {  	_ =	swait.ge [sflag:s22], $0x1400  }
0xa3: {  	[sflag:s22] =	ssyncset.done $0x0  }
0xa4: {  	[sflag:s22] =	ssyncadd.s32 $0xFFFFEC00  }
0xa5: {  	_ =	swait.ge [sflag:s24], $0x1400  }
0xa6: {  	[sflag:s24] =	ssyncset.done $0x0  }
0xa7: {  	[sflag:s24] =	ssyncadd.s32 $0xFFFFEC00  }
0xa8: {  	s5 =	simm.s32 @p0 $0x1FCB;
	[bflag:$0x0] =	sbarrier.arrive $0xFFFF  }
0xa9: {  	[hbm:s10], [sflag:s5] =	dma.local @p0 [spmem:s13], $0x2800  }
0xaa: {  	s5 =	simm.s32 @p0 $0xB  }
0xab: {  	_ =	swait.ge @p0 [sflag:s5], $0x2800  }
0xac: {  	s26 =	sadd.s32 $0x1, s26;
	[sflag:s5] =	ssyncset.done @p0 $0x0  }
0xad: {  	p1 =	sne.s32 s26, s11;
	[sflag:s5] =	ssyncadd.s32 @p0 $0xFFFFD800;
	s5 =	sor.u32 @!p0 $0x1C0B, s14  }
0xae: {  	[hbm:s9], [sflag:s5] =	dma.local @!p0 [spmem:s16], $0x2700  }
.Ltmp1:
0xaf: {  	_ = 	snop;
	(pc) =	sbr.rel @p1 .LBB2_1-.Ltmp1, $4  }
0xb0: {  	s5 =	simm.s32 @!p0 $0xB  }
0xb1: {  	_ =	swait.ge @!p0 [sflag:s5], $0x2700  }
0xb2: {  	[sflag:s5] =	ssyncset.done @!p0 $0x0  }
0xb3: {  	[sflag:s5] =	ssyncadd.s32 @!p0 $0xFFFFD900  }
0xb4: {  	_ =	sfence.sel $0x180000  }
0xb5: {  	[bflag:$0x0] =	sbarrier.arrive $0xFFFF  }
0xb6: {  	_ =	strace $0x9000004A  }
0xb7: {  	s0 =	stileid.u32;
	[bflag:$0x2] =	sbarrier.arrive $0xFFFF  }
0xb8: {  	p0 =	sne.s32 s0, $0x0;
	s0 =	rddreg [dreg:$0x2]  }
0xb9: {  	s0 =	sadd.s32 @!p0 $0x100000, s0  }
0xba: {  	[sflag:s0] =	ssyncadd.tile.s32 @!p0 $0x1;
	_ =	shalt  }
.Lfunc_end2:
_tile_overlayer_lowered:
.L_overlay_start_2:
0xbb: {  	(tag) =	ssettag $0x2  }
0xbc: {  	s0 =	rddreg [dreg:$0x0];
	s2 =	stileid.u32  }
0xbd: {  	s1 =	rddreg [dreg:$0x1];
	p0 =	sne.s32 s2, $0x0  }
0xbe: {  	s3 =	rddreg [dreg:$0x2];
	[bflag:$0x3] =	sbarrier.arrive $0xFFFF;
	s2 =	simm.s32 @!p0 $0x1C0B  }
0xbf: {  	[timem:s3], [sflag:s2] =	dma.local @!p0 [hbm:s0], s1  }
0xc0: {  	s0 =	simm.s32 @!p0 $0xB  }
0xc1: {  	_ =	swait.ge @!p0 [sflag:s0], s1  }
0xc2: {  	s1 =	ssub.s32 @!p0 $0x0, s1;
	[sflag:s0] =	ssyncset.done @!p0 $0x0  }
0xc3: {  	[sflag:s0] =	ssyncadd.s32 @!p0 s1  }
0xc4: {  	[bflag:$0x3] =	sbarrier.arrive $0xFFFF  }
0xc5: {  	_ =	shalt  }

// kernel: kernel.17.cloned.1.call-start
scs
__scs_entry_jumppad:
0x0: {  	(pc) =	sbr.rel $0x88, $3  }
0x1: {  	(tag) =	ssettag $0x0;
	lr =	simm.s32 $0x1  }
0x2: {  	[smem:$0x3F8C] =	sst lr;
	_ =	strace $0xD0000000  }
0x3: {  	_ = 	snop  }
0x4: {  	_ = 	snop  }
0x5: {  	_ = 	snop  }
0x6: {  	_ = 	snop  }
0x7: {  	_ = 	snop  }
__scs_overlays_trampoline_lowered:
0x8: {  	[smem:$0x3F9B] =	sst s0  }
0x9: {  	[smem:$0x3F9C] =	sst s1  }
0xa: {  	[smem:$0x3F9D] =	sst s2  }
0xb: {  	[smem:$0x3F9E] =	sst s3  }
0xc: {  	[smem:$0x3F9F] =	sst s4  }
0xd: {  	[smem:$0x3FA0] =	sst s5  }
0xe: {  	[smem:$0x3FA1] =	sst s6  }
0xf: {  	[smem:$0x3FA2] =	sst s7  }
0x10: {  	[smem:$0x3FA3] =	sst s8  }
0x11: {  	[smem:$0x3FA4] =	sst s9;
	s0 =	simm.s32 @!p0 $0x0  }
0x12: {  	s1 =	sld [smem:$0x3F8A];
	s0 =	simm.s32 @p0 $0x1  }
0x13: {  	[smem:$0x3FA5] =	sst s0;
	s0 =	simm.s32 @!p1 $0x0  }
0x14: {  	s2 =	sld [smem:$0x3F89];
	s0 =	simm.s32 @p1 $0x1  }
0x15: {  	[smem:$0x3FA6] =	sst s0;
	s0 =	simm.s32 @!p2 $0x0  }
0x16: {  	s3 =	sld [smem:$0x3FDB];
	s0 =	simm.s32 @p2 $0x1  }
0x17: {  	s4 =	simm.s32 $0x1BF5;
	[smem:$0x3FA8] =	sst s0  }
0x18: {  	s0 =	sld [smem:$0x3F8B];
	_ =	swait.ge [sflag:s4], $0x0  }
0x19: {  	s7 =	sld [smem:$0x3F8C]  }
0x1a: {  	s8 =	sadd.s32 $0xFFFFE003, lr  }
0x1b: {  	s9 =	sadd.s32 $0xFFFFFEF7, lr;
	s5 =	simm.s32 $0xFFFFFFFF;
	p2 =	slt.u32 s8, $0xFFFFF086  }
0x1c: {  	p1 =	slt.u32 s9, $0xF7A;
	s5 =	simm.s32 @!p2 $0x0  }
0x1d: {  	s5 =	simm.s32 @p1 $0x1;
	p0 =	seq.s32 s7, s2  }
0x1e: {  	s7 =	smul.u32 @!p0 $0xF7A, s2;
	p2 =	seq.s32 @!p0 s5, $0x0  }
0x1f: {  	s9 =	smul.u32 $0xF7A, s1;
	s8 =	simm.s32 @!p0 $0x1BF5;
	p2 =	por !p2, p0  }
0x20: {  	[sflag:s8] =	ssyncset.s32 @!p0 $0xFFFFF086;
	s6 =	sadd.s32 @!p0 s3, s7;
	s7 =	simm.s32 @!p0 $0x108  }
0x21: {  	s3 =	sadd.s32 s3, s9;
	s6 =	sadd.s32 @!p0 $0x88, s6;
	s7 =	simm.s32 @p2 $0x1082  }
0x22: {  	[simem:s7], [sflag:s8] =	dma.local @!p0 [hbm:s6], $0xF7A  }
0x23: {  	s9 =	sor.u32 $0xD0000000, s2;
	s6 =	simm.s32 $0x108;
	_ =	swait.ge @!p0 [sflag:s8], $0x0  }
0x24: {  	s3 =	sadd.s32 $0x88, s3;
	s6 =	simm.s32 @!p1 $0x1082;
	[sflag:s4] =	ssyncset.s32 $0xFFFFF086  }
0x25: {  	[simem:s6], [sflag:s4] =	dma.local [hbm:s3], $0xF7A  }
0x26: {  	[smem:$0x3F8C] =	sst s1;
	(tag) =	ssettag s2;
	_ =	strace s9  }
0x27: {  	s1 =	sld [smem:$0x3F9C]  }
0x28: {  	s2 =	sld [smem:$0x3F9D]  }
0x29: {  	s4 =	sld [smem:$0x3F9F]  }
0x2a: {  	p0 =	seq.s32 s5, $0x0;
	s5 =	sld [smem:$0x3FA0]  }
0x2b: {  	s6 =	sld [smem:$0x3FA1]  }
0x2c: {  	s7 =	sld [smem:$0x3FA2]  }
0x2d: {  	s3 =	simm.s32 $0x108;
	s8 =	sld [smem:$0x3FA3]  }
0x2e: {  	s3 =	simm.s32 @!p0 $0x1082;
	s9 =	sld [smem:$0x3FA4]  }
0x2f: {  	lr =	sadd.s32 s0, s3;
	s0 =	sld [smem:$0x3F9B]  }
0x30: {  	s3 =	sld [smem:$0x3F9E]  }
0x31: {  	[smem:$0x3FA7] =	sst s10  }
0x32: {  	s10 =	sld [smem:$0x3FA5];
	_ =	sdelay $0x3  }
0x33: {  	p0 =	seq.s32 s10, $0x1;
	s10 =	sld [smem:$0x3FA7];
	_ =	sdelay $0x3  }
0x34: {  	[smem:$0x3FA7] =	sst s10  }
0x35: {  	s10 =	sld [smem:$0x3FA6];
	_ =	sdelay $0x3  }
0x36: {  	p1 =	seq.s32 s10, $0x1;
	s10 =	sld [smem:$0x3FA7];
	_ =	sdelay $0x3  }
0x37: {  	[smem:$0x3FA7] =	sst s10  }
0x38: {  	s10 =	sld [smem:$0x3FA8]  }
0x39: {  	_ = 	snop;
	(pc) =	sbr.ind lr, $3  }
0x3a: {  	_ = 	snop  }
0x3b: {  	_ = 	snop  }
0x3c: {  	p2 =	seq.s32 s10, $0x1;
	s10 =	sld [smem:$0x3FA7]  }
0x3d: {  	_ =	shalt  }
0x3e: {  	_ =	shalt  }
0x3f: {  	_ =	shalt  }
0x40: {  	_ =	shalt  }
0x41: {  	_ =	shalt  }
0x42: {  	_ =	shalt  }
0x43: {  	_ =	shalt  }
0x44: {  	_ =	shalt  }
0x45: {  	_ =	shalt  }
0x46: {  	_ =	shalt  }
0x47: {  	_ =	shalt  }
0x48: {  	_ =	shalt  }
0x49: {  	_ =	shalt  }
0x4a: {  	_ =	shalt  }
0x4b: {  	_ =	shalt  }
0x4c: {  	_ =	shalt  }
0x4d: {  	_ =	shalt  }
0x4e: {  	_ =	shalt  }
0x4f: {  	_ =	shalt  }
0x50: {  	_ =	shalt  }
0x51: {  	_ =	shalt  }
0x52: {  	_ =	shalt  }
0x53: {  	_ =	shalt  }
0x54: {  	_ =	shalt  }
0x55: {  	_ =	shalt  }
0x56: {  	_ =	shalt  }
0x57: {  	_ =	shalt  }
0x58: {  	_ =	shalt  }
0x59: {  	_ =	shalt  }
0x5a: {  	_ =	shalt  }
0x5b: {  	_ =	shalt  }
0x5c: {  	_ =	shalt  }
0x5d: {  	_ =	shalt  }
0x5e: {  	_ =	shalt  }
0x5f: {  	_ =	shalt  }
0x60: {  	_ =	shalt  }
0x61: {  	_ =	shalt  }
0x62: {  	_ =	shalt  }
0x63: {  	_ =	shalt  }
0x64: {  	_ =	shalt  }
0x65: {  	_ =	shalt  }
0x66: {  	_ =	shalt  }
0x67: {  	_ =	shalt  }
0x68: {  	_ =	shalt  }
0x69: {  	_ =	shalt  }
0x6a: {  	_ =	shalt  }
0x6b: {  	_ =	shalt  }
0x6c: {  	_ =	shalt  }
0x6d: {  	_ =	shalt  }
0x6e: {  	_ =	shalt  }
0x6f: {  	_ =	shalt  }
0x70: {  	_ =	shalt  }
0x71: {  	_ =	shalt  }
0x72: {  	_ =	shalt  }
0x73: {  	_ =	shalt  }
0x74: {  	_ =	shalt  }
0x75: {  	_ =	shalt  }
0x76: {  	_ =	shalt  }
0x77: {  	_ =	shalt  }
0x78: {  	_ =	shalt  }
0x79: {  	_ =	shalt  }
0x7a: {  	_ =	shalt  }
0x7b: {  	_ =	shalt  }
0x7c: {  	_ =	shalt  }
0x7d: {  	_ =	shalt  }
0x7e: {  	_ =	shalt  }
0x7f: {  	_ =	shalt  }
0x80: {  	_ =	shalt  }
0x81: {  	_ =	shalt  }
0x82: {  	_ =	shalt  }
0x83: {  	_ =	shalt  }
0x84: {  	_ =	shalt  }
0x85: {  	_ =	shalt  }
0x86: {  	_ =	shalt  }
0x87: {  	_ =	shalt  }
.Lfunc_end0:
.L_simem_size_0:
called_computation.2_lowered:
.L_overlay_start_0:
0x88: {  	s2 =	sld [smem:$0x3FD9]  }
0x89: {  	s3 =	sld [smem:$0x3FFE];
	_ =	sdelay $0x1  }
0x8a: {  	s1 =	srdreg.scid  }
0x8b: {  	s0 =	sand.u32 $0x1, s1  }
0x8c: {  	s16 =	sshll.u32 s0, $0xA;
	s2 =	sadd.s32 s3, s2  }
0x8d: {  	s2 =	sadd.s32 s2, s16  }
0x8e: {  	[smem:$0x3FB3] =	sst s2  }
0x8f: {  	_ = 	snop  }
0x90: {  	(tm) =	ssettm $0x1  }
0x91: {  	s17 =	sld [smem:$0x3FFB];
	_ =	sdelay $0x3  }
0x92: {  	_ =	strace s17  }
0x93: {  	s2 =	sld [smem:$0x3FFC];
	_ =	sdelay $0x3  }
0x94: {  	_ =	strace s2  }
0x95: {  	s2 =	sld [smem:$0x3FFD];
	_ =	sdelay $0x3  }
0x96: {  	_ =	strace s2  }
0x97: {  	_ =	strace $0x8FFFFFFF  }
0x98: {  	s18 =	sld [smem:$0x3FDB];
	_ =	sdelay $0x1  }
0x99: {  	s19 =	simm.s32 $_scs_section_size  }
0x9a: {  	s4 =	simm.s32 $_size__tile_overlayer_lowered;
	s5 =	simm.s32 $_tile_overlayer_lowered  }
0x9b: {  	s22 =	simm.s32 $0x1BFF;
	s21 =	sshll.u32 s5, $0x1;
	s2 =	sadd.s32 s19, s18  }
0x9c: {  	s6 =	simm.s32 $0x0;
	s20 =	sshll.u32 s4, $0x1;
	s4 =	sadd.s32 s21, s2  }
0x9d: {  	[timem:s6], [sflag:s22] =	dma.local [hbm:s4], s20  }
0x9e: {  	_ =	swait.ge [sflag:s22], s20  }
0x9f: {  	s3 =	ssub.s32 $0x0, s20;
	[sflag:s22] =	ssyncset.done $0x0  }
0xa0: {  	[sflag:s22] =	ssyncadd.s32 s3;
	_ =	sdelay $0x1  }
0xa1: {  	s23 =	simm.s32 $0x1B8B  }
0xa2: {  	_ =	swait.ge [sflag:s23], $0x1  }
0xa3: {  	[sflag:s23] =	ssyncset.done $0x0  }
0xa4: {  	s25 =	simm.s32 $0x1B8E;
	s24 =	sld [smem:$0x3FFE];
	[sflag:s23] =	ssyncadd.s32 $0xFFFFFFFF  }
0xa5: {  	s26 =	simm.s32 $execute0_lowered;
	[smem:$0x3FD2] =	sst s25  }
0xa6: {  	s4 =	sshll.u32 s26, $0x1;
	_ =	strace $0x8000004C;
	[dreg:$0x1] =	wrdreg $0xFFFFFFFF  }
0xa7: {  	s28 =	simm.s32 $_size_execute0_lowered;
	s2 =	sadd.s32 s2, s4;
	[dreg:$0x0] =	wrdreg $0x0  }
0xa8: {  	s4 =	sshll.u32 s28, $0x1;
	[dreg:$0x2] =	wrdreg s2  }
0xa9: {  	[dreg:$0x3] =	wrdreg s4  }
0xaa: {  	[dreg:$0x4] =	wrdreg $0xC0  }
0xab: {  	_ =	task [dreg:s6], $0x5FFFF  }
0xac: {  	[dreg:$0x1] =	wrdreg $0xFFFFFFFF  }
0xad: {  	[dreg:$0x0] =	wrdreg $0x60  }
0xae: {  	[dreg:$0x2] =	wrdreg s24  }
0xaf: {  	[dreg:$0x3] =	wrdreg $0xB3000  }
0xb0: {  	[dreg:$0x4] =	wrdreg $0x9  }
0xb1: {  	_ =	task.clear_ibuf [dreg:s6], $0x5FFFF;
	_ =	strace $0x9000004C  }
0xb2: {  	s29 =	simm.s32 $0x9;
	_ =	strace $0x8000004E  }
0xb3: {  	_ =	swait.ge [sflag:s29], $0x1  }
0xb4: {  	[sflag:s29] =	ssyncadd.s32 $0xFFFFFFFF  }
0xb5: {  	_ =	strace $0x9000004E  }
0xb6: {  	_ =	sfence  }
0xb7: {  	s30 =	sld [smem:$0x0];
	_ =	sdelay $0x2  }
0xb8: {  	s31 =	sshll.u32 s1, $0xD;
	s1 =	sshrl.u32 s1, $0x2  }
0xb9: {  	s3 =	sand.u32 $0x4000, s31;
	s1 =	sadd.s32 s1, s30  }
0xba: {  	s0 =	sor.u32 s3, s0;
	s1 =	sshll.u32 s1, $0x11  }
0xbb: {  	s0 =	sor.u32 s1, s0  }
0xbc: {  	s0 =	sadd.s32 $0x8F2B, s0  }
0xbd: {  	[sflag:s0] =	ssyncadd.remote.s32 $0x1  }
0xbe: {  	_ =	sfence.sel $0xFFFF  }
0xbf: {  	[dreg:$0x0] =	wrdreg $0xFFFFFFFF;
	(pc) =	sbr.abs _section_cstart, $3  }
0xc0: {  	[dreg:$0x1] =	wrdreg $0xFFFFFFFF  }
0xc1: {  	_ =	task.clear_ibuf [dreg:s6], $0x2FFFF;
	_ =	strace $0x9FFFFFFF  }
0xc2: {  	(tm) =	ssettm $0x7FFFFFFF  }
0xc3: {  	_ =	shalt  }
tec
execute0_lowered:
.L_overlay_start_1:
0x0: {  	(tag) =	ssettag $0x1  }
0x1: {  	s0 =	srdreg.scid;
	s1 =	rddreg [dreg:$0x0]  }
0x2: {  	s2 =	rddreg [dreg:$0x1];
	s14 =	stileid.u32  }
0x3: {  	s3 =	simm.s32 $0x0;
	s17 =	simm.s32 $0x1;
	s18 =	simm.s32 $0x2  }
0x4: {  	s19 =	simm.s32 $0x28;
	s20 =	simm.s32 $0x4F00;
	s21 =	simm.s32 $0x6300  }
0x5: {  	s28 =	simm.s32 $0x9F00;
	s29 =	simm.s32 $0x3;
	s30 =	simm.s32 $0x4  }
0x6: {  	s31 =	simm.s32 $0x5;
	s22 =	simm.s32 $0x9;
	s6 =	smul.u32 $0x2700, s14  }
0x7: {  	s0 =	sand.u32 $0x1, s0;
	[smem:$0x7FF] =	sst s3;
	s8 =	smul.u32 $0x4E000, s14  }
0x8: {  	s10 =	sadd.s32 $0x97E00, s1;
	s23 =	smul.u32 $0x13800, s14;
	s12 =	sadd.s32 $0x124800, s2  }
0x9: {  	p0 =	seq.s32 s14, $0xF;
	s4 =	sshll.u32 s0, $0x4;
	_ =	strace $0x8000004D  }
0xa: {  	s7 =	ssub.s32 $0x2, s0;
	s0 =	smul.u32 $0x138800, s0;
	s13 =	sshrl.u32 @p0 s12, $0x3  }
0xb: {  	s12 =	simm.s32 $0x8;
	s4 =	sor.u32 s14, s4;
	s6 =	sadd.s32 s6, s1  }
0xc: {  	s9 =	sshrl.u32 s7, $0x1;
	s25 =	sshrl.u32 s8, $0x2;
	s8 =	sadd.s32 $0x95500, s1  }
0xd: {  	s14 =	sshll.u32 @!p0 s14, $0x6;
	s5 =	smul.u32 $0x4E2, s4;
	s4 =	sadd.s32 $0x18A00, s1  }
0xe: {  	s11 =	ssub.s32 s7, s9;
	s6 =	sadd.s32 $0x70C00, s6;
	s26 =	sadd.s32 s23, s0  }
0xf: {  	s0 =	sshrl.u32 s0, $0x3;
	s15 =	sor.u32 @!p0 $0x1C03, s14;
	s23 =	simm.s32 $0x7700  }
0x10: {  	[dreg:$0x5] =	wrdreg s6;
	s6 =	sshrl.u32 s26, $0x3;
	s0 =	sadd.s32 s10, s0  }
0x11: {  	s11 =	smax.u32 s11, $0x1;
	s26 =	simm.s32 $0x0;
	s5 =	sadd.s32 s5, s1  }
0x12: {  	s9 =	sadd.s32 s10, s6;
	s10 =	sadd.s32 $0x24900, s0;
	s24 =	sadd.s32 $0x4E00, s5  }
0x13: {  	s0 =	simm.s32 $0x6;
	s5 =	sadd.s32 $0xEC00, s5;
	[dreg:$0x3] =	wrdreg s24  }
0x14: {  	s1 =	simm.s32 $0x7;
	[dreg:$0x4] =	wrdreg s5;
	s5 =	sadd.s32 s25, s2  }
0x15: {  	s25 =	simm.s32 $0x8B00;
	s24 =	simm.s32 $0xA;
	s16 =	sshrl.u32 @!p0 s5, $0x3  }
.LBB2_1:
0x16: {  	s5 =	rddreg [dreg:$0x3]  }
0x17: {  	[tilespmem:s3], [sflag:$0x1] =	stream.linear.gather [hbm4b:s5+s3], $0x2710, $0x38;
	[tilespmem:$0x1EB80] =	vst v63  }
0x18: {  	s7 =	rddreg [dreg:$0x4];
	s6 =	simm.s32 $0x2780;
	s5 =	simm.s32 @p0 $0x1FC3  }
0x19: {  	[tilespmem:s6], [sflag:$0x2] =	stream.linear.gather [hbm4b:s7+s3], $0x2710, $0x38;
	[tilespmem:$0x1EB80] =	vst v63  }
0x1a: {  	[spmem:s13], [sflag:s5] =	dma.local @p0 [hbm:s8], $0x2800  }
0x1b: {  	s5 =	simm.s32 @p0 $0x3  }
0x1c: {  	_ =	swait.ge @p0 [sflag:s5], $0x2800  }
0x1d: {  	[sflag:s5] =	ssyncset.done @p0 $0x0  }
0x1e: {  	[sflag:s5] =	ssyncadd.s32 @p0 $0xFFFFD800;
	s5 =	rddreg [dreg:$0x5]  }
0x1f: {  	[spmem:s16], [sflag:s15] =	dma.local @!p0 [hbm:s5], $0x2700  }
0x20: {  	s5 =	simm.s32 @!p0 $0x3  }
0x21: {  	_ =	swait.ge @!p0 [sflag:s5], $0x2700  }
0x22: {  	[sflag:s5] =	ssyncset.done @!p0 $0x0  }
0x23: {  	[sflag:s5] =	ssyncadd.s32 @!p0 $0xFFFFD900  }
0x24: {  	_ =	swait.ge [sflag:s17], $0x2710  }
0x25: {  	[sflag:s17] =	ssyncset.done $0x0  }
0x26: {  	[sflag:s17] =	ssyncadd.s32 $0xFFFFD8F0  }
0x27: {  	_ =	swait.ge [sflag:s18], $0x2710  }
0x28: {  	[sflag:s18] =	ssyncset.done $0x0  }
0x29: {  	[sflag:s18] =	ssyncadd.s32 $0xFFFFD8F0  }
0x2a: {  	[bflag:$0x0] =	sbarrier.arrive $0xFFFF  }
0x2b: {  	[tilespmem:s20], [sflag:$0x1] =	stream.indirect.gather [hbm4b:s4+s19], $0x80, s3, s19, $0xb8;
	[tilespmem:$0x1EB80] =	vst v63  }
0x2c: {  	_ = 	snop  }
0x2d: {  	[tilespmem:s21], [sflag:$0x2] =	stream.indirect.gather [hbm4b:s4+s19], $0x80, s19, s19, $0xb8;
	[tilespmem:$0x1EB80] =	vst v63  }
0x2e: {  	s6 =	simm.s32 $0x50  }
0x2f: {  	[tilespmem:s23], [sflag:$0x3] =	stream.indirect.gather [hbm4b:s4+s19], $0x80, s6, s19, $0xb8;
	[tilespmem:$0x1EB80] =	vst v63  }
0x30: {  	s7 =	simm.s32 $0x78  }
0x31: {  	[tilespmem:s25], [sflag:$0x4] =	stream.indirect.gather [hbm4b:s4+s19], $0x80, s7, s19, $0xb8;
	[tilespmem:$0x1EB80] =	vst v63  }
0x32: {  	s6 =	simm.s32 $0xA0  }
0x33: {  	[tilespmem:s28], [sflag:$0x5] =	stream.indirect.gather [hbm4b:s4+s19], $0x80, s6, s19, $0xb8;
	[tilespmem:$0x1EB80] =	vst v63  }
0x34: {  	_ =	swait.ge [sflag:s17], $0x1400  }
0x35: {  	[sflag:s17] =	ssyncset.done $0x0  }
0x36: {  	s7 =	simm.s32 $0x2780;
	[sflag:s17] =	ssyncadd.s32 $0xFFFFEC00  }
0x37: {  	[spmem:s2] =	stream.indirect.scatter.add.f32 [tilespmem:s20], [sflag:$0x6], $0x80, s7, s19, $0xb8;
	[tilespmem:$0x1EB80] =	vst v63  }
0x38: {  	_ =	swait.ge [sflag:s18], $0x1400  }
0x39: {  	[sflag:s18] =	ssyncset.done $0x0  }
0x3a: {  	s6 =	simm.s32 $0x27A8;
	[sflag:s18] =	ssyncadd.s32 $0xFFFFEC00  }
0x3b: {  	[spmem:s2] =	stream.indirect.scatter.add.f32 [tilespmem:s21], [sflag:$0x7], $0x80, s6, s19, $0xb8;
	[tilespmem:$0x1EB80] =	vst v63  }
0x3c: {  	_ =	swait.ge [sflag:s29], $0x1400  }
0x3d: {  	[sflag:s29] =	ssyncset.done $0x0  }
0x3e: {  	s7 =	simm.s32 $0x27D0;
	[sflag:s29] =	ssyncadd.s32 $0xFFFFEC00  }
0x3f: {  	[spmem:s2] =	stream.indirect.scatter.add.f32 [tilespmem:s23], [sflag:$0x8], $0x80, s7, s19, $0xb8;
	[tilespmem:$0x1EB80] =	vst v63  }
0x40: {  	_ =	swait.ge [sflag:s30], $0x1400  }
0x41: {  	[sflag:s30] =	ssyncset.done $0x0  }
0x42: {  	s6 =	simm.s32 $0x27F8;
	[sflag:s30] =	ssyncadd.s32 $0xFFFFEC00  }
0x43: {  	[spmem:s2] =	stream.indirect.scatter.add.f32 [tilespmem:s25], [sflag:$0x9], $0x80, s6, s19, $0xb8;
	[tilespmem:$0x1EB80] =	vst v63  }
0x44: {  	_ =	swait.ge [sflag:s31], $0x1400  }
0x45: {  	[sflag:s31] =	ssyncset.done $0x0  }
0x46: {  	s7 =	simm.s32 $0x2820;
	[sflag:s31] =	ssyncadd.s32 $0xFFFFEC00  }
0x47: {  	[spmem:s2] =	stream.indirect.scatter.add.f32 [tilespmem:s28], [sflag:$0xA], $0x80, s7, s19, $0xb8;
	[tilespmem:$0x1EB80] =	vst v63  }
0x48: {  	_ =	swait.ge [sflag:s0], $0x1400  }
0x49: {  	[sflag:s0] =	ssyncset.done $0x0  }
0x4a: {  	s6 =	simm.s32 $0xC8;
	[sflag:s0] =	ssyncadd.s32 $0xFFFFEC00  }
0x4b: {  	[tilespmem:s20], [sflag:$0x1] =	stream.indirect.gather [hbm4b:s4+s19], $0x80, s6, s19, $0xb8;
	[tilespmem:$0x1EB80] =	vst v63  }
0x4c: {  	_ =	swait.ge [sflag:s1], $0x1400  }
0x4d: {  	[sflag:s1] =	ssyncset.done $0x0  }
0x4e: {  	s7 =	simm.s32 $0xF0;
	[sflag:s1] =	ssyncadd.s32 $0xFFFFEC00  }
0x4f: {  	[tilespmem:s21], [sflag:$0x2] =	stream.indirect.gather [hbm4b:s4+s19], $0x80, s7, s19, $0xb8;
	[tilespmem:$0x1EB80] =	vst v63  }
0x50: {  	_ =	swait.ge [sflag:s12], $0x1400  }
0x51: {  	[sflag:s12] =	ssyncset.done $0x0  }
0x52: {  	s6 =	simm.s32 $0x118;
	[sflag:s12] =	ssyncadd.s32 $0xFFFFEC00  }
0x53: {  	[tilespmem:s23], [sflag:$0x3] =	stream.indirect.gather [hbm4b:s4+s19], $0x80, s6, s19, $0xb8;
	[tilespmem:$0x1EB80] =	vst v63  }
0x54: {  	_ =	swait.ge [sflag:s22], $0x1400  }
0x55: {  	[sflag:s22] =	ssyncset.done $0x0  }
0x56: {  	s7 =	simm.s32 $0x140;
	[sflag:s22] =	ssyncadd.s32 $0xFFFFEC00  }
0x57: {  	[tilespmem:s25], [sflag:$0x4] =	stream.indirect.gather [hbm4b:s4+s19], $0x80, s7, s19, $0xb8;
	[tilespmem:$0x1EB80] =	vst v63  }
0x58: {  	_ =	swait.ge [sflag:s24], $0x1400  }
0x59: {  	[sflag:s24] =	ssyncset.done $0x0  }
0x5a: {  	s5 =	simm.s32 $0x320;
	s6 =	simm.s32 $0x168;
	[sflag:s24] =	ssyncadd.s32 $0xFFFFEC00  }
.LBB2_2:
0x5b: {  	[tilespmem:s28], [sflag:$0x5] =	stream.indirect.gather [hbm4b:s4+s19], $0x80, s6, s19, $0xb8;
	[tilespmem:$0x1EB80] =	vst v63  }
0x5c: {  	s6 =	smov.u32 s5  }
0x5d: {  	p1 =	sne.s32 s5, $0x9600;
	s5 =	sadd.s32 $0x320, s5;
	_ =	swait.ge [sflag:s17], $0x1400  }
0x5e: {  	s6 =	sshra.s32 s6, $0x2;
	[sflag:s17] =	ssyncset.done $0x0  }
0x5f: {  	s7 =	sadd.s32 $0x2780, s6;
	[sflag:s17] =	ssyncadd.s32 $0xFFFFEC00  }
0x60: {  	[spmem:s2] =	stream.indirect.scatter.add.f32 [tilespmem:s20], [sflag:$0x6], $0x80, s7, s19, $0xb8;
	[tilespmem:$0x1EB80] =	vst v63  }
0x61: {  	_ =	swait.ge [sflag:s18], $0x1400  }
0x62: {  	[sflag:s18] =	ssyncset.done $0x0  }
0x63: {  	s7 =	sadd.s32 $0x27A8, s6;
	[sflag:s18] =	ssyncadd.s32 $0xFFFFEC00  }
0x64: {  	[spmem:s2] =	stream.indirect.scatter.add.f32 [tilespmem:s21], [sflag:$0x7], $0x80, s7, s19, $0xb8;
	[tilespmem:$0x1EB80] =	vst v63  }
0x65: {  	_ =	swait.ge [sflag:s29], $0x1400  }
0x66: {  	[sflag:s29] =	ssyncset.done $0x0  }
0x67: {  	s7 =	sadd.s32 $0x27D0, s6;
	[sflag:s29] =	ssyncadd.s32 $0xFFFFEC00  }
0x68: {  	[spmem:s2] =	stream.indirect.scatter.add.f32 [tilespmem:s23], [sflag:$0x8], $0x80, s7, s19, $0xb8;
	[tilespmem:$0x1EB80] =	vst v63  }
0x69: {  	_ =	swait.ge [sflag:s30], $0x1400  }
0x6a: {  	[sflag:s30] =	ssyncset.done $0x0  }
0x6b: {  	s7 =	sadd.s32 $0x27F8, s6;
	[sflag:s30] =	ssyncadd.s32 $0xFFFFEC00  }
0x6c: {  	[spmem:s2] =	stream.indirect.scatter.add.f32 [tilespmem:s25], [sflag:$0x9], $0x80, s7, s19, $0xb8;
	[tilespmem:$0x1EB80] =	vst v63  }
0x6d: {  	_ =	swait.ge [sflag:s31], $0x1400  }
0x6e: {  	[sflag:s31] =	ssyncset.done $0x0  }
0x6f: {  	s7 =	sadd.s32 $0x2820, s6;
	[sflag:s31] =	ssyncadd.s32 $0xFFFFEC00  }
0x70: {  	[spmem:s2] =	stream.indirect.scatter.add.f32 [tilespmem:s28], [sflag:$0xA], $0x80, s7, s19, $0xb8;
	[tilespmem:$0x1EB80] =	vst v63  }
0x71: {  	_ =	swait.ge [sflag:s0], $0x1400  }
0x72: {  	[sflag:s0] =	ssyncset.done $0x0  }
0x73: {  	s7 =	sadd.s32 $0xC8, s6;
	[sflag:s0] =	ssyncadd.s32 $0xFFFFEC00  }
0x74: {  	[tilespmem:s20], [sflag:$0x1] =	stream.indirect.gather [hbm4b:s4+s19], $0x80, s7, s19, $0xb8;
	[tilespmem:$0x1EB80] =	vst v63  }
0x75: {  	_ =	swait.ge [sflag:s1], $0x1400  }
0x76: {  	[sflag:s1] =	ssyncset.done $0x0  }
0x77: {  	s7 =	sadd.s32 $0xF0, s6;
	[sflag:s1] =	ssyncadd.s32 $0xFFFFEC00  }
0x78: {  	[tilespmem:s21], [sflag:$0x2] =	stream.indirect.gather [hbm4b:s4+s19], $0x80, s7, s19, $0xb8;
	[tilespmem:$0x1EB80] =	vst v63  }
0x79: {  	_ =	swait.ge [sflag:s12], $0x1400  }
0x7a: {  	[sflag:s12] =	ssyncset.done $0x0  }
0x7b: {  	s7 =	sadd.s32 $0x118, s6;
	[sflag:s12] =	ssyncadd.s32 $0xFFFFEC00  }
0x7c: {  	[tilespmem:s23], [sflag:$0x3] =	stream.indirect.gather [hbm4b:s4+s19], $0x80, s7, s19, $0xb8;
	[tilespmem:$0x1EB80] =	vst v63  }
0x7d: {  	_ =	swait.ge [sflag:s22], $0x1400  }
0x7e: {  	[sflag:s22] =	ssyncset.done $0x0  }
.Ltmp0:
0x7f: {  	s7 =	sadd.s32 $0x140, s6;
	[sflag:s22] =	ssyncadd.s32 $0xFFFFEC00;
	(pc) =	sbr.rel @p1 .LBB2_2-.Ltmp0, $4  }
0x80: {  	[tilespmem:s25], [sflag:$0x4] =	stream.indirect.gather [hbm4b:s4+s19], $0x80, s7, s19, $0xb8;
	[tilespmem:$0x1EB80] =	vst v63  }
0x81: {  	_ =	swait.ge [sflag:s24], $0x1400  }
0x82: {  	[sflag:s24] =	ssyncset.done $0x0  }
0x83: {  	s6 =	sadd.s32 $0x168, s6;
	[sflag:s24] =	ssyncadd.s32 $0xFFFFEC00  }
0x84: {  	[tilespmem:s28], [sflag:$0x5] =	stream.indirect.gather [hbm4b:s4+s19], $0x80, s6, s19, $0xb8;
	[tilespmem:$0x1EB80] =	vst v63  }
0x85: {  	_ =	swait.ge [sflag:s17], $0x1400  }
0x86: {  	[sflag:s17] =	ssyncset.done $0x0  }
0x87: {  	s5 =	simm.s32 $0x4DC8;
	[sflag:s17] =	ssyncadd.s32 $0xFFFFEC00  }
0x88: {  	[spmem:s2] =	stream.indirect.scatter.add.f32 [tilespmem:s20], [sflag:$0x6], $0x80, s5, s19, $0xb8;
	[tilespmem:$0x1EB80] =	vst v63  }
0x89: {  	_ =	swait.ge [sflag:s18], $0x1400  }
0x8a: {  	[sflag:s18] =	ssyncset.done $0x0  }
0x8b: {  	s6 =	simm.s32 $0x4DF0;
	[sflag:s18] =	ssyncadd.s32 $0xFFFFEC00  }
0x8c: {  	[spmem:s2] =	stream.indirect.scatter.add.f32 [tilespmem:s21], [sflag:$0x7], $0x80, s6, s19, $0xb8;
	[tilespmem:$0x1EB80] =	vst v63  }
0x8d: {  	_ =	swait.ge [sflag:s29], $0x1400  }
0x8e: {  	[sflag:s29] =	ssyncset.done $0x0  }
0x8f: {  	s7 =	simm.s32 $0x4E18;
	[sflag:s29] =	ssyncadd.s32 $0xFFFFEC00  }
0x90: {  	[spmem:s2] =	stream.indirect.scatter.add.f32 [tilespmem:s23], [sflag:$0x8], $0x80, s7, s19, $0xb8;
	[tilespmem:$0x1EB80] =	vst v63  }
0x91: {  	_ =	swait.ge [sflag:s30], $0x1400  }
0x92: {  	[sflag:s30] =	ssyncset.done $0x0  }
0x93: {  	s6 =	simm.s32 $0x4E40;
	[sflag:s30] =	ssyncadd.s32 $0xFFFFEC00  }
0x94: {  	[spmem:s2] =	stream.indirect.scatter.add.f32 [tilespmem:s25], [sflag:$0x9], $0x80, s6, s19, $0xb8;
	[tilespmem:$0x1EB80] =	vst v63  }
0x95: {  	_ =	swait.ge [sflag:s31], $0x1400  }
0x96: {  	[sflag:s31] =	ssyncset.done $0x0  }
0x97: {  	s7 =	simm.s32 $0x4E68;
	[sflag:s31] =	ssyncadd.s32 $0xFFFFEC00  }
0x98: {  	[spmem:s2] =	stream.indirect.scatter.add.f32 [tilespmem:s28], [sflag:$0xA], $0x80, s7, s19, $0xb8;
	[tilespmem:$0x1EB80] =	vst v63  }
0x99: {  	_ =	swait.ge [sflag:s0], $0x1400  }
0x9a: {  	[sflag:s0] =	ssyncset.done $0x0  }
0x9b: {  	[sflag:s0] =	ssyncadd.s32 $0xFFFFEC00  }
0x9c: {  	_ =	swait.ge [sflag:s1], $0x1400  }
0x9d: {  	[sflag:s1] =	ssyncset.done $0x0  }
0x9e: {  	[sflag:s1] =	ssyncadd.s32 $0xFFFFEC00  }
0x9f: {  	_ =	swait.ge [sflag:s12], $0x1400  }
0xa0: {  	[sflag:s12] =	ssyncset.done $0x0  }
0xa1: {  	[sflag:s12] =	ssyncadd.s32 $0xFFFFEC00  }
0xa2: {  	_ =	swait.ge [sflag:s22], $0x1400  }
0xa3: {  	[sflag:s22] =	ssyncset.done $0x0  }
0xa4: {  	[sflag:s22] =	ssyncadd.s32 $0xFFFFEC00  }
0xa5: {  	_ =	swait.ge [sflag:s24], $0x1400  }
0xa6: {  	[sflag:s24] =	ssyncset.done $0x0  }
0xa7: {  	[sflag:s24] =	ssyncadd.s32 $0xFFFFEC00  }
0xa8: {  	s5 =	simm.s32 @p0 $0x1FCB;
	[bflag:$0x0] =	sbarrier.arrive $0xFFFF  }
0xa9: {  	[hbm:s10], [sflag:s5] =	dma.local @p0 [spmem:s13], $0x2800  }
0xaa: {  	s5 =	simm.s32 @p0 $0xB  }
0xab: {  	_ =	swait.ge @p0 [sflag:s5], $0x2800  }
0xac: {  	s26 =	sadd.s32 $0x1, s26;
	[sflag:s5] =	ssyncset.done @p0 $0x0  }
0xad: {  	p1 =	sne.s32 s26, s11;
	[sflag:s5] =	ssyncadd.s32 @p0 $0xFFFFD800;
	s5 =	sor.u32 @!p0 $0x1C0B, s14  }
0xae: {  	[hbm:s9], [sflag:s5] =	dma.local @!p0 [spmem:s16], $0x2700  }
.Ltmp1:
0xaf: {  	_ = 	snop;
	(pc) =	sbr.rel @p1 .LBB2_1-.Ltmp1, $4  }
0xb0: {  	s5 =	simm.s32 @!p0 $0xB  }
0xb1: {  	_ =	swait.ge @!p0 [sflag:s5], $0x2700  }
0xb2: {  	[sflag:s5] =	ssyncset.done @!p0 $0x0  }
0xb3: {  	[sflag:s5] =	ssyncadd.s32 @!p0 $0xFFFFD900  }
0xb4: {  	_ =	sfence.sel $0x180000  }
0xb5: {  	[bflag:$0x0] =	sbarrier.arrive $0xFFFF  }
0xb6: {  	_ =	strace $0x9000004D  }
0xb7: {  	s0 =	stileid.u32;
	[bflag:$0x2] =	sbarrier.arrive $0xFFFF  }
0xb8: {  	p0 =	sne.s32 s0, $0x0;
	s0 =	rddreg [dreg:$0x2]  }
0xb9: {  	s0 =	sadd.s32 @!p0 $0x100000, s0  }
0xba: {  	[sflag:s0] =	ssyncadd.tile.s32 @!p0 $0x1;
	_ =	shalt  }
.Lfunc_end2:
_tile_overlayer_lowered:
.L_overlay_start_2:
0xbb: {  	(tag) =	ssettag $0x2  }
0xbc: {  	s0 =	rddreg [dreg:$0x0];
	s2 =	stileid.u32  }
0xbd: {  	s1 =	rddreg [dreg:$0x1];
	p0 =	sne.s32 s2, $0x0  }
0xbe: {  	s3 =	rddreg [dreg:$0x2];
	[bflag:$0x3] =	sbarrier.arrive $0xFFFF;
	s2 =	simm.s32 @!p0 $0x1C0B  }
0xbf: {  	[timem:s3], [sflag:s2] =	dma.local @!p0 [hbm:s0], s1  }
0xc0: {  	s0 =	simm.s32 @!p0 $0xB  }
0xc1: {  	_ =	swait.ge @!p0 [sflag:s0], s1  }
0xc2: {  	s1 =	ssub.s32 @!p0 $0x0, s1;
	[sflag:s0] =	ssyncset.done @!p0 $0x0  }
0xc3: {  	[sflag:s0] =	ssyncadd.s32 @!p0 s1  }
0xc4: {  	[bflag:$0x3] =	sbarrier.arrive $0xFFFF  }
0xc5: {  	_ =	shalt  }

// kernel: kernel.20.cloned.1.call-start
scs
__scs_entry_jumppad:
0x0: {  	(pc) =	sbr.rel $0x88, $3  }
0x1: {  	(tag) =	ssettag $0x0;
	lr =	simm.s32 $0x1  }
0x2: {  	[smem:$0x3F8C] =	sst lr;
	_ =	strace $0xD0000000  }
0x3: {  	_ = 	snop  }
0x4: {  	_ = 	snop  }
0x5: {  	_ = 	snop  }
0x6: {  	_ = 	snop  }
0x7: {  	_ = 	snop  }
__scs_overlays_trampoline_lowered:
0x8: {  	[smem:$0x3F9B] =	sst s0  }
0x9: {  	[smem:$0x3F9C] =	sst s1  }
0xa: {  	[smem:$0x3F9D] =	sst s2  }
0xb: {  	[smem:$0x3F9E] =	sst s3  }
0xc: {  	[smem:$0x3F9F] =	sst s4  }
0xd: {  	[smem:$0x3FA0] =	sst s5  }
0xe: {  	[smem:$0x3FA1] =	sst s6  }
0xf: {  	[smem:$0x3FA2] =	sst s7  }
0x10: {  	[smem:$0x3FA3] =	sst s8  }
0x11: {  	[smem:$0x3FA4] =	sst s9;
	s0 =	simm.s32 @!p0 $0x0  }
0x12: {  	s1 =	sld [smem:$0x3F8A];
	s0 =	simm.s32 @p0 $0x1  }
0x13: {  	[smem:$0x3FA5] =	sst s0;
	s0 =	simm.s32 @!p1 $0x0  }
0x14: {  	s2 =	sld [smem:$0x3F89];
	s0 =	simm.s32 @p1 $0x1  }
0x15: {  	[smem:$0x3FA6] =	sst s0;
	s0 =	simm.s32 @!p2 $0x0  }
0x16: {  	s3 =	sld [smem:$0x3FDB];
	s0 =	simm.s32 @p2 $0x1  }
0x17: {  	s4 =	simm.s32 $0x1BF5;
	[smem:$0x3FA8] =	sst s0  }
0x18: {  	s0 =	sld [smem:$0x3F8B];
	_ =	swait.ge [sflag:s4], $0x0  }
0x19: {  	s7 =	sld [smem:$0x3F8C]  }
0x1a: {  	s8 =	sadd.s32 $0xFFFFE003, lr  }
0x1b: {  	s9 =	sadd.s32 $0xFFFFFEF7, lr;
	s5 =	simm.s32 $0xFFFFFFFF;
	p2 =	slt.u32 s8, $0xFFFFF086  }
0x1c: {  	p1 =	slt.u32 s9, $0xF7A;
	s5 =	simm.s32 @!p2 $0x0  }
0x1d: {  	s5 =	simm.s32 @p1 $0x1;
	p0 =	seq.s32 s7, s2  }
0x1e: {  	s7 =	smul.u32 @!p0 $0xF7A, s2;
	p2 =	seq.s32 @!p0 s5, $0x0  }
0x1f: {  	s9 =	smul.u32 $0xF7A, s1;
	s8 =	simm.s32 @!p0 $0x1BF5;
	p2 =	por !p2, p0  }
0x20: {  	[sflag:s8] =	ssyncset.s32 @!p0 $0xFFFFF086;
	s6 =	sadd.s32 @!p0 s3, s7;
	s7 =	simm.s32 @!p0 $0x108  }
0x21: {  	s3 =	sadd.s32 s3, s9;
	s6 =	sadd.s32 @!p0 $0x88, s6;
	s7 =	simm.s32 @p2 $0x1082  }
0x22: {  	[simem:s7], [sflag:s8] =	dma.local @!p0 [hbm:s6], $0xF7A  }
0x23: {  	s9 =	sor.u32 $0xD0000000, s2;
	s6 =	simm.s32 $0x108;
	_ =	swait.ge @!p0 [sflag:s8], $0x0  }
0x24: {  	s3 =	sadd.s32 $0x88, s3;
	s6 =	simm.s32 @!p1 $0x1082;
	[sflag:s4] =	ssyncset.s32 $0xFFFFF086  }
0x25: {  	[simem:s6], [sflag:s4] =	dma.local [hbm:s3], $0xF7A  }
0x26: {  	[smem:$0x3F8C] =	sst s1;
	(tag) =	ssettag s2;
	_ =	strace s9  }
0x27: {  	s1 =	sld [smem:$0x3F9C]  }
0x28: {  	s2 =	sld [smem:$0x3F9D]  }
0x29: {  	s4 =	sld [smem:$0x3F9F]  }
0x2a: {  	p0 =	seq.s32 s5, $0x0;
	s5 =	sld [smem:$0x3FA0]  }
0x2b: {  	s6 =	sld [smem:$0x3FA1]  }
0x2c: {  	s7 =	sld [smem:$0x3FA2]  }
0x2d: {  	s3 =	simm.s32 $0x108;
	s8 =	sld [smem:$0x3FA3]  }
0x2e: {  	s3 =	simm.s32 @!p0 $0x1082;
	s9 =	sld [smem:$0x3FA4]  }
0x2f: {  	lr =	sadd.s32 s0, s3;
	s0 =	sld [smem:$0x3F9B]  }
0x30: {  	s3 =	sld [smem:$0x3F9E]  }
0x31: {  	[smem:$0x3FA7] =	sst s10  }
0x32: {  	s10 =	sld [smem:$0x3FA5];
	_ =	sdelay $0x3  }
0x33: {  	p0 =	seq.s32 s10, $0x1;
	s10 =	sld [smem:$0x3FA7];
	_ =	sdelay $0x3  }
0x34: {  	[smem:$0x3FA7] =	sst s10  }
0x35: {  	s10 =	sld [smem:$0x3FA6];
	_ =	sdelay $0x3  }
0x36: {  	p1 =	seq.s32 s10, $0x1;
	s10 =	sld [smem:$0x3FA7];
	_ =	sdelay $0x3  }
0x37: {  	[smem:$0x3FA7] =	sst s10  }
0x38: {  	s10 =	sld [smem:$0x3FA8]  }
0x39: {  	_ = 	snop;
	(pc) =	sbr.ind lr, $3  }
0x3a: {  	_ = 	snop  }
0x3b: {  	_ = 	snop  }
0x3c: {  	p2 =	seq.s32 s10, $0x1;
	s10 =	sld [smem:$0x3FA7]  }
0x3d: {  	_ =	shalt  }
0x3e: {  	_ =	shalt  }
0x3f: {  	_ =	shalt  }
0x40: {  	_ =	shalt  }
0x41: {  	_ =	shalt  }
0x42: {  	_ =	shalt  }
0x43: {  	_ =	shalt  }
0x44: {  	_ =	shalt  }
0x45: {  	_ =	shalt  }
0x46: {  	_ =	shalt  }
0x47: {  	_ =	shalt  }
0x48: {  	_ =	shalt  }
0x49: {  	_ =	shalt  }
0x4a: {  	_ =	shalt  }
0x4b: {  	_ =	shalt  }
0x4c: {  	_ =	shalt  }
0x4d: {  	_ =	shalt  }
0x4e: {  	_ =	shalt  }
0x4f: {  	_ =	shalt  }
0x50: {  	_ =	shalt  }
0x51: {  	_ =	shalt  }
0x52: {  	_ =	shalt  }
0x53: {  	_ =	shalt  }
0x54: {  	_ =	shalt  }
0x55: {  	_ =	shalt  }
0x56: {  	_ =	shalt  }
0x57: {  	_ =	shalt  }
0x58: {  	_ =	shalt  }
0x59: {  	_ =	shalt  }
0x5a: {  	_ =	shalt  }
0x5b: {  	_ =	shalt  }
0x5c: {  	_ =	shalt  }
0x5d: {  	_ =	shalt  }
0x5e: {  	_ =	shalt  }
0x5f: {  	_ =	shalt  }
0x60: {  	_ =	shalt  }
0x61: {  	_ =	shalt  }
0x62: {  	_ =	shalt  }
0x63: {  	_ =	shalt  }
0x64: {  	_ =	shalt  }
0x65: {  	_ =	shalt  }
0x66: {  	_ =	shalt  }
0x67: {  	_ =	shalt  }
0x68: {  	_ =	shalt  }
0x69: {  	_ =	shalt  }
0x6a: {  	_ =	shalt  }
0x6b: {  	_ =	shalt  }
0x6c: {  	_ =	shalt  }
0x6d: {  	_ =	shalt  }
0x6e: {  	_ =	shalt  }
0x6f: {  	_ =	shalt  }
0x70: {  	_ =	shalt  }
0x71: {  	_ =	shalt  }
0x72: {  	_ =	shalt  }
0x73: {  	_ =	shalt  }
0x74: {  	_ =	shalt  }
0x75: {  	_ =	shalt  }
0x76: {  	_ =	shalt  }
0x77: {  	_ =	shalt  }
0x78: {  	_ =	shalt  }
0x79: {  	_ =	shalt  }
0x7a: {  	_ =	shalt  }
0x7b: {  	_ =	shalt  }
0x7c: {  	_ =	shalt  }
0x7d: {  	_ =	shalt  }
0x7e: {  	_ =	shalt  }
0x7f: {  	_ =	shalt  }
0x80: {  	_ =	shalt  }
0x81: {  	_ =	shalt  }
0x82: {  	_ =	shalt  }
0x83: {  	_ =	shalt  }
0x84: {  	_ =	shalt  }
0x85: {  	_ =	shalt  }
0x86: {  	_ =	shalt  }
0x87: {  	_ =	shalt  }
.Lfunc_end0:
.L_simem_size_0:
called_computation.3_lowered:
.L_overlay_start_0:
0x88: {  	s2 =	sld [smem:$0x3FD9]  }
0x89: {  	s3 =	sld [smem:$0x3FFE];
	_ =	sdelay $0x1  }
0x8a: {  	s1 =	srdreg.scid  }
0x8b: {  	s0 =	sand.u32 $0x1, s1  }
0x8c: {  	s16 =	sshll.u32 s0, $0xA;
	s2 =	sadd.s32 s3, s2  }
0x8d: {  	s2 =	sadd.s32 s2, s16  }
0x8e: {  	[smem:$0x3FB3] =	sst s2  }
0x8f: {  	_ = 	snop  }
0x90: {  	(tm) =	ssettm $0x1  }
0x91: {  	s17 =	sld [smem:$0x3FFB];
	_ =	sdelay $0x3  }
0x92: {  	_ =	strace s17  }
0x93: {  	s2 =	sld [smem:$0x3FFC];
	_ =	sdelay $0x3  }
0x94: {  	_ =	strace s2  }
0x95: {  	s2 =	sld [smem:$0x3FFD];
	_ =	sdelay $0x3  }
0x96: {  	_ =	strace s2  }
0x97: {  	_ =	strace $0x8FFFFFFF  }
0x98: {  	s18 =	sld [smem:$0x3FDB];
	_ =	sdelay $0x1  }
0x99: {  	s19 =	simm.s32 $_scs_section_size  }
0x9a: {  	s4 =	simm.s32 $_size__tile_overlayer_lowered;
	s5 =	simm.s32 $_tile_overlayer_lowered  }
0x9b: {  	s22 =	simm.s32 $0x1BFF;
	s21 =	sshll.u32 s5, $0x1;
	s2 =	sadd.s32 s19, s18  }
0x9c: {  	s6 =	simm.s32 $0x0;
	s20 =	sshll.u32 s4, $0x1;
	s4 =	sadd.s32 s21, s2  }
0x9d: {  	[timem:s6], [sflag:s22] =	dma.local [hbm:s4], s20  }
0x9e: {  	_ =	swait.ge [sflag:s22], s20  }
0x9f: {  	s3 =	ssub.s32 $0x0, s20;
	[sflag:s22] =	ssyncset.done $0x0  }
0xa0: {  	[sflag:s22] =	ssyncadd.s32 s3;
	_ =	sdelay $0x1  }
0xa1: {  	s23 =	simm.s32 $0x1B8B  }
0xa2: {  	_ =	swait.ge [sflag:s23], $0x1  }
0xa3: {  	[sflag:s23] =	ssyncset.done $0x0  }
0xa4: {  	s25 =	simm.s32 $0x1B8E;
	s24 =	sld [smem:$0x3FFE];
	[sflag:s23] =	ssyncadd.s32 $0xFFFFFFFF  }
0xa5: {  	s26 =	simm.s32 $execute0_lowered;
	[smem:$0x3FD2] =	sst s25  }
0xa6: {  	s4 =	sshll.u32 s26, $0x1;
	_ =	strace $0x8000004F;
	[dreg:$0x1] =	wrdreg $0xFFFFFFFF  }
0xa7: {  	s28 =	simm.s32 $_size_execute0_lowered;
	s2 =	sadd.s32 s2, s4;
	[dreg:$0x0] =	wrdreg $0x0  }
0xa8: {  	s4 =	sshll.u32 s28, $0x1;
	[dreg:$0x2] =	wrdreg s2  }
0xa9: {  	[dreg:$0x3] =	wrdreg s4  }
0xaa: {  	[dreg:$0x4] =	wrdreg $0xC0  }
0xab: {  	_ =	task [dreg:s6], $0x5FFFF  }
0xac: {  	[dreg:$0x1] =	wrdreg $0xFFFFFFFF  }
0xad: {  	[dreg:$0x0] =	wrdreg $0x60  }
0xae: {  	[dreg:$0x2] =	wrdreg s24  }
0xaf: {  	[dreg:$0x3] =	wrdreg $0xB3000  }
0xb0: {  	[dreg:$0x4] =	wrdreg $0x9  }
0xb1: {  	_ =	task.clear_ibuf [dreg:s6], $0x5FFFF;
	_ =	strace $0x9000004F  }
0xb2: {  	s29 =	simm.s32 $0x9;
	_ =	strace $0x80000051  }
0xb3: {  	_ =	swait.ge [sflag:s29], $0x1  }
0xb4: {  	[sflag:s29] =	ssyncadd.s32 $0xFFFFFFFF  }
0xb5: {  	_ =	strace $0x90000051  }
0xb6: {  	_ =	sfence  }
0xb7: {  	s30 =	sld [smem:$0x0];
	_ =	sdelay $0x2  }
0xb8: {  	s31 =	sshll.u32 s1, $0xD;
	s1 =	sshrl.u32 s1, $0x2  }
0xb9: {  	s3 =	sand.u32 $0x4000, s31;
	s1 =	sadd.s32 s1, s30  }
0xba: {  	s0 =	sor.u32 s3, s0;
	s1 =	sshll.u32 s1, $0x11  }
0xbb: {  	s0 =	sor.u32 s1, s0  }
0xbc: {  	s0 =	sadd.s32 $0x8F2B, s0  }
0xbd: {  	[sflag:s0] =	ssyncadd.remote.s32 $0x1  }
0xbe: {  	_ =	sfence.sel $0xFFFF  }
0xbf: {  	[dreg:$0x0] =	wrdreg $0xFFFFFFFF;
	(pc) =	sbr.abs _section_cstart, $3  }
0xc0: {  	[dreg:$0x1] =	wrdreg $0xFFFFFFFF  }
0xc1: {  	_ =	task.clear_ibuf [dreg:s6], $0x2FFFF;
	_ =	strace $0x9FFFFFFF  }
0xc2: {  	(tm) =	ssettm $0x7FFFFFFF  }
0xc3: {  	_ =	shalt  }
tec
execute0_lowered:
.L_overlay_start_1:
0x0: {  	(tag) =	ssettag $0x1  }
0x1: {  	s0 =	srdreg.scid;
	s1 =	rddreg [dreg:$0x0]  }
0x2: {  	s2 =	rddreg [dreg:$0x1];
	s14 =	stileid.u32  }
0x3: {  	s3 =	simm.s32 $0x0;
	s17 =	simm.s32 $0x1;
	s18 =	simm.s32 $0x2  }
0x4: {  	s19 =	simm.s32 $0x28;
	s20 =	simm.s32 $0x4F00;
	s21 =	simm.s32 $0x6300  }
0x5: {  	s28 =	simm.s32 $0x9F00;
	s29 =	simm.s32 $0x3;
	s30 =	simm.s32 $0x4  }
0x6: {  	s31 =	simm.s32 $0x5;
	s22 =	simm.s32 $0x9;
	s6 =	smul.u32 $0x2700, s14  }
0x7: {  	s0 =	sand.u32 $0x1, s0;
	[smem:$0x7FF] =	sst s3;
	s8 =	smul.u32 $0x4E000, s14  }
0x8: {  	s10 =	sadd.s32 $0x97E00, s1;
	s23 =	smul.u32 $0x13800, s14;
	s12 =	sadd.s32 $0x124800, s2  }
0x9: {  	p0 =	seq.s32 s14, $0xF;
	s4 =	sshll.u32 s0, $0x4;
	_ =	strace $0x80000050  }
0xa: {  	s7 =	ssub.s32 $0x2, s0;
	s0 =	smul.u32 $0x138800, s0;
	s13 =	sshrl.u32 @p0 s12, $0x3  }
0xb: {  	s12 =	simm.s32 $0x8;
	s4 =	sor.u32 s14, s4;
	s6 =	sadd.s32 s6, s1  }
0xc: {  	s9 =	sshrl.u32 s7, $0x1;
	s25 =	sshrl.u32 s8, $0x2;
	s8 =	sadd.s32 $0x95500, s1  }
0xd: {  	s14 =	sshll.u32 @!p0 s14, $0x6;
	s5 =	smul.u32 $0x4E2, s4;
	s4 =	sadd.s32 $0x18A00, s1  }
0xe: {  	s11 =	ssub.s32 s7, s9;
	s6 =	sadd.s32 $0x70C00, s6;
	s26 =	sadd.s32 s23, s0  }
0xf: {  	s0 =	sshrl.u32 s0, $0x3;
	s15 =	sor.u32 @!p0 $0x1C03, s14;
	s23 =	simm.s32 $0x7700  }
0x10: {  	[dreg:$0x5] =	wrdreg s6;
	s6 =	sshrl.u32 s26, $0x3;
	s0 =	sadd.s32 s10, s0  }
0x11: {  	s11 =	smax.u32 s11, $0x1;
	s26 =	simm.s32 $0x0;
	s5 =	sadd.s32 s5, s1  }
0x12: {  	s9 =	sadd.s32 s10, s6;
	s10 =	sadd.s32 $0x24900, s0;
	s24 =	sadd.s32 $0x4E00, s5  }
0x13: {  	s0 =	simm.s32 $0x6;
	s5 =	sadd.s32 $0xEC00, s5;
	[dreg:$0x3] =	wrdreg s24  }
0x14: {  	s1 =	simm.s32 $0x7;
	[dreg:$0x4] =	wrdreg s5;
	s5 =	sadd.s32 s25, s2  }
0x15: {  	s25 =	simm.s32 $0x8B00;
	s24 =	simm.s32 $0xA;
	s16 =	sshrl.u32 @!p0 s5, $0x3  }
.LBB2_1:
0x16: {  	s5 =	rddreg [dreg:$0x3]  }
0x17: {  	[tilespmem:s3], [sflag:$0x1] =	stream.linear.gather [hbm4b:s5+s3], $0x2710, $0x38;
	[tilespmem:$0x1EB80] =	vst v63  }
0x18: {  	s7 =	rddreg [dreg:$0x4];
	s6 =	simm.s32 $0x2780;
	s5 =	simm.s32 @p0 $0x1FC3  }
0x19: {  	[tilespmem:s6], [sflag:$0x2] =	stream.linear.gather [hbm4b:s7+s3], $0x2710, $0x38;
	[tilespmem:$0x1EB80] =	vst v63  }
0x1a: {  	[spmem:s13], [sflag:s5] =	dma.local @p0 [hbm:s8], $0x2800  }
0x1b: {  	s5 =	simm.s32 @p0 $0x3  }
0x1c: {  	_ =	swait.ge @p0 [sflag:s5], $0x2800  }
0x1d: {  	[sflag:s5] =	ssyncset.done @p0 $0x0  }
0x1e: {  	[sflag:s5] =	ssyncadd.s32 @p0 $0xFFFFD800;
	s5 =	rddreg [dreg:$0x5]  }
0x1f: {  	[spmem:s16], [sflag:s15] =	dma.local @!p0 [hbm:s5], $0x2700  }
0x20: {  	s5 =	simm.s32 @!p0 $0x3  }
0x21: {  	_ =	swait.ge @!p0 [sflag:s5], $0x2700  }
0x22: {  	[sflag:s5] =	ssyncset.done @!p0 $0x0  }
0x23: {  	[sflag:s5] =	ssyncadd.s32 @!p0 $0xFFFFD900  }
0x24: {  	_ =	swait.ge [sflag:s17], $0x2710  }
0x25: {  	[sflag:s17] =	ssyncset.done $0x0  }
0x26: {  	[sflag:s17] =	ssyncadd.s32 $0xFFFFD8F0  }
0x27: {  	_ =	swait.ge [sflag:s18], $0x2710  }
0x28: {  	[sflag:s18] =	ssyncset.done $0x0  }
0x29: {  	[sflag:s18] =	ssyncadd.s32 $0xFFFFD8F0  }
0x2a: {  	[bflag:$0x0] =	sbarrier.arrive $0xFFFF  }
0x2b: {  	[tilespmem:s20], [sflag:$0x1] =	stream.indirect.gather [hbm4b:s4+s19], $0x80, s3, s19, $0xb8;
	[tilespmem:$0x1EB80] =	vst v63  }
0x2c: {  	_ = 	snop  }
0x2d: {  	[tilespmem:s21], [sflag:$0x2] =	stream.indirect.gather [hbm4b:s4+s19], $0x80, s19, s19, $0xb8;
	[tilespmem:$0x1EB80] =	vst v63  }
0x2e: {  	s6 =	simm.s32 $0x50  }
0x2f: {  	[tilespmem:s23], [sflag:$0x3] =	stream.indirect.gather [hbm4b:s4+s19], $0x80, s6, s19, $0xb8;
	[tilespmem:$0x1EB80] =	vst v63  }
0x30: {  	s7 =	simm.s32 $0x78  }
0x31: {  	[tilespmem:s25], [sflag:$0x4] =	stream.indirect.gather [hbm4b:s4+s19], $0x80, s7, s19, $0xb8;
	[tilespmem:$0x1EB80] =	vst v63  }
0x32: {  	s6 =	simm.s32 $0xA0  }
0x33: {  	[tilespmem:s28], [sflag:$0x5] =	stream.indirect.gather [hbm4b:s4+s19], $0x80, s6, s19, $0xb8;
	[tilespmem:$0x1EB80] =	vst v63  }
0x34: {  	_ =	swait.ge [sflag:s17], $0x1400  }
0x35: {  	[sflag:s17] =	ssyncset.done $0x0  }
0x36: {  	s7 =	simm.s32 $0x2780;
	[sflag:s17] =	ssyncadd.s32 $0xFFFFEC00  }
0x37: {  	[spmem:s2] =	stream.indirect.scatter.add.f32 [tilespmem:s20], [sflag:$0x6], $0x80, s7, s19, $0xb8;
	[tilespmem:$0x1EB80] =	vst v63  }
0x38: {  	_ =	swait.ge [sflag:s18], $0x1400  }
0x39: {  	[sflag:s18] =	ssyncset.done $0x0  }
0x3a: {  	s6 =	simm.s32 $0x27A8;
	[sflag:s18] =	ssyncadd.s32 $0xFFFFEC00  }
0x3b: {  	[spmem:s2] =	stream.indirect.scatter.add.f32 [tilespmem:s21], [sflag:$0x7], $0x80, s6, s19, $0xb8;
	[tilespmem:$0x1EB80] =	vst v63  }
0x3c: {  	_ =	swait.ge [sflag:s29], $0x1400  }
0x3d: {  	[sflag:s29] =	ssyncset.done $0x0  }
0x3e: {  	s7 =	simm.s32 $0x27D0;
	[sflag:s29] =	ssyncadd.s32 $0xFFFFEC00  }
0x3f: {  	[spmem:s2] =	stream.indirect.scatter.add.f32 [tilespmem:s23], [sflag:$0x8], $0x80, s7, s19, $0xb8;
	[tilespmem:$0x1EB80] =	vst v63  }
0x40: {  	_ =	swait.ge [sflag:s30], $0x1400  }
0x41: {  	[sflag:s30] =	ssyncset.done $0x0  }
0x42: {  	s6 =	simm.s32 $0x27F8;
	[sflag:s30] =	ssyncadd.s32 $0xFFFFEC00  }
0x43: {  	[spmem:s2] =	stream.indirect.scatter.add.f32 [tilespmem:s25], [sflag:$0x9], $0x80, s6, s19, $0xb8;
	[tilespmem:$0x1EB80] =	vst v63  }
0x44: {  	_ =	swait.ge [sflag:s31], $0x1400  }
0x45: {  	[sflag:s31] =	ssyncset.done $0x0  }
0x46: {  	s7 =	simm.s32 $0x2820;
	[sflag:s31] =	ssyncadd.s32 $0xFFFFEC00  }
0x47: {  	[spmem:s2] =	stream.indirect.scatter.add.f32 [tilespmem:s28], [sflag:$0xA], $0x80, s7, s19, $0xb8;
	[tilespmem:$0x1EB80] =	vst v63  }
0x48: {  	_ =	swait.ge [sflag:s0], $0x1400  }
0x49: {  	[sflag:s0] =	ssyncset.done $0x0  }
0x4a: {  	s6 =	simm.s32 $0xC8;
	[sflag:s0] =	ssyncadd.s32 $0xFFFFEC00  }
0x4b: {  	[tilespmem:s20], [sflag:$0x1] =	stream.indirect.gather [hbm4b:s4+s19], $0x80, s6, s19, $0xb8;
	[tilespmem:$0x1EB80] =	vst v63  }
0x4c: {  	_ =	swait.ge [sflag:s1], $0x1400  }
0x4d: {  	[sflag:s1] =	ssyncset.done $0x0  }
0x4e: {  	s7 =	simm.s32 $0xF0;
	[sflag:s1] =	ssyncadd.s32 $0xFFFFEC00  }
0x4f: {  	[tilespmem:s21], [sflag:$0x2] =	stream.indirect.gather [hbm4b:s4+s19], $0x80, s7, s19, $0xb8;
	[tilespmem:$0x1EB80] =	vst v63  }
0x50: {  	_ =	swait.ge [sflag:s12], $0x1400  }
0x51: {  	[sflag:s12] =	ssyncset.done $0x0  }
0x52: {  	s6 =	simm.s32 $0x118;
	[sflag:s12] =	ssyncadd.s32 $0xFFFFEC00  }
0x53: {  	[tilespmem:s23], [sflag:$0x3] =	stream.indirect.gather [hbm4b:s4+s19], $0x80, s6, s19, $0xb8;
	[tilespmem:$0x1EB80] =	vst v63  }
0x54: {  	_ =	swait.ge [sflag:s22], $0x1400  }
0x55: {  	[sflag:s22] =	ssyncset.done $0x0  }
0x56: {  	s7 =	simm.s32 $0x140;
	[sflag:s22] =	ssyncadd.s32 $0xFFFFEC00  }
0x57: {  	[tilespmem:s25], [sflag:$0x4] =	stream.indirect.gather [hbm4b:s4+s19], $0x80, s7, s19, $0xb8;
	[tilespmem:$0x1EB80] =	vst v63  }
0x58: {  	_ =	swait.ge [sflag:s24], $0x1400  }
0x59: {  	[sflag:s24] =	ssyncset.done $0x0  }
0x5a: {  	s5 =	simm.s32 $0x320;
	s6 =	simm.s32 $0x168;
	[sflag:s24] =	ssyncadd.s32 $0xFFFFEC00  }
.LBB2_2:
0x5b: {  	[tilespmem:s28], [sflag:$0x5] =	stream.indirect.gather [hbm4b:s4+s19], $0x80, s6, s19, $0xb8;
	[tilespmem:$0x1EB80] =	vst v63  }
0x5c: {  	s6 =	smov.u32 s5  }
0x5d: {  	p1 =	sne.s32 s5, $0x9600;
	s5 =	sadd.s32 $0x320, s5;
	_ =	swait.ge [sflag:s17], $0x1400  }
0x5e: {  	s6 =	sshra.s32 s6, $0x2;
	[sflag:s17] =	ssyncset.done $0x0  }
0x5f: {  	s7 =	sadd.s32 $0x2780, s6;
	[sflag:s17] =	ssyncadd.s32 $0xFFFFEC00  }
0x60: {  	[spmem:s2] =	stream.indirect.scatter.add.f32 [tilespmem:s20], [sflag:$0x6], $0x80, s7, s19, $0xb8;
	[tilespmem:$0x1EB80] =	vst v63  }
0x61: {  	_ =	swait.ge [sflag:s18], $0x1400  }
0x62: {  	[sflag:s18] =	ssyncset.done $0x0  }
0x63: {  	s7 =	sadd.s32 $0x27A8, s6;
	[sflag:s18] =	ssyncadd.s32 $0xFFFFEC00  }
0x64: {  	[spmem:s2] =	stream.indirect.scatter.add.f32 [tilespmem:s21], [sflag:$0x7], $0x80, s7, s19, $0xb8;
	[tilespmem:$0x1EB80] =	vst v63  }
0x65: {  	_ =	swait.ge [sflag:s29], $0x1400  }
0x66: {  	[sflag:s29] =	ssyncset.done $0x0  }
0x67: {  	s7 =	sadd.s32 $0x27D0, s6;
	[sflag:s29] =	ssyncadd.s32 $0xFFFFEC00  }
0x68: {  	[spmem:s2] =	stream.indirect.scatter.add.f32 [tilespmem:s23], [sflag:$0x8], $0x80, s7, s19, $0xb8;
	[tilespmem:$0x1EB80] =	vst v63  }
0x69: {  	_ =	swait.ge [sflag:s30], $0x1400  }
0x6a: {  	[sflag:s30] =	ssyncset.done $0x0  }
0x6b: {  	s7 =	sadd.s32 $0x27F8, s6;
	[sflag:s30] =	ssyncadd.s32 $0xFFFFEC00  }
0x6c: {  	[spmem:s2] =	stream.indirect.scatter.add.f32 [tilespmem:s25], [sflag:$0x9], $0x80, s7, s19, $0xb8;
	[tilespmem:$0x1EB80] =	vst v63  }
0x6d: {  	_ =	swait.ge [sflag:s31], $0x1400  }
0x6e: {  	[sflag:s31] =	ssyncset.done $0x0  }
0x6f: {  	s7 =	sadd.s32 $0x2820, s6;
	[sflag:s31] =	ssyncadd.s32 $0xFFFFEC00  }
0x70: {  	[spmem:s2] =	stream.indirect.scatter.add.f32 [tilespmem:s28], [sflag:$0xA], $0x80, s7, s19, $0xb8;
	[tilespmem:$0x1EB80] =	vst v63  }
0x71: {  	_ =	swait.ge [sflag:s0], $0x1400  }
0x72: {  	[sflag:s0] =	ssyncset.done $0x0  }
0x73: {  	s7 =	sadd.s32 $0xC8, s6;
	[sflag:s0] =	ssyncadd.s32 $0xFFFFEC00  }
0x74: {  	[tilespmem:s20], [sflag:$0x1] =	stream.indirect.gather [hbm4b:s4+s19], $0x80, s7, s19, $0xb8;
	[tilespmem:$0x1EB80] =	vst v63  }
0x75: {  	_ =	swait.ge [sflag:s1], $0x1400  }
0x76: {  	[sflag:s1] =	ssyncset.done $0x0  }
0x77: {  	s7 =	sadd.s32 $0xF0, s6;
	[sflag:s1] =	ssyncadd.s32 $0xFFFFEC00  }
0x78: {  	[tilespmem:s21], [sflag:$0x2] =	stream.indirect.gather [hbm4b:s4+s19], $0x80, s7, s19, $0xb8;
	[tilespmem:$0x1EB80] =	vst v63  }
0x79: {  	_ =	swait.ge [sflag:s12], $0x1400  }
0x7a: {  	[sflag:s12] =	ssyncset.done $0x0  }
0x7b: {  	s7 =	sadd.s32 $0x118, s6;
	[sflag:s12] =	ssyncadd.s32 $0xFFFFEC00  }
0x7c: {  	[tilespmem:s23], [sflag:$0x3] =	stream.indirect.gather [hbm4b:s4+s19], $0x80, s7, s19, $0xb8;
	[tilespmem:$0x1EB80] =	vst v63  }
0x7d: {  	_ =	swait.ge [sflag:s22], $0x1400  }
0x7e: {  	[sflag:s22] =	ssyncset.done $0x0  }
.Ltmp0:
0x7f: {  	s7 =	sadd.s32 $0x140, s6;
	[sflag:s22] =	ssyncadd.s32 $0xFFFFEC00;
	(pc) =	sbr.rel @p1 .LBB2_2-.Ltmp0, $4  }
0x80: {  	[tilespmem:s25], [sflag:$0x4] =	stream.indirect.gather [hbm4b:s4+s19], $0x80, s7, s19, $0xb8;
	[tilespmem:$0x1EB80] =	vst v63  }
0x81: {  	_ =	swait.ge [sflag:s24], $0x1400  }
0x82: {  	[sflag:s24] =	ssyncset.done $0x0  }
0x83: {  	s6 =	sadd.s32 $0x168, s6;
	[sflag:s24] =	ssyncadd.s32 $0xFFFFEC00  }
0x84: {  	[tilespmem:s28], [sflag:$0x5] =	stream.indirect.gather [hbm4b:s4+s19], $0x80, s6, s19, $0xb8;
	[tilespmem:$0x1EB80] =	vst v63  }
0x85: {  	_ =	swait.ge [sflag:s17], $0x1400  }
0x86: {  	[sflag:s17] =	ssyncset.done $0x0  }
0x87: {  	s5 =	simm.s32 $0x4DC8;
	[sflag:s17] =	ssyncadd.s32 $0xFFFFEC00  }
0x88: {  	[spmem:s2] =	stream.indirect.scatter.add.f32 [tilespmem:s20], [sflag:$0x6], $0x80, s5, s19, $0xb8;
	[tilespmem:$0x1EB80] =	vst v63  }
0x89: {  	_ =	swait.ge [sflag:s18], $0x1400  }
0x8a: {  	[sflag:s18] =	ssyncset.done $0x0  }
0x8b: {  	s6 =	simm.s32 $0x4DF0;
	[sflag:s18] =	ssyncadd.s32 $0xFFFFEC00  }
0x8c: {  	[spmem:s2] =	stream.indirect.scatter.add.f32 [tilespmem:s21], [sflag:$0x7], $0x80, s6, s19, $0xb8;
	[tilespmem:$0x1EB80] =	vst v63  }
0x8d: {  	_ =	swait.ge [sflag:s29], $0x1400  }
0x8e: {  	[sflag:s29] =	ssyncset.done $0x0  }
0x8f: {  	s7 =	simm.s32 $0x4E18;
	[sflag:s29] =	ssyncadd.s32 $0xFFFFEC00  }
0x90: {  	[spmem:s2] =	stream.indirect.scatter.add.f32 [tilespmem:s23], [sflag:$0x8], $0x80, s7, s19, $0xb8;
	[tilespmem:$0x1EB80] =	vst v63  }
0x91: {  	_ =	swait.ge [sflag:s30], $0x1400  }
0x92: {  	[sflag:s30] =	ssyncset.done $0x0  }
0x93: {  	s6 =	simm.s32 $0x4E40;
	[sflag:s30] =	ssyncadd.s32 $0xFFFFEC00  }
0x94: {  	[spmem:s2] =	stream.indirect.scatter.add.f32 [tilespmem:s25], [sflag:$0x9], $0x80, s6, s19, $0xb8;
	[tilespmem:$0x1EB80] =	vst v63  }
0x95: {  	_ =	swait.ge [sflag:s31], $0x1400  }
0x96: {  	[sflag:s31] =	ssyncset.done $0x0  }
0x97: {  	s7 =	simm.s32 $0x4E68;
	[sflag:s31] =	ssyncadd.s32 $0xFFFFEC00  }
0x98: {  	[spmem:s2] =	stream.indirect.scatter.add.f32 [tilespmem:s28], [sflag:$0xA], $0x80, s7, s19, $0xb8;
	[tilespmem:$0x1EB80] =	vst v63  }
0x99: {  	_ =	swait.ge [sflag:s0], $0x1400  }
0x9a: {  	[sflag:s0] =	ssyncset.done $0x0  }
0x9b: {  	[sflag:s0] =	ssyncadd.s32 $0xFFFFEC00  }
0x9c: {  	_ =	swait.ge [sflag:s1], $0x1400  }
0x9d: {  	[sflag:s1] =	ssyncset.done $0x0  }
0x9e: {  	[sflag:s1] =	ssyncadd.s32 $0xFFFFEC00  }
0x9f: {  	_ =	swait.ge [sflag:s12], $0x1400  }
0xa0: {  	[sflag:s12] =	ssyncset.done $0x0  }
0xa1: {  	[sflag:s12] =	ssyncadd.s32 $0xFFFFEC00  }
0xa2: {  	_ =	swait.ge [sflag:s22], $0x1400  }
0xa3: {  	[sflag:s22] =	ssyncset.done $0x0  }
0xa4: {  	[sflag:s22] =	ssyncadd.s32 $0xFFFFEC00  }
0xa5: {  	_ =	swait.ge [sflag:s24], $0x1400  }
0xa6: {  	[sflag:s24] =	ssyncset.done $0x0  }
0xa7: {  	[sflag:s24] =	ssyncadd.s32 $0xFFFFEC00  }
0xa8: {  	s5 =	simm.s32 @p0 $0x1FCB;
	[bflag:$0x0] =	sbarrier.arrive $0xFFFF  }
0xa9: {  	[hbm:s10], [sflag:s5] =	dma.local @p0 [spmem:s13], $0x2800  }
0xaa: {  	s5 =	simm.s32 @p0 $0xB  }
0xab: {  	_ =	swait.ge @p0 [sflag:s5], $0x2800  }
0xac: {  	s26 =	sadd.s32 $0x1, s26;
	[sflag:s5] =	ssyncset.done @p0 $0x0  }
0xad: {  	p1 =	sne.s32 s26, s11;
	[sflag:s5] =	ssyncadd.s32 @p0 $0xFFFFD800;
	s5 =	sor.u32 @!p0 $0x1C0B, s14  }
0xae: {  	[hbm:s9], [sflag:s5] =	dma.local @!p0 [spmem:s16], $0x2700  }
.Ltmp1:
0xaf: {  	_ = 	snop;
	(pc) =	sbr.rel @p1 .LBB2_1-.Ltmp1, $4  }
0xb0: {  	s5 =	simm.s32 @!p0 $0xB  }
0xb1: {  	_ =	swait.ge @!p0 [sflag:s5], $0x2700  }
0xb2: {  	[sflag:s5] =	ssyncset.done @!p0 $0x0  }
0xb3: {  	[sflag:s5] =	ssyncadd.s32 @!p0 $0xFFFFD900  }
0xb4: {  	_ =	sfence.sel $0x180000  }
0xb5: {  	[bflag:$0x0] =	sbarrier.arrive $0xFFFF  }
0xb6: {  	_ =	strace $0x90000050  }
0xb7: {  	s0 =	stileid.u32;
	[bflag:$0x2] =	sbarrier.arrive $0xFFFF  }
0xb8: {  	p0 =	sne.s32 s0, $0x0;
	s0 =	rddreg [dreg:$0x2]  }
0xb9: {  	s0 =	sadd.s32 @!p0 $0x100000, s0  }
0xba: {  	[sflag:s0] =	ssyncadd.tile.s32 @!p0 $0x1;
	_ =	shalt  }
.Lfunc_end2:
_tile_overlayer_lowered:
.L_overlay_start_2:
0xbb: {  	(tag) =	ssettag $0x2  }
0xbc: {  	s0 =	rddreg [dreg:$0x0];
	s2 =	stileid.u32  }
0xbd: {  	s1 =	rddreg [dreg:$0x1];
	p0 =	sne.s32 s2, $0x0  }
0xbe: {  	s3 =	rddreg [dreg:$0x2];
	[bflag:$0x3] =	sbarrier.arrive $0xFFFF;
	s2 =	simm.s32 @!p0 $0x1C0B  }
0xbf: {  	[timem:s3], [sflag:s2] =	dma.local @!p0 [hbm:s0], s1  }
0xc0: {  	s0 =	simm.s32 @!p0 $0xB  }
0xc1: {  	_ =	swait.ge @!p0 [sflag:s0], s1  }
0xc2: {  	s1 =	ssub.s32 @!p0 $0x0, s1;
	[sflag:s0] =	ssyncset.done @!p0 $0x0  }
0xc3: {  	[sflag:s0] =	ssyncadd.s32 @!p0 s1  }
0xc4: {  	[bflag:$0x3] =	sbarrier.arrive $0xFFFF  }
0xc5: {  	_ =	shalt  }

</sc_bundles>
